<compile_context>
chip_gen: v7x
topology: tpu7x:2x2x1
jax: 0.10.2.dev20260603
libtpu: 0.0.44.dev20260713+nightly
codegen_flags: <defaults>
</compile_context>

<pallas_src>
import functools

import jax
import jax.numpy as jnp
from jax import lax
from jax.experimental import pallas as pl
from jax.experimental.pallas import tpu as pltpu
from jax.experimental.pallas import tpu_sc as plsc

_NC = 2
_NS = 16
_NW = _NC * _NS
_D = 64
_L = 16
_IB = 128
_KB = 2
_CHUNK = _KB * _IB

_S = 200
_B = 4096
_BH = _B // _IB
_FH = _D // 8


@functools.cache
def _make_embed():
    n_blocks = _S * _BH
    blocks_w = n_blocks // _NW
    n_pairs = blocks_w // (2 * _KB)
    mesh = plsc.VectorSubcoreMesh(core_axis_name="c", subcore_axis_name="s")

    @functools.partial(
        pl.kernel,
        out_type=jax.ShapeDtypeStruct((_S, _FH, _BH, 8, _IB), jnp.float32),
        mesh=mesh,
        scratch_types=[
            pltpu.VMEM((_S * _BH // _NW, _IB), jnp.int32),
            pltpu.VMEM((_CHUNK, _D), jnp.float32),
            pltpu.VMEM((_CHUNK, _D), jnp.float32),
            pltpu.VMEM((_CHUNK * (_D + 1),), jnp.float32),
            pltpu.VMEM((_FH, _KB, 8, _IB), jnp.float32),
            pltpu.VMEM((_FH, _KB, 8, _IB), jnp.float32),
            pltpu.SemaphoreType.DMA,
            pltpu.SemaphoreType.DMA,
            pltpu.SemaphoreType.DMA,
            pltpu.SemaphoreType.DMA,
        ],
        compiler_params=pltpu.CompilerParams(
            use_tc_tiling_on_sc=False, needs_layout_passes=False,
            disable_bounds_checks=True),
    )
    def k(xt_hbm, table_hbm, out_hbm,
          idx_all, raw0, raw1, raw65, tr0, tr1, g0, g1, o0, o1):
        raw = (raw0, raw1)
        tr = (tr0, tr1)
        gsem = (g0, g1)
        osem = (o0, o1)
        wid = lax.axis_index("s") * _NC + lax.axis_index("c")
        base_blk = wid * blocks_w
        iota = lax.iota(jnp.int32, _L)

        def drain_out(b):
            pltpu.make_async_copy(
                tr[b], out_hbm.at[0, :, pl.ds(0, _KB)], osem[b]).wait()

        def drain_gather(b):
            pltpu.make_async_copy(
                table_hbm.at[pl.ds(0, _CHUNK)], raw[b], gsem[b]).wait()

        iota65 = iota * (_D + 1)

        def transpose_chunk(b):
            def cbody(t, carry):
                for h in range(2):
                    vals = []
                    for u in range(4):
                        tt = t * 8 + h * 4 + u
                        for g in range(_D // _L):
                            vals.append(
                                (tt, g, raw[b][tt, pl.ds(g * _L, _L)]))
                    for tt, g, v in vals:
                        raw65[pl.ds(tt * (_D + 1) + g * _L, _L)] = v
                return carry

            lax.fori_loop(0, _CHUNK // 8, cbody, 0)

            def tbody(tg, carry):
                tg65 = tg * (_L * (_D + 1))
                pairs = [(f, kk, iota65 + (tg65 + (kk * _IB * (_D + 1) + f)))
                         for f in range(_D) for kk in range(_KB)]
                for gi in range(0, len(pairs), 16):
                    grp = pairs[gi:gi + 16]
                    vals = [plsc.load_gather(raw65, [iv]) for _, _, iv in grp]
                    for (f, kk, _), v in zip(grp, vals):
                        tr[b][f // 8, kk, f % 8, pl.ds(tg * _L, _L)] = v
                return carry

            lax.fori_loop(0, _IB // _L, tbody, 0)

        def fire_gathers(c, b):
            for j in range(_KB):
                pltpu.async_copy(
                    table_hbm.at[idx_all.at[c * _KB + j]],
                    raw[b].at[pl.ds(j * _IB, _IB)], gsem[b])

        def fire_out(c, b):
            n0 = base_blk + c * _KB
            s, bh0 = n0 // _BH, n0 % _BH
            for fh in range(_FH):
                pltpu.async_copy(
                    tr[b].at[fh],
                    out_hbm.at[s, fh, pl.ds(bh0, _KB)], osem[b])

        def body(i, carry):
            c0 = 2 * i
            fire_gathers(c0 + 1, 1)
            drain_gather(0)

            @pl.when(i > 0)
            def _():
                drain_out(0)

            transpose_chunk(0)
            fire_out(c0, 0)

            @pl.when(i + 1 < n_pairs)
            def _():
                fire_gathers(c0 + 2, 0)

            drain_gather(1)

            @pl.when(i > 0)
            def _():
                drain_out(1)

            transpose_chunk(1)
            fire_out(c0 + 1, 1)
            return carry

        pltpu.sync_copy(xt_hbm.at[pl.ds(base_blk, blocks_w)], idx_all)
        fire_gathers(0, 0)
        lax.fori_loop(0, n_pairs, body, 0)
        for b in range(2):
            drain_out(b)

    return k


def kernel(x, table):
    assert x.shape == (_B, _S) and table.shape[1] == _D
    xt = jnp.transpose(x).reshape(_S * _BH, _IB)
    o5 = _make_embed()(xt, table)
    return o5.transpose(2, 4, 0, 1, 3).reshape(_B, _S, _D)

# --- scband reference (transcript-rebuilt; emitter-appended) ---
"""Pipeline reference for scband-embedding-23811298689180 (READ-ONLY COPY).

The authoritative reference and input builder live on the scoring server;
editing this copy changes nothing except your own understanding.
"""

import jax, jax.numpy as jnp
import numpy as np

VOCAB = 1000000
D_MODEL = 64

def setup_inputs(seed: int = 0) -> dict:
    key = jax.random.key(seed)
    k1, k2 = jax.random.split(key)
    x = jax.random.randint(k1, (4096, 200), 0, VOCAB, dtype=jnp.int32)
    table = jax.random.normal(k2, (VOCAB, D_MODEL), dtype=jnp.float32)
    # nn.Embedding with padding_idx=0 zero-initializes the padding row
    table = table.at[0].set(0.0)
    return {"x": x, "table": table}

def reference(x, table):
    # nn.Embedding forward: pure row gather from the table
    return jnp.take(table, x, axis=0)

if __name__ == "__main__":
    import jax
    _d = setup_inputs()
    print(jax.jit(kernel)(*tuple(_d.values())))

</pallas_src>

<mosaic_0001>
#map = affine_map<(d0, d1) -> (0, 0)>
#map1 = affine_map<(d0, d1) -> (0, 0, 0, 0, 0)>
module attributes {stable_mosaic.version = 14 : i64} {
  func.func @k(%arg0: i32, %arg1: i32, %arg2: memref<6400x128xi32, #tpu.memory_space<hbm>>, %arg3: memref<1000000x64xf32, #tpu.memory_space<hbm>>, %arg4: memref<200x8x32x8x128xf32, #tpu.memory_space<hbm>>, %arg5: memref<200x128xi32, #tpu.memory_space<vmem>>, %arg6: memref<256x64xf32, #tpu.memory_space<vmem>>, %arg7: memref<256x64xf32, #tpu.memory_space<vmem>>, %arg8: memref<16640xf32, #tpu.memory_space<vmem>>, %arg9: memref<8x2x8x128xf32, #tpu.memory_space<vmem>>, %arg10: memref<8x2x8x128xf32, #tpu.memory_space<vmem>>, %arg11: memref<!tpu.dma_semaphore, #tpu.memory_space<semaphore_mem>>, %arg12: memref<!tpu.dma_semaphore, #tpu.memory_space<semaphore_mem>>, %arg13: memref<!tpu.dma_semaphore, #tpu.memory_space<semaphore_mem>>, %arg14: memref<!tpu.dma_semaphore, #tpu.memory_space<semaphore_mem>>) attributes {dimension_semantics = [#tpu.dimension_semantics<core_parallel>, #tpu.dimension_semantics<subcore_parallel>], iteration_bounds = array<i64: 2, 16>, scalar_prefetch = 0 : i64, scratch_operands = 10 : i64, tpu.core_type = #tpu.core_type<sc_vector_subcore>, window_params = [{transform_indices = #map}, {transform_indices = #map}, {transform_indices = #map1}]} {
    %mul3A = arith.constant 2 : i32
    %mul3A_0 = arith.muli %arg1, %mul3A : i32
    %add3A = arith.addi %mul3A_0, %arg0 : i32
    %mul3A_1 = arith.constant 200 : i32
    %mul3A_2 = arith.muli %add3A, %mul3A_1 : i32
    %iota3A = tpu.iota {dimensions = array<i32: 0>} : vector<16xi32>
    %mul3A_3 = arith.constant 65 : i32
    %mul3A_4 = vector.broadcast %mul3A_3 : i32 to vector<16xi32>
    %mul3A_5 = arith.muli %iota3A, %mul3A_4 : vector<16xi32>
    "tpu.region"() ({
      %run_scoped3A = tpu.sem_alloc : memref<!tpu.dma_semaphore, #tpu.memory_space<semaphore_mem>>
      %dma_start3A_55 = arith.constant 0 : i32
      %dma_start3A_56 = tpu.memref_slice %arg2[%mul3A_2, %dma_start3A_55] : memref<6400x128xi32, #tpu.memory_space<hbm>> -> memref<200x128xi32, #tpu.memory_space<hbm>>
      %dma_start3A_57 = arith.constant 0 : i32
      %dma_start3A_58 = tpu.memref_slice %arg2[%mul3A_2, %dma_start3A_57] : memref<6400x128xi32, #tpu.memory_space<hbm>> -> memref<200x128xi32, #tpu.memory_space<hbm>>
      tpu.enqueue_dma source(%dma_start3A_58 : memref<200x128xi32, #tpu.memory_space<hbm>>) target(%arg5 : memref<200x128xi32, #tpu.memory_space<vmem>>) target_semaphore(%run_scoped3A : memref<!tpu.dma_semaphore, #tpu.memory_space<semaphore_mem>>)
      %dma_wait3A_59 = arith.constant 0 : i32
      %dma_wait3A_60 = tpu.memref_slice %arg2[%mul3A_2, %dma_wait3A_59] : memref<6400x128xi32, #tpu.memory_space<hbm>> -> memref<200x128xi32, #tpu.memory_space<hbm>>
      %dma_wait3A_61 = arith.constant 0 : i32
      %dma_wait3A_62 = tpu.memref_slice %arg2[%mul3A_2, %dma_wait3A_61] : memref<6400x128xi32, #tpu.memory_space<hbm>> -> memref<200x128xi32, #tpu.memory_space<hbm>>
      tpu.wait_dma2 semaphore(%run_scoped3A : memref<!tpu.dma_semaphore, #tpu.memory_space<semaphore_mem>>) src(%dma_wait3A_62 : memref<200x128xi32, #tpu.memory_space<hbm>>) dst(%arg5 : memref<200x128xi32, #tpu.memory_space<vmem>>)
      tpu.yield
    }) : () -> ()
    %dma_start3A = arith.constant 0 : i32
    %dma_start3A_6 = arith.constant 0 : i32
    %dma_start3A_7 = arith.constant 0 : i32
    %dma_start3A_8 = tpu.memref_slice %arg6[%dma_start3A_6, %dma_start3A_7] : memref<256x64xf32, #tpu.memory_space<vmem>> -> memref<128x64xf32, #tpu.memory_space<vmem>>
    %dma_start3A_9 = arith.constant 0 : i32
    %dma_start3A_10 = tpu.memref_slice %arg5[%dma_start3A, %dma_start3A_9] : memref<200x128xi32, #tpu.memory_space<vmem>> -> memref<1x128xi32, #tpu.memory_space<vmem>>
    %dma_start3A_11 = tpu.memref_squeeze %dma_start3A_10 : memref<1x128xi32, #tpu.memory_space<vmem>> -> memref<128xi32, #tpu.memory_space<vmem>>
    %dma_start3A_12 = arith.constant 0 : i32
    %dma_start3A_13 = arith.constant 0 : i32
    %dma_start3A_14 = tpu.memref_slice %arg3[%dma_start3A_12, %dma_start3A_13] : memref<1000000x64xf32, #tpu.memory_space<hbm>> -> memref<1000000x64xf32, #tpu.memory_space<hbm>>
    tpu.enqueue_indirect_dma source(%dma_start3A_14 : memref<1000000x64xf32, #tpu.memory_space<hbm>>) target(%dma_start3A_8 : memref<128x64xf32, #tpu.memory_space<vmem>>) offsets(%dma_start3A_11 : memref<128xi32, #tpu.memory_space<vmem>>) semaphore(%arg11 : memref<!tpu.dma_semaphore, #tpu.memory_space<semaphore_mem>>)
    %dma_start3A_15 = arith.constant 1 : i32
    %dma_start3A_16 = arith.constant 128 : i32
    %dma_start3A_17 = arith.constant 0 : i32
    %dma_start3A_18 = tpu.memref_slice %arg6[%dma_start3A_16, %dma_start3A_17] : memref<256x64xf32, #tpu.memory_space<vmem>> -> memref<128x64xf32, #tpu.memory_space<vmem>>
    %dma_start3A_19 = arith.constant 0 : i32
    %dma_start3A_20 = tpu.memref_slice %arg5[%dma_start3A_15, %dma_start3A_19] : memref<200x128xi32, #tpu.memory_space<vmem>> -> memref<1x128xi32, #tpu.memory_space<vmem>>
    %dma_start3A_21 = tpu.memref_squeeze %dma_start3A_20 : memref<1x128xi32, #tpu.memory_space<vmem>> -> memref<128xi32, #tpu.memory_space<vmem>>
    %dma_start3A_22 = arith.constant 0 : i32
    %dma_start3A_23 = arith.constant 0 : i32
    %dma_start3A_24 = tpu.memref_slice %arg3[%dma_start3A_22, %dma_start3A_23] : memref<1000000x64xf32, #tpu.memory_space<hbm>> -> memref<1000000x64xf32, #tpu.memory_space<hbm>>
    tpu.enqueue_indirect_dma source(%dma_start3A_24 : memref<1000000x64xf32, #tpu.memory_space<hbm>>) target(%dma_start3A_18 : memref<128x64xf32, #tpu.memory_space<vmem>>) offsets(%dma_start3A_21 : memref<128xi32, #tpu.memory_space<vmem>>) semaphore(%arg11 : memref<!tpu.dma_semaphore, #tpu.memory_space<semaphore_mem>>)
    %scan3A = arith.constant 0 : i32
    %scan3A_25 = arith.constant 0 : i32
    %scan3A_26 = arith.constant 50 : i32
    %scan3A_27 = arith.addi %scan3A_25, %scan3A_26 : i32
    %scan3A_28 = arith.constant 1 : i32
    scf.for %scan3A_55 = %scan3A_25 to %scan3A_27 step %scan3A_28  : i32 {
      %mul3A_56 = arith.constant 2 : i32
      %mul3A_57 = arith.muli %mul3A_56, %scan3A_55 : i32
      %add3A_58 = arith.constant 1 : i32
      %add3A_59 = arith.addi %mul3A_57, %add3A_58 : i32
      %mul3A_60 = arith.constant 2 : i32
      %mul3A_61 = arith.muli %add3A_59, %mul3A_60 : i32
      %add3A_62 = arith.constant 0 : i32
      %add3A_63 = arith.addi %mul3A_61, %add3A_62 : i32
      %dma_start3A_64 = arith.constant 0 : i32
      %dma_start3A_65 = arith.constant 0 : i32
      %dma_start3A_66 = tpu.memref_slice %arg7[%dma_start3A_64, %dma_start3A_65] : memref<256x64xf32, #tpu.memory_space<vmem>> -> memref<128x64xf32, #tpu.memory_space<vmem>>
      %dma_start3A_67 = arith.constant 0 : i32
      %dma_start3A_68 = tpu.memref_slice %arg5[%add3A_63, %dma_start3A_67] : memref<200x128xi32, #tpu.memory_space<vmem>> -> memref<1x128xi32, #tpu.memory_space<vmem>>
      %dma_start3A_69 = tpu.memref_squeeze %dma_start3A_68 : memref<1x128xi32, #tpu.memory_space<vmem>> -> memref<128xi32, #tpu.memory_space<vmem>>
      %dma_start3A_70 = arith.constant 0 : i32
      %dma_start3A_71 = arith.constant 0 : i32
      %dma_start3A_72 = tpu.memref_slice %arg3[%dma_start3A_70, %dma_start3A_71] : memref<1000000x64xf32, #tpu.memory_space<hbm>> -> memref<1000000x64xf32, #tpu.memory_space<hbm>>
      tpu.enqueue_indirect_dma source(%dma_start3A_72 : memref<1000000x64xf32, #tpu.memory_space<hbm>>) target(%dma_start3A_66 : memref<128x64xf32, #tpu.memory_space<vmem>>) offsets(%dma_start3A_69 : memref<128xi32, #tpu.memory_space<vmem>>) semaphore(%arg12 : memref<!tpu.dma_semaphore, #tpu.memory_space<semaphore_mem>>)
      %mul3A_73 = arith.constant 2 : i32
      %mul3A_74 = arith.muli %add3A_59, %mul3A_73 : i32
      %add3A_75 = arith.constant 1 : i32
      %add3A_76 = arith.addi %mul3A_74, %add3A_75 : i32
      %dma_start3A_77 = arith.constant 128 : i32
      %dma_start3A_78 = arith.constant 0 : i32
      %dma_start3A_79 = tpu.memref_slice %arg7[%dma_start3A_77, %dma_start3A_78] : memref<256x64xf32, #tpu.memory_space<vmem>> -> memref<128x64xf32, #tpu.memory_space<vmem>>
      %dma_start3A_80 = arith.constant 0 : i32
      %dma_start3A_81 = tpu.memref_slice %arg5[%add3A_76, %dma_start3A_80] : memref<200x128xi32, #tpu.memory_space<vmem>> -> memref<1x128xi32, #tpu.memory_space<vmem>>
      %dma_start3A_82 = tpu.memref_squeeze %dma_start3A_81 : memref<1x128xi32, #tpu.memory_space<vmem>> -> memref<128xi32, #tpu.memory_space<vmem>>
      %dma_start3A_83 = arith.constant 0 : i32
      %dma_start3A_84 = arith.constant 0 : i32
      %dma_start3A_85 = tpu.memref_slice %arg3[%dma_start3A_83, %dma_start3A_84] : memref<1000000x64xf32, #tpu.memory_space<hbm>> -> memref<1000000x64xf32, #tpu.memory_space<hbm>>
      tpu.enqueue_indirect_dma source(%dma_start3A_85 : memref<1000000x64xf32, #tpu.memory_space<hbm>>) target(%dma_start3A_79 : memref<128x64xf32, #tpu.memory_space<vmem>>) offsets(%dma_start3A_82 : memref<128xi32, #tpu.memory_space<vmem>>) semaphore(%arg12 : memref<!tpu.dma_semaphore, #tpu.memory_space<semaphore_mem>>)
      %dma_wait3A_86 = arith.constant 0 : i32
      %dma_wait3A_87 = arith.constant 0 : i32
      %dma_wait3A_88 = tpu.memref_slice %arg3[%dma_wait3A_86, %dma_wait3A_87] : memref<1000000x64xf32, #tpu.memory_space<hbm>> -> memref<256x64xf32, #tpu.memory_space<hbm>>
      %dma_wait3A_89 = arith.constant 0 : i32
      %dma_wait3A_90 = arith.constant 0 : i32
      %dma_wait3A_91 = tpu.memref_slice %arg3[%dma_wait3A_89, %dma_wait3A_90] : memref<1000000x64xf32, #tpu.memory_space<hbm>> -> memref<256x64xf32, #tpu.memory_space<hbm>>
      tpu.wait_dma2 semaphore(%arg11 : memref<!tpu.dma_semaphore, #tpu.memory_space<semaphore_mem>>) src(%dma_wait3A_91 : memref<256x64xf32, #tpu.memory_space<hbm>>) dst(%arg6 : memref<256x64xf32, #tpu.memory_space<vmem>>)
      %gt3A = arith.constant 0 : i32
      %gt3A_92 = arith.cmpi sgt, %scan3A_55, %gt3A : i32
      %convert_element_type3A = arith.extui %gt3A_92 : i1 to i32
      %cond3A = arith.constant 0 : i32
      %cond3A_93 = arith.cmpi ne, %convert_element_type3A, %cond3A : i32
      scf.if %cond3A_93 {
        %dma_wait3A_534 = arith.constant 0 : i32
        %dma_wait3A_535 = arith.constant 0 : i32
        %dma_wait3A_536 = arith.constant 0 : i32
        %dma_wait3A_537 = arith.constant 0 : i32
        %dma_wait3A_538 = arith.constant 0 : i32
        %dma_wait3A_539 = tpu.memref_slice %arg4[%dma_wait3A_534, %dma_wait3A_535, %dma_wait3A_536, %dma_wait3A_537, %dma_wait3A_538] : memref<200x8x32x8x128xf32, #tpu.memory_space<hbm>> -> memref<1x8x2x8x128xf32, #tpu.memory_space<hbm>>
        %dma_wait3A_540 = tpu.memref_squeeze %dma_wait3A_539 : memref<1x8x2x8x128xf32, #tpu.memory_space<hbm>> -> memref<8x2x8x128xf32, #tpu.memory_space<hbm>>
        %dma_wait3A_541 = arith.constant 0 : i32
        %dma_wait3A_542 = arith.constant 0 : i32
        %dma_wait3A_543 = arith.constant 0 : i32
        %dma_wait3A_544 = arith.constant 0 : i32
        %dma_wait3A_545 = tpu.memref_slice %arg4[%dma_wait3A_534, %dma_wait3A_541, %dma_wait3A_542, %dma_wait3A_543, %dma_wait3A_544] : memref<200x8x32x8x128xf32, #tpu.memory_space<hbm>> -> memref<1x8x2x8x128xf32, #tpu.memory_space<hbm>>
        %dma_wait3A_546 = tpu.memref_squeeze %dma_wait3A_545 : memref<1x8x2x8x128xf32, #tpu.memory_space<hbm>> -> memref<8x2x8x128xf32, #tpu.memory_space<hbm>>
        tpu.wait_dma2 semaphore(%arg13 : memref<!tpu.dma_semaphore, #tpu.memory_space<semaphore_mem>>) src(%arg9 : memref<8x2x8x128xf32, #tpu.memory_space<vmem>>) dst(%dma_wait3A_546 : memref<8x2x8x128xf32, #tpu.memory_space<hbm>>)
      } else {
      }
      %scan3A_94 = arith.constant 0 : i32
      %scan3A_95 = arith.constant 0 : i32
      %scan3A_96 = arith.constant 32 : i32
      %scan3A_97 = arith.addi %scan3A_95, %scan3A_96 : i32
      %scan3A_98 = arith.constant 1 : i32
      scf.for %scan3A_534 = %scan3A_95 to %scan3A_97 step %scan3A_98  : i32 {
        %mul3A_535 = arith.constant 8 : i32
        %mul3A_536 = arith.muli %scan3A_534, %mul3A_535 : i32
        %add3A_537 = arith.constant 0 : i32
        %add3A_538 = arith.addi %mul3A_536, %add3A_537 : i32
        %add3A_539 = arith.constant 0 : i32
        %add3A_540 = arith.addi %add3A_538, %add3A_539 : i32
        %get3A = arith.index_cast %add3A_540 : i32 to index
        %get3A_541 = arith.constant 0 : index
        %get3A_542 = tpu.vector_load %arg6[%get3A, %get3A_541] {strides = array<i32>} : memref<256x64xf32, #tpu.memory_space<vmem>>, vector<16xf32>,
        %get3A_543 = arith.index_cast %add3A_540 : i32 to index
        %get3A_544 = arith.constant 16 : index
        %get3A_545 = tpu.vector_load %arg6[%get3A_543, %get3A_544] {strides = array<i32>} : memref<256x64xf32, #tpu.memory_space<vmem>>, vector<16xf32>,
        %get3A_546 = arith.index_cast %add3A_540 : i32 to index
        %get3A_547 = arith.constant 32 : index
        %get3A_548 = tpu.vector_load %arg6[%get3A_546, %get3A_547] {strides = array<i32>} : memref<256x64xf32, #tpu.memory_space<vmem>>, vector<16xf32>,
        %get3A_549 = arith.index_cast %add3A_540 : i32 to index
        %get3A_550 = arith.constant 48 : index
        %get3A_551 = tpu.vector_load %arg6[%get3A_549, %get3A_550] {strides = array<i32>} : memref<256x64xf32, #tpu.memory_space<vmem>>, vector<16xf32>,
        %mul3A_552 = arith.constant 8 : i32
        %mul3A_553 = arith.muli %scan3A_534, %mul3A_552 : i32
        %add3A_554 = arith.constant 0 : i32
        %add3A_555 = arith.addi %mul3A_553, %add3A_554 : i32
        %add3A_556 = arith.constant 1 : i32
        %add3A_557 = arith.addi %add3A_555, %add3A_556 : i32
        %get3A_558 = arith.index_cast %add3A_557 : i32 to index
        %get3A_559 = arith.constant 0 : index
        %get3A_560 = tpu.vector_load %arg6[%get3A_558, %get3A_559] {strides = array<i32>} : memref<256x64xf32, #tpu.memory_space<vmem>>, vector<16xf32>,
        %get3A_561 = arith.index_cast %add3A_557 : i32 to index
        %get3A_562 = arith.constant 16 : index
        %get3A_563 = tpu.vector_load %arg6[%get3A_561, %get3A_562] {strides = array<i32>} : memref<256x64xf32, #tpu.memory_space<vmem>>, vector<16xf32>,
        %get3A_564 = arith.index_cast %add3A_557 : i32 to index
        %get3A_565 = arith.constant 32 : index
        %get3A_566 = tpu.vector_load %arg6[%get3A_564, %get3A_565] {strides = array<i32>} : memref<256x64xf32, #tpu.memory_space<vmem>>, vector<16xf32>,
        %get3A_567 = arith.index_cast %add3A_557 : i32 to index
        %get3A_568 = arith.constant 48 : index
        %get3A_569 = tpu.vector_load %arg6[%get3A_567, %get3A_568] {strides = array<i32>} : memref<256x64xf32, #tpu.memory_space<vmem>>, vector<16xf32>,
        %mul3A_570 = arith.constant 8 : i32
        %mul3A_571 = arith.muli %scan3A_534, %mul3A_570 : i32
        %add3A_572 = arith.constant 0 : i32
        %add3A_573 = arith.addi %mul3A_571, %add3A_572 : i32
        %add3A_574 = arith.constant 2 : i32
        %add3A_575 = arith.addi %add3A_573, %add3A_574 : i32
        %get3A_576 = arith.index_cast %add3A_575 : i32 to index
        %get3A_577 = arith.constant 0 : index
        %get3A_578 = tpu.vector_load %arg6[%get3A_576, %get3A_577] {strides = array<i32>} : memref<256x64xf32, #tpu.memory_space<vmem>>, vector<16xf32>,
        %get3A_579 = arith.index_cast %add3A_575 : i32 to index
        %get3A_580 = arith.constant 16 : index
        %get3A_581 = tpu.vector_load %arg6[%get3A_579, %get3A_580] {strides = array<i32>} : memref<256x64xf32, #tpu.memory_space<vmem>>, vector<16xf32>,
        %get3A_582 = arith.index_cast %add3A_575 : i32 to index
        %get3A_583 = arith.constant 32 : index
        %get3A_584 = tpu.vector_load %arg6[%get3A_582, %get3A_583] {strides = array<i32>} : memref<256x64xf32, #tpu.memory_space<vmem>>, vector<16xf32>,
        %get3A_585 = arith.index_cast %add3A_575 : i32 to index
        %get3A_586 = arith.constant 48 : index
        %get3A_587 = tpu.vector_load %arg6[%get3A_585, %get3A_586] {strides = array<i32>} : memref<256x64xf32, #tpu.memory_space<vmem>>, vector<16xf32>,
        %mul3A_588 = arith.constant 8 : i32
        %mul3A_589 = arith.muli %scan3A_534, %mul3A_588 : i32
        %add3A_590 = arith.constant 0 : i32
        %add3A_591 = arith.addi %mul3A_589, %add3A_590 : i32
        %add3A_592 = arith.constant 3 : i32
        %add3A_593 = arith.addi %add3A_591, %add3A_592 : i32
        %get3A_594 = arith.index_cast %add3A_593 : i32 to index
        %get3A_595 = arith.constant 0 : index
        %get3A_596 = tpu.vector_load %arg6[%get3A_594, %get3A_595] {strides = array<i32>} : memref<256x64xf32, #tpu.memory_space<vmem>>, vector<16xf32>,
        %get3A_597 = arith.index_cast %add3A_593 : i32 to index
        %get3A_598 = arith.constant 16 : index
        %get3A_599 = tpu.vector_load %arg6[%get3A_597, %get3A_598] {strides = array<i32>} : memref<256x64xf32, #tpu.memory_space<vmem>>, vector<16xf32>,
        %get3A_600 = arith.index_cast %add3A_593 : i32 to index
        %get3A_601 = arith.constant 32 : index
        %get3A_602 = tpu.vector_load %arg6[%get3A_600, %get3A_601] {strides = array<i32>} : memref<256x64xf32, #tpu.memory_space<vmem>>, vector<16xf32>,
        %get3A_603 = arith.index_cast %add3A_593 : i32 to index
        %get3A_604 = arith.constant 48 : index
        %get3A_605 = tpu.vector_load %arg6[%get3A_603, %get3A_604] {strides = array<i32>} : memref<256x64xf32, #tpu.memory_space<vmem>>, vector<16xf32>,
        %mul3A_606 = arith.constant 65 : i32
        %mul3A_607 = arith.muli %add3A_540, %mul3A_606 : i32
        %add3A_608 = arith.constant 0 : i32
        %add3A_609 = arith.addi %mul3A_607, %add3A_608 : i32
        %swap3A = arith.index_cast %add3A_609 : i32 to index
        %swap3A_610 = tpu.vector_load %arg8[%swap3A] {strides = array<i32>} : memref<16640xf32, #tpu.memory_space<vmem>>, vector<16xf32>,
        tpu.vector_store %arg8[%swap3A], %get3A_542 {strides = array<i32>} : memref<16640xf32, #tpu.memory_space<vmem>>, vector<16xf32>,
        %mul3A_611 = arith.constant 65 : i32
        %mul3A_612 = arith.muli %add3A_540, %mul3A_611 : i32
        %add3A_613 = arith.constant 16 : i32
        %add3A_614 = arith.addi %mul3A_612, %add3A_613 : i32
        %swap3A_615 = arith.index_cast %add3A_614 : i32 to index
        %swap3A_616 = tpu.vector_load %arg8[%swap3A_615] {strides = array<i32>} : memref<16640xf32, #tpu.memory_space<vmem>>, vector<16xf32>,
        tpu.vector_store %arg8[%swap3A_615], %get3A_545 {strides = array<i32>} : memref<16640xf32, #tpu.memory_space<vmem>>, vector<16xf32>,
        %mul3A_617 = arith.constant 65 : i32
        %mul3A_618 = arith.muli %add3A_540, %mul3A_617 : i32
        %add3A_619 = arith.constant 32 : i32
        %add3A_620 = arith.addi %mul3A_618, %add3A_619 : i32
        %swap3A_621 = arith.index_cast %add3A_620 : i32 to index
        %swap3A_622 = tpu.vector_load %arg8[%swap3A_621] {strides = array<i32>} : memref<16640xf32, #tpu.memory_space<vmem>>, vector<16xf32>,
        tpu.vector_store %arg8[%swap3A_621], %get3A_548 {strides = array<i32>} : memref<16640xf32, #tpu.memory_space<vmem>>, vector<16xf32>,
        %mul3A_623 = arith.constant 65 : i32
        %mul3A_624 = arith.muli %add3A_540, %mul3A_623 : i32
        %add3A_625 = arith.constant 48 : i32
        %add3A_626 = arith.addi %mul3A_624, %add3A_625 : i32
        %swap3A_627 = arith.index_cast %add3A_626 : i32 to index
        %swap3A_628 = tpu.vector_load %arg8[%swap3A_627] {strides = array<i32>} : memref<16640xf32, #tpu.memory_space<vmem>>, vector<16xf32>,
        tpu.vector_store %arg8[%swap3A_627], %get3A_551 {strides = array<i32>} : memref<16640xf32, #tpu.memory_space<vmem>>, vector<16xf32>,
        %mul3A_629 = arith.constant 65 : i32
        %mul3A_630 = arith.muli %add3A_557, %mul3A_629 : i32
        %add3A_631 = arith.constant 0 : i32
        %add3A_632 = arith.addi %mul3A_630, %add3A_631 : i32
        %swap3A_633 = arith.index_cast %add3A_632 : i32 to index
        %swap3A_634 = tpu.vector_load %arg8[%swap3A_633] {strides = array<i32>} : memref<16640xf32, #tpu.memory_space<vmem>>, vector<16xf32>,
        tpu.vector_store %arg8[%swap3A_633], %get3A_560 {strides = array<i32>} : memref<16640xf32, #tpu.memory_space<vmem>>, vector<16xf32>,
        %mul3A_635 = arith.constant 65 : i32
        %mul3A_636 = arith.muli %add3A_557, %mul3A_635 : i32
        %add3A_637 = arith.constant 16 : i32
        %add3A_638 = arith.addi %mul3A_636, %add3A_637 : i32
        %swap3A_639 = arith.index_cast %add3A_638 : i32 to index
        %swap3A_640 = tpu.vector_load %arg8[%swap3A_639] {strides = array<i32>} : memref<16640xf32, #tpu.memory_space<vmem>>, vector<16xf32>,
        tpu.vector_store %arg8[%swap3A_639], %get3A_563 {strides = array<i32>} : memref<16640xf32, #tpu.memory_space<vmem>>, vector<16xf32>,
        %mul3A_641 = arith.constant 65 : i32
        %mul3A_642 = arith.muli %add3A_557, %mul3A_641 : i32
        %add3A_643 = arith.constant 32 : i32
        %add3A_644 = arith.addi %mul3A_642, %add3A_643 : i32
        %swap3A_645 = arith.index_cast %add3A_644 : i32 to index
        %swap3A_646 = tpu.vector_load %arg8[%swap3A_645] {strides = array<i32>} : memref<16640xf32, #tpu.memory_space<vmem>>, vector<16xf32>,
        tpu.vector_store %arg8[%swap3A_645], %get3A_566 {strides = array<i32>} : memref<16640xf32, #tpu.memory_space<vmem>>, vector<16xf32>,
        %mul3A_647 = arith.constant 65 : i32
        %mul3A_648 = arith.muli %add3A_557, %mul3A_647 : i32
        %add3A_649 = arith.constant 48 : i32
        %add3A_650 = arith.addi %mul3A_648, %add3A_649 : i32
        %swap3A_651 = arith.index_cast %add3A_650 : i32 to index
        %swap3A_652 = tpu.vector_load %arg8[%swap3A_651] {strides = array<i32>} : memref<16640xf32, #tpu.memory_space<vmem>>, vector<16xf32>,
        tpu.vector_store %arg8[%swap3A_651], %get3A_569 {strides = array<i32>} : memref<16640xf32, #tpu.memory_space<vmem>>, vector<16xf32>,
        %mul3A_653 = arith.constant 65 : i32
        %mul3A_654 = arith.muli %add3A_575, %mul3A_653 : i32
        %add3A_655 = arith.constant 0 : i32
        %add3A_656 = arith.addi %mul3A_654, %add3A_655 : i32
        %swap3A_657 = arith.index_cast %add3A_656 : i32 to index
        %swap3A_658 = tpu.vector_load %arg8[%swap3A_657] {strides = array<i32>} : memref<16640xf32, #tpu.memory_space<vmem>>, vector<16xf32>,
        tpu.vector_store %arg8[%swap3A_657], %get3A_578 {strides = array<i32>} : memref<16640xf32, #tpu.memory_space<vmem>>, vector<16xf32>,
        %mul3A_659 = arith.constant 65 : i32
        %mul3A_660 = arith.muli %add3A_575, %mul3A_659 : i32
        %add3A_661 = arith.constant 16 : i32
        %add3A_662 = arith.addi %mul3A_660, %add3A_661 : i32
        %swap3A_663 = arith.index_cast %add3A_662 : i32 to index
        %swap3A_664 = tpu.vector_load %arg8[%swap3A_663] {strides = array<i32>} : memref<16640xf32, #tpu.memory_space<vmem>>, vector<16xf32>,
        tpu.vector_store %arg8[%swap3A_663], %get3A_581 {strides = array<i32>} : memref<16640xf32, #tpu.memory_space<vmem>>, vector<16xf32>,
        %mul3A_665 = arith.constant 65 : i32
        %mul3A_666 = arith.muli %add3A_575, %mul3A_665 : i32
        %add3A_667 = arith.constant 32 : i32
        %add3A_668 = arith.addi %mul3A_666, %add3A_667 : i32
        %swap3A_669 = arith.index_cast %add3A_668 : i32 to index
        %swap3A_670 = tpu.vector_load %arg8[%swap3A_669] {strides = array<i32>} : memref<16640xf32, #tpu.memory_space<vmem>>, vector<16xf32>,
        tpu.vector_store %arg8[%swap3A_669], %get3A_584 {strides = array<i32>} : memref<16640xf32, #tpu.memory_space<vmem>>, vector<16xf32>,
        %mul3A_671 = arith.constant 65 : i32
        %mul3A_672 = arith.muli %add3A_575, %mul3A_671 : i32
        %add3A_673 = arith.constant 48 : i32
        %add3A_674 = arith.addi %mul3A_672, %add3A_673 : i32
        %swap3A_675 = arith.index_cast %add3A_674 : i32 to index
        %swap3A_676 = tpu.vector_load %arg8[%swap3A_675] {strides = array<i32>} : memref<16640xf32, #tpu.memory_space<vmem>>, vector<16xf32>,
        tpu.vector_store %arg8[%swap3A_675], %get3A_587 {strides = array<i32>} : memref<16640xf32, #tpu.memory_space<vmem>>, vector<16xf32>,
        %mul3A_677 = arith.constant 65 : i32
        %mul3A_678 = arith.muli %add3A_593, %mul3A_677 : i32
        %add3A_679 = arith.constant 0 : i32
        %add3A_680 = arith.addi %mul3A_678, %add3A_679 : i32
        %swap3A_681 = arith.index_cast %add3A_680 : i32 to index
        %swap3A_682 = tpu.vector_load %arg8[%swap3A_681] {strides = array<i32>} : memref<16640xf32, #tpu.memory_space<vmem>>, vector<16xf32>,
        tpu.vector_store %arg8[%swap3A_681], %get3A_596 {strides = array<i32>} : memref<16640xf32, #tpu.memory_space<vmem>>, vector<16xf32>,
        %mul3A_683 = arith.constant 65 : i32
        %mul3A_684 = arith.muli %add3A_593, %mul3A_683 : i32
        %add3A_685 = arith.constant 16 : i32
        %add3A_686 = arith.addi %mul3A_684, %add3A_685 : i32
        %swap3A_687 = arith.index_cast %add3A_686 : i32 to index
        %swap3A_688 = tpu.vector_load %arg8[%swap3A_687] {strides = array<i32>} : memref<16640xf32, #tpu.memory_space<vmem>>, vector<16xf32>,
        tpu.vector_store %arg8[%swap3A_687], %get3A_599 {strides = array<i32>} : memref<16640xf32, #tpu.memory_space<vmem>>, vector<16xf32>,
        %mul3A_689 = arith.constant 65 : i32
        %mul3A_690 = arith.muli %add3A_593, %mul3A_689 : i32
        %add3A_691 = arith.constant 32 : i32
        %add3A_692 = arith.addi %mul3A_690, %add3A_691 : i32
        %swap3A_693 = arith.index_cast %add3A_692 : i32 to index
        %swap3A_694 = tpu.vector_load %arg8[%swap3A_693] {strides = array<i32>} : memref<16640xf32, #tpu.memory_space<vmem>>, vector<16xf32>,
        tpu.vector_store %arg8[%swap3A_693], %get3A_602 {strides = array<i32>} : memref<16640xf32, #tpu.memory_space<vmem>>, vector<16xf32>,
        %mul3A_695 = arith.constant 65 : i32
        %mul3A_696 = arith.muli %add3A_593, %mul3A_695 : i32
        %add3A_697 = arith.constant 48 : i32
        %add3A_698 = arith.addi %mul3A_696, %add3A_697 : i32
        %swap3A_699 = arith.index_cast %add3A_698 : i32 to index
        %swap3A_700 = tpu.vector_load %arg8[%swap3A_699] {strides = array<i32>} : memref<16640xf32, #tpu.memory_space<vmem>>, vector<16xf32>,
        tpu.vector_store %arg8[%swap3A_699], %get3A_605 {strides = array<i32>} : memref<16640xf32, #tpu.memory_space<vmem>>, vector<16xf32>,
        %mul3A_701 = arith.constant 8 : i32
        %mul3A_702 = arith.muli %scan3A_534, %mul3A_701 : i32
        %add3A_703 = arith.constant 4 : i32
        %add3A_704 = arith.addi %mul3A_702, %add3A_703 : i32
        %add3A_705 = arith.constant 0 : i32
        %add3A_706 = arith.addi %add3A_704, %add3A_705 : i32
        %get3A_707 = arith.index_cast %add3A_706 : i32 to index
        %get3A_708 = arith.constant 0 : index
        %get3A_709 = tpu.vector_load %arg6[%get3A_707, %get3A_708] {strides = array<i32>} : memref<256x64xf32, #tpu.memory_space<vmem>>, vector<16xf32>,
        %get3A_710 = arith.index_cast %add3A_706 : i32 to index
        %get3A_711 = arith.constant 16 : index
        %get3A_712 = tpu.vector_load %arg6[%get3A_710, %get3A_711] {strides = array<i32>} : memref<256x64xf32, #tpu.memory_space<vmem>>, vector<16xf32>,
        %get3A_713 = arith.index_cast %add3A_706 : i32 to index
        %get3A_714 = arith.constant 32 : index
        %get3A_715 = tpu.vector_load %arg6[%get3A_713, %get3A_714] {strides = array<i32>} : memref<256x64xf32, #tpu.memory_space<vmem>>, vector<16xf32>,
        %get3A_716 = arith.index_cast %add3A_706 : i32 to index
        %get3A_717 = arith.constant 48 : index
        %get3A_718 = tpu.vector_load %arg6[%get3A_716, %get3A_717] {strides = array<i32>} : memref<256x64xf32, #tpu.memory_space<vmem>>, vector<16xf32>,
        %mul3A_719 = arith.constant 8 : i32
        %mul3A_720 = arith.muli %scan3A_534, %mul3A_719 : i32
        %add3A_721 = arith.constant 4 : i32
        %add3A_722 = arith.addi %mul3A_720, %add3A_721 : i32
        %add3A_723 = arith.constant 1 : i32
        %add3A_724 = arith.addi %add3A_722, %add3A_723 : i32
        %get3A_725 = arith.index_cast %add3A_724 : i32 to index
        %get3A_726 = arith.constant 0 : index
        %get3A_727 = tpu.vector_load %arg6[%get3A_725, %get3A_726] {strides = array<i32>} : memref<256x64xf32, #tpu.memory_space<vmem>>, vector<16xf32>,
        %get3A_728 = arith.index_cast %add3A_724 : i32 to index
        %get3A_729 = arith.constant 16 : index
        %get3A_730 = tpu.vector_load %arg6[%get3A_728, %get3A_729] {strides = array<i32>} : memref<256x64xf32, #tpu.memory_space<vmem>>, vector<16xf32>,
        %get3A_731 = arith.index_cast %add3A_724 : i32 to index
        %get3A_732 = arith.constant 32 : index
        %get3A_733 = tpu.vector_load %arg6[%get3A_731, %get3A_732] {strides = array<i32>} : memref<256x64xf32, #tpu.memory_space<vmem>>, vector<16xf32>,
        %get3A_734 = arith.index_cast %add3A_724 : i32 to index
        %get3A_735 = arith.constant 48 : index
        %get3A_736 = tpu.vector_load %arg6[%get3A_734, %get3A_735] {strides = array<i32>} : memref<256x64xf32, #tpu.memory_space<vmem>>, vector<16xf32>,
        %mul3A_737 = arith.constant 8 : i32
        %mul3A_738 = arith.muli %scan3A_534, %mul3A_737 : i32
        %add3A_739 = arith.constant 4 : i32
        %add3A_740 = arith.addi %mul3A_738, %add3A_739 : i32
        %add3A_741 = arith.constant 2 : i32
        %add3A_742 = arith.addi %add3A_740, %add3A_741 : i32
        %get3A_743 = arith.index_cast %add3A_742 : i32 to index
        %get3A_744 = arith.constant 0 : index
        %get3A_745 = tpu.vector_load %arg6[%get3A_743, %get3A_744] {strides = array<i32>} : memref<256x64xf32, #tpu.memory_space<vmem>>, vector<16xf32>,
        %get3A_746 = arith.index_cast %add3A_742 : i32 to index
        %get3A_747 = arith.constant 16 : index
        %get3A_748 = tpu.vector_load %arg6[%get3A_746, %get3A_747] {strides = array<i32>} : memref<256x64xf32, #tpu.memory_space<vmem>>, vector<16xf32>,
        %get3A_749 = arith.index_cast %add3A_742 : i32 to index
        %get3A_750 = arith.constant 32 : index
        %get3A_751 = tpu.vector_load %arg6[%get3A_749, %get3A_750] {strides = array<i32>} : memref<256x64xf32, #tpu.memory_space<vmem>>, vector<16xf32>,
        %get3A_752 = arith.index_cast %add3A_742 : i32 to index
        %get3A_753 = arith.constant 48 : index
        %get3A_754 = tpu.vector_load %arg6[%get3A_752, %get3A_753] {strides = array<i32>} : memref<256x64xf32, #tpu.memory_space<vmem>>, vector<16xf32>,
        %mul3A_755 = arith.constant 8 : i32
        %mul3A_756 = arith.muli %scan3A_534, %mul3A_755 : i32
        %add3A_757 = arith.constant 4 : i32
        %add3A_758 = arith.addi %mul3A_756, %add3A_757 : i32
        %add3A_759 = arith.constant 3 : i32
        %add3A_760 = arith.addi %add3A_758, %add3A_759 : i32
        %get3A_761 = arith.index_cast %add3A_760 : i32 to index
        %get3A_762 = arith.constant 0 : index
        %get3A_763 = tpu.vector_load %arg6[%get3A_761, %get3A_762] {strides = array<i32>} : memref<256x64xf32, #tpu.memory_space<vmem>>, vector<16xf32>,
        %get3A_764 = arith.index_cast %add3A_760 : i32 to index
        %get3A_765 = arith.constant 16 : index
        %get3A_766 = tpu.vector_load %arg6[%get3A_764, %get3A_765] {strides = array<i32>} : memref<256x64xf32, #tpu.memory_space<vmem>>, vector<16xf32>,
        %get3A_767 = arith.index_cast %add3A_760 : i32 to index
        %get3A_768 = arith.constant 32 : index
        %get3A_769 = tpu.vector_load %arg6[%get3A_767, %get3A_768] {strides = array<i32>} : memref<256x64xf32, #tpu.memory_space<vmem>>, vector<16xf32>,
        %get3A_770 = arith.index_cast %add3A_760 : i32 to index
        %get3A_771 = arith.constant 48 : index
        %get3A_772 = tpu.vector_load %arg6[%get3A_770, %get3A_771] {strides = array<i32>} : memref<256x64xf32, #tpu.memory_space<vmem>>, vector<16xf32>,
        %mul3A_773 = arith.constant 65 : i32
        %mul3A_774 = arith.muli %add3A_706, %mul3A_773 : i32
        %add3A_775 = arith.constant 0 : i32
        %add3A_776 = arith.addi %mul3A_774, %add3A_775 : i32
        %swap3A_777 = arith.index_cast %add3A_776 : i32 to index
        %swap3A_778 = tpu.vector_load %arg8[%swap3A_777] {strides = array<i32>} : memref<16640xf32, #tpu.memory_space<vmem>>, vector<16xf32>,
        tpu.vector_store %arg8[%swap3A_777], %get3A_709 {strides = array<i32>} : memref<16640xf32, #tpu.memory_space<vmem>>, vector<16xf32>,
        %mul3A_779 = arith.constant 65 : i32
        %mul3A_780 = arith.muli %add3A_706, %mul3A_779 : i32
        %add3A_781 = arith.constant 16 : i32
        %add3A_782 = arith.addi %mul3A_780, %add3A_781 : i32
        %swap3A_783 = arith.index_cast %add3A_782 : i32 to index
        %swap3A_784 = tpu.vector_load %arg8[%swap3A_783] {strides = array<i32>} : memref<16640xf32, #tpu.memory_space<vmem>>, vector<16xf32>,
        tpu.vector_store %arg8[%swap3A_783], %get3A_712 {strides = array<i32>} : memref<16640xf32, #tpu.memory_space<vmem>>, vector<16xf32>,
        %mul3A_785 = arith.constant 65 : i32
        %mul3A_786 = arith.muli %add3A_706, %mul3A_785 : i32
        %add3A_787 = arith.constant 32 : i32
        %add3A_788 = arith.addi %mul3A_786, %add3A_787 : i32
        %swap3A_789 = arith.index_cast %add3A_788 : i32 to index
        %swap3A_790 = tpu.vector_load %arg8[%swap3A_789] {strides = array<i32>} : memref<16640xf32, #tpu.memory_space<vmem>>, vector<16xf32>,
        tpu.vector_store %arg8[%swap3A_789], %get3A_715 {strides = array<i32>} : memref<16640xf32, #tpu.memory_space<vmem>>, vector<16xf32>,
        %mul3A_791 = arith.constant 65 : i32
        %mul3A_792 = arith.muli %add3A_706, %mul3A_791 : i32
        %add3A_793 = arith.constant 48 : i32
        %add3A_794 = arith.addi %mul3A_792, %add3A_793 : i32
        %swap3A_795 = arith.index_cast %add3A_794 : i32 to index
        %swap3A_796 = tpu.vector_load %arg8[%swap3A_795] {strides = array<i32>} : memref<16640xf32, #tpu.memory_space<vmem>>, vector<16xf32>,
        tpu.vector_store %arg8[%swap3A_795], %get3A_718 {strides = array<i32>} : memref<16640xf32, #tpu.memory_space<vmem>>, vector<16xf32>,
        %mul3A_797 = arith.constant 65 : i32
        %mul3A_798 = arith.muli %add3A_724, %mul3A_797 : i32
        %add3A_799 = arith.constant 0 : i32
        %add3A_800 = arith.addi %mul3A_798, %add3A_799 : i32
        %swap3A_801 = arith.index_cast %add3A_800 : i32 to index
        %swap3A_802 = tpu.vector_load %arg8[%swap3A_801] {strides = array<i32>} : memref<16640xf32, #tpu.memory_space<vmem>>, vector<16xf32>,
        tpu.vector_store %arg8[%swap3A_801], %get3A_727 {strides = array<i32>} : memref<16640xf32, #tpu.memory_space<vmem>>, vector<16xf32>,
        %mul3A_803 = arith.constant 65 : i32
        %mul3A_804 = arith.muli %add3A_724, %mul3A_803 : i32
        %add3A_805 = arith.constant 16 : i32
        %add3A_806 = arith.addi %mul3A_804, %add3A_805 : i32
        %swap3A_807 = arith.index_cast %add3A_806 : i32 to index
        %swap3A_808 = tpu.vector_load %arg8[%swap3A_807] {strides = array<i32>} : memref<16640xf32, #tpu.memory_space<vmem>>, vector<16xf32>,
        tpu.vector_store %arg8[%swap3A_807], %get3A_730 {strides = array<i32>} : memref<16640xf32, #tpu.memory_space<vmem>>, vector<16xf32>,
        %mul3A_809 = arith.constant 65 : i32
        %mul3A_810 = arith.muli %add3A_724, %mul3A_809 : i32
        %add3A_811 = arith.constant 32 : i32
        %add3A_812 = arith.addi %mul3A_810, %add3A_811 : i32
        %swap3A_813 = arith.index_cast %add3A_812 : i32 to index
        %swap3A_814 = tpu.vector_load %arg8[%swap3A_813] {strides = array<i32>} : memref<16640xf32, #tpu.memory_space<vmem>>, vector<16xf32>,
        tpu.vector_store %arg8[%swap3A_813], %get3A_733 {strides = array<i32>} : memref<16640xf32, #tpu.memory_space<vmem>>, vector<16xf32>,
        %mul3A_815 = arith.constant 65 : i32
        %mul3A_816 = arith.muli %add3A_724, %mul3A_815 : i32
        %add3A_817 = arith.constant 48 : i32
        %add3A_818 = arith.addi %mul3A_816, %add3A_817 : i32
        %swap3A_819 = arith.index_cast %add3A_818 : i32 to index
        %swap3A_820 = tpu.vector_load %arg8[%swap3A_819] {strides = array<i32>} : memref<16640xf32, #tpu.memory_space<vmem>>, vector<16xf32>,
        tpu.vector_store %arg8[%swap3A_819], %get3A_736 {strides = array<i32>} : memref<16640xf32, #tpu.memory_space<vmem>>, vector<16xf32>,
        %mul3A_821 = arith.constant 65 : i32
        %mul3A_822 = arith.muli %add3A_742, %mul3A_821 : i32
        %add3A_823 = arith.constant 0 : i32
        %add3A_824 = arith.addi %mul3A_822, %add3A_823 : i32
        %swap3A_825 = arith.index_cast %add3A_824 : i32 to index
        %swap3A_826 = tpu.vector_load %arg8[%swap3A_825] {strides = array<i32>} : memref<16640xf32, #tpu.memory_space<vmem>>, vector<16xf32>,
        tpu.vector_store %arg8[%swap3A_825], %get3A_745 {strides = array<i32>} : memref<16640xf32, #tpu.memory_space<vmem>>, vector<16xf32>,
        %mul3A_827 = arith.constant 65 : i32
        %mul3A_828 = arith.muli %add3A_742, %mul3A_827 : i32
        %add3A_829 = arith.constant 16 : i32
        %add3A_830 = arith.addi %mul3A_828, %add3A_829 : i32
        %swap3A_831 = arith.index_cast %add3A_830 : i32 to index
        %swap3A_832 = tpu.vector_load %arg8[%swap3A_831] {strides = array<i32>} : memref<16640xf32, #tpu.memory_space<vmem>>, vector<16xf32>,
        tpu.vector_store %arg8[%swap3A_831], %get3A_748 {strides = array<i32>} : memref<16640xf32, #tpu.memory_space<vmem>>, vector<16xf32>,
        %mul3A_833 = arith.constant 65 : i32
        %mul3A_834 = arith.muli %add3A_742, %mul3A_833 : i32
        %add3A_835 = arith.constant 32 : i32
        %add3A_836 = arith.addi %mul3A_834, %add3A_835 : i32
        %swap3A_837 = arith.index_cast %add3A_836 : i32 to index
        %swap3A_838 = tpu.vector_load %arg8[%swap3A_837] {strides = array<i32>} : memref<16640xf32, #tpu.memory_space<vmem>>, vector<16xf32>,
        tpu.vector_store %arg8[%swap3A_837], %get3A_751 {strides = array<i32>} : memref<16640xf32, #tpu.memory_space<vmem>>, vector<16xf32>,
        %mul3A_839 = arith.constant 65 : i32
        %mul3A_840 = arith.muli %add3A_742, %mul3A_839 : i32
        %add3A_841 = arith.constant 48 : i32
        %add3A_842 = arith.addi %mul3A_840, %add3A_841 : i32
        %swap3A_843 = arith.index_cast %add3A_842 : i32 to index
        %swap3A_844 = tpu.vector_load %arg8[%swap3A_843] {strides = array<i32>} : memref<16640xf32, #tpu.memory_space<vmem>>, vector<16xf32>,
        tpu.vector_store %arg8[%swap3A_843], %get3A_754 {strides = array<i32>} : memref<16640xf32, #tpu.memory_space<vmem>>, vector<16xf32>,
        %mul3A_845 = arith.constant 65 : i32
        %mul3A_846 = arith.muli %add3A_760, %mul3A_845 : i32
        %add3A_847 = arith.constant 0 : i32
        %add3A_848 = arith.addi %mul3A_846, %add3A_847 : i32
        %swap3A_849 = arith.index_cast %add3A_848 : i32 to index
        %swap3A_850 = tpu.vector_load %arg8[%swap3A_849] {strides = array<i32>} : memref<16640xf32, #tpu.memory_space<vmem>>, vector<16xf32>,
        tpu.vector_store %arg8[%swap3A_849], %get3A_763 {strides = array<i32>} : memref<16640xf32, #tpu.memory_space<vmem>>, vector<16xf32>,
        %mul3A_851 = arith.constant 65 : i32
        %mul3A_852 = arith.muli %add3A_760, %mul3A_851 : i32
        %add3A_853 = arith.constant 16 : i32
        %add3A_854 = arith.addi %mul3A_852, %add3A_853 : i32
        %swap3A_855 = arith.index_cast %add3A_854 : i32 to index
        %swap3A_856 = tpu.vector_load %arg8[%swap3A_855] {strides = array<i32>} : memref<16640xf32, #tpu.memory_space<vmem>>, vector<16xf32>,
        tpu.vector_store %arg8[%swap3A_855], %get3A_766 {strides = array<i32>} : memref<16640xf32, #tpu.memory_space<vmem>>, vector<16xf32>,
        %mul3A_857 = arith.constant 65 : i32
        %mul3A_858 = arith.muli %add3A_760, %mul3A_857 : i32
        %add3A_859 = arith.constant 32 : i32
        %add3A_860 = arith.addi %mul3A_858, %add3A_859 : i32
        %swap3A_861 = arith.index_cast %add3A_860 : i32 to index
        %swap3A_862 = tpu.vector_load %arg8[%swap3A_861] {strides = array<i32>} : memref<16640xf32, #tpu.memory_space<vmem>>, vector<16xf32>,
        tpu.vector_store %arg8[%swap3A_861], %get3A_769 {strides = array<i32>} : memref<16640xf32, #tpu.memory_space<vmem>>, vector<16xf32>,
        %mul3A_863 = arith.constant 65 : i32
        %mul3A_864 = arith.muli %add3A_760, %mul3A_863 : i32
        %add3A_865 = arith.constant 48 : i32
        %add3A_866 = arith.addi %mul3A_864, %add3A_865 : i32
        %swap3A_867 = arith.index_cast %add3A_866 : i32 to index
        %swap3A_868 = tpu.vector_load %arg8[%swap3A_867] {strides = array<i32>} : memref<16640xf32, #tpu.memory_space<vmem>>, vector<16xf32>,
        tpu.vector_store %arg8[%swap3A_867], %get3A_772 {strides = array<i32>} : memref<16640xf32, #tpu.memory_space<vmem>>, vector<16xf32>,
      }
      %scan3A_99 = arith.constant 32 : i32
      %scan3A_100 = arith.constant 0 : i32
      %scan3A_101 = arith.constant 0 : i32
      %scan3A_102 = arith.constant 8 : i32
      %scan3A_103 = arith.addi %scan3A_101, %scan3A_102 : i32
      %scan3A_104 = arith.constant 1 : i32
      scf.for %scan3A_534 = %scan3A_101 to %scan3A_103 step %scan3A_104  : i32 {
        %mul3A_535 = arith.constant 1040 : i32
        %mul3A_536 = arith.muli %scan3A_534, %mul3A_535 : i32
        %add3A_537 = arith.constant 0 : i32
        %add3A_538 = arith.addi %mul3A_536, %add3A_537 : i32
        %add3A_539 = vector.broadcast %add3A_538 : i32 to vector<16xi32>
        %add3A_540 = arith.addi %mul3A_5, %add3A_539 : vector<16xi32>
        %add3A_541 = arith.constant 8320 : i32
        %add3A_542 = arith.addi %mul3A_536, %add3A_541 : i32
        %add3A_543 = vector.broadcast %add3A_542 : i32 to vector<16xi32>
        %add3A_544 = arith.addi %mul3A_5, %add3A_543 : vector<16xi32>
        %add3A_545 = arith.constant 1 : i32
        %add3A_546 = arith.addi %mul3A_536, %add3A_545 : i32
        %add3A_547 = vector.broadcast %add3A_546 : i32 to vector<16xi32>
        %add3A_548 = arith.addi %mul3A_5, %add3A_547 : vector<16xi32>
        %add3A_549 = arith.constant 8321 : i32
        %add3A_550 = arith.addi %mul3A_536, %add3A_549 : i32
        %add3A_551 = vector.broadcast %add3A_550 : i32 to vector<16xi32>
        %add3A_552 = arith.addi %mul3A_5, %add3A_551 : vector<16xi32>
        %add3A_553 = arith.constant 2 : i32
        %add3A_554 = arith.addi %mul3A_536, %add3A_553 : i32
        %add3A_555 = vector.broadcast %add3A_554 : i32 to vector<16xi32>
        %add3A_556 = arith.addi %mul3A_5, %add3A_555 : vector<16xi32>
        %add3A_557 = arith.constant 8322 : i32
        %add3A_558 = arith.addi %mul3A_536, %add3A_557 : i32
        %add3A_559 = vector.broadcast %add3A_558 : i32 to vector<16xi32>
        %add3A_560 = arith.addi %mul3A_5, %add3A_559 : vector<16xi32>
        %add3A_561 = arith.constant 3 : i32
        %add3A_562 = arith.addi %mul3A_536, %add3A_561 : i32
        %add3A_563 = vector.broadcast %add3A_562 : i32 to vector<16xi32>
        %add3A_564 = arith.addi %mul3A_5, %add3A_563 : vector<16xi32>
        %add3A_565 = arith.constant 8323 : i32
        %add3A_566 = arith.addi %mul3A_536, %add3A_565 : i32
        %add3A_567 = vector.broadcast %add3A_566 : i32 to vector<16xi32>
        %add3A_568 = arith.addi %mul3A_5, %add3A_567 : vector<16xi32>
        %add3A_569 = arith.constant 4 : i32
        %add3A_570 = arith.addi %mul3A_536, %add3A_569 : i32
        %add3A_571 = vector.broadcast %add3A_570 : i32 to vector<16xi32>
        %add3A_572 = arith.addi %mul3A_5, %add3A_571 : vector<16xi32>
        %add3A_573 = arith.constant 8324 : i32
        %add3A_574 = arith.addi %mul3A_536, %add3A_573 : i32
        %add3A_575 = vector.broadcast %add3A_574 : i32 to vector<16xi32>
        %add3A_576 = arith.addi %mul3A_5, %add3A_575 : vector<16xi32>
        %add3A_577 = arith.constant 5 : i32
        %add3A_578 = arith.addi %mul3A_536, %add3A_577 : i32
        %add3A_579 = vector.broadcast %add3A_578 : i32 to vector<16xi32>
        %add3A_580 = arith.addi %mul3A_5, %add3A_579 : vector<16xi32>
        %add3A_581 = arith.constant 8325 : i32
        %add3A_582 = arith.addi %mul3A_536, %add3A_581 : i32
        %add3A_583 = vector.broadcast %add3A_582 : i32 to vector<16xi32>
        %add3A_584 = arith.addi %mul3A_5, %add3A_583 : vector<16xi32>
        %add3A_585 = arith.constant 6 : i32
        %add3A_586 = arith.addi %mul3A_536, %add3A_585 : i32
        %add3A_587 = vector.broadcast %add3A_586 : i32 to vector<16xi32>
        %add3A_588 = arith.addi %mul3A_5, %add3A_587 : vector<16xi32>
        %add3A_589 = arith.constant 8326 : i32
        %add3A_590 = arith.addi %mul3A_536, %add3A_589 : i32
        %add3A_591 = vector.broadcast %add3A_590 : i32 to vector<16xi32>
        %add3A_592 = arith.addi %mul3A_5, %add3A_591 : vector<16xi32>
        %add3A_593 = arith.constant 7 : i32
        %add3A_594 = arith.addi %mul3A_536, %add3A_593 : i32
        %add3A_595 = vector.broadcast %add3A_594 : i32 to vector<16xi32>
        %add3A_596 = arith.addi %mul3A_5, %add3A_595 : vector<16xi32>
        %add3A_597 = arith.constant 8327 : i32
        %add3A_598 = arith.addi %mul3A_536, %add3A_597 : i32
        %add3A_599 = vector.broadcast %add3A_598 : i32 to vector<16xi32>
        %add3A_600 = arith.addi %mul3A_5, %add3A_599 : vector<16xi32>
        %add3A_601 = arith.constant 8 : i32
        %add3A_602 = arith.addi %mul3A_536, %add3A_601 : i32
        %add3A_603 = vector.broadcast %add3A_602 : i32 to vector<16xi32>
        %add3A_604 = arith.addi %mul3A_5, %add3A_603 : vector<16xi32>
        %add3A_605 = arith.constant 8328 : i32
        %add3A_606 = arith.addi %mul3A_536, %add3A_605 : i32
        %add3A_607 = vector.broadcast %add3A_606 : i32 to vector<16xi32>
        %add3A_608 = arith.addi %mul3A_5, %add3A_607 : vector<16xi32>
        %add3A_609 = arith.constant 9 : i32
        %add3A_610 = arith.addi %mul3A_536, %add3A_609 : i32
        %add3A_611 = vector.broadcast %add3A_610 : i32 to vector<16xi32>
        %add3A_612 = arith.addi %mul3A_5, %add3A_611 : vector<16xi32>
        %add3A_613 = arith.constant 8329 : i32
        %add3A_614 = arith.addi %mul3A_536, %add3A_613 : i32
        %add3A_615 = vector.broadcast %add3A_614 : i32 to vector<16xi32>
        %add3A_616 = arith.addi %mul3A_5, %add3A_615 : vector<16xi32>
        %add3A_617 = arith.constant 10 : i32
        %add3A_618 = arith.addi %mul3A_536, %add3A_617 : i32
        %add3A_619 = vector.broadcast %add3A_618 : i32 to vector<16xi32>
        %add3A_620 = arith.addi %mul3A_5, %add3A_619 : vector<16xi32>
        %add3A_621 = arith.constant 8330 : i32
        %add3A_622 = arith.addi %mul3A_536, %add3A_621 : i32
        %add3A_623 = vector.broadcast %add3A_622 : i32 to vector<16xi32>
        %add3A_624 = arith.addi %mul3A_5, %add3A_623 : vector<16xi32>
        %add3A_625 = arith.constant 11 : i32
        %add3A_626 = arith.addi %mul3A_536, %add3A_625 : i32
        %add3A_627 = vector.broadcast %add3A_626 : i32 to vector<16xi32>
        %add3A_628 = arith.addi %mul3A_5, %add3A_627 : vector<16xi32>
        %add3A_629 = arith.constant 8331 : i32
        %add3A_630 = arith.addi %mul3A_536, %add3A_629 : i32
        %add3A_631 = vector.broadcast %add3A_630 : i32 to vector<16xi32>
        %add3A_632 = arith.addi %mul3A_5, %add3A_631 : vector<16xi32>
        %add3A_633 = arith.constant 12 : i32
        %add3A_634 = arith.addi %mul3A_536, %add3A_633 : i32
        %add3A_635 = vector.broadcast %add3A_634 : i32 to vector<16xi32>
        %add3A_636 = arith.addi %mul3A_5, %add3A_635 : vector<16xi32>
        %add3A_637 = arith.constant 8332 : i32
        %add3A_638 = arith.addi %mul3A_536, %add3A_637 : i32
        %add3A_639 = vector.broadcast %add3A_638 : i32 to vector<16xi32>
        %add3A_640 = arith.addi %mul3A_5, %add3A_639 : vector<16xi32>
        %add3A_641 = arith.constant 13 : i32
        %add3A_642 = arith.addi %mul3A_536, %add3A_641 : i32
        %add3A_643 = vector.broadcast %add3A_642 : i32 to vector<16xi32>
        %add3A_644 = arith.addi %mul3A_5, %add3A_643 : vector<16xi32>
        %add3A_645 = arith.constant 8333 : i32
        %add3A_646 = arith.addi %mul3A_536, %add3A_645 : i32
        %add3A_647 = vector.broadcast %add3A_646 : i32 to vector<16xi32>
        %add3A_648 = arith.addi %mul3A_5, %add3A_647 : vector<16xi32>
        %add3A_649 = arith.constant 14 : i32
        %add3A_650 = arith.addi %mul3A_536, %add3A_649 : i32
        %add3A_651 = vector.broadcast %add3A_650 : i32 to vector<16xi32>
        %add3A_652 = arith.addi %mul3A_5, %add3A_651 : vector<16xi32>
        %add3A_653 = arith.constant 8334 : i32
        %add3A_654 = arith.addi %mul3A_536, %add3A_653 : i32
        %add3A_655 = vector.broadcast %add3A_654 : i32 to vector<16xi32>
        %add3A_656 = arith.addi %mul3A_5, %add3A_655 : vector<16xi32>
        %add3A_657 = arith.constant 15 : i32
        %add3A_658 = arith.addi %mul3A_536, %add3A_657 : i32
        %add3A_659 = vector.broadcast %add3A_658 : i32 to vector<16xi32>
        %add3A_660 = arith.addi %mul3A_5, %add3A_659 : vector<16xi32>
        %add3A_661 = arith.constant 8335 : i32
        %add3A_662 = arith.addi %mul3A_536, %add3A_661 : i32
        %add3A_663 = vector.broadcast %add3A_662 : i32 to vector<16xi32>
        %add3A_664 = arith.addi %mul3A_5, %add3A_663 : vector<16xi32>
        %add3A_665 = arith.constant 16 : i32
        %add3A_666 = arith.addi %mul3A_536, %add3A_665 : i32
        %add3A_667 = vector.broadcast %add3A_666 : i32 to vector<16xi32>
        %add3A_668 = arith.addi %mul3A_5, %add3A_667 : vector<16xi32>
        %add3A_669 = arith.constant 8336 : i32
        %add3A_670 = arith.addi %mul3A_536, %add3A_669 : i32
        %add3A_671 = vector.broadcast %add3A_670 : i32 to vector<16xi32>
        %add3A_672 = arith.addi %mul3A_5, %add3A_671 : vector<16xi32>
        %add3A_673 = arith.constant 17 : i32
        %add3A_674 = arith.addi %mul3A_536, %add3A_673 : i32
        %add3A_675 = vector.broadcast %add3A_674 : i32 to vector<16xi32>
        %add3A_676 = arith.addi %mul3A_5, %add3A_675 : vector<16xi32>
        %add3A_677 = arith.constant 8337 : i32
        %add3A_678 = arith.addi %mul3A_536, %add3A_677 : i32
        %add3A_679 = vector.broadcast %add3A_678 : i32 to vector<16xi32>
        %add3A_680 = arith.addi %mul3A_5, %add3A_679 : vector<16xi32>
        %add3A_681 = arith.constant 18 : i32
        %add3A_682 = arith.addi %mul3A_536, %add3A_681 : i32
        %add3A_683 = vector.broadcast %add3A_682 : i32 to vector<16xi32>
        %add3A_684 = arith.addi %mul3A_5, %add3A_683 : vector<16xi32>
        %add3A_685 = arith.constant 8338 : i32
        %add3A_686 = arith.addi %mul3A_536, %add3A_685 : i32
        %add3A_687 = vector.broadcast %add3A_686 : i32 to vector<16xi32>
        %add3A_688 = arith.addi %mul3A_5, %add3A_687 : vector<16xi32>
        %add3A_689 = arith.constant 19 : i32
        %add3A_690 = arith.addi %mul3A_536, %add3A_689 : i32
        %add3A_691 = vector.broadcast %add3A_690 : i32 to vector<16xi32>
        %add3A_692 = arith.addi %mul3A_5, %add3A_691 : vector<16xi32>
        %add3A_693 = arith.constant 8339 : i32
        %add3A_694 = arith.addi %mul3A_536, %add3A_693 : i32
        %add3A_695 = vector.broadcast %add3A_694 : i32 to vector<16xi32>
        %add3A_696 = arith.addi %mul3A_5, %add3A_695 : vector<16xi32>
        %add3A_697 = arith.constant 20 : i32
        %add3A_698 = arith.addi %mul3A_536, %add3A_697 : i32
        %add3A_699 = vector.broadcast %add3A_698 : i32 to vector<16xi32>
        %add3A_700 = arith.addi %mul3A_5, %add3A_699 : vector<16xi32>
        %add3A_701 = arith.constant 8340 : i32
        %add3A_702 = arith.addi %mul3A_536, %add3A_701 : i32
        %add3A_703 = vector.broadcast %add3A_702 : i32 to vector<16xi32>
        %add3A_704 = arith.addi %mul3A_5, %add3A_703 : vector<16xi32>
        %add3A_705 = arith.constant 21 : i32
        %add3A_706 = arith.addi %mul3A_536, %add3A_705 : i32
        %add3A_707 = vector.broadcast %add3A_706 : i32 to vector<16xi32>
        %add3A_708 = arith.addi %mul3A_5, %add3A_707 : vector<16xi32>
        %add3A_709 = arith.constant 8341 : i32
        %add3A_710 = arith.addi %mul3A_536, %add3A_709 : i32
        %add3A_711 = vector.broadcast %add3A_710 : i32 to vector<16xi32>
        %add3A_712 = arith.addi %mul3A_5, %add3A_711 : vector<16xi32>
        %add3A_713 = arith.constant 22 : i32
        %add3A_714 = arith.addi %mul3A_536, %add3A_713 : i32
        %add3A_715 = vector.broadcast %add3A_714 : i32 to vector<16xi32>
        %add3A_716 = arith.addi %mul3A_5, %add3A_715 : vector<16xi32>
        %add3A_717 = arith.constant 8342 : i32
        %add3A_718 = arith.addi %mul3A_536, %add3A_717 : i32
        %add3A_719 = vector.broadcast %add3A_718 : i32 to vector<16xi32>
        %add3A_720 = arith.addi %mul3A_5, %add3A_719 : vector<16xi32>
        %add3A_721 = arith.constant 23 : i32
        %add3A_722 = arith.addi %mul3A_536, %add3A_721 : i32
        %add3A_723 = vector.broadcast %add3A_722 : i32 to vector<16xi32>
        %add3A_724 = arith.addi %mul3A_5, %add3A_723 : vector<16xi32>
        %add3A_725 = arith.constant 8343 : i32
        %add3A_726 = arith.addi %mul3A_536, %add3A_725 : i32
        %add3A_727 = vector.broadcast %add3A_726 : i32 to vector<16xi32>
        %add3A_728 = arith.addi %mul3A_5, %add3A_727 : vector<16xi32>
        %add3A_729 = arith.constant 24 : i32
        %add3A_730 = arith.addi %mul3A_536, %add3A_729 : i32
        %add3A_731 = vector.broadcast %add3A_730 : i32 to vector<16xi32>
        %add3A_732 = arith.addi %mul3A_5, %add3A_731 : vector<16xi32>
        %add3A_733 = arith.constant 8344 : i32
        %add3A_734 = arith.addi %mul3A_536, %add3A_733 : i32
        %add3A_735 = vector.broadcast %add3A_734 : i32 to vector<16xi32>
        %add3A_736 = arith.addi %mul3A_5, %add3A_735 : vector<16xi32>
        %add3A_737 = arith.constant 25 : i32
        %add3A_738 = arith.addi %mul3A_536, %add3A_737 : i32
        %add3A_739 = vector.broadcast %add3A_738 : i32 to vector<16xi32>
        %add3A_740 = arith.addi %mul3A_5, %add3A_739 : vector<16xi32>
        %add3A_741 = arith.constant 8345 : i32
        %add3A_742 = arith.addi %mul3A_536, %add3A_741 : i32
        %add3A_743 = vector.broadcast %add3A_742 : i32 to vector<16xi32>
        %add3A_744 = arith.addi %mul3A_5, %add3A_743 : vector<16xi32>
        %add3A_745 = arith.constant 26 : i32
        %add3A_746 = arith.addi %mul3A_536, %add3A_745 : i32
        %add3A_747 = vector.broadcast %add3A_746 : i32 to vector<16xi32>
        %add3A_748 = arith.addi %mul3A_5, %add3A_747 : vector<16xi32>
        %add3A_749 = arith.constant 8346 : i32
        %add3A_750 = arith.addi %mul3A_536, %add3A_749 : i32
        %add3A_751 = vector.broadcast %add3A_750 : i32 to vector<16xi32>
        %add3A_752 = arith.addi %mul3A_5, %add3A_751 : vector<16xi32>
        %add3A_753 = arith.constant 27 : i32
        %add3A_754 = arith.addi %mul3A_536, %add3A_753 : i32
        %add3A_755 = vector.broadcast %add3A_754 : i32 to vector<16xi32>
        %add3A_756 = arith.addi %mul3A_5, %add3A_755 : vector<16xi32>
        %add3A_757 = arith.constant 8347 : i32
        %add3A_758 = arith.addi %mul3A_536, %add3A_757 : i32
        %add3A_759 = vector.broadcast %add3A_758 : i32 to vector<16xi32>
        %add3A_760 = arith.addi %mul3A_5, %add3A_759 : vector<16xi32>
        %add3A_761 = arith.constant 28 : i32
        %add3A_762 = arith.addi %mul3A_536, %add3A_761 : i32
        %add3A_763 = vector.broadcast %add3A_762 : i32 to vector<16xi32>
        %add3A_764 = arith.addi %mul3A_5, %add3A_763 : vector<16xi32>
        %add3A_765 = arith.constant 8348 : i32
        %add3A_766 = arith.addi %mul3A_536, %add3A_765 : i32
        %add3A_767 = vector.broadcast %add3A_766 : i32 to vector<16xi32>
        %add3A_768 = arith.addi %mul3A_5, %add3A_767 : vector<16xi32>
        %add3A_769 = arith.constant 29 : i32
        %add3A_770 = arith.addi %mul3A_536, %add3A_769 : i32
        %add3A_771 = vector.broadcast %add3A_770 : i32 to vector<16xi32>
        %add3A_772 = arith.addi %mul3A_5, %add3A_771 : vector<16xi32>
        %add3A_773 = arith.constant 8349 : i32
        %add3A_774 = arith.addi %mul3A_536, %add3A_773 : i32
        %add3A_775 = vector.broadcast %add3A_774 : i32 to vector<16xi32>
        %add3A_776 = arith.addi %mul3A_5, %add3A_775 : vector<16xi32>
        %add3A_777 = arith.constant 30 : i32
        %add3A_778 = arith.addi %mul3A_536, %add3A_777 : i32
        %add3A_779 = vector.broadcast %add3A_778 : i32 to vector<16xi32>
        %add3A_780 = arith.addi %mul3A_5, %add3A_779 : vector<16xi32>
        %add3A_781 = arith.constant 8350 : i32
        %add3A_782 = arith.addi %mul3A_536, %add3A_781 : i32
        %add3A_783 = vector.broadcast %add3A_782 : i32 to vector<16xi32>
        %add3A_784 = arith.addi %mul3A_5, %add3A_783 : vector<16xi32>
        %add3A_785 = arith.constant 31 : i32
        %add3A_786 = arith.addi %mul3A_536, %add3A_785 : i32
        %add3A_787 = vector.broadcast %add3A_786 : i32 to vector<16xi32>
        %add3A_788 = arith.addi %mul3A_5, %add3A_787 : vector<16xi32>
        %add3A_789 = arith.constant 8351 : i32
        %add3A_790 = arith.addi %mul3A_536, %add3A_789 : i32
        %add3A_791 = vector.broadcast %add3A_790 : i32 to vector<16xi32>
        %add3A_792 = arith.addi %mul3A_5, %add3A_791 : vector<16xi32>
        %add3A_793 = arith.constant 32 : i32
        %add3A_794 = arith.addi %mul3A_536, %add3A_793 : i32
        %add3A_795 = vector.broadcast %add3A_794 : i32 to vector<16xi32>
        %add3A_796 = arith.addi %mul3A_5, %add3A_795 : vector<16xi32>
        %add3A_797 = arith.constant 8352 : i32
        %add3A_798 = arith.addi %mul3A_536, %add3A_797 : i32
        %add3A_799 = vector.broadcast %add3A_798 : i32 to vector<16xi32>
        %add3A_800 = arith.addi %mul3A_5, %add3A_799 : vector<16xi32>
        %add3A_801 = arith.constant 33 : i32
        %add3A_802 = arith.addi %mul3A_536, %add3A_801 : i32
        %add3A_803 = vector.broadcast %add3A_802 : i32 to vector<16xi32>
        %add3A_804 = arith.addi %mul3A_5, %add3A_803 : vector<16xi32>
        %add3A_805 = arith.constant 8353 : i32
        %add3A_806 = arith.addi %mul3A_536, %add3A_805 : i32
        %add3A_807 = vector.broadcast %add3A_806 : i32 to vector<16xi32>
        %add3A_808 = arith.addi %mul3A_5, %add3A_807 : vector<16xi32>
        %add3A_809 = arith.constant 34 : i32
        %add3A_810 = arith.addi %mul3A_536, %add3A_809 : i32
        %add3A_811 = vector.broadcast %add3A_810 : i32 to vector<16xi32>
        %add3A_812 = arith.addi %mul3A_5, %add3A_811 : vector<16xi32>
        %add3A_813 = arith.constant 8354 : i32
        %add3A_814 = arith.addi %mul3A_536, %add3A_813 : i32
        %add3A_815 = vector.broadcast %add3A_814 : i32 to vector<16xi32>
        %add3A_816 = arith.addi %mul3A_5, %add3A_815 : vector<16xi32>
        %add3A_817 = arith.constant 35 : i32
        %add3A_818 = arith.addi %mul3A_536, %add3A_817 : i32
        %add3A_819 = vector.broadcast %add3A_818 : i32 to vector<16xi32>
        %add3A_820 = arith.addi %mul3A_5, %add3A_819 : vector<16xi32>
        %add3A_821 = arith.constant 8355 : i32
        %add3A_822 = arith.addi %mul3A_536, %add3A_821 : i32
        %add3A_823 = vector.broadcast %add3A_822 : i32 to vector<16xi32>
        %add3A_824 = arith.addi %mul3A_5, %add3A_823 : vector<16xi32>
        %add3A_825 = arith.constant 36 : i32
        %add3A_826 = arith.addi %mul3A_536, %add3A_825 : i32
        %add3A_827 = vector.broadcast %add3A_826 : i32 to vector<16xi32>
        %add3A_828 = arith.addi %mul3A_5, %add3A_827 : vector<16xi32>
        %add3A_829 = arith.constant 8356 : i32
        %add3A_830 = arith.addi %mul3A_536, %add3A_829 : i32
        %add3A_831 = vector.broadcast %add3A_830 : i32 to vector<16xi32>
        %add3A_832 = arith.addi %mul3A_5, %add3A_831 : vector<16xi32>
        %add3A_833 = arith.constant 37 : i32
        %add3A_834 = arith.addi %mul3A_536, %add3A_833 : i32
        %add3A_835 = vector.broadcast %add3A_834 : i32 to vector<16xi32>
        %add3A_836 = arith.addi %mul3A_5, %add3A_835 : vector<16xi32>
        %add3A_837 = arith.constant 8357 : i32
        %add3A_838 = arith.addi %mul3A_536, %add3A_837 : i32
        %add3A_839 = vector.broadcast %add3A_838 : i32 to vector<16xi32>
        %add3A_840 = arith.addi %mul3A_5, %add3A_839 : vector<16xi32>
        %add3A_841 = arith.constant 38 : i32
        %add3A_842 = arith.addi %mul3A_536, %add3A_841 : i32
        %add3A_843 = vector.broadcast %add3A_842 : i32 to vector<16xi32>
        %add3A_844 = arith.addi %mul3A_5, %add3A_843 : vector<16xi32>
        %add3A_845 = arith.constant 8358 : i32
        %add3A_846 = arith.addi %mul3A_536, %add3A_845 : i32
        %add3A_847 = vector.broadcast %add3A_846 : i32 to vector<16xi32>
        %add3A_848 = arith.addi %mul3A_5, %add3A_847 : vector<16xi32>
        %add3A_849 = arith.constant 39 : i32
        %add3A_850 = arith.addi %mul3A_536, %add3A_849 : i32
        %add3A_851 = vector.broadcast %add3A_850 : i32 to vector<16xi32>
        %add3A_852 = arith.addi %mul3A_5, %add3A_851 : vector<16xi32>
        %add3A_853 = arith.constant 8359 : i32
        %add3A_854 = arith.addi %mul3A_536, %add3A_853 : i32
        %add3A_855 = vector.broadcast %add3A_854 : i32 to vector<16xi32>
        %add3A_856 = arith.addi %mul3A_5, %add3A_855 : vector<16xi32>
        %add3A_857 = arith.constant 40 : i32
        %add3A_858 = arith.addi %mul3A_536, %add3A_857 : i32
        %add3A_859 = vector.broadcast %add3A_858 : i32 to vector<16xi32>
        %add3A_860 = arith.addi %mul3A_5, %add3A_859 : vector<16xi32>
        %add3A_861 = arith.constant 8360 : i32
        %add3A_862 = arith.addi %mul3A_536, %add3A_861 : i32
        %add3A_863 = vector.broadcast %add3A_862 : i32 to vector<16xi32>
        %add3A_864 = arith.addi %mul3A_5, %add3A_863 : vector<16xi32>
        %add3A_865 = arith.constant 41 : i32
        %add3A_866 = arith.addi %mul3A_536, %add3A_865 : i32
        %add3A_867 = vector.broadcast %add3A_866 : i32 to vector<16xi32>
        %add3A_868 = arith.addi %mul3A_5, %add3A_867 : vector<16xi32>
        %add3A_869 = arith.constant 8361 : i32
        %add3A_870 = arith.addi %mul3A_536, %add3A_869 : i32
        %add3A_871 = vector.broadcast %add3A_870 : i32 to vector<16xi32>
        %add3A_872 = arith.addi %mul3A_5, %add3A_871 : vector<16xi32>
        %add3A_873 = arith.constant 42 : i32
        %add3A_874 = arith.addi %mul3A_536, %add3A_873 : i32
        %add3A_875 = vector.broadcast %add3A_874 : i32 to vector<16xi32>
        %add3A_876 = arith.addi %mul3A_5, %add3A_875 : vector<16xi32>
        %add3A_877 = arith.constant 8362 : i32
        %add3A_878 = arith.addi %mul3A_536, %add3A_877 : i32
        %add3A_879 = vector.broadcast %add3A_878 : i32 to vector<16xi32>
        %add3A_880 = arith.addi %mul3A_5, %add3A_879 : vector<16xi32>
        %add3A_881 = arith.constant 43 : i32
        %add3A_882 = arith.addi %mul3A_536, %add3A_881 : i32
        %add3A_883 = vector.broadcast %add3A_882 : i32 to vector<16xi32>
        %add3A_884 = arith.addi %mul3A_5, %add3A_883 : vector<16xi32>
        %add3A_885 = arith.constant 8363 : i32
        %add3A_886 = arith.addi %mul3A_536, %add3A_885 : i32
        %add3A_887 = vector.broadcast %add3A_886 : i32 to vector<16xi32>
        %add3A_888 = arith.addi %mul3A_5, %add3A_887 : vector<16xi32>
        %add3A_889 = arith.constant 44 : i32
        %add3A_890 = arith.addi %mul3A_536, %add3A_889 : i32
        %add3A_891 = vector.broadcast %add3A_890 : i32 to vector<16xi32>
        %add3A_892 = arith.addi %mul3A_5, %add3A_891 : vector<16xi32>
        %add3A_893 = arith.constant 8364 : i32
        %add3A_894 = arith.addi %mul3A_536, %add3A_893 : i32
        %add3A_895 = vector.broadcast %add3A_894 : i32 to vector<16xi32>
        %add3A_896 = arith.addi %mul3A_5, %add3A_895 : vector<16xi32>
        %add3A_897 = arith.constant 45 : i32
        %add3A_898 = arith.addi %mul3A_536, %add3A_897 : i32
        %add3A_899 = vector.broadcast %add3A_898 : i32 to vector<16xi32>
        %add3A_900 = arith.addi %mul3A_5, %add3A_899 : vector<16xi32>
        %add3A_901 = arith.constant 8365 : i32
        %add3A_902 = arith.addi %mul3A_536, %add3A_901 : i32
        %add3A_903 = vector.broadcast %add3A_902 : i32 to vector<16xi32>
        %add3A_904 = arith.addi %mul3A_5, %add3A_903 : vector<16xi32>
        %add3A_905 = arith.constant 46 : i32
        %add3A_906 = arith.addi %mul3A_536, %add3A_905 : i32
        %add3A_907 = vector.broadcast %add3A_906 : i32 to vector<16xi32>
        %add3A_908 = arith.addi %mul3A_5, %add3A_907 : vector<16xi32>
        %add3A_909 = arith.constant 8366 : i32
        %add3A_910 = arith.addi %mul3A_536, %add3A_909 : i32
        %add3A_911 = vector.broadcast %add3A_910 : i32 to vector<16xi32>
        %add3A_912 = arith.addi %mul3A_5, %add3A_911 : vector<16xi32>
        %add3A_913 = arith.constant 47 : i32
        %add3A_914 = arith.addi %mul3A_536, %add3A_913 : i32
        %add3A_915 = vector.broadcast %add3A_914 : i32 to vector<16xi32>
        %add3A_916 = arith.addi %mul3A_5, %add3A_915 : vector<16xi32>
        %add3A_917 = arith.constant 8367 : i32
        %add3A_918 = arith.addi %mul3A_536, %add3A_917 : i32
        %add3A_919 = vector.broadcast %add3A_918 : i32 to vector<16xi32>
        %add3A_920 = arith.addi %mul3A_5, %add3A_919 : vector<16xi32>
        %add3A_921 = arith.constant 48 : i32
        %add3A_922 = arith.addi %mul3A_536, %add3A_921 : i32
        %add3A_923 = vector.broadcast %add3A_922 : i32 to vector<16xi32>
        %add3A_924 = arith.addi %mul3A_5, %add3A_923 : vector<16xi32>
        %add3A_925 = arith.constant 8368 : i32
        %add3A_926 = arith.addi %mul3A_536, %add3A_925 : i32
        %add3A_927 = vector.broadcast %add3A_926 : i32 to vector<16xi32>
        %add3A_928 = arith.addi %mul3A_5, %add3A_927 : vector<16xi32>
        %add3A_929 = arith.constant 49 : i32
        %add3A_930 = arith.addi %mul3A_536, %add3A_929 : i32
        %add3A_931 = vector.broadcast %add3A_930 : i32 to vector<16xi32>
        %add3A_932 = arith.addi %mul3A_5, %add3A_931 : vector<16xi32>
        %add3A_933 = arith.constant 8369 : i32
        %add3A_934 = arith.addi %mul3A_536, %add3A_933 : i32
        %add3A_935 = vector.broadcast %add3A_934 : i32 to vector<16xi32>
        %add3A_936 = arith.addi %mul3A_5, %add3A_935 : vector<16xi32>
        %add3A_937 = arith.constant 50 : i32
        %add3A_938 = arith.addi %mul3A_536, %add3A_937 : i32
        %add3A_939 = vector.broadcast %add3A_938 : i32 to vector<16xi32>
        %add3A_940 = arith.addi %mul3A_5, %add3A_939 : vector<16xi32>
        %add3A_941 = arith.constant 8370 : i32
        %add3A_942 = arith.addi %mul3A_536, %add3A_941 : i32
        %add3A_943 = vector.broadcast %add3A_942 : i32 to vector<16xi32>
        %add3A_944 = arith.addi %mul3A_5, %add3A_943 : vector<16xi32>
        %add3A_945 = arith.constant 51 : i32
        %add3A_946 = arith.addi %mul3A_536, %add3A_945 : i32
        %add3A_947 = vector.broadcast %add3A_946 : i32 to vector<16xi32>
        %add3A_948 = arith.addi %mul3A_5, %add3A_947 : vector<16xi32>
        %add3A_949 = arith.constant 8371 : i32
        %add3A_950 = arith.addi %mul3A_536, %add3A_949 : i32
        %add3A_951 = vector.broadcast %add3A_950 : i32 to vector<16xi32>
        %add3A_952 = arith.addi %mul3A_5, %add3A_951 : vector<16xi32>
        %add3A_953 = arith.constant 52 : i32
        %add3A_954 = arith.addi %mul3A_536, %add3A_953 : i32
        %add3A_955 = vector.broadcast %add3A_954 : i32 to vector<16xi32>
        %add3A_956 = arith.addi %mul3A_5, %add3A_955 : vector<16xi32>
        %add3A_957 = arith.constant 8372 : i32
        %add3A_958 = arith.addi %mul3A_536, %add3A_957 : i32
        %add3A_959 = vector.broadcast %add3A_958 : i32 to vector<16xi32>
        %add3A_960 = arith.addi %mul3A_5, %add3A_959 : vector<16xi32>
        %add3A_961 = arith.constant 53 : i32
        %add3A_962 = arith.addi %mul3A_536, %add3A_961 : i32
        %add3A_963 = vector.broadcast %add3A_962 : i32 to vector<16xi32>
        %add3A_964 = arith.addi %mul3A_5, %add3A_963 : vector<16xi32>
        %add3A_965 = arith.constant 8373 : i32
        %add3A_966 = arith.addi %mul3A_536, %add3A_965 : i32
        %add3A_967 = vector.broadcast %add3A_966 : i32 to vector<16xi32>
        %add3A_968 = arith.addi %mul3A_5, %add3A_967 : vector<16xi32>
        %add3A_969 = arith.constant 54 : i32
        %add3A_970 = arith.addi %mul3A_536, %add3A_969 : i32
        %add3A_971 = vector.broadcast %add3A_970 : i32 to vector<16xi32>
        %add3A_972 = arith.addi %mul3A_5, %add3A_971 : vector<16xi32>
        %add3A_973 = arith.constant 8374 : i32
        %add3A_974 = arith.addi %mul3A_536, %add3A_973 : i32
        %add3A_975 = vector.broadcast %add3A_974 : i32 to vector<16xi32>
        %add3A_976 = arith.addi %mul3A_5, %add3A_975 : vector<16xi32>
        %add3A_977 = arith.constant 55 : i32
        %add3A_978 = arith.addi %mul3A_536, %add3A_977 : i32
        %add3A_979 = vector.broadcast %add3A_978 : i32 to vector<16xi32>
        %add3A_980 = arith.addi %mul3A_5, %add3A_979 : vector<16xi32>
        %add3A_981 = arith.constant 8375 : i32
        %add3A_982 = arith.addi %mul3A_536, %add3A_981 : i32
        %add3A_983 = vector.broadcast %add3A_982 : i32 to vector<16xi32>
        %add3A_984 = arith.addi %mul3A_5, %add3A_983 : vector<16xi32>
        %add3A_985 = arith.constant 56 : i32
        %add3A_986 = arith.addi %mul3A_536, %add3A_985 : i32
        %add3A_987 = vector.broadcast %add3A_986 : i32 to vector<16xi32>
        %add3A_988 = arith.addi %mul3A_5, %add3A_987 : vector<16xi32>
        %add3A_989 = arith.constant 8376 : i32
        %add3A_990 = arith.addi %mul3A_536, %add3A_989 : i32
        %add3A_991 = vector.broadcast %add3A_990 : i32 to vector<16xi32>
        %add3A_992 = arith.addi %mul3A_5, %add3A_991 : vector<16xi32>
        %add3A_993 = arith.constant 57 : i32
        %add3A_994 = arith.addi %mul3A_536, %add3A_993 : i32
        %add3A_995 = vector.broadcast %add3A_994 : i32 to vector<16xi32>
        %add3A_996 = arith.addi %mul3A_5, %add3A_995 : vector<16xi32>
        %add3A_997 = arith.constant 8377 : i32
        %add3A_998 = arith.addi %mul3A_536, %add3A_997 : i32
        %add3A_999 = vector.broadcast %add3A_998 : i32 to vector<16xi32>
        %add3A_1000 = arith.addi %mul3A_5, %add3A_999 : vector<16xi32>
        %add3A_1001 = arith.constant 58 : i32
        %add3A_1002 = arith.addi %mul3A_536, %add3A_1001 : i32
        %add3A_1003 = vector.broadcast %add3A_1002 : i32 to vector<16xi32>
        %add3A_1004 = arith.addi %mul3A_5, %add3A_1003 : vector<16xi32>
        %add3A_1005 = arith.constant 8378 : i32
        %add3A_1006 = arith.addi %mul3A_536, %add3A_1005 : i32
        %add3A_1007 = vector.broadcast %add3A_1006 : i32 to vector<16xi32>
        %add3A_1008 = arith.addi %mul3A_5, %add3A_1007 : vector<16xi32>
        %add3A_1009 = arith.constant 59 : i32
        %add3A_1010 = arith.addi %mul3A_536, %add3A_1009 : i32
        %add3A_1011 = vector.broadcast %add3A_1010 : i32 to vector<16xi32>
        %add3A_1012 = arith.addi %mul3A_5, %add3A_1011 : vector<16xi32>
        %add3A_1013 = arith.constant 8379 : i32
        %add3A_1014 = arith.addi %mul3A_536, %add3A_1013 : i32
        %add3A_1015 = vector.broadcast %add3A_1014 : i32 to vector<16xi32>
        %add3A_1016 = arith.addi %mul3A_5, %add3A_1015 : vector<16xi32>
        %add3A_1017 = arith.constant 60 : i32
        %add3A_1018 = arith.addi %mul3A_536, %add3A_1017 : i32
        %add3A_1019 = vector.broadcast %add3A_1018 : i32 to vector<16xi32>
        %add3A_1020 = arith.addi %mul3A_5, %add3A_1019 : vector<16xi32>
        %add3A_1021 = arith.constant 8380 : i32
        %add3A_1022 = arith.addi %mul3A_536, %add3A_1021 : i32
        %add3A_1023 = vector.broadcast %add3A_1022 : i32 to vector<16xi32>
        %add3A_1024 = arith.addi %mul3A_5, %add3A_1023 : vector<16xi32>
        %add3A_1025 = arith.constant 61 : i32
        %add3A_1026 = arith.addi %mul3A_536, %add3A_1025 : i32
        %add3A_1027 = vector.broadcast %add3A_1026 : i32 to vector<16xi32>
        %add3A_1028 = arith.addi %mul3A_5, %add3A_1027 : vector<16xi32>
        %add3A_1029 = arith.constant 8381 : i32
        %add3A_1030 = arith.addi %mul3A_536, %add3A_1029 : i32
        %add3A_1031 = vector.broadcast %add3A_1030 : i32 to vector<16xi32>
        %add3A_1032 = arith.addi %mul3A_5, %add3A_1031 : vector<16xi32>
        %add3A_1033 = arith.constant 62 : i32
        %add3A_1034 = arith.addi %mul3A_536, %add3A_1033 : i32
        %add3A_1035 = vector.broadcast %add3A_1034 : i32 to vector<16xi32>
        %add3A_1036 = arith.addi %mul3A_5, %add3A_1035 : vector<16xi32>
        %add3A_1037 = arith.constant 8382 : i32
        %add3A_1038 = arith.addi %mul3A_536, %add3A_1037 : i32
        %add3A_1039 = vector.broadcast %add3A_1038 : i32 to vector<16xi32>
        %add3A_1040 = arith.addi %mul3A_5, %add3A_1039 : vector<16xi32>
        %add3A_1041 = arith.constant 63 : i32
        %add3A_1042 = arith.addi %mul3A_536, %add3A_1041 : i32
        %add3A_1043 = vector.broadcast %add3A_1042 : i32 to vector<16xi32>
        %add3A_1044 = arith.addi %mul3A_5, %add3A_1043 : vector<16xi32>
        %add3A_1045 = arith.constant 8383 : i32
        %add3A_1046 = arith.addi %mul3A_536, %add3A_1045 : i32
        %add3A_1047 = vector.broadcast %add3A_1046 : i32 to vector<16xi32>
        %add3A_1048 = arith.addi %mul3A_5, %add3A_1047 : vector<16xi32>
        %gather3A = tpu.vector_load_idx %arg8[%add3A_540] : memref<16640xf32, #tpu.memory_space<vmem>>[vector<16xi32>], vector<16xf32>,
        %gather3A_1049 = tpu.vector_load_idx %arg8[%add3A_544] : memref<16640xf32, #tpu.memory_space<vmem>>[vector<16xi32>], vector<16xf32>,
        %gather3A_1050 = tpu.vector_load_idx %arg8[%add3A_548] : memref<16640xf32, #tpu.memory_space<vmem>>[vector<16xi32>], vector<16xf32>,
        %gather3A_1051 = tpu.vector_load_idx %arg8[%add3A_552] : memref<16640xf32, #tpu.memory_space<vmem>>[vector<16xi32>], vector<16xf32>,
        %gather3A_1052 = tpu.vector_load_idx %arg8[%add3A_556] : memref<16640xf32, #tpu.memory_space<vmem>>[vector<16xi32>], vector<16xf32>,
        %gather3A_1053 = tpu.vector_load_idx %arg8[%add3A_560] : memref<16640xf32, #tpu.memory_space<vmem>>[vector<16xi32>], vector<16xf32>,
        %gather3A_1054 = tpu.vector_load_idx %arg8[%add3A_564] : memref<16640xf32, #tpu.memory_space<vmem>>[vector<16xi32>], vector<16xf32>,
        %gather3A_1055 = tpu.vector_load_idx %arg8[%add3A_568] : memref<16640xf32, #tpu.memory_space<vmem>>[vector<16xi32>], vector<16xf32>,
        %gather3A_1056 = tpu.vector_load_idx %arg8[%add3A_572] : memref<16640xf32, #tpu.memory_space<vmem>>[vector<16xi32>], vector<16xf32>,
        %gather3A_1057 = tpu.vector_load_idx %arg8[%add3A_576] : memref<16640xf32, #tpu.memory_space<vmem>>[vector<16xi32>], vector<16xf32>,
        %gather3A_1058 = tpu.vector_load_idx %arg8[%add3A_580] : memref<16640xf32, #tpu.memory_space<vmem>>[vector<16xi32>], vector<16xf32>,
        %gather3A_1059 = tpu.vector_load_idx %arg8[%add3A_584] : memref<16640xf32, #tpu.memory_space<vmem>>[vector<16xi32>], vector<16xf32>,
        %gather3A_1060 = tpu.vector_load_idx %arg8[%add3A_588] : memref<16640xf32, #tpu.memory_space<vmem>>[vector<16xi32>], vector<16xf32>,
        %gather3A_1061 = tpu.vector_load_idx %arg8[%add3A_592] : memref<16640xf32, #tpu.memory_space<vmem>>[vector<16xi32>], vector<16xf32>,
        %gather3A_1062 = tpu.vector_load_idx %arg8[%add3A_596] : memref<16640xf32, #tpu.memory_space<vmem>>[vector<16xi32>], vector<16xf32>,
        %gather3A_1063 = tpu.vector_load_idx %arg8[%add3A_600] : memref<16640xf32, #tpu.memory_space<vmem>>[vector<16xi32>], vector<16xf32>,
        %mul3A_1064 = arith.constant 16 : i32
        %mul3A_1065 = arith.muli %scan3A_534, %mul3A_1064 : i32
        %swap3A = arith.constant 0 : i32
        %swap3A_1066 = arith.constant 0 : i32
        %swap3A_1067 = arith.constant 0 : i32
        %swap3A_1068 = arith.index_cast %swap3A : i32 to index
        %swap3A_1069 = arith.index_cast %swap3A_1066 : i32 to index
        %swap3A_1070 = arith.index_cast %swap3A_1067 : i32 to index
        %swap3A_1071 = arith.index_cast %mul3A_1065 : i32 to index
        %swap3A_1072 = tpu.vector_load %arg9[%swap3A_1068, %swap3A_1069, %swap3A_1070, %swap3A_1071] {strides = array<i32>} : memref<8x2x8x128xf32, #tpu.memory_space<vmem>>, vector<16xf32>,
        tpu.vector_store %arg9[%swap3A_1068, %swap3A_1069, %swap3A_1070, %swap3A_1071], %gather3A {strides = array<i32>} : memref<8x2x8x128xf32, #tpu.memory_space<vmem>>, vector<16xf32>,
        %mul3A_1073 = arith.constant 16 : i32
        %mul3A_1074 = arith.muli %scan3A_534, %mul3A_1073 : i32
        %swap3A_1075 = arith.constant 0 : i32
        %swap3A_1076 = arith.constant 1 : i32
        %swap3A_1077 = arith.constant 0 : i32
        %swap3A_1078 = arith.index_cast %swap3A_1075 : i32 to index
        %swap3A_1079 = arith.index_cast %swap3A_1076 : i32 to index
        %swap3A_1080 = arith.index_cast %swap3A_1077 : i32 to index
        %swap3A_1081 = arith.index_cast %mul3A_1074 : i32 to index
        %swap3A_1082 = tpu.vector_load %arg9[%swap3A_1078, %swap3A_1079, %swap3A_1080, %swap3A_1081] {strides = array<i32>} : memref<8x2x8x128xf32, #tpu.memory_space<vmem>>, vector<16xf32>,
        tpu.vector_store %arg9[%swap3A_1078, %swap3A_1079, %swap3A_1080, %swap3A_1081], %gather3A_1049 {strides = array<i32>} : memref<8x2x8x128xf32, #tpu.memory_space<vmem>>, vector<16xf32>,
        %mul3A_1083 = arith.constant 16 : i32
        %mul3A_1084 = arith.muli %scan3A_534, %mul3A_1083 : i32
        %swap3A_1085 = arith.constant 0 : i32
        %swap3A_1086 = arith.constant 0 : i32
        %swap3A_1087 = arith.constant 1 : i32
        %swap3A_1088 = arith.index_cast %swap3A_1085 : i32 to index
        %swap3A_1089 = arith.index_cast %swap3A_1086 : i32 to index
        %swap3A_1090 = arith.index_cast %swap3A_1087 : i32 to index
        %swap3A_1091 = arith.index_cast %mul3A_1084 : i32 to index
        %swap3A_1092 = tpu.vector_load %arg9[%swap3A_1088, %swap3A_1089, %swap3A_1090, %swap3A_1091] {strides = array<i32>} : memref<8x2x8x128xf32, #tpu.memory_space<vmem>>, vector<16xf32>,
        tpu.vector_store %arg9[%swap3A_1088, %swap3A_1089, %swap3A_1090, %swap3A_1091], %gather3A_1050 {strides = array<i32>} : memref<8x2x8x128xf32, #tpu.memory_space<vmem>>, vector<16xf32>,
        %mul3A_1093 = arith.constant 16 : i32
        %mul3A_1094 = arith.muli %scan3A_534, %mul3A_1093 : i32
        %swap3A_1095 = arith.constant 0 : i32
        %swap3A_1096 = arith.constant 1 : i32
        %swap3A_1097 = arith.constant 1 : i32
        %swap3A_1098 = arith.index_cast %swap3A_1095 : i32 to index
        %swap3A_1099 = arith.index_cast %swap3A_1096 : i32 to index
        %swap3A_1100 = arith.index_cast %swap3A_1097 : i32 to index
        %swap3A_1101 = arith.index_cast %mul3A_1094 : i32 to index
        %swap3A_1102 = tpu.vector_load %arg9[%swap3A_1098, %swap3A_1099, %swap3A_1100, %swap3A_1101] {strides = array<i32>} : memref<8x2x8x128xf32, #tpu.memory_space<vmem>>, vector<16xf32>,
        tpu.vector_store %arg9[%swap3A_1098, %swap3A_1099, %swap3A_1100, %swap3A_1101], %gather3A_1051 {strides = array<i32>} : memref<8x2x8x128xf32, #tpu.memory_space<vmem>>, vector<16xf32>,
        %mul3A_1103 = arith.constant 16 : i32
        %mul3A_1104 = arith.muli %scan3A_534, %mul3A_1103 : i32
        %swap3A_1105 = arith.constant 0 : i32
        %swap3A_1106 = arith.constant 0 : i32
        %swap3A_1107 = arith.constant 2 : i32
        %swap3A_1108 = arith.index_cast %swap3A_1105 : i32 to index
        %swap3A_1109 = arith.index_cast %swap3A_1106 : i32 to index
        %swap3A_1110 = arith.index_cast %swap3A_1107 : i32 to index
        %swap3A_1111 = arith.index_cast %mul3A_1104 : i32 to index
        %swap3A_1112 = tpu.vector_load %arg9[%swap3A_1108, %swap3A_1109, %swap3A_1110, %swap3A_1111] {strides = array<i32>} : memref<8x2x8x128xf32, #tpu.memory_space<vmem>>, vector<16xf32>,
        tpu.vector_store %arg9[%swap3A_1108, %swap3A_1109, %swap3A_1110, %swap3A_1111], %gather3A_1052 {strides = array<i32>} : memref<8x2x8x128xf32, #tpu.memory_space<vmem>>, vector<16xf32>,
        %mul3A_1113 = arith.constant 16 : i32
        %mul3A_1114 = arith.muli %scan3A_534, %mul3A_1113 : i32
        %swap3A_1115 = arith.constant 0 : i32
        %swap3A_1116 = arith.constant 1 : i32
        %swap3A_1117 = arith.constant 2 : i32
        %swap3A_1118 = arith.index_cast %swap3A_1115 : i32 to index
        %swap3A_1119 = arith.index_cast %swap3A_1116 : i32 to index
        %swap3A_1120 = arith.index_cast %swap3A_1117 : i32 to index
        %swap3A_1121 = arith.index_cast %mul3A_1114 : i32 to index
        %swap3A_1122 = tpu.vector_load %arg9[%swap3A_1118, %swap3A_1119, %swap3A_1120, %swap3A_1121] {strides = array<i32>} : memref<8x2x8x128xf32, #tpu.memory_space<vmem>>, vector<16xf32>,
        tpu.vector_store %arg9[%swap3A_1118, %swap3A_1119, %swap3A_1120, %swap3A_1121], %gather3A_1053 {strides = array<i32>} : memref<8x2x8x128xf32, #tpu.memory_space<vmem>>, vector<16xf32>,
        %mul3A_1123 = arith.constant 16 : i32
        %mul3A_1124 = arith.muli %scan3A_534, %mul3A_1123 : i32
        %swap3A_1125 = arith.constant 0 : i32
        %swap3A_1126 = arith.constant 0 : i32
        %swap3A_1127 = arith.constant 3 : i32
        %swap3A_1128 = arith.index_cast %swap3A_1125 : i32 to index
        %swap3A_1129 = arith.index_cast %swap3A_1126 : i32 to index
        %swap3A_1130 = arith.index_cast %swap3A_1127 : i32 to index
        %swap3A_1131 = arith.index_cast %mul3A_1124 : i32 to index
        %swap3A_1132 = tpu.vector_load %arg9[%swap3A_1128, %swap3A_1129, %swap3A_1130, %swap3A_1131] {strides = array<i32>} : memref<8x2x8x128xf32, #tpu.memory_space<vmem>>, vector<16xf32>,
        tpu.vector_store %arg9[%swap3A_1128, %swap3A_1129, %swap3A_1130, %swap3A_1131], %gather3A_1054 {strides = array<i32>} : memref<8x2x8x128xf32, #tpu.memory_space<vmem>>, vector<16xf32>,
        %mul3A_1133 = arith.constant 16 : i32
        %mul3A_1134 = arith.muli %scan3A_534, %mul3A_1133 : i32
        %swap3A_1135 = arith.constant 0 : i32
        %swap3A_1136 = arith.constant 1 : i32
        %swap3A_1137 = arith.constant 3 : i32
        %swap3A_1138 = arith.index_cast %swap3A_1135 : i32 to index
        %swap3A_1139 = arith.index_cast %swap3A_1136 : i32 to index
        %swap3A_1140 = arith.index_cast %swap3A_1137 : i32 to index
        %swap3A_1141 = arith.index_cast %mul3A_1134 : i32 to index
        %swap3A_1142 = tpu.vector_load %arg9[%swap3A_1138, %swap3A_1139, %swap3A_1140, %swap3A_1141] {strides = array<i32>} : memref<8x2x8x128xf32, #tpu.memory_space<vmem>>, vector<16xf32>,
        tpu.vector_store %arg9[%swap3A_1138, %swap3A_1139, %swap3A_1140, %swap3A_1141], %gather3A_1055 {strides = array<i32>} : memref<8x2x8x128xf32, #tpu.memory_space<vmem>>, vector<16xf32>,
        %mul3A_1143 = arith.constant 16 : i32
        %mul3A_1144 = arith.muli %scan3A_534, %mul3A_1143 : i32
        %swap3A_1145 = arith.constant 0 : i32
        %swap3A_1146 = arith.constant 0 : i32
        %swap3A_1147 = arith.constant 4 : i32
        %swap3A_1148 = arith.index_cast %swap3A_1145 : i32 to index
        %swap3A_1149 = arith.index_cast %swap3A_1146 : i32 to index
        %swap3A_1150 = arith.index_cast %swap3A_1147 : i32 to index
        %swap3A_1151 = arith.index_cast %mul3A_1144 : i32 to index
        %swap3A_1152 = tpu.vector_load %arg9[%swap3A_1148, %swap3A_1149, %swap3A_1150, %swap3A_1151] {strides = array<i32>} : memref<8x2x8x128xf32, #tpu.memory_space<vmem>>, vector<16xf32>,
        tpu.vector_store %arg9[%swap3A_1148, %swap3A_1149, %swap3A_1150, %swap3A_1151], %gather3A_1056 {strides = array<i32>} : memref<8x2x8x128xf32, #tpu.memory_space<vmem>>, vector<16xf32>,
        %mul3A_1153 = arith.constant 16 : i32
        %mul3A_1154 = arith.muli %scan3A_534, %mul3A_1153 : i32
        %swap3A_1155 = arith.constant 0 : i32
        %swap3A_1156 = arith.constant 1 : i32
        %swap3A_1157 = arith.constant 4 : i32
        %swap3A_1158 = arith.index_cast %swap3A_1155 : i32 to index
        %swap3A_1159 = arith.index_cast %swap3A_1156 : i32 to index
        %swap3A_1160 = arith.index_cast %swap3A_1157 : i32 to index
        %swap3A_1161 = arith.index_cast %mul3A_1154 : i32 to index
        %swap3A_1162 = tpu.vector_load %arg9[%swap3A_1158, %swap3A_1159, %swap3A_1160, %swap3A_1161] {strides = array<i32>} : memref<8x2x8x128xf32, #tpu.memory_space<vmem>>, vector<16xf32>,
        tpu.vector_store %arg9[%swap3A_1158, %swap3A_1159, %swap3A_1160, %swap3A_1161], %gather3A_1057 {strides = array<i32>} : memref<8x2x8x128xf32, #tpu.memory_space<vmem>>, vector<16xf32>,
        %mul3A_1163 = arith.constant 16 : i32
        %mul3A_1164 = arith.muli %scan3A_534, %mul3A_1163 : i32
        %swap3A_1165 = arith.constant 0 : i32
        %swap3A_1166 = arith.constant 0 : i32
        %swap3A_1167 = arith.constant 5 : i32
        %swap3A_1168 = arith.index_cast %swap3A_1165 : i32 to index
        %swap3A_1169 = arith.index_cast %swap3A_1166 : i32 to index
        %swap3A_1170 = arith.index_cast %swap3A_1167 : i32 to index
        %swap3A_1171 = arith.index_cast %mul3A_1164 : i32 to index
        %swap3A_1172 = tpu.vector_load %arg9[%swap3A_1168, %swap3A_1169, %swap3A_1170, %swap3A_1171] {strides = array<i32>} : memref<8x2x8x128xf32, #tpu.memory_space<vmem>>, vector<16xf32>,
        tpu.vector_store %arg9[%swap3A_1168, %swap3A_1169, %swap3A_1170, %swap3A_1171], %gather3A_1058 {strides = array<i32>} : memref<8x2x8x128xf32, #tpu.memory_space<vmem>>, vector<16xf32>,
        %mul3A_1173 = arith.constant 16 : i32
        %mul3A_1174 = arith.muli %scan3A_534, %mul3A_1173 : i32
        %swap3A_1175 = arith.constant 0 : i32
        %swap3A_1176 = arith.constant 1 : i32
        %swap3A_1177 = arith.constant 5 : i32
        %swap3A_1178 = arith.index_cast %swap3A_1175 : i32 to index
        %swap3A_1179 = arith.index_cast %swap3A_1176 : i32 to index
        %swap3A_1180 = arith.index_cast %swap3A_1177 : i32 to index
        %swap3A_1181 = arith.index_cast %mul3A_1174 : i32 to index
        %swap3A_1182 = tpu.vector_load %arg9[%swap3A_1178, %swap3A_1179, %swap3A_1180, %swap3A_1181] {strides = array<i32>} : memref<8x2x8x128xf32, #tpu.memory_space<vmem>>, vector<16xf32>,
        tpu.vector_store %arg9[%swap3A_1178, %swap3A_1179, %swap3A_1180, %swap3A_1181], %gather3A_1059 {strides = array<i32>} : memref<8x2x8x128xf32, #tpu.memory_space<vmem>>, vector<16xf32>,
        %mul3A_1183 = arith.constant 16 : i32
        %mul3A_1184 = arith.muli %scan3A_534, %mul3A_1183 : i32
        %swap3A_1185 = arith.constant 0 : i32
        %swap3A_1186 = arith.constant 0 : i32
        %swap3A_1187 = arith.constant 6 : i32
        %swap3A_1188 = arith.index_cast %swap3A_1185 : i32 to index
        %swap3A_1189 = arith.index_cast %swap3A_1186 : i32 to index
        %swap3A_1190 = arith.index_cast %swap3A_1187 : i32 to index
        %swap3A_1191 = arith.index_cast %mul3A_1184 : i32 to index
        %swap3A_1192 = tpu.vector_load %arg9[%swap3A_1188, %swap3A_1189, %swap3A_1190, %swap3A_1191] {strides = array<i32>} : memref<8x2x8x128xf32, #tpu.memory_space<vmem>>, vector<16xf32>,
        tpu.vector_store %arg9[%swap3A_1188, %swap3A_1189, %swap3A_1190, %swap3A_1191], %gather3A_1060 {strides = array<i32>} : memref<8x2x8x128xf32, #tpu.memory_space<vmem>>, vector<16xf32>,
        %mul3A_1193 = arith.constant 16 : i32
        %mul3A_1194 = arith.muli %scan3A_534, %mul3A_1193 : i32
        %swap3A_1195 = arith.constant 0 : i32
        %swap3A_1196 = arith.constant 1 : i32
        %swap3A_1197 = arith.constant 6 : i32
        %swap3A_1198 = arith.index_cast %swap3A_1195 : i32 to index
        %swap3A_1199 = arith.index_cast %swap3A_1196 : i32 to index
        %swap3A_1200 = arith.index_cast %swap3A_1197 : i32 to index
        %swap3A_1201 = arith.index_cast %mul3A_1194 : i32 to index
        %swap3A_1202 = tpu.vector_load %arg9[%swap3A_1198, %swap3A_1199, %swap3A_1200, %swap3A_1201] {strides = array<i32>} : memref<8x2x8x128xf32, #tpu.memory_space<vmem>>, vector<16xf32>,
        tpu.vector_store %arg9[%swap3A_1198, %swap3A_1199, %swap3A_1200, %swap3A_1201], %gather3A_1061 {strides = array<i32>} : memref<8x2x8x128xf32, #tpu.memory_space<vmem>>, vector<16xf32>,
        %mul3A_1203 = arith.constant 16 : i32
        %mul3A_1204 = arith.muli %scan3A_534, %mul3A_1203 : i32
        %swap3A_1205 = arith.constant 0 : i32
        %swap3A_1206 = arith.constant 0 : i32
        %swap3A_1207 = arith.constant 7 : i32
        %swap3A_1208 = arith.index_cast %swap3A_1205 : i32 to index
        %swap3A_1209 = arith.index_cast %swap3A_1206 : i32 to index
        %swap3A_1210 = arith.index_cast %swap3A_1207 : i32 to index
        %swap3A_1211 = arith.index_cast %mul3A_1204 : i32 to index
        %swap3A_1212 = tpu.vector_load %arg9[%swap3A_1208, %swap3A_1209, %swap3A_1210, %swap3A_1211] {strides = array<i32>} : memref<8x2x8x128xf32, #tpu.memory_space<vmem>>, vector<16xf32>,
        tpu.vector_store %arg9[%swap3A_1208, %swap3A_1209, %swap3A_1210, %swap3A_1211], %gather3A_1062 {strides = array<i32>} : memref<8x2x8x128xf32, #tpu.memory_space<vmem>>, vector<16xf32>,
        %mul3A_1213 = arith.constant 16 : i32
        %mul3A_1214 = arith.muli %scan3A_534, %mul3A_1213 : i32
        %swap3A_1215 = arith.constant 0 : i32
        %swap3A_1216 = arith.constant 1 : i32
        %swap3A_1217 = arith.constant 7 : i32
        %swap3A_1218 = arith.index_cast %swap3A_1215 : i32 to index
        %swap3A_1219 = arith.index_cast %swap3A_1216 : i32 to index
        %swap3A_1220 = arith.index_cast %swap3A_1217 : i32 to index
        %swap3A_1221 = arith.index_cast %mul3A_1214 : i32 to index
        %swap3A_1222 = tpu.vector_load %arg9[%swap3A_1218, %swap3A_1219, %swap3A_1220, %swap3A_1221] {strides = array<i32>} : memref<8x2x8x128xf32, #tpu.memory_space<vmem>>, vector<16xf32>,
        tpu.vector_store %arg9[%swap3A_1218, %swap3A_1219, %swap3A_1220, %swap3A_1221], %gather3A_1063 {strides = array<i32>} : memref<8x2x8x128xf32, #tpu.memory_space<vmem>>, vector<16xf32>,
        %gather3A_1223 = tpu.vector_load_idx %arg8[%add3A_604] : memref<16640xf32, #tpu.memory_space<vmem>>[vector<16xi32>], vector<16xf32>,
        %gather3A_1224 = tpu.vector_load_idx %arg8[%add3A_608] : memref<16640xf32, #tpu.memory_space<vmem>>[vector<16xi32>], vector<16xf32>,
        %gather3A_1225 = tpu.vector_load_idx %arg8[%add3A_612] : memref<16640xf32, #tpu.memory_space<vmem>>[vector<16xi32>], vector<16xf32>,
        %gather3A_1226 = tpu.vector_load_idx %arg8[%add3A_616] : memref<16640xf32, #tpu.memory_space<vmem>>[vector<16xi32>], vector<16xf32>,
        %gather3A_1227 = tpu.vector_load_idx %arg8[%add3A_620] : memref<16640xf32, #tpu.memory_space<vmem>>[vector<16xi32>], vector<16xf32>,
        %gather3A_1228 = tpu.vector_load_idx %arg8[%add3A_624] : memref<16640xf32, #tpu.memory_space<vmem>>[vector<16xi32>], vector<16xf32>,
        %gather3A_1229 = tpu.vector_load_idx %arg8[%add3A_628] : memref<16640xf32, #tpu.memory_space<vmem>>[vector<16xi32>], vector<16xf32>,
        %gather3A_1230 = tpu.vector_load_idx %arg8[%add3A_632] : memref<16640xf32, #tpu.memory_space<vmem>>[vector<16xi32>], vector<16xf32>,
        %gather3A_1231 = tpu.vector_load_idx %arg8[%add3A_636] : memref<16640xf32, #tpu.memory_space<vmem>>[vector<16xi32>], vector<16xf32>,
        %gather3A_1232 = tpu.vector_load_idx %arg8[%add3A_640] : memref<16640xf32, #tpu.memory_space<vmem>>[vector<16xi32>], vector<16xf32>,
        %gather3A_1233 = tpu.vector_load_idx %arg8[%add3A_644] : memref<16640xf32, #tpu.memory_space<vmem>>[vector<16xi32>], vector<16xf32>,
        %gather3A_1234 = tpu.vector_load_idx %arg8[%add3A_648] : memref<16640xf32, #tpu.memory_space<vmem>>[vector<16xi32>], vector<16xf32>,
        %gather3A_1235 = tpu.vector_load_idx %arg8[%add3A_652] : memref<16640xf32, #tpu.memory_space<vmem>>[vector<16xi32>], vector<16xf32>,
        %gather3A_1236 = tpu.vector_load_idx %arg8[%add3A_656] : memref<16640xf32, #tpu.memory_space<vmem>>[vector<16xi32>], vector<16xf32>,
        %gather3A_1237 = tpu.vector_load_idx %arg8[%add3A_660] : memref<16640xf32, #tpu.memory_space<vmem>>[vector<16xi32>], vector<16xf32>,
        %gather3A_1238 = tpu.vector_load_idx %arg8[%add3A_664] : memref<16640xf32, #tpu.memory_space<vmem>>[vector<16xi32>], vector<16xf32>,
        %mul3A_1239 = arith.constant 16 : i32
        %mul3A_1240 = arith.muli %scan3A_534, %mul3A_1239 : i32
        %swap3A_1241 = arith.constant 1 : i32
        %swap3A_1242 = arith.constant 0 : i32
        %swap3A_1243 = arith.constant 0 : i32
        %swap3A_1244 = arith.index_cast %swap3A_1241 : i32 to index
        %swap3A_1245 = arith.index_cast %swap3A_1242 : i32 to index
        %swap3A_1246 = arith.index_cast %swap3A_1243 : i32 to index
        %swap3A_1247 = arith.index_cast %mul3A_1240 : i32 to index
        %swap3A_1248 = tpu.vector_load %arg9[%swap3A_1244, %swap3A_1245, %swap3A_1246, %swap3A_1247] {strides = array<i32>} : memref<8x2x8x128xf32, #tpu.memory_space<vmem>>, vector<16xf32>,
        tpu.vector_store %arg9[%swap3A_1244, %swap3A_1245, %swap3A_1246, %swap3A_1247], %gather3A_1223 {strides = array<i32>} : memref<8x2x8x128xf32, #tpu.memory_space<vmem>>, vector<16xf32>,
        %mul3A_1249 = arith.constant 16 : i32
        %mul3A_1250 = arith.muli %scan3A_534, %mul3A_1249 : i32
        %swap3A_1251 = arith.constant 1 : i32
        %swap3A_1252 = arith.constant 1 : i32
        %swap3A_1253 = arith.constant 0 : i32
        %swap3A_1254 = arith.index_cast %swap3A_1251 : i32 to index
        %swap3A_1255 = arith.index_cast %swap3A_1252 : i32 to index
        %swap3A_1256 = arith.index_cast %swap3A_1253 : i32 to index
        %swap3A_1257 = arith.index_cast %mul3A_1250 : i32 to index
        %swap3A_1258 = tpu.vector_load %arg9[%swap3A_1254, %swap3A_1255, %swap3A_1256, %swap3A_1257] {strides = array<i32>} : memref<8x2x8x128xf32, #tpu.memory_space<vmem>>, vector<16xf32>,
        tpu.vector_store %arg9[%swap3A_1254, %swap3A_1255, %swap3A_1256, %swap3A_1257], %gather3A_1224 {strides = array<i32>} : memref<8x2x8x128xf32, #tpu.memory_space<vmem>>, vector<16xf32>,
        %mul3A_1259 = arith.constant 16 : i32
        %mul3A_1260 = arith.muli %scan3A_534, %mul3A_1259 : i32
        %swap3A_1261 = arith.constant 1 : i32
        %swap3A_1262 = arith.constant 0 : i32
        %swap3A_1263 = arith.constant 1 : i32
        %swap3A_1264 = arith.index_cast %swap3A_1261 : i32 to index
        %swap3A_1265 = arith.index_cast %swap3A_1262 : i32 to index
        %swap3A_1266 = arith.index_cast %swap3A_1263 : i32 to index
        %swap3A_1267 = arith.index_cast %mul3A_1260 : i32 to index
        %swap3A_1268 = tpu.vector_load %arg9[%swap3A_1264, %swap3A_1265, %swap3A_1266, %swap3A_1267] {strides = array<i32>} : memref<8x2x8x128xf32, #tpu.memory_space<vmem>>, vector<16xf32>,
        tpu.vector_store %arg9[%swap3A_1264, %swap3A_1265, %swap3A_1266, %swap3A_1267], %gather3A_1225 {strides = array<i32>} : memref<8x2x8x128xf32, #tpu.memory_space<vmem>>, vector<16xf32>,
        %mul3A_1269 = arith.constant 16 : i32
        %mul3A_1270 = arith.muli %scan3A_534, %mul3A_1269 : i32
        %swap3A_1271 = arith.constant 1 : i32
        %swap3A_1272 = arith.constant 1 : i32
        %swap3A_1273 = arith.constant 1 : i32
        %swap3A_1274 = arith.index_cast %swap3A_1271 : i32 to index
        %swap3A_1275 = arith.index_cast %swap3A_1272 : i32 to index
        %swap3A_1276 = arith.index_cast %swap3A_1273 : i32 to index
        %swap3A_1277 = arith.index_cast %mul3A_1270 : i32 to index
        %swap3A_1278 = tpu.vector_load %arg9[%swap3A_1274, %swap3A_1275, %swap3A_1276, %swap3A_1277] {strides = array<i32>} : memref<8x2x8x128xf32, #tpu.memory_space<vmem>>, vector<16xf32>,
        tpu.vector_store %arg9[%swap3A_1274, %swap3A_1275, %swap3A_1276, %swap3A_1277], %gather3A_1226 {strides = array<i32>} : memref<8x2x8x128xf32, #tpu.memory_space<vmem>>, vector<16xf32>,
        %mul3A_1279 = arith.constant 16 : i32
        %mul3A_1280 = arith.muli %scan3A_534, %mul3A_1279 : i32
        %swap3A_1281 = arith.constant 1 : i32
        %swap3A_1282 = arith.constant 0 : i32
        %swap3A_1283 = arith.constant 2 : i32
        %swap3A_1284 = arith.index_cast %swap3A_1281 : i32 to index
        %swap3A_1285 = arith.index_cast %swap3A_1282 : i32 to index
        %swap3A_1286 = arith.index_cast %swap3A_1283 : i32 to index
        %swap3A_1287 = arith.index_cast %mul3A_1280 : i32 to index
        %swap3A_1288 = tpu.vector_load %arg9[%swap3A_1284, %swap3A_1285, %swap3A_1286, %swap3A_1287] {strides = array<i32>} : memref<8x2x8x128xf32, #tpu.memory_space<vmem>>, vector<16xf32>,
        tpu.vector_store %arg9[%swap3A_1284, %swap3A_1285, %swap3A_1286, %swap3A_1287], %gather3A_1227 {strides = array<i32>} : memref<8x2x8x128xf32, #tpu.memory_space<vmem>>, vector<16xf32>,
        %mul3A_1289 = arith.constant 16 : i32
        %mul3A_1290 = arith.muli %scan3A_534, %mul3A_1289 : i32
        %swap3A_1291 = arith.constant 1 : i32
        %swap3A_1292 = arith.constant 1 : i32
        %swap3A_1293 = arith.constant 2 : i32
        %swap3A_1294 = arith.index_cast %swap3A_1291 : i32 to index
        %swap3A_1295 = arith.index_cast %swap3A_1292 : i32 to index
        %swap3A_1296 = arith.index_cast %swap3A_1293 : i32 to index
        %swap3A_1297 = arith.index_cast %mul3A_1290 : i32 to index
        %swap3A_1298 = tpu.vector_load %arg9[%swap3A_1294, %swap3A_1295, %swap3A_1296, %swap3A_1297] {strides = array<i32>} : memref<8x2x8x128xf32, #tpu.memory_space<vmem>>, vector<16xf32>,
        tpu.vector_store %arg9[%swap3A_1294, %swap3A_1295, %swap3A_1296, %swap3A_1297], %gather3A_1228 {strides = array<i32>} : memref<8x2x8x128xf32, #tpu.memory_space<vmem>>, vector<16xf32>,
        %mul3A_1299 = arith.constant 16 : i32
        %mul3A_1300 = arith.muli %scan3A_534, %mul3A_1299 : i32
        %swap3A_1301 = arith.constant 1 : i32
        %swap3A_1302 = arith.constant 0 : i32
        %swap3A_1303 = arith.constant 3 : i32
        %swap3A_1304 = arith.index_cast %swap3A_1301 : i32 to index
        %swap3A_1305 = arith.index_cast %swap3A_1302 : i32 to index
        %swap3A_1306 = arith.index_cast %swap3A_1303 : i32 to index
        %swap3A_1307 = arith.index_cast %mul3A_1300 : i32 to index
        %swap3A_1308 = tpu.vector_load %arg9[%swap3A_1304, %swap3A_1305, %swap3A_1306, %swap3A_1307] {strides = array<i32>} : memref<8x2x8x128xf32, #tpu.memory_space<vmem>>, vector<16xf32>,
        tpu.vector_store %arg9[%swap3A_1304, %swap3A_1305, %swap3A_1306, %swap3A_1307], %gather3A_1229 {strides = array<i32>} : memref<8x2x8x128xf32, #tpu.memory_space<vmem>>, vector<16xf32>,
        %mul3A_1309 = arith.constant 16 : i32
        %mul3A_1310 = arith.muli %scan3A_534, %mul3A_1309 : i32
        %swap3A_1311 = arith.constant 1 : i32
        %swap3A_1312 = arith.constant 1 : i32
        %swap3A_1313 = arith.constant 3 : i32
        %swap3A_1314 = arith.index_cast %swap3A_1311 : i32 to index
        %swap3A_1315 = arith.index_cast %swap3A_1312 : i32 to index
        %swap3A_1316 = arith.index_cast %swap3A_1313 : i32 to index
        %swap3A_1317 = arith.index_cast %mul3A_1310 : i32 to index
        %swap3A_1318 = tpu.vector_load %arg9[%swap3A_1314, %swap3A_1315, %swap3A_1316, %swap3A_1317] {strides = array<i32>} : memref<8x2x8x128xf32, #tpu.memory_space<vmem>>, vector<16xf32>,
        tpu.vector_store %arg9[%swap3A_1314, %swap3A_1315, %swap3A_1316, %swap3A_1317], %gather3A_1230 {strides = array<i32>} : memref<8x2x8x128xf32, #tpu.memory_space<vmem>>, vector<16xf32>,
        %mul3A_1319 = arith.constant 16 : i32
        %mul3A_1320 = arith.muli %scan3A_534, %mul3A_1319 : i32
        %swap3A_1321 = arith.constant 1 : i32
        %swap3A_1322 = arith.constant 0 : i32
        %swap3A_1323 = arith.constant 4 : i32
        %swap3A_1324 = arith.index_cast %swap3A_1321 : i32 to index
        %swap3A_1325 = arith.index_cast %swap3A_1322 : i32 to index
        %swap3A_1326 = arith.index_cast %swap3A_1323 : i32 to index
        %swap3A_1327 = arith.index_cast %mul3A_1320 : i32 to index
        %swap3A_1328 = tpu.vector_load %arg9[%swap3A_1324, %swap3A_1325, %swap3A_1326, %swap3A_1327] {strides = array<i32>} : memref<8x2x8x128xf32, #tpu.memory_space<vmem>>, vector<16xf32>,
        tpu.vector_store %arg9[%swap3A_1324, %swap3A_1325, %swap3A_1326, %swap3A_1327], %gather3A_1231 {strides = array<i32>} : memref<8x2x8x128xf32, #tpu.memory_space<vmem>>, vector<16xf32>,
        %mul3A_1329 = arith.constant 16 : i32
        %mul3A_1330 = arith.muli %scan3A_534, %mul3A_1329 : i32
        %swap3A_1331 = arith.constant 1 : i32
        %swap3A_1332 = arith.constant 1 : i32
        %swap3A_1333 = arith.constant 4 : i32
        %swap3A_1334 = arith.index_cast %swap3A_1331 : i32 to index
        %swap3A_1335 = arith.index_cast %swap3A_1332 : i32 to index
        %swap3A_1336 = arith.index_cast %swap3A_1333 : i32 to index
        %swap3A_1337 = arith.index_cast %mul3A_1330 : i32 to index
        %swap3A_1338 = tpu.vector_load %arg9[%swap3A_1334, %swap3A_1335, %swap3A_1336, %swap3A_1337] {strides = array<i32>} : memref<8x2x8x128xf32, #tpu.memory_space<vmem>>, vector<16xf32>,
        tpu.vector_store %arg9[%swap3A_1334, %swap3A_1335, %swap3A_1336, %swap3A_1337], %gather3A_1232 {strides = array<i32>} : memref<8x2x8x128xf32, #tpu.memory_space<vmem>>, vector<16xf32>,
        %mul3A_1339 = arith.constant 16 : i32
        %mul3A_1340 = arith.muli %scan3A_534, %mul3A_1339 : i32
        %swap3A_1341 = arith.constant 1 : i32
        %swap3A_1342 = arith.constant 0 : i32
        %swap3A_1343 = arith.constant 5 : i32
        %swap3A_1344 = arith.index_cast %swap3A_1341 : i32 to index
        %swap3A_1345 = arith.index_cast %swap3A_1342 : i32 to index
        %swap3A_1346 = arith.index_cast %swap3A_1343 : i32 to index
        %swap3A_1347 = arith.index_cast %mul3A_1340 : i32 to index
        %swap3A_1348 = tpu.vector_load %arg9[%swap3A_1344, %swap3A_1345, %swap3A_1346, %swap3A_1347] {strides = array<i32>} : memref<8x2x8x128xf32, #tpu.memory_space<vmem>>, vector<16xf32>,
        tpu.vector_store %arg9[%swap3A_1344, %swap3A_1345, %swap3A_1346, %swap3A_1347], %gather3A_1233 {strides = array<i32>} : memref<8x2x8x128xf32, #tpu.memory_space<vmem>>, vector<16xf32>,
        %mul3A_1349 = arith.constant 16 : i32
        %mul3A_1350 = arith.muli %scan3A_534, %mul3A_1349 : i32
        %swap3A_1351 = arith.constant 1 : i32
        %swap3A_1352 = arith.constant 1 : i32
        %swap3A_1353 = arith.constant 5 : i32
        %swap3A_1354 = arith.index_cast %swap3A_1351 : i32 to index
        %swap3A_1355 = arith.index_cast %swap3A_1352 : i32 to index
        %swap3A_1356 = arith.index_cast %swap3A_1353 : i32 to index
        %swap3A_1357 = arith.index_cast %mul3A_1350 : i32 to index
        %swap3A_1358 = tpu.vector_load %arg9[%swap3A_1354, %swap3A_1355, %swap3A_1356, %swap3A_1357] {strides = array<i32>} : memref<8x2x8x128xf32, #tpu.memory_space<vmem>>, vector<16xf32>,
        tpu.vector_store %arg9[%swap3A_1354, %swap3A_1355, %swap3A_1356, %swap3A_1357], %gather3A_1234 {strides = array<i32>} : memref<8x2x8x128xf32, #tpu.memory_space<vmem>>, vector<16xf32>,
        %mul3A_1359 = arith.constant 16 : i32
        %mul3A_1360 = arith.muli %scan3A_534, %mul3A_1359 : i32
        %swap3A_1361 = arith.constant 1 : i32
        %swap3A_1362 = arith.constant 0 : i32
        %swap3A_1363 = arith.constant 6 : i32
        %swap3A_1364 = arith.index_cast %swap3A_1361 : i32 to index
        %swap3A_1365 = arith.index_cast %swap3A_1362 : i32 to index
        %swap3A_1366 = arith.index_cast %swap3A_1363 : i32 to index
        %swap3A_1367 = arith.index_cast %mul3A_1360 : i32 to index
        %swap3A_1368 = tpu.vector_load %arg9[%swap3A_1364, %swap3A_1365, %swap3A_1366, %swap3A_1367] {strides = array<i32>} : memref<8x2x8x128xf32, #tpu.memory_space<vmem>>, vector<16xf32>,
        tpu.vector_store %arg9[%swap3A_1364, %swap3A_1365, %swap3A_1366, %swap3A_1367], %gather3A_1235 {strides = array<i32>} : memref<8x2x8x128xf32, #tpu.memory_space<vmem>>, vector<16xf32>,
        %mul3A_1369 = arith.constant 16 : i32
        %mul3A_1370 = arith.muli %scan3A_534, %mul3A_1369 : i32
        %swap3A_1371 = arith.constant 1 : i32
        %swap3A_1372 = arith.constant 1 : i32
        %swap3A_1373 = arith.constant 6 : i32
        %swap3A_1374 = arith.index_cast %swap3A_1371 : i32 to index
        %swap3A_1375 = arith.index_cast %swap3A_1372 : i32 to index
        %swap3A_1376 = arith.index_cast %swap3A_1373 : i32 to index
        %swap3A_1377 = arith.index_cast %mul3A_1370 : i32 to index
        %swap3A_1378 = tpu.vector_load %arg9[%swap3A_1374, %swap3A_1375, %swap3A_1376, %swap3A_1377] {strides = array<i32>} : memref<8x2x8x128xf32, #tpu.memory_space<vmem>>, vector<16xf32>,
        tpu.vector_store %arg9[%swap3A_1374, %swap3A_1375, %swap3A_1376, %swap3A_1377], %gather3A_1236 {strides = array<i32>} : memref<8x2x8x128xf32, #tpu.memory_space<vmem>>, vector<16xf32>,
        %mul3A_1379 = arith.constant 16 : i32
        %mul3A_1380 = arith.muli %scan3A_534, %mul3A_1379 : i32
        %swap3A_1381 = arith.constant 1 : i32
        %swap3A_1382 = arith.constant 0 : i32
        %swap3A_1383 = arith.constant 7 : i32
        %swap3A_1384 = arith.index_cast %swap3A_1381 : i32 to index
        %swap3A_1385 = arith.index_cast %swap3A_1382 : i32 to index
        %swap3A_1386 = arith.index_cast %swap3A_1383 : i32 to index
        %swap3A_1387 = arith.index_cast %mul3A_1380 : i32 to index
        %swap3A_1388 = tpu.vector_load %arg9[%swap3A_1384, %swap3A_1385, %swap3A_1386, %swap3A_1387] {strides = array<i32>} : memref<8x2x8x128xf32, #tpu.memory_space<vmem>>, vector<16xf32>,
        tpu.vector_store %arg9[%swap3A_1384, %swap3A_1385, %swap3A_1386, %swap3A_1387], %gather3A_1237 {strides = array<i32>} : memref<8x2x8x128xf32, #tpu.memory_space<vmem>>, vector<16xf32>,
        %mul3A_1389 = arith.constant 16 : i32
        %mul3A_1390 = arith.muli %scan3A_534, %mul3A_1389 : i32
        %swap3A_1391 = arith.constant 1 : i32
        %swap3A_1392 = arith.constant 1 : i32
        %swap3A_1393 = arith.constant 7 : i32
        %swap3A_1394 = arith.index_cast %swap3A_1391 : i32 to index
        %swap3A_1395 = arith.index_cast %swap3A_1392 : i32 to index
        %swap3A_1396 = arith.index_cast %swap3A_1393 : i32 to index
        %swap3A_1397 = arith.index_cast %mul3A_1390 : i32 to index
        %swap3A_1398 = tpu.vector_load %arg9[%swap3A_1394, %swap3A_1395, %swap3A_1396, %swap3A_1397] {strides = array<i32>} : memref<8x2x8x128xf32, #tpu.memory_space<vmem>>, vector<16xf32>,
        tpu.vector_store %arg9[%swap3A_1394, %swap3A_1395, %swap3A_1396, %swap3A_1397], %gather3A_1238 {strides = array<i32>} : memref<8x2x8x128xf32, #tpu.memory_space<vmem>>, vector<16xf32>,
        %gather3A_1399 = tpu.vector_load_idx %arg8[%add3A_668] : memref<16640xf32, #tpu.memory_space<vmem>>[vector<16xi32>], vector<16xf32>,
        %gather3A_1400 = tpu.vector_load_idx %arg8[%add3A_672] : memref<16640xf32, #tpu.memory_space<vmem>>[vector<16xi32>], vector<16xf32>,
        %gather3A_1401 = tpu.vector_load_idx %arg8[%add3A_676] : memref<16640xf32, #tpu.memory_space<vmem>>[vector<16xi32>], vector<16xf32>,
        %gather3A_1402 = tpu.vector_load_idx %arg8[%add3A_680] : memref<16640xf32, #tpu.memory_space<vmem>>[vector<16xi32>], vector<16xf32>,
        %gather3A_1403 = tpu.vector_load_idx %arg8[%add3A_684] : memref<16640xf32, #tpu.memory_space<vmem>>[vector<16xi32>], vector<16xf32>,
        %gather3A_1404 = tpu.vector_load_idx %arg8[%add3A_688] : memref<16640xf32, #tpu.memory_space<vmem>>[vector<16xi32>], vector<16xf32>,
        %gather3A_1405 = tpu.vector_load_idx %arg8[%add3A_692] : memref<16640xf32, #tpu.memory_space<vmem>>[vector<16xi32>], vector<16xf32>,
        %gather3A_1406 = tpu.vector_load_idx %arg8[%add3A_696] : memref<16640xf32, #tpu.memory_space<vmem>>[vector<16xi32>], vector<16xf32>,
        %gather3A_1407 = tpu.vector_load_idx %arg8[%add3A_700] : memref<16640xf32, #tpu.memory_space<vmem>>[vector<16xi32>], vector<16xf32>,
        %gather3A_1408 = tpu.vector_load_idx %arg8[%add3A_704] : memref<16640xf32, #tpu.memory_space<vmem>>[vector<16xi32>], vector<16xf32>,
        %gather3A_1409 = tpu.vector_load_idx %arg8[%add3A_708] : memref<16640xf32, #tpu.memory_space<vmem>>[vector<16xi32>], vector<16xf32>,
        %gather3A_1410 = tpu.vector_load_idx %arg8[%add3A_712] : memref<16640xf32, #tpu.memory_space<vmem>>[vector<16xi32>], vector<16xf32>,
        %gather3A_1411 = tpu.vector_load_idx %arg8[%add3A_716] : memref<16640xf32, #tpu.memory_space<vmem>>[vector<16xi32>], vector<16xf32>,
        %gather3A_1412 = tpu.vector_load_idx %arg8[%add3A_720] : memref<16640xf32, #tpu.memory_space<vmem>>[vector<16xi32>], vector<16xf32>,
        %gather3A_1413 = tpu.vector_load_idx %arg8[%add3A_724] : memref<16640xf32, #tpu.memory_space<vmem>>[vector<16xi32>], vector<16xf32>,
        %gather3A_1414 = tpu.vector_load_idx %arg8[%add3A_728] : memref<16640xf32, #tpu.memory_space<vmem>>[vector<16xi32>], vector<16xf32>,
        %mul3A_1415 = arith.constant 16 : i32
        %mul3A_1416 = arith.muli %scan3A_534, %mul3A_1415 : i32
        %swap3A_1417 = arith.constant 2 : i32
        %swap3A_1418 = arith.constant 0 : i32
        %swap3A_1419 = arith.constant 0 : i32
        %swap3A_1420 = arith.index_cast %swap3A_1417 : i32 to index
        %swap3A_1421 = arith.index_cast %swap3A_1418 : i32 to index
        %swap3A_1422 = arith.index_cast %swap3A_1419 : i32 to index
        %swap3A_1423 = arith.index_cast %mul3A_1416 : i32 to index
        %swap3A_1424 = tpu.vector_load %arg9[%swap3A_1420, %swap3A_1421, %swap3A_1422, %swap3A_1423] {strides = array<i32>} : memref<8x2x8x128xf32, #tpu.memory_space<vmem>>, vector<16xf32>,
        tpu.vector_store %arg9[%swap3A_1420, %swap3A_1421, %swap3A_1422, %swap3A_1423], %gather3A_1399 {strides = array<i32>} : memref<8x2x8x128xf32, #tpu.memory_space<vmem>>, vector<16xf32>,
        %mul3A_1425 = arith.constant 16 : i32
        %mul3A_1426 = arith.muli %scan3A_534, %mul3A_1425 : i32
        %swap3A_1427 = arith.constant 2 : i32
        %swap3A_1428 = arith.constant 1 : i32
        %swap3A_1429 = arith.constant 0 : i32
        %swap3A_1430 = arith.index_cast %swap3A_1427 : i32 to index
        %swap3A_1431 = arith.index_cast %swap3A_1428 : i32 to index
        %swap3A_1432 = arith.index_cast %swap3A_1429 : i32 to index
        %swap3A_1433 = arith.index_cast %mul3A_1426 : i32 to index
        %swap3A_1434 = tpu.vector_load %arg9[%swap3A_1430, %swap3A_1431, %swap3A_1432, %swap3A_1433] {strides = array<i32>} : memref<8x2x8x128xf32, #tpu.memory_space<vmem>>, vector<16xf32>,
        tpu.vector_store %arg9[%swap3A_1430, %swap3A_1431, %swap3A_1432, %swap3A_1433], %gather3A_1400 {strides = array<i32>} : memref<8x2x8x128xf32, #tpu.memory_space<vmem>>, vector<16xf32>,
        %mul3A_1435 = arith.constant 16 : i32
        %mul3A_1436 = arith.muli %scan3A_534, %mul3A_1435 : i32
        %swap3A_1437 = arith.constant 2 : i32
        %swap3A_1438 = arith.constant 0 : i32
        %swap3A_1439 = arith.constant 1 : i32
        %swap3A_1440 = arith.index_cast %swap3A_1437 : i32 to index
        %swap3A_1441 = arith.index_cast %swap3A_1438 : i32 to index
        %swap3A_1442 = arith.index_cast %swap3A_1439 : i32 to index
        %swap3A_1443 = arith.index_cast %mul3A_1436 : i32 to index
        %swap3A_1444 = tpu.vector_load %arg9[%swap3A_1440, %swap3A_1441, %swap3A_1442, %swap3A_1443] {strides = array<i32>} : memref<8x2x8x128xf32, #tpu.memory_space<vmem>>, vector<16xf32>,
        tpu.vector_store %arg9[%swap3A_1440, %swap3A_1441, %swap3A_1442, %swap3A_1443], %gather3A_1401 {strides = array<i32>} : memref<8x2x8x128xf32, #tpu.memory_space<vmem>>, vector<16xf32>,
        %mul3A_1445 = arith.constant 16 : i32
        %mul3A_1446 = arith.muli %scan3A_534, %mul3A_1445 : i32
        %swap3A_1447 = arith.constant 2 : i32
        %swap3A_1448 = arith.constant 1 : i32
        %swap3A_1449 = arith.constant 1 : i32
        %swap3A_1450 = arith.index_cast %swap3A_1447 : i32 to index
        %swap3A_1451 = arith.index_cast %swap3A_1448 : i32 to index
        %swap3A_1452 = arith.index_cast %swap3A_1449 : i32 to index
        %swap3A_1453 = arith.index_cast %mul3A_1446 : i32 to index
        %swap3A_1454 = tpu.vector_load %arg9[%swap3A_1450, %swap3A_1451, %swap3A_1452, %swap3A_1453] {strides = array<i32>} : memref<8x2x8x128xf32, #tpu.memory_space<vmem>>, vector<16xf32>,
        tpu.vector_store %arg9[%swap3A_1450, %swap3A_1451, %swap3A_1452, %swap3A_1453], %gather3A_1402 {strides = array<i32>} : memref<8x2x8x128xf32, #tpu.memory_space<vmem>>, vector<16xf32>,
        %mul3A_1455 = arith.constant 16 : i32
        %mul3A_1456 = arith.muli %scan3A_534, %mul3A_1455 : i32
        %swap3A_1457 = arith.constant 2 : i32
        %swap3A_1458 = arith.constant 0 : i32
        %swap3A_1459 = arith.constant 2 : i32
        %swap3A_1460 = arith.index_cast %swap3A_1457 : i32 to index
        %swap3A_1461 = arith.index_cast %swap3A_1458 : i32 to index
        %swap3A_1462 = arith.index_cast %swap3A_1459 : i32 to index
        %swap3A_1463 = arith.index_cast %mul3A_1456 : i32 to index
        %swap3A_1464 = tpu.vector_load %arg9[%swap3A_1460, %swap3A_1461, %swap3A_1462, %swap3A_1463] {strides = array<i32>} : memref<8x2x8x128xf32, #tpu.memory_space<vmem>>, vector<16xf32>,
        tpu.vector_store %arg9[%swap3A_1460, %swap3A_1461, %swap3A_1462, %swap3A_1463], %gather3A_1403 {strides = array<i32>} : memref<8x2x8x128xf32, #tpu.memory_space<vmem>>, vector<16xf32>,
        %mul3A_1465 = arith.constant 16 : i32
        %mul3A_1466 = arith.muli %scan3A_534, %mul3A_1465 : i32
        %swap3A_1467 = arith.constant 2 : i32
        %swap3A_1468 = arith.constant 1 : i32
        %swap3A_1469 = arith.constant 2 : i32
        %swap3A_1470 = arith.index_cast %swap3A_1467 : i32 to index
        %swap3A_1471 = arith.index_cast %swap3A_1468 : i32 to index
        %swap3A_1472 = arith.index_cast %swap3A_1469 : i32 to index
        %swap3A_1473 = arith.index_cast %mul3A_1466 : i32 to index
        %swap3A_1474 = tpu.vector_load %arg9[%swap3A_1470, %swap3A_1471, %swap3A_1472, %swap3A_1473] {strides = array<i32>} : memref<8x2x8x128xf32, #tpu.memory_space<vmem>>, vector<16xf32>,
        tpu.vector_store %arg9[%swap3A_1470, %swap3A_1471, %swap3A_1472, %swap3A_1473], %gather3A_1404 {strides = array<i32>} : memref<8x2x8x128xf32, #tpu.memory_space<vmem>>, vector<16xf32>,
        %mul3A_1475 = arith.constant 16 : i32
        %mul3A_1476 = arith.muli %scan3A_534, %mul3A_1475 : i32
        %swap3A_1477 = arith.constant 2 : i32
        %swap3A_1478 = arith.constant 0 : i32
        %swap3A_1479 = arith.constant 3 : i32
        %swap3A_1480 = arith.index_cast %swap3A_1477 : i32 to index
        %swap3A_1481 = arith.index_cast %swap3A_1478 : i32 to index
        %swap3A_1482 = arith.index_cast %swap3A_1479 : i32 to index
        %swap3A_1483 = arith.index_cast %mul3A_1476 : i32 to index
        %swap3A_1484 = tpu.vector_load %arg9[%swap3A_1480, %swap3A_1481, %swap3A_1482, %swap3A_1483] {strides = array<i32>} : memref<8x2x8x128xf32, #tpu.memory_space<vmem>>, vector<16xf32>,
        tpu.vector_store %arg9[%swap3A_1480, %swap3A_1481, %swap3A_1482, %swap3A_1483], %gather3A_1405 {strides = array<i32>} : memref<8x2x8x128xf32, #tpu.memory_space<vmem>>, vector<16xf32>,
        %mul3A_1485 = arith.constant 16 : i32
        %mul3A_1486 = arith.muli %scan3A_534, %mul3A_1485 : i32
        %swap3A_1487 = arith.constant 2 : i32
        %swap3A_1488 = arith.constant 1 : i32
        %swap3A_1489 = arith.constant 3 : i32
        %swap3A_1490 = arith.index_cast %swap3A_1487 : i32 to index
        %swap3A_1491 = arith.index_cast %swap3A_1488 : i32 to index
        %swap3A_1492 = arith.index_cast %swap3A_1489 : i32 to index
        %swap3A_1493 = arith.index_cast %mul3A_1486 : i32 to index
        %swap3A_1494 = tpu.vector_load %arg9[%swap3A_1490, %swap3A_1491, %swap3A_1492, %swap3A_1493] {strides = array<i32>} : memref<8x2x8x128xf32, #tpu.memory_space<vmem>>, vector<16xf32>,
        tpu.vector_store %arg9[%swap3A_1490, %swap3A_1491, %swap3A_1492, %swap3A_1493], %gather3A_1406 {strides = array<i32>} : memref<8x2x8x128xf32, #tpu.memory_space<vmem>>, vector<16xf32>,
        %mul3A_1495 = arith.constant 16 : i32
        %mul3A_1496 = arith.muli %scan3A_534, %mul3A_1495 : i32
        %swap3A_1497 = arith.constant 2 : i32
        %swap3A_1498 = arith.constant 0 : i32
        %swap3A_1499 = arith.constant 4 : i32
        %swap3A_1500 = arith.index_cast %swap3A_1497 : i32 to index
        %swap3A_1501 = arith.index_cast %swap3A_1498 : i32 to index
        %swap3A_1502 = arith.index_cast %swap3A_1499 : i32 to index
        %swap3A_1503 = arith.index_cast %mul3A_1496 : i32 to index
        %swap3A_1504 = tpu.vector_load %arg9[%swap3A_1500, %swap3A_1501, %swap3A_1502, %swap3A_1503] {strides = array<i32>} : memref<8x2x8x128xf32, #tpu.memory_space<vmem>>, vector<16xf32>,
        tpu.vector_store %arg9[%swap3A_1500, %swap3A_1501, %swap3A_1502, %swap3A_1503], %gather3A_1407 {strides = array<i32>} : memref<8x2x8x128xf32, #tpu.memory_space<vmem>>, vector<16xf32>,
        %mul3A_1505 = arith.constant 16 : i32
        %mul3A_1506 = arith.muli %scan3A_534, %mul3A_1505 : i32
        %swap3A_1507 = arith.constant 2 : i32
        %swap3A_1508 = arith.constant 1 : i32
        %swap3A_1509 = arith.constant 4 : i32
        %swap3A_1510 = arith.index_cast %swap3A_1507 : i32 to index
        %swap3A_1511 = arith.index_cast %swap3A_1508 : i32 to index
        %swap3A_1512 = arith.index_cast %swap3A_1509 : i32 to index
        %swap3A_1513 = arith.index_cast %mul3A_1506 : i32 to index
        %swap3A_1514 = tpu.vector_load %arg9[%swap3A_1510, %swap3A_1511, %swap3A_1512, %swap3A_1513] {strides = array<i32>} : memref<8x2x8x128xf32, #tpu.memory_space<vmem>>, vector<16xf32>,
        tpu.vector_store %arg9[%swap3A_1510, %swap3A_1511, %swap3A_1512, %swap3A_1513], %gather3A_1408 {strides = array<i32>} : memref<8x2x8x128xf32, #tpu.memory_space<vmem>>, vector<16xf32>,
        %mul3A_1515 = arith.constant 16 : i32
        %mul3A_1516 = arith.muli %scan3A_534, %mul3A_1515 : i32
        %swap3A_1517 = arith.constant 2 : i32
        %swap3A_1518 = arith.constant 0 : i32
        %swap3A_1519 = arith.constant 5 : i32
        %swap3A_1520 = arith.index_cast %swap3A_1517 : i32 to index
        %swap3A_1521 = arith.index_cast %swap3A_1518 : i32 to index
        %swap3A_1522 = arith.index_cast %swap3A_1519 : i32 to index
        %swap3A_1523 = arith.index_cast %mul3A_1516 : i32 to index
        %swap3A_1524 = tpu.vector_load %arg9[%swap3A_1520, %swap3A_1521, %swap3A_1522, %swap3A_1523] {strides = array<i32>} : memref<8x2x8x128xf32, #tpu.memory_space<vmem>>, vector<16xf32>,
        tpu.vector_store %arg9[%swap3A_1520, %swap3A_1521, %swap3A_1522, %swap3A_1523], %gather3A_1409 {strides = array<i32>} : memref<8x2x8x128xf32, #tpu.memory_space<vmem>>, vector<16xf32>,
        %mul3A_1525 = arith.constant 16 : i32
        %mul3A_1526 = arith.muli %scan3A_534, %mul3A_1525 : i32
        %swap3A_1527 = arith.constant 2 : i32
        %swap3A_1528 = arith.constant 1 : i32
        %swap3A_1529 = arith.constant 5 : i32
        %swap3A_1530 = arith.index_cast %swap3A_1527 : i32 to index
        %swap3A_1531 = arith.index_cast %swap3A_1528 : i32 to index
        %swap3A_1532 = arith.index_cast %swap3A_1529 : i32 to index
        %swap3A_1533 = arith.index_cast %mul3A_1526 : i32 to index
        %swap3A_1534 = tpu.vector_load %arg9[%swap3A_1530, %swap3A_1531, %swap3A_1532, %swap3A_1533] {strides = array<i32>} : memref<8x2x8x128xf32, #tpu.memory_space<vmem>>, vector<16xf32>,
        tpu.vector_store %arg9[%swap3A_1530, %swap3A_1531, %swap3A_1532, %swap3A_1533], %gather3A_1410 {strides = array<i32>} : memref<8x2x8x128xf32, #tpu.memory_space<vmem>>, vector<16xf32>,
        %mul3A_1535 = arith.constant 16 : i32
        %mul3A_1536 = arith.muli %scan3A_534, %mul3A_1535 : i32
        %swap3A_1537 = arith.constant 2 : i32
        %swap3A_1538 = arith.constant 0 : i32
        %swap3A_1539 = arith.constant 6 : i32
        %swap3A_1540 = arith.index_cast %swap3A_1537 : i32 to index
        %swap3A_1541 = arith.index_cast %swap3A_1538 : i32 to index
        %swap3A_1542 = arith.index_cast %swap3A_1539 : i32 to index
        %swap3A_1543 = arith.index_cast %mul3A_1536 : i32 to index
        %swap3A_1544 = tpu.vector_load %arg9[%swap3A_1540, %swap3A_1541, %swap3A_1542, %swap3A_1543] {strides = array<i32>} : memref<8x2x8x128xf32, #tpu.memory_space<vmem>>, vector<16xf32>,
        tpu.vector_store %arg9[%swap3A_1540, %swap3A_1541, %swap3A_1542, %swap3A_1543], %gather3A_1411 {strides = array<i32>} : memref<8x2x8x128xf32, #tpu.memory_space<vmem>>, vector<16xf32>,
        %mul3A_1545 = arith.constant 16 : i32
        %mul3A_1546 = arith.muli %scan3A_534, %mul3A_1545 : i32
        %swap3A_1547 = arith.constant 2 : i32
        %swap3A_1548 = arith.constant 1 : i32
        %swap3A_1549 = arith.constant 6 : i32
        %swap3A_1550 = arith.index_cast %swap3A_1547 : i32 to index
        %swap3A_1551 = arith.index_cast %swap3A_1548 : i32 to index
        %swap3A_1552 = arith.index_cast %swap3A_1549 : i32 to index
        %swap3A_1553 = arith.index_cast %mul3A_1546 : i32 to index
        %swap3A_1554 = tpu.vector_load %arg9[%swap3A_1550, %swap3A_1551, %swap3A_1552, %swap3A_1553] {strides = array<i32>} : memref<8x2x8x128xf32, #tpu.memory_space<vmem>>, vector<16xf32>,
        tpu.vector_store %arg9[%swap3A_1550, %swap3A_1551, %swap3A_1552, %swap3A_1553], %gather3A_1412 {strides = array<i32>} : memref<8x2x8x128xf32, #tpu.memory_space<vmem>>, vector<16xf32>,
        %mul3A_1555 = arith.constant 16 : i32
        %mul3A_1556 = arith.muli %scan3A_534, %mul3A_1555 : i32
        %swap3A_1557 = arith.constant 2 : i32
        %swap3A_1558 = arith.constant 0 : i32
        %swap3A_1559 = arith.constant 7 : i32
        %swap3A_1560 = arith.index_cast %swap3A_1557 : i32 to index
        %swap3A_1561 = arith.index_cast %swap3A_1558 : i32 to index
        %swap3A_1562 = arith.index_cast %swap3A_1559 : i32 to index
        %swap3A_1563 = arith.index_cast %mul3A_1556 : i32 to index
        %swap3A_1564 = tpu.vector_load %arg9[%swap3A_1560, %swap3A_1561, %swap3A_1562, %swap3A_1563] {strides = array<i32>} : memref<8x2x8x128xf32, #tpu.memory_space<vmem>>, vector<16xf32>,
        tpu.vector_store %arg9[%swap3A_1560, %swap3A_1561, %swap3A_1562, %swap3A_1563], %gather3A_1413 {strides = array<i32>} : memref<8x2x8x128xf32, #tpu.memory_space<vmem>>, vector<16xf32>,
        %mul3A_1565 = arith.constant 16 : i32
        %mul3A_1566 = arith.muli %scan3A_534, %mul3A_1565 : i32
        %swap3A_1567 = arith.constant 2 : i32
        %swap3A_1568 = arith.constant 1 : i32
        %swap3A_1569 = arith.constant 7 : i32
        %swap3A_1570 = arith.index_cast %swap3A_1567 : i32 to index
        %swap3A_1571 = arith.index_cast %swap3A_1568 : i32 to index
        %swap3A_1572 = arith.index_cast %swap3A_1569 : i32 to index
        %swap3A_1573 = arith.index_cast %mul3A_1566 : i32 to index
        %swap3A_1574 = tpu.vector_load %arg9[%swap3A_1570, %swap3A_1571, %swap3A_1572, %swap3A_1573] {strides = array<i32>} : memref<8x2x8x128xf32, #tpu.memory_space<vmem>>, vector<16xf32>,
        tpu.vector_store %arg9[%swap3A_1570, %swap3A_1571, %swap3A_1572, %swap3A_1573], %gather3A_1414 {strides = array<i32>} : memref<8x2x8x128xf32, #tpu.memory_space<vmem>>, vector<16xf32>,
        %gather3A_1575 = tpu.vector_load_idx %arg8[%add3A_732] : memref<16640xf32, #tpu.memory_space<vmem>>[vector<16xi32>], vector<16xf32>,
        %gather3A_1576 = tpu.vector_load_idx %arg8[%add3A_736] : memref<16640xf32, #tpu.memory_space<vmem>>[vector<16xi32>], vector<16xf32>,
        %gather3A_1577 = tpu.vector_load_idx %arg8[%add3A_740] : memref<16640xf32, #tpu.memory_space<vmem>>[vector<16xi32>], vector<16xf32>,
        %gather3A_1578 = tpu.vector_load_idx %arg8[%add3A_744] : memref<16640xf32, #tpu.memory_space<vmem>>[vector<16xi32>], vector<16xf32>,
        %gather3A_1579 = tpu.vector_load_idx %arg8[%add3A_748] : memref<16640xf32, #tpu.memory_space<vmem>>[vector<16xi32>], vector<16xf32>,
        %gather3A_1580 = tpu.vector_load_idx %arg8[%add3A_752] : memref<16640xf32, #tpu.memory_space<vmem>>[vector<16xi32>], vector<16xf32>,
        %gather3A_1581 = tpu.vector_load_idx %arg8[%add3A_756] : memref<16640xf32, #tpu.memory_space<vmem>>[vector<16xi32>], vector<16xf32>,
        %gather3A_1582 = tpu.vector_load_idx %arg8[%add3A_760] : memref<16640xf32, #tpu.memory_space<vmem>>[vector<16xi32>], vector<16xf32>,
        %gather3A_1583 = tpu.vector_load_idx %arg8[%add3A_764] : memref<16640xf32, #tpu.memory_space<vmem>>[vector<16xi32>], vector<16xf32>,
        %gather3A_1584 = tpu.vector_load_idx %arg8[%add3A_768] : memref<16640xf32, #tpu.memory_space<vmem>>[vector<16xi32>], vector<16xf32>,
        %gather3A_1585 = tpu.vector_load_idx %arg8[%add3A_772] : memref<16640xf32, #tpu.memory_space<vmem>>[vector<16xi32>], vector<16xf32>,
        %gather3A_1586 = tpu.vector_load_idx %arg8[%add3A_776] : memref<16640xf32, #tpu.memory_space<vmem>>[vector<16xi32>], vector<16xf32>,
        %gather3A_1587 = tpu.vector_load_idx %arg8[%add3A_780] : memref<16640xf32, #tpu.memory_space<vmem>>[vector<16xi32>], vector<16xf32>,
        %gather3A_1588 = tpu.vector_load_idx %arg8[%add3A_784] : memref<16640xf32, #tpu.memory_space<vmem>>[vector<16xi32>], vector<16xf32>,
        %gather3A_1589 = tpu.vector_load_idx %arg8[%add3A_788] : memref<16640xf32, #tpu.memory_space<vmem>>[vector<16xi32>], vector<16xf32>,
        %gather3A_1590 = tpu.vector_load_idx %arg8[%add3A_792] : memref<16640xf32, #tpu.memory_space<vmem>>[vector<16xi32>], vector<16xf32>,
        %mul3A_1591 = arith.constant 16 : i32
        %mul3A_1592 = arith.muli %scan3A_534, %mul3A_1591 : i32
        %swap3A_1593 = arith.constant 3 : i32
        %swap3A_1594 = arith.constant 0 : i32
        %swap3A_1595 = arith.constant 0 : i32
        %swap3A_1596 = arith.index_cast %swap3A_1593 : i32 to index
        %swap3A_1597 = arith.index_cast %swap3A_1594 : i32 to index
        %swap3A_1598 = arith.index_cast %swap3A_1595 : i32 to index
        %swap3A_1599 = arith.index_cast %mul3A_1592 : i32 to index
        %swap3A_1600 = tpu.vector_load %arg9[%swap3A_1596, %swap3A_1597, %swap3A_1598, %swap3A_1599] {strides = array<i32>} : memref<8x2x8x128xf32, #tpu.memory_space<vmem>>, vector<16xf32>,
        tpu.vector_store %arg9[%swap3A_1596, %swap3A_1597, %swap3A_1598, %swap3A_1599], %gather3A_1575 {strides = array<i32>} : memref<8x2x8x128xf32, #tpu.memory_space<vmem>>, vector<16xf32>,
        %mul3A_1601 = arith.constant 16 : i32
        %mul3A_1602 = arith.muli %scan3A_534, %mul3A_1601 : i32
        %swap3A_1603 = arith.constant 3 : i32
        %swap3A_1604 = arith.constant 1 : i32
        %swap3A_1605 = arith.constant 0 : i32
        %swap3A_1606 = arith.index_cast %swap3A_1603 : i32 to index
        %swap3A_1607 = arith.index_cast %swap3A_1604 : i32 to index
        %swap3A_1608 = arith.index_cast %swap3A_1605 : i32 to index
        %swap3A_1609 = arith.index_cast %mul3A_1602 : i32 to index
        %swap3A_1610 = tpu.vector_load %arg9[%swap3A_1606, %swap3A_1607, %swap3A_1608, %swap3A_1609] {strides = array<i32>} : memref<8x2x8x128xf32, #tpu.memory_space<vmem>>, vector<16xf32>,
        tpu.vector_store %arg9[%swap3A_1606, %swap3A_1607, %swap3A_1608, %swap3A_1609], %gather3A_1576 {strides = array<i32>} : memref<8x2x8x128xf32, #tpu.memory_space<vmem>>, vector<16xf32>,
        %mul3A_1611 = arith.constant 16 : i32
        %mul3A_1612 = arith.muli %scan3A_534, %mul3A_1611 : i32
        %swap3A_1613 = arith.constant 3 : i32
        %swap3A_1614 = arith.constant 0 : i32
        %swap3A_1615 = arith.constant 1 : i32
        %swap3A_1616 = arith.index_cast %swap3A_1613 : i32 to index
        %swap3A_1617 = arith.index_cast %swap3A_1614 : i32 to index
        %swap3A_1618 = arith.index_cast %swap3A_1615 : i32 to index
        %swap3A_1619 = arith.index_cast %mul3A_1612 : i32 to index
        %swap3A_1620 = tpu.vector_load %arg9[%swap3A_1616, %swap3A_1617, %swap3A_1618, %swap3A_1619] {strides = array<i32>} : memref<8x2x8x128xf32, #tpu.memory_space<vmem>>, vector<16xf32>,
        tpu.vector_store %arg9[%swap3A_1616, %swap3A_1617, %swap3A_1618, %swap3A_1619], %gather3A_1577 {strides = array<i32>} : memref<8x2x8x128xf32, #tpu.memory_space<vmem>>, vector<16xf32>,
        %mul3A_1621 = arith.constant 16 : i32
        %mul3A_1622 = arith.muli %scan3A_534, %mul3A_1621 : i32
        %swap3A_1623 = arith.constant 3 : i32
        %swap3A_1624 = arith.constant 1 : i32
        %swap3A_1625 = arith.constant 1 : i32
        %swap3A_1626 = arith.index_cast %swap3A_1623 : i32 to index
        %swap3A_1627 = arith.index_cast %swap3A_1624 : i32 to index
        %swap3A_1628 = arith.index_cast %swap3A_1625 : i32 to index
        %swap3A_1629 = arith.index_cast %mul3A_1622 : i32 to index
        %swap3A_1630 = tpu.vector_load %arg9[%swap3A_1626, %swap3A_1627, %swap3A_1628, %swap3A_1629] {strides = array<i32>} : memref<8x2x8x128xf32, #tpu.memory_space<vmem>>, vector<16xf32>,
        tpu.vector_store %arg9[%swap3A_1626, %swap3A_1627, %swap3A_1628, %swap3A_1629], %gather3A_1578 {strides = array<i32>} : memref<8x2x8x128xf32, #tpu.memory_space<vmem>>, vector<16xf32>,
        %mul3A_1631 = arith.constant 16 : i32
        %mul3A_1632 = arith.muli %scan3A_534, %mul3A_1631 : i32
        %swap3A_1633 = arith.constant 3 : i32
        %swap3A_1634 = arith.constant 0 : i32
        %swap3A_1635 = arith.constant 2 : i32
        %swap3A_1636 = arith.index_cast %swap3A_1633 : i32 to index
        %swap3A_1637 = arith.index_cast %swap3A_1634 : i32 to index
        %swap3A_1638 = arith.index_cast %swap3A_1635 : i32 to index
        %swap3A_1639 = arith.index_cast %mul3A_1632 : i32 to index
        %swap3A_1640 = tpu.vector_load %arg9[%swap3A_1636, %swap3A_1637, %swap3A_1638, %swap3A_1639] {strides = array<i32>} : memref<8x2x8x128xf32, #tpu.memory_space<vmem>>, vector<16xf32>,
        tpu.vector_store %arg9[%swap3A_1636, %swap3A_1637, %swap3A_1638, %swap3A_1639], %gather3A_1579 {strides = array<i32>} : memref<8x2x8x128xf32, #tpu.memory_space<vmem>>, vector<16xf32>,
        %mul3A_1641 = arith.constant 16 : i32
        %mul3A_1642 = arith.muli %scan3A_534, %mul3A_1641 : i32
        %swap3A_1643 = arith.constant 3 : i32
        %swap3A_1644 = arith.constant 1 : i32
        %swap3A_1645 = arith.constant 2 : i32
        %swap3A_1646 = arith.index_cast %swap3A_1643 : i32 to index
        %swap3A_1647 = arith.index_cast %swap3A_1644 : i32 to index
        %swap3A_1648 = arith.index_cast %swap3A_1645 : i32 to index
        %swap3A_1649 = arith.index_cast %mul3A_1642 : i32 to index
        %swap3A_1650 = tpu.vector_load %arg9[%swap3A_1646, %swap3A_1647, %swap3A_1648, %swap3A_1649] {strides = array<i32>} : memref<8x2x8x128xf32, #tpu.memory_space<vmem>>, vector<16xf32>,
        tpu.vector_store %arg9[%swap3A_1646, %swap3A_1647, %swap3A_1648, %swap3A_1649], %gather3A_1580 {strides = array<i32>} : memref<8x2x8x128xf32, #tpu.memory_space<vmem>>, vector<16xf32>,
        %mul3A_1651 = arith.constant 16 : i32
        %mul3A_1652 = arith.muli %scan3A_534, %mul3A_1651 : i32
        %swap3A_1653 = arith.constant 3 : i32
        %swap3A_1654 = arith.constant 0 : i32
        %swap3A_1655 = arith.constant 3 : i32
        %swap3A_1656 = arith.index_cast %swap3A_1653 : i32 to index
        %swap3A_1657 = arith.index_cast %swap3A_1654 : i32 to index
        %swap3A_1658 = arith.index_cast %swap3A_1655 : i32 to index
        %swap3A_1659 = arith.index_cast %mul3A_1652 : i32 to index
        %swap3A_1660 = tpu.vector_load %arg9[%swap3A_1656, %swap3A_1657, %swap3A_1658, %swap3A_1659] {strides = array<i32>} : memref<8x2x8x128xf32, #tpu.memory_space<vmem>>, vector<16xf32>,
        tpu.vector_store %arg9[%swap3A_1656, %swap3A_1657, %swap3A_1658, %swap3A_1659], %gather3A_1581 {strides = array<i32>} : memref<8x2x8x128xf32, #tpu.memory_space<vmem>>, vector<16xf32>,
        %mul3A_1661 = arith.constant 16 : i32
        %mul3A_1662 = arith.muli %scan3A_534, %mul3A_1661 : i32
        %swap3A_1663 = arith.constant 3 : i32
        %swap3A_1664 = arith.constant 1 : i32
        %swap3A_1665 = arith.constant 3 : i32
        %swap3A_1666 = arith.index_cast %swap3A_1663 : i32 to index
        %swap3A_1667 = arith.index_cast %swap3A_1664 : i32 to index
        %swap3A_1668 = arith.index_cast %swap3A_1665 : i32 to index
        %swap3A_1669 = arith.index_cast %mul3A_1662 : i32 to index
        %swap3A_1670 = tpu.vector_load %arg9[%swap3A_1666, %swap3A_1667, %swap3A_1668, %swap3A_1669] {strides = array<i32>} : memref<8x2x8x128xf32, #tpu.memory_space<vmem>>, vector<16xf32>,
        tpu.vector_store %arg9[%swap3A_1666, %swap3A_1667, %swap3A_1668, %swap3A_1669], %gather3A_1582 {strides = array<i32>} : memref<8x2x8x128xf32, #tpu.memory_space<vmem>>, vector<16xf32>,
        %mul3A_1671 = arith.constant 16 : i32
        %mul3A_1672 = arith.muli %scan3A_534, %mul3A_1671 : i32
        %swap3A_1673 = arith.constant 3 : i32
        %swap3A_1674 = arith.constant 0 : i32
        %swap3A_1675 = arith.constant 4 : i32
        %swap3A_1676 = arith.index_cast %swap3A_1673 : i32 to index
        %swap3A_1677 = arith.index_cast %swap3A_1674 : i32 to index
        %swap3A_1678 = arith.index_cast %swap3A_1675 : i32 to index
        %swap3A_1679 = arith.index_cast %mul3A_1672 : i32 to index
        %swap3A_1680 = tpu.vector_load %arg9[%swap3A_1676, %swap3A_1677, %swap3A_1678, %swap3A_1679] {strides = array<i32>} : memref<8x2x8x128xf32, #tpu.memory_space<vmem>>, vector<16xf32>,
        tpu.vector_store %arg9[%swap3A_1676, %swap3A_1677, %swap3A_1678, %swap3A_1679], %gather3A_1583 {strides = array<i32>} : memref<8x2x8x128xf32, #tpu.memory_space<vmem>>, vector<16xf32>,
        %mul3A_1681 = arith.constant 16 : i32
        %mul3A_1682 = arith.muli %scan3A_534, %mul3A_1681 : i32
        %swap3A_1683 = arith.constant 3 : i32
        %swap3A_1684 = arith.constant 1 : i32
        %swap3A_1685 = arith.constant 4 : i32
        %swap3A_1686 = arith.index_cast %swap3A_1683 : i32 to index
        %swap3A_1687 = arith.index_cast %swap3A_1684 : i32 to index
        %swap3A_1688 = arith.index_cast %swap3A_1685 : i32 to index
        %swap3A_1689 = arith.index_cast %mul3A_1682 : i32 to index
        %swap3A_1690 = tpu.vector_load %arg9[%swap3A_1686, %swap3A_1687, %swap3A_1688, %swap3A_1689] {strides = array<i32>} : memref<8x2x8x128xf32, #tpu.memory_space<vmem>>, vector<16xf32>,
        tpu.vector_store %arg9[%swap3A_1686, %swap3A_1687, %swap3A_1688, %swap3A_1689], %gather3A_1584 {strides = array<i32>} : memref<8x2x8x128xf32, #tpu.memory_space<vmem>>, vector<16xf32>,
        %mul3A_1691 = arith.constant 16 : i32
        %mul3A_1692 = arith.muli %scan3A_534, %mul3A_1691 : i32
        %swap3A_1693 = arith.constant 3 : i32
        %swap3A_1694 = arith.constant 0 : i32
        %swap3A_1695 = arith.constant 5 : i32
        %swap3A_1696 = arith.index_cast %swap3A_1693 : i32 to index
        %swap3A_1697 = arith.index_cast %swap3A_1694 : i32 to index
        %swap3A_1698 = arith.index_cast %swap3A_1695 : i32 to index
        %swap3A_1699 = arith.index_cast %mul3A_1692 : i32 to index
        %swap3A_1700 = tpu.vector_load %arg9[%swap3A_1696, %swap3A_1697, %swap3A_1698, %swap3A_1699] {strides = array<i32>} : memref<8x2x8x128xf32, #tpu.memory_space<vmem>>, vector<16xf32>,
        tpu.vector_store %arg9[%swap3A_1696, %swap3A_1697, %swap3A_1698, %swap3A_1699], %gather3A_1585 {strides = array<i32>} : memref<8x2x8x128xf32, #tpu.memory_space<vmem>>, vector<16xf32>,
        %mul3A_1701 = arith.constant 16 : i32
        %mul3A_1702 = arith.muli %scan3A_534, %mul3A_1701 : i32
        %swap3A_1703 = arith.constant 3 : i32
        %swap3A_1704 = arith.constant 1 : i32
        %swap3A_1705 = arith.constant 5 : i32
        %swap3A_1706 = arith.index_cast %swap3A_1703 : i32 to index
        %swap3A_1707 = arith.index_cast %swap3A_1704 : i32 to index
        %swap3A_1708 = arith.index_cast %swap3A_1705 : i32 to index
        %swap3A_1709 = arith.index_cast %mul3A_1702 : i32 to index
        %swap3A_1710 = tpu.vector_load %arg9[%swap3A_1706, %swap3A_1707, %swap3A_1708, %swap3A_1709] {strides = array<i32>} : memref<8x2x8x128xf32, #tpu.memory_space<vmem>>, vector<16xf32>,
        tpu.vector_store %arg9[%swap3A_1706, %swap3A_1707, %swap3A_1708, %swap3A_1709], %gather3A_1586 {strides = array<i32>} : memref<8x2x8x128xf32, #tpu.memory_space<vmem>>, vector<16xf32>,
        %mul3A_1711 = arith.constant 16 : i32
        %mul3A_1712 = arith.muli %scan3A_534, %mul3A_1711 : i32
        %swap3A_1713 = arith.constant 3 : i32
        %swap3A_1714 = arith.constant 0 : i32
        %swap3A_1715 = arith.constant 6 : i32
        %swap3A_1716 = arith.index_cast %swap3A_1713 : i32 to index
        %swap3A_1717 = arith.index_cast %swap3A_1714 : i32 to index
        %swap3A_1718 = arith.index_cast %swap3A_1715 : i32 to index
        %swap3A_1719 = arith.index_cast %mul3A_1712 : i32 to index
        %swap3A_1720 = tpu.vector_load %arg9[%swap3A_1716, %swap3A_1717, %swap3A_1718, %swap3A_1719] {strides = array<i32>} : memref<8x2x8x128xf32, #tpu.memory_space<vmem>>, vector<16xf32>,
        tpu.vector_store %arg9[%swap3A_1716, %swap3A_1717, %swap3A_1718, %swap3A_1719], %gather3A_1587 {strides = array<i32>} : memref<8x2x8x128xf32, #tpu.memory_space<vmem>>, vector<16xf32>,
        %mul3A_1721 = arith.constant 16 : i32
        %mul3A_1722 = arith.muli %scan3A_534, %mul3A_1721 : i32
        %swap3A_1723 = arith.constant 3 : i32
        %swap3A_1724 = arith.constant 1 : i32
        %swap3A_1725 = arith.constant 6 : i32
        %swap3A_1726 = arith.index_cast %swap3A_1723 : i32 to index
        %swap3A_1727 = arith.index_cast %swap3A_1724 : i32 to index
        %swap3A_1728 = arith.index_cast %swap3A_1725 : i32 to index
        %swap3A_1729 = arith.index_cast %mul3A_1722 : i32 to index
        %swap3A_1730 = tpu.vector_load %arg9[%swap3A_1726, %swap3A_1727, %swap3A_1728, %swap3A_1729] {strides = array<i32>} : memref<8x2x8x128xf32, #tpu.memory_space<vmem>>, vector<16xf32>,
        tpu.vector_store %arg9[%swap3A_1726, %swap3A_1727, %swap3A_1728, %swap3A_1729], %gather3A_1588 {strides = array<i32>} : memref<8x2x8x128xf32, #tpu.memory_space<vmem>>, vector<16xf32>,
        %mul3A_1731 = arith.constant 16 : i32
        %mul3A_1732 = arith.muli %scan3A_534, %mul3A_1731 : i32
        %swap3A_1733 = arith.constant 3 : i32
        %swap3A_1734 = arith.constant 0 : i32
        %swap3A_1735 = arith.constant 7 : i32
        %swap3A_1736 = arith.index_cast %swap3A_1733 : i32 to index
        %swap3A_1737 = arith.index_cast %swap3A_1734 : i32 to index
        %swap3A_1738 = arith.index_cast %swap3A_1735 : i32 to index
        %swap3A_1739 = arith.index_cast %mul3A_1732 : i32 to index
        %swap3A_1740 = tpu.vector_load %arg9[%swap3A_1736, %swap3A_1737, %swap3A_1738, %swap3A_1739] {strides = array<i32>} : memref<8x2x8x128xf32, #tpu.memory_space<vmem>>, vector<16xf32>,
        tpu.vector_store %arg9[%swap3A_1736, %swap3A_1737, %swap3A_1738, %swap3A_1739], %gather3A_1589 {strides = array<i32>} : memref<8x2x8x128xf32, #tpu.memory_space<vmem>>, vector<16xf32>,
        %mul3A_1741 = arith.constant 16 : i32
        %mul3A_1742 = arith.muli %scan3A_534, %mul3A_1741 : i32
        %swap3A_1743 = arith.constant 3 : i32
        %swap3A_1744 = arith.constant 1 : i32
        %swap3A_1745 = arith.constant 7 : i32
        %swap3A_1746 = arith.index_cast %swap3A_1743 : i32 to index
        %swap3A_1747 = arith.index_cast %swap3A_1744 : i32 to index
        %swap3A_1748 = arith.index_cast %swap3A_1745 : i32 to index
        %swap3A_1749 = arith.index_cast %mul3A_1742 : i32 to index
        %swap3A_1750 = tpu.vector_load %arg9[%swap3A_1746, %swap3A_1747, %swap3A_1748, %swap3A_1749] {strides = array<i32>} : memref<8x2x8x128xf32, #tpu.memory_space<vmem>>, vector<16xf32>,
        tpu.vector_store %arg9[%swap3A_1746, %swap3A_1747, %swap3A_1748, %swap3A_1749], %gather3A_1590 {strides = array<i32>} : memref<8x2x8x128xf32, #tpu.memory_space<vmem>>, vector<16xf32>,
        %gather3A_1751 = tpu.vector_load_idx %arg8[%add3A_796] : memref<16640xf32, #tpu.memory_space<vmem>>[vector<16xi32>], vector<16xf32>,
        %gather3A_1752 = tpu.vector_load_idx %arg8[%add3A_800] : memref<16640xf32, #tpu.memory_space<vmem>>[vector<16xi32>], vector<16xf32>,
        %gather3A_1753 = tpu.vector_load_idx %arg8[%add3A_804] : memref<16640xf32, #tpu.memory_space<vmem>>[vector<16xi32>], vector<16xf32>,
        %gather3A_1754 = tpu.vector_load_idx %arg8[%add3A_808] : memref<16640xf32, #tpu.memory_space<vmem>>[vector<16xi32>], vector<16xf32>,
        %gather3A_1755 = tpu.vector_load_idx %arg8[%add3A_812] : memref<16640xf32, #tpu.memory_space<vmem>>[vector<16xi32>], vector<16xf32>,
        %gather3A_1756 = tpu.vector_load_idx %arg8[%add3A_816] : memref<16640xf32, #tpu.memory_space<vmem>>[vector<16xi32>], vector<16xf32>,
        %gather3A_1757 = tpu.vector_load_idx %arg8[%add3A_820] : memref<16640xf32, #tpu.memory_space<vmem>>[vector<16xi32>], vector<16xf32>,
        %gather3A_1758 = tpu.vector_load_idx %arg8[%add3A_824] : memref<16640xf32, #tpu.memory_space<vmem>>[vector<16xi32>], vector<16xf32>,
        %gather3A_1759 = tpu.vector_load_idx %arg8[%add3A_828] : memref<16640xf32, #tpu.memory_space<vmem>>[vector<16xi32>], vector<16xf32>,
        %gather3A_1760 = tpu.vector_load_idx %arg8[%add3A_832] : memref<16640xf32, #tpu.memory_space<vmem>>[vector<16xi32>], vector<16xf32>,
        %gather3A_1761 = tpu.vector_load_idx %arg8[%add3A_836] : memref<16640xf32, #tpu.memory_space<vmem>>[vector<16xi32>], vector<16xf32>,
        %gather3A_1762 = tpu.vector_load_idx %arg8[%add3A_840] : memref<16640xf32, #tpu.memory_space<vmem>>[vector<16xi32>], vector<16xf32>,
        %gather3A_1763 = tpu.vector_load_idx %arg8[%add3A_844] : memref<16640xf32, #tpu.memory_space<vmem>>[vector<16xi32>], vector<16xf32>,
        %gather3A_1764 = tpu.vector_load_idx %arg8[%add3A_848] : memref<16640xf32, #tpu.memory_space<vmem>>[vector<16xi32>], vector<16xf32>,
        %gather3A_1765 = tpu.vector_load_idx %arg8[%add3A_852] : memref<16640xf32, #tpu.memory_space<vmem>>[vector<16xi32>], vector<16xf32>,
        %gather3A_1766 = tpu.vector_load_idx %arg8[%add3A_856] : memref<16640xf32, #tpu.memory_space<vmem>>[vector<16xi32>], vector<16xf32>,
        %mul3A_1767 = arith.constant 16 : i32
        %mul3A_1768 = arith.muli %scan3A_534, %mul3A_1767 : i32
        %swap3A_1769 = arith.constant 4 : i32
        %swap3A_1770 = arith.constant 0 : i32
        %swap3A_1771 = arith.constant 0 : i32
        %swap3A_1772 = arith.index_cast %swap3A_1769 : i32 to index
        %swap3A_1773 = arith.index_cast %swap3A_1770 : i32 to index
        %swap3A_1774 = arith.index_cast %swap3A_1771 : i32 to index
        %swap3A_1775 = arith.index_cast %mul3A_1768 : i32 to index
        %swap3A_1776 = tpu.vector_load %arg9[%swap3A_1772, %swap3A_1773, %swap3A_1774, %swap3A_1775] {strides = array<i32>} : memref<8x2x8x128xf32, #tpu.memory_space<vmem>>, vector<16xf32>,
        tpu.vector_store %arg9[%swap3A_1772, %swap3A_1773, %swap3A_1774, %swap3A_1775], %gather3A_1751 {strides = array<i32>} : memref<8x2x8x128xf32, #tpu.memory_space<vmem>>, vector<16xf32>,
        %mul3A_1777 = arith.constant 16 : i32
        %mul3A_1778 = arith.muli %scan3A_534, %mul3A_1777 : i32
        %swap3A_1779 = arith.constant 4 : i32
        %swap3A_1780 = arith.constant 1 : i32
        %swap3A_1781 = arith.constant 0 : i32
        %swap3A_1782 = arith.index_cast %swap3A_1779 : i32 to index
        %swap3A_1783 = arith.index_cast %swap3A_1780 : i32 to index
        %swap3A_1784 = arith.index_cast %swap3A_1781 : i32 to index
        %swap3A_1785 = arith.index_cast %mul3A_1778 : i32 to index
        %swap3A_1786 = tpu.vector_load %arg9[%swap3A_1782, %swap3A_1783, %swap3A_1784, %swap3A_1785] {strides = array<i32>} : memref<8x2x8x128xf32, #tpu.memory_space<vmem>>, vector<16xf32>,
        tpu.vector_store %arg9[%swap3A_1782, %swap3A_1783, %swap3A_1784, %swap3A_1785], %gather3A_1752 {strides = array<i32>} : memref<8x2x8x128xf32, #tpu.memory_space<vmem>>, vector<16xf32>,
        %mul3A_1787 = arith.constant 16 : i32
        %mul3A_1788 = arith.muli %scan3A_534, %mul3A_1787 : i32
        %swap3A_1789 = arith.constant 4 : i32
        %swap3A_1790 = arith.constant 0 : i32
        %swap3A_1791 = arith.constant 1 : i32
        %swap3A_1792 = arith.index_cast %swap3A_1789 : i32 to index
        %swap3A_1793 = arith.index_cast %swap3A_1790 : i32 to index
        %swap3A_1794 = arith.index_cast %swap3A_1791 : i32 to index
        %swap3A_1795 = arith.index_cast %mul3A_1788 : i32 to index
        %swap3A_1796 = tpu.vector_load %arg9[%swap3A_1792, %swap3A_1793, %swap3A_1794, %swap3A_1795] {strides = array<i32>} : memref<8x2x8x128xf32, #tpu.memory_space<vmem>>, vector<16xf32>,
        tpu.vector_store %arg9[%swap3A_1792, %swap3A_1793, %swap3A_1794, %swap3A_1795], %gather3A_1753 {strides = array<i32>} : memref<8x2x8x128xf32, #tpu.memory_space<vmem>>, vector<16xf32>,
        %mul3A_1797 = arith.constant 16 : i32
        %mul3A_1798 = arith.muli %scan3A_534, %mul3A_1797 : i32
        %swap3A_1799 = arith.constant 4 : i32
        %swap3A_1800 = arith.constant 1 : i32
        %swap3A_1801 = arith.constant 1 : i32
        %swap3A_1802 = arith.index_cast %swap3A_1799 : i32 to index
        %swap3A_1803 = arith.index_cast %swap3A_1800 : i32 to index
        %swap3A_1804 = arith.index_cast %swap3A_1801 : i32 to index
        %swap3A_1805 = arith.index_cast %mul3A_1798 : i32 to index
        %swap3A_1806 = tpu.vector_load %arg9[%swap3A_1802, %swap3A_1803, %swap3A_1804, %swap3A_1805] {strides = array<i32>} : memref<8x2x8x128xf32, #tpu.memory_space<vmem>>, vector<16xf32>,
        tpu.vector_store %arg9[%swap3A_1802, %swap3A_1803, %swap3A_1804, %swap3A_1805], %gather3A_1754 {strides = array<i32>} : memref<8x2x8x128xf32, #tpu.memory_space<vmem>>, vector<16xf32>,
        %mul3A_1807 = arith.constant 16 : i32
        %mul3A_1808 = arith.muli %scan3A_534, %mul3A_1807 : i32
        %swap3A_1809 = arith.constant 4 : i32
        %swap3A_1810 = arith.constant 0 : i32
        %swap3A_1811 = arith.constant 2 : i32
        %swap3A_1812 = arith.index_cast %swap3A_1809 : i32 to index
        %swap3A_1813 = arith.index_cast %swap3A_1810 : i32 to index
        %swap3A_1814 = arith.index_cast %swap3A_1811 : i32 to index
        %swap3A_1815 = arith.index_cast %mul3A_1808 : i32 to index
        %swap3A_1816 = tpu.vector_load %arg9[%swap3A_1812, %swap3A_1813, %swap3A_1814, %swap3A_1815] {strides = array<i32>} : memref<8x2x8x128xf32, #tpu.memory_space<vmem>>, vector<16xf32>,
        tpu.vector_store %arg9[%swap3A_1812, %swap3A_1813, %swap3A_1814, %swap3A_1815], %gather3A_1755 {strides = array<i32>} : memref<8x2x8x128xf32, #tpu.memory_space<vmem>>, vector<16xf32>,
        %mul3A_1817 = arith.constant 16 : i32
        %mul3A_1818 = arith.muli %scan3A_534, %mul3A_1817 : i32
        %swap3A_1819 = arith.constant 4 : i32
        %swap3A_1820 = arith.constant 1 : i32
        %swap3A_1821 = arith.constant 2 : i32
        %swap3A_1822 = arith.index_cast %swap3A_1819 : i32 to index
        %swap3A_1823 = arith.index_cast %swap3A_1820 : i32 to index
        %swap3A_1824 = arith.index_cast %swap3A_1821 : i32 to index
        %swap3A_1825 = arith.index_cast %mul3A_1818 : i32 to index
        %swap3A_1826 = tpu.vector_load %arg9[%swap3A_1822, %swap3A_1823, %swap3A_1824, %swap3A_1825] {strides = array<i32>} : memref<8x2x8x128xf32, #tpu.memory_space<vmem>>, vector<16xf32>,
        tpu.vector_store %arg9[%swap3A_1822, %swap3A_1823, %swap3A_1824, %swap3A_1825], %gather3A_1756 {strides = array<i32>} : memref<8x2x8x128xf32, #tpu.memory_space<vmem>>, vector<16xf32>,
        %mul3A_1827 = arith.constant 16 : i32
        %mul3A_1828 = arith.muli %scan3A_534, %mul3A_1827 : i32
        %swap3A_1829 = arith.constant 4 : i32
        %swap3A_1830 = arith.constant 0 : i32
        %swap3A_1831 = arith.constant 3 : i32
        %swap3A_1832 = arith.index_cast %swap3A_1829 : i32 to index
        %swap3A_1833 = arith.index_cast %swap3A_1830 : i32 to index
        %swap3A_1834 = arith.index_cast %swap3A_1831 : i32 to index
        %swap3A_1835 = arith.index_cast %mul3A_1828 : i32 to index
        %swap3A_1836 = tpu.vector_load %arg9[%swap3A_1832, %swap3A_1833, %swap3A_1834, %swap3A_1835] {strides = array<i32>} : memref<8x2x8x128xf32, #tpu.memory_space<vmem>>, vector<16xf32>,
        tpu.vector_store %arg9[%swap3A_1832, %swap3A_1833, %swap3A_1834, %swap3A_1835], %gather3A_1757 {strides = array<i32>} : memref<8x2x8x128xf32, #tpu.memory_space<vmem>>, vector<16xf32>,
        %mul3A_1837 = arith.constant 16 : i32
        %mul3A_1838 = arith.muli %scan3A_534, %mul3A_1837 : i32
        %swap3A_1839 = arith.constant 4 : i32
        %swap3A_1840 = arith.constant 1 : i32
        %swap3A_1841 = arith.constant 3 : i32
        %swap3A_1842 = arith.index_cast %swap3A_1839 : i32 to index
        %swap3A_1843 = arith.index_cast %swap3A_1840 : i32 to index
        %swap3A_1844 = arith.index_cast %swap3A_1841 : i32 to index
        %swap3A_1845 = arith.index_cast %mul3A_1838 : i32 to index
        %swap3A_1846 = tpu.vector_load %arg9[%swap3A_1842, %swap3A_1843, %swap3A_1844, %swap3A_1845] {strides = array<i32>} : memref<8x2x8x128xf32, #tpu.memory_space<vmem>>, vector<16xf32>,
        tpu.vector_store %arg9[%swap3A_1842, %swap3A_1843, %swap3A_1844, %swap3A_1845], %gather3A_1758 {strides = array<i32>} : memref<8x2x8x128xf32, #tpu.memory_space<vmem>>, vector<16xf32>,
        %mul3A_1847 = arith.constant 16 : i32
        %mul3A_1848 = arith.muli %scan3A_534, %mul3A_1847 : i32
        %swap3A_1849 = arith.constant 4 : i32
        %swap3A_1850 = arith.constant 0 : i32
        %swap3A_1851 = arith.constant 4 : i32
        %swap3A_1852 = arith.index_cast %swap3A_1849 : i32 to index
        %swap3A_1853 = arith.index_cast %swap3A_1850 : i32 to index
        %swap3A_1854 = arith.index_cast %swap3A_1851 : i32 to index
        %swap3A_1855 = arith.index_cast %mul3A_1848 : i32 to index
        %swap3A_1856 = tpu.vector_load %arg9[%swap3A_1852, %swap3A_1853, %swap3A_1854, %swap3A_1855] {strides = array<i32>} : memref<8x2x8x128xf32, #tpu.memory_space<vmem>>, vector<16xf32>,
        tpu.vector_store %arg9[%swap3A_1852, %swap3A_1853, %swap3A_1854, %swap3A_1855], %gather3A_1759 {strides = array<i32>} : memref<8x2x8x128xf32, #tpu.memory_space<vmem>>, vector<16xf32>,
        %mul3A_1857 = arith.constant 16 : i32
        %mul3A_1858 = arith.muli %scan3A_534, %mul3A_1857 : i32
        %swap3A_1859 = arith.constant 4 : i32
        %swap3A_1860 = arith.constant 1 : i32
        %swap3A_1861 = arith.constant 4 : i32
        %swap3A_1862 = arith.index_cast %swap3A_1859 : i32 to index
        %swap3A_1863 = arith.index_cast %swap3A_1860 : i32 to index
        %swap3A_1864 = arith.index_cast %swap3A_1861 : i32 to index
        %swap3A_1865 = arith.index_cast %mul3A_1858 : i32 to index
        %swap3A_1866 = tpu.vector_load %arg9[%swap3A_1862, %swap3A_1863, %swap3A_1864, %swap3A_1865] {strides = array<i32>} : memref<8x2x8x128xf32, #tpu.memory_space<vmem>>, vector<16xf32>,
        tpu.vector_store %arg9[%swap3A_1862, %swap3A_1863, %swap3A_1864, %swap3A_1865], %gather3A_1760 {strides = array<i32>} : memref<8x2x8x128xf32, #tpu.memory_space<vmem>>, vector<16xf32>,
        %mul3A_1867 = arith.constant 16 : i32
        %mul3A_1868 = arith.muli %scan3A_534, %mul3A_1867 : i32
        %swap3A_1869 = arith.constant 4 : i32
        %swap3A_1870 = arith.constant 0 : i32
        %swap3A_1871 = arith.constant 5 : i32
        %swap3A_1872 = arith.index_cast %swap3A_1869 : i32 to index
        %swap3A_1873 = arith.index_cast %swap3A_1870 : i32 to index
        %swap3A_1874 = arith.index_cast %swap3A_1871 : i32 to index
        %swap3A_1875 = arith.index_cast %mul3A_1868 : i32 to index
        %swap3A_1876 = tpu.vector_load %arg9[%swap3A_1872, %swap3A_1873, %swap3A_1874, %swap3A_1875] {strides = array<i32>} : memref<8x2x8x128xf32, #tpu.memory_space<vmem>>, vector<16xf32>,
        tpu.vector_store %arg9[%swap3A_1872, %swap3A_1873, %swap3A_1874, %swap3A_1875], %gather3A_1761 {strides = array<i32>} : memref<8x2x8x128xf32, #tpu.memory_space<vmem>>, vector<16xf32>,
        %mul3A_1877 = arith.constant 16 : i32
        %mul3A_1878 = arith.muli %scan3A_534, %mul3A_1877 : i32
        %swap3A_1879 = arith.constant 4 : i32
        %swap3A_1880 = arith.constant 1 : i32
        %swap3A_1881 = arith.constant 5 : i32
        %swap3A_1882 = arith.index_cast %swap3A_1879 : i32 to index
        %swap3A_1883 = arith.index_cast %swap3A_1880 : i32 to index
        %swap3A_1884 = arith.index_cast %swap3A_1881 : i32 to index
        %swap3A_1885 = arith.index_cast %mul3A_1878 : i32 to index
        %swap3A_1886 = tpu.vector_load %arg9[%swap3A_1882, %swap3A_1883, %swap3A_1884, %swap3A_1885] {strides = array<i32>} : memref<8x2x8x128xf32, #tpu.memory_space<vmem>>, vector<16xf32>,
        tpu.vector_store %arg9[%swap3A_1882, %swap3A_1883, %swap3A_1884, %swap3A_1885], %gather3A_1762 {strides = array<i32>} : memref<8x2x8x128xf32, #tpu.memory_space<vmem>>, vector<16xf32>,
        %mul3A_1887 = arith.constant 16 : i32
        %mul3A_1888 = arith.muli %scan3A_534, %mul3A_1887 : i32
        %swap3A_1889 = arith.constant 4 : i32
        %swap3A_1890 = arith.constant 0 : i32
        %swap3A_1891 = arith.constant 6 : i32
        %swap3A_1892 = arith.index_cast %swap3A_1889 : i32 to index
        %swap3A_1893 = arith.index_cast %swap3A_1890 : i32 to index
        %swap3A_1894 = arith.index_cast %swap3A_1891 : i32 to index
        %swap3A_1895 = arith.index_cast %mul3A_1888 : i32 to index
        %swap3A_1896 = tpu.vector_load %arg9[%swap3A_1892, %swap3A_1893, %swap3A_1894, %swap3A_1895] {strides = array<i32>} : memref<8x2x8x128xf32, #tpu.memory_space<vmem>>, vector<16xf32>,
        tpu.vector_store %arg9[%swap3A_1892, %swap3A_1893, %swap3A_1894, %swap3A_1895], %gather3A_1763 {strides = array<i32>} : memref<8x2x8x128xf32, #tpu.memory_space<vmem>>, vector<16xf32>,
        %mul3A_1897 = arith.constant 16 : i32
        %mul3A_1898 = arith.muli %scan3A_534, %mul3A_1897 : i32
        %swap3A_1899 = arith.constant 4 : i32
        %swap3A_1900 = arith.constant 1 : i32
        %swap3A_1901 = arith.constant 6 : i32
        %swap3A_1902 = arith.index_cast %swap3A_1899 : i32 to index
        %swap3A_1903 = arith.index_cast %swap3A_1900 : i32 to index
        %swap3A_1904 = arith.index_cast %swap3A_1901 : i32 to index
        %swap3A_1905 = arith.index_cast %mul3A_1898 : i32 to index
        %swap3A_1906 = tpu.vector_load %arg9[%swap3A_1902, %swap3A_1903, %swap3A_1904, %swap3A_1905] {strides = array<i32>} : memref<8x2x8x128xf32, #tpu.memory_space<vmem>>, vector<16xf32>,
        tpu.vector_store %arg9[%swap3A_1902, %swap3A_1903, %swap3A_1904, %swap3A_1905], %gather3A_1764 {strides = array<i32>} : memref<8x2x8x128xf32, #tpu.memory_space<vmem>>, vector<16xf32>,
        %mul3A_1907 = arith.constant 16 : i32
        %mul3A_1908 = arith.muli %scan3A_534, %mul3A_1907 : i32
        %swap3A_1909 = arith.constant 4 : i32
        %swap3A_1910 = arith.constant 0 : i32
        %swap3A_1911 = arith.constant 7 : i32
        %swap3A_1912 = arith.index_cast %swap3A_1909 : i32 to index
        %swap3A_1913 = arith.index_cast %swap3A_1910 : i32 to index
        %swap3A_1914 = arith.index_cast %swap3A_1911 : i32 to index
        %swap3A_1915 = arith.index_cast %mul3A_1908 : i32 to index
        %swap3A_1916 = tpu.vector_load %arg9[%swap3A_1912, %swap3A_1913, %swap3A_1914, %swap3A_1915] {strides = array<i32>} : memref<8x2x8x128xf32, #tpu.memory_space<vmem>>, vector<16xf32>,
        tpu.vector_store %arg9[%swap3A_1912, %swap3A_1913, %swap3A_1914, %swap3A_1915], %gather3A_1765 {strides = array<i32>} : memref<8x2x8x128xf32, #tpu.memory_space<vmem>>, vector<16xf32>,
        %mul3A_1917 = arith.constant 16 : i32
        %mul3A_1918 = arith.muli %scan3A_534, %mul3A_1917 : i32
        %swap3A_1919 = arith.constant 4 : i32
        %swap3A_1920 = arith.constant 1 : i32
        %swap3A_1921 = arith.constant 7 : i32
        %swap3A_1922 = arith.index_cast %swap3A_1919 : i32 to index
        %swap3A_1923 = arith.index_cast %swap3A_1920 : i32 to index
        %swap3A_1924 = arith.index_cast %swap3A_1921 : i32 to index
        %swap3A_1925 = arith.index_cast %mul3A_1918 : i32 to index
        %swap3A_1926 = tpu.vector_load %arg9[%swap3A_1922, %swap3A_1923, %swap3A_1924, %swap3A_1925] {strides = array<i32>} : memref<8x2x8x128xf32, #tpu.memory_space<vmem>>, vector<16xf32>,
        tpu.vector_store %arg9[%swap3A_1922, %swap3A_1923, %swap3A_1924, %swap3A_1925], %gather3A_1766 {strides = array<i32>} : memref<8x2x8x128xf32, #tpu.memory_space<vmem>>, vector<16xf32>,
        %gather3A_1927 = tpu.vector_load_idx %arg8[%add3A_860] : memref<16640xf32, #tpu.memory_space<vmem>>[vector<16xi32>], vector<16xf32>,
        %gather3A_1928 = tpu.vector_load_idx %arg8[%add3A_864] : memref<16640xf32, #tpu.memory_space<vmem>>[vector<16xi32>], vector<16xf32>,
        %gather3A_1929 = tpu.vector_load_idx %arg8[%add3A_868] : memref<16640xf32, #tpu.memory_space<vmem>>[vector<16xi32>], vector<16xf32>,
        %gather3A_1930 = tpu.vector_load_idx %arg8[%add3A_872] : memref<16640xf32, #tpu.memory_space<vmem>>[vector<16xi32>], vector<16xf32>,
        %gather3A_1931 = tpu.vector_load_idx %arg8[%add3A_876] : memref<16640xf32, #tpu.memory_space<vmem>>[vector<16xi32>], vector<16xf32>,
        %gather3A_1932 = tpu.vector_load_idx %arg8[%add3A_880] : memref<16640xf32, #tpu.memory_space<vmem>>[vector<16xi32>], vector<16xf32>,
        %gather3A_1933 = tpu.vector_load_idx %arg8[%add3A_884] : memref<16640xf32, #tpu.memory_space<vmem>>[vector<16xi32>], vector<16xf32>,
        %gather3A_1934 = tpu.vector_load_idx %arg8[%add3A_888] : memref<16640xf32, #tpu.memory_space<vmem>>[vector<16xi32>], vector<16xf32>,
        %gather3A_1935 = tpu.vector_load_idx %arg8[%add3A_892] : memref<16640xf32, #tpu.memory_space<vmem>>[vector<16xi32>], vector<16xf32>,
        %gather3A_1936 = tpu.vector_load_idx %arg8[%add3A_896] : memref<16640xf32, #tpu.memory_space<vmem>>[vector<16xi32>], vector<16xf32>,
        %gather3A_1937 = tpu.vector_load_idx %arg8[%add3A_900] : memref<16640xf32, #tpu.memory_space<vmem>>[vector<16xi32>], vector<16xf32>,
        %gather3A_1938 = tpu.vector_load_idx %arg8[%add3A_904] : memref<16640xf32, #tpu.memory_space<vmem>>[vector<16xi32>], vector<16xf32>,
        %gather3A_1939 = tpu.vector_load_idx %arg8[%add3A_908] : memref<16640xf32, #tpu.memory_space<vmem>>[vector<16xi32>], vector<16xf32>,
        %gather3A_1940 = tpu.vector_load_idx %arg8[%add3A_912] : memref<16640xf32, #tpu.memory_space<vmem>>[vector<16xi32>], vector<16xf32>,
        %gather3A_1941 = tpu.vector_load_idx %arg8[%add3A_916] : memref<16640xf32, #tpu.memory_space<vmem>>[vector<16xi32>], vector<16xf32>,
        %gather3A_1942 = tpu.vector_load_idx %arg8[%add3A_920] : memref<16640xf32, #tpu.memory_space<vmem>>[vector<16xi32>], vector<16xf32>,
        %mul3A_1943 = arith.constant 16 : i32
        %mul3A_1944 = arith.muli %scan3A_534, %mul3A_1943 : i32
        %swap3A_1945 = arith.constant 5 : i32
        %swap3A_1946 = arith.constant 0 : i32
        %swap3A_1947 = arith.constant 0 : i32
        %swap3A_1948 = arith.index_cast %swap3A_1945 : i32 to index
        %swap3A_1949 = arith.index_cast %swap3A_1946 : i32 to index
        %swap3A_1950 = arith.index_cast %swap3A_1947 : i32 to index
        %swap3A_1951 = arith.index_cast %mul3A_1944 : i32 to index
        %swap3A_1952 = tpu.vector_load %arg9[%swap3A_1948, %swap3A_1949, %swap3A_1950, %swap3A_1951] {strides = array<i32>} : memref<8x2x8x128xf32, #tpu.memory_space<vmem>>, vector<16xf32>,
        tpu.vector_store %arg9[%swap3A_1948, %swap3A_1949, %swap3A_1950, %swap3A_1951], %gather3A_1927 {strides = array<i32>} : memref<8x2x8x128xf32, #tpu.memory_space<vmem>>, vector<16xf32>,
        %mul3A_1953 = arith.constant 16 : i32
        %mul3A_1954 = arith.muli %scan3A_534, %mul3A_1953 : i32
        %swap3A_1955 = arith.constant 5 : i32
        %swap3A_1956 = arith.constant 1 : i32
        %swap3A_1957 = arith.constant 0 : i32
        %swap3A_1958 = arith.index_cast %swap3A_1955 : i32 to index
        %swap3A_1959 = arith.index_cast %swap3A_1956 : i32 to index
        %swap3A_1960 = arith.index_cast %swap3A_1957 : i32 to index
        %swap3A_1961 = arith.index_cast %mul3A_1954 : i32 to index
        %swap3A_1962 = tpu.vector_load %arg9[%swap3A_1958, %swap3A_1959, %swap3A_1960, %swap3A_1961] {strides = array<i32>} : memref<8x2x8x128xf32, #tpu.memory_space<vmem>>, vector<16xf32>,
        tpu.vector_store %arg9[%swap3A_1958, %swap3A_1959, %swap3A_1960, %swap3A_1961], %gather3A_1928 {strides = array<i32>} : memref<8x2x8x128xf32, #tpu.memory_space<vmem>>, vector<16xf32>,
        %mul3A_1963 = arith.constant 16 : i32
        %mul3A_1964 = arith.muli %scan3A_534, %mul3A_1963 : i32
        %swap3A_1965 = arith.constant 5 : i32
        %swap3A_1966 = arith.constant 0 : i32
        %swap3A_1967 = arith.constant 1 : i32
        %swap3A_1968 = arith.index_cast %swap3A_1965 : i32 to index
        %swap3A_1969 = arith.index_cast %swap3A_1966 : i32 to index
        %swap3A_1970 = arith.index_cast %swap3A_1967 : i32 to index
        %swap3A_1971 = arith.index_cast %mul3A_1964 : i32 to index
        %swap3A_1972 = tpu.vector_load %arg9[%swap3A_1968, %swap3A_1969, %swap3A_1970, %swap3A_1971] {strides = array<i32>} : memref<8x2x8x128xf32, #tpu.memory_space<vmem>>, vector<16xf32>,
        tpu.vector_store %arg9[%swap3A_1968, %swap3A_1969, %swap3A_1970, %swap3A_1971], %gather3A_1929 {strides = array<i32>} : memref<8x2x8x128xf32, #tpu.memory_space<vmem>>, vector<16xf32>,
        %mul3A_1973 = arith.constant 16 : i32
        %mul3A_1974 = arith.muli %scan3A_534, %mul3A_1973 : i32
        %swap3A_1975 = arith.constant 5 : i32
        %swap3A_1976 = arith.constant 1 : i32
        %swap3A_1977 = arith.constant 1 : i32
        %swap3A_1978 = arith.index_cast %swap3A_1975 : i32 to index
        %swap3A_1979 = arith.index_cast %swap3A_1976 : i32 to index
        %swap3A_1980 = arith.index_cast %swap3A_1977 : i32 to index
        %swap3A_1981 = arith.index_cast %mul3A_1974 : i32 to index
        %swap3A_1982 = tpu.vector_load %arg9[%swap3A_1978, %swap3A_1979, %swap3A_1980, %swap3A_1981] {strides = array<i32>} : memref<8x2x8x128xf32, #tpu.memory_space<vmem>>, vector<16xf32>,
        tpu.vector_store %arg9[%swap3A_1978, %swap3A_1979, %swap3A_1980, %swap3A_1981], %gather3A_1930 {strides = array<i32>} : memref<8x2x8x128xf32, #tpu.memory_space<vmem>>, vector<16xf32>,
        %mul3A_1983 = arith.constant 16 : i32
        %mul3A_1984 = arith.muli %scan3A_534, %mul3A_1983 : i32
        %swap3A_1985 = arith.constant 5 : i32
        %swap3A_1986 = arith.constant 0 : i32
        %swap3A_1987 = arith.constant 2 : i32
        %swap3A_1988 = arith.index_cast %swap3A_1985 : i32 to index
        %swap3A_1989 = arith.index_cast %swap3A_1986 : i32 to index
        %swap3A_1990 = arith.index_cast %swap3A_1987 : i32 to index
        %swap3A_1991 = arith.index_cast %mul3A_1984 : i32 to index
        %swap3A_1992 = tpu.vector_load %arg9[%swap3A_1988, %swap3A_1989, %swap3A_1990, %swap3A_1991] {strides = array<i32>} : memref<8x2x8x128xf32, #tpu.memory_space<vmem>>, vector<16xf32>,
        tpu.vector_store %arg9[%swap3A_1988, %swap3A_1989, %swap3A_1990, %swap3A_1991], %gather3A_1931 {strides = array<i32>} : memref<8x2x8x128xf32, #tpu.memory_space<vmem>>, vector<16xf32>,
        %mul3A_1993 = arith.constant 16 : i32
        %mul3A_1994 = arith.muli %scan3A_534, %mul3A_1993 : i32
        %swap3A_1995 = arith.constant 5 : i32
        %swap3A_1996 = arith.constant 1 : i32
        %swap3A_1997 = arith.constant 2 : i32
        %swap3A_1998 = arith.index_cast %swap3A_1995 : i32 to index
        %swap3A_1999 = arith.index_cast %swap3A_1996 : i32 to index
        %swap3A_2000 = arith.index_cast %swap3A_1997 : i32 to index
        %swap3A_2001 = arith.index_cast %mul3A_1994 : i32 to index
        %swap3A_2002 = tpu.vector_load %arg9[%swap3A_1998, %swap3A_1999, %swap3A_2000, %swap3A_2001] {strides = array<i32>} : memref<8x2x8x128xf32, #tpu.memory_space<vmem>>, vector<16xf32>,
        tpu.vector_store %arg9[%swap3A_1998, %swap3A_1999, %swap3A_2000, %swap3A_2001], %gather3A_1932 {strides = array<i32>} : memref<8x2x8x128xf32, #tpu.memory_space<vmem>>, vector<16xf32>,
        %mul3A_2003 = arith.constant 16 : i32
        %mul3A_2004 = arith.muli %scan3A_534, %mul3A_2003 : i32
        %swap3A_2005 = arith.constant 5 : i32
        %swap3A_2006 = arith.constant 0 : i32
        %swap3A_2007 = arith.constant 3 : i32
        %swap3A_2008 = arith.index_cast %swap3A_2005 : i32 to index
        %swap3A_2009 = arith.index_cast %swap3A_2006 : i32 to index
        %swap3A_2010 = arith.index_cast %swap3A_2007 : i32 to index
        %swap3A_2011 = arith.index_cast %mul3A_2004 : i32 to index
        %swap3A_2012 = tpu.vector_load %arg9[%swap3A_2008, %swap3A_2009, %swap3A_2010, %swap3A_2011] {strides = array<i32>} : memref<8x2x8x128xf32, #tpu.memory_space<vmem>>, vector<16xf32>,
        tpu.vector_store %arg9[%swap3A_2008, %swap3A_2009, %swap3A_2010, %swap3A_2011], %gather3A_1933 {strides = array<i32>} : memref<8x2x8x128xf32, #tpu.memory_space<vmem>>, vector<16xf32>,
        %mul3A_2013 = arith.constant 16 : i32
        %mul3A_2014 = arith.muli %scan3A_534, %mul3A_2013 : i32
        %swap3A_2015 = arith.constant 5 : i32
        %swap3A_2016 = arith.constant 1 : i32
        %swap3A_2017 = arith.constant 3 : i32
        %swap3A_2018 = arith.index_cast %swap3A_2015 : i32 to index
        %swap3A_2019 = arith.index_cast %swap3A_2016 : i32 to index
        %swap3A_2020 = arith.index_cast %swap3A_2017 : i32 to index
        %swap3A_2021 = arith.index_cast %mul3A_2014 : i32 to index
        %swap3A_2022 = tpu.vector_load %arg9[%swap3A_2018, %swap3A_2019, %swap3A_2020, %swap3A_2021] {strides = array<i32>} : memref<8x2x8x128xf32, #tpu.memory_space<vmem>>, vector<16xf32>,
        tpu.vector_store %arg9[%swap3A_2018, %swap3A_2019, %swap3A_2020, %swap3A_2021], %gather3A_1934 {strides = array<i32>} : memref<8x2x8x128xf32, #tpu.memory_space<vmem>>, vector<16xf32>,
        %mul3A_2023 = arith.constant 16 : i32
        %mul3A_2024 = arith.muli %scan3A_534, %mul3A_2023 : i32
        %swap3A_2025 = arith.constant 5 : i32
        %swap3A_2026 = arith.constant 0 : i32
        %swap3A_2027 = arith.constant 4 : i32
        %swap3A_2028 = arith.index_cast %swap3A_2025 : i32 to index
        %swap3A_2029 = arith.index_cast %swap3A_2026 : i32 to index
        %swap3A_2030 = arith.index_cast %swap3A_2027 : i32 to index
        %swap3A_2031 = arith.index_cast %mul3A_2024 : i32 to index
        %swap3A_2032 = tpu.vector_load %arg9[%swap3A_2028, %swap3A_2029, %swap3A_2030, %swap3A_2031] {strides = array<i32>} : memref<8x2x8x128xf32, #tpu.memory_space<vmem>>, vector<16xf32>,
        tpu.vector_store %arg9[%swap3A_2028, %swap3A_2029, %swap3A_2030, %swap3A_2031], %gather3A_1935 {strides = array<i32>} : memref<8x2x8x128xf32, #tpu.memory_space<vmem>>, vector<16xf32>,
        %mul3A_2033 = arith.constant 16 : i32
        %mul3A_2034 = arith.muli %scan3A_534, %mul3A_2033 : i32
        %swap3A_2035 = arith.constant 5 : i32
        %swap3A_2036 = arith.constant 1 : i32
        %swap3A_2037 = arith.constant 4 : i32
        %swap3A_2038 = arith.index_cast %swap3A_2035 : i32 to index
        %swap3A_2039 = arith.index_cast %swap3A_2036 : i32 to index
        %swap3A_2040 = arith.index_cast %swap3A_2037 : i32 to index
        %swap3A_2041 = arith.index_cast %mul3A_2034 : i32 to index
        %swap3A_2042 = tpu.vector_load %arg9[%swap3A_2038, %swap3A_2039, %swap3A_2040, %swap3A_2041] {strides = array<i32>} : memref<8x2x8x128xf32, #tpu.memory_space<vmem>>, vector<16xf32>,
        tpu.vector_store %arg9[%swap3A_2038, %swap3A_2039, %swap3A_2040, %swap3A_2041], %gather3A_1936 {strides = array<i32>} : memref<8x2x8x128xf32, #tpu.memory_space<vmem>>, vector<16xf32>,
        %mul3A_2043 = arith.constant 16 : i32
        %mul3A_2044 = arith.muli %scan3A_534, %mul3A_2043 : i32
        %swap3A_2045 = arith.constant 5 : i32
        %swap3A_2046 = arith.constant 0 : i32
        %swap3A_2047 = arith.constant 5 : i32
        %swap3A_2048 = arith.index_cast %swap3A_2045 : i32 to index
        %swap3A_2049 = arith.index_cast %swap3A_2046 : i32 to index
        %swap3A_2050 = arith.index_cast %swap3A_2047 : i32 to index
        %swap3A_2051 = arith.index_cast %mul3A_2044 : i32 to index
        %swap3A_2052 = tpu.vector_load %arg9[%swap3A_2048, %swap3A_2049, %swap3A_2050, %swap3A_2051] {strides = array<i32>} : memref<8x2x8x128xf32, #tpu.memory_space<vmem>>, vector<16xf32>,
        tpu.vector_store %arg9[%swap3A_2048, %swap3A_2049, %swap3A_2050, %swap3A_2051], %gather3A_1937 {strides = array<i32>} : memref<8x2x8x128xf32, #tpu.memory_space<vmem>>, vector<16xf32>,
        %mul3A_2053 = arith.constant 16 : i32
        %mul3A_2054 = arith.muli %scan3A_534, %mul3A_2053 : i32
        %swap3A_2055 = arith.constant 5 : i32
        %swap3A_2056 = arith.constant 1 : i32
        %swap3A_2057 = arith.constant 5 : i32
        %swap3A_2058 = arith.index_cast %swap3A_2055 : i32 to index
        %swap3A_2059 = arith.index_cast %swap3A_2056 : i32 to index
        %swap3A_2060 = arith.index_cast %swap3A_2057 : i32 to index
        %swap3A_2061 = arith.index_cast %mul3A_2054 : i32 to index
        %swap3A_2062 = tpu.vector_load %arg9[%swap3A_2058, %swap3A_2059, %swap3A_2060, %swap3A_2061] {strides = array<i32>} : memref<8x2x8x128xf32, #tpu.memory_space<vmem>>, vector<16xf32>,
        tpu.vector_store %arg9[%swap3A_2058, %swap3A_2059, %swap3A_2060, %swap3A_2061], %gather3A_1938 {strides = array<i32>} : memref<8x2x8x128xf32, #tpu.memory_space<vmem>>, vector<16xf32>,
        %mul3A_2063 = arith.constant 16 : i32
        %mul3A_2064 = arith.muli %scan3A_534, %mul3A_2063 : i32
        %swap3A_2065 = arith.constant 5 : i32
        %swap3A_2066 = arith.constant 0 : i32
        %swap3A_2067 = arith.constant 6 : i32
        %swap3A_2068 = arith.index_cast %swap3A_2065 : i32 to index
        %swap3A_2069 = arith.index_cast %swap3A_2066 : i32 to index
        %swap3A_2070 = arith.index_cast %swap3A_2067 : i32 to index
        %swap3A_2071 = arith.index_cast %mul3A_2064 : i32 to index
        %swap3A_2072 = tpu.vector_load %arg9[%swap3A_2068, %swap3A_2069, %swap3A_2070, %swap3A_2071] {strides = array<i32>} : memref<8x2x8x128xf32, #tpu.memory_space<vmem>>, vector<16xf32>,
        tpu.vector_store %arg9[%swap3A_2068, %swap3A_2069, %swap3A_2070, %swap3A_2071], %gather3A_1939 {strides = array<i32>} : memref<8x2x8x128xf32, #tpu.memory_space<vmem>>, vector<16xf32>,
        %mul3A_2073 = arith.constant 16 : i32
        %mul3A_2074 = arith.muli %scan3A_534, %mul3A_2073 : i32
        %swap3A_2075 = arith.constant 5 : i32
        %swap3A_2076 = arith.constant 1 : i32
        %swap3A_2077 = arith.constant 6 : i32
        %swap3A_2078 = arith.index_cast %swap3A_2075 : i32 to index
        %swap3A_2079 = arith.index_cast %swap3A_2076 : i32 to index
        %swap3A_2080 = arith.index_cast %swap3A_2077 : i32 to index
        %swap3A_2081 = arith.index_cast %mul3A_2074 : i32 to index
        %swap3A_2082 = tpu.vector_load %arg9[%swap3A_2078, %swap3A_2079, %swap3A_2080, %swap3A_2081] {strides = array<i32>} : memref<8x2x8x128xf32, #tpu.memory_space<vmem>>, vector<16xf32>,
        tpu.vector_store %arg9[%swap3A_2078, %swap3A_2079, %swap3A_2080, %swap3A_2081], %gather3A_1940 {strides = array<i32>} : memref<8x2x8x128xf32, #tpu.memory_space<vmem>>, vector<16xf32>,
        %mul3A_2083 = arith.constant 16 : i32
        %mul3A_2084 = arith.muli %scan3A_534, %mul3A_2083 : i32
        %swap3A_2085 = arith.constant 5 : i32
        %swap3A_2086 = arith.constant 0 : i32
        %swap3A_2087 = arith.constant 7 : i32
        %swap3A_2088 = arith.index_cast %swap3A_2085 : i32 to index
        %swap3A_2089 = arith.index_cast %swap3A_2086 : i32 to index
        %swap3A_2090 = arith.index_cast %swap3A_2087 : i32 to index
        %swap3A_2091 = arith.index_cast %mul3A_2084 : i32 to index
        %swap3A_2092 = tpu.vector_load %arg9[%swap3A_2088, %swap3A_2089, %swap3A_2090, %swap3A_2091] {strides = array<i32>} : memref<8x2x8x128xf32, #tpu.memory_space<vmem>>, vector<16xf32>,
        tpu.vector_store %arg9[%swap3A_2088, %swap3A_2089, %swap3A_2090, %swap3A_2091], %gather3A_1941 {strides = array<i32>} : memref<8x2x8x128xf32, #tpu.memory_space<vmem>>, vector<16xf32>,
        %mul3A_2093 = arith.constant 16 : i32
        %mul3A_2094 = arith.muli %scan3A_534, %mul3A_2093 : i32
        %swap3A_2095 = arith.constant 5 : i32
        %swap3A_2096 = arith.constant 1 : i32
        %swap3A_2097 = arith.constant 7 : i32
        %swap3A_2098 = arith.index_cast %swap3A_2095 : i32 to index
        %swap3A_2099 = arith.index_cast %swap3A_2096 : i32 to index
        %swap3A_2100 = arith.index_cast %swap3A_2097 : i32 to index
        %swap3A_2101 = arith.index_cast %mul3A_2094 : i32 to index
        %swap3A_2102 = tpu.vector_load %arg9[%swap3A_2098, %swap3A_2099, %swap3A_2100, %swap3A_2101] {strides = array<i32>} : memref<8x2x8x128xf32, #tpu.memory_space<vmem>>, vector<16xf32>,
        tpu.vector_store %arg9[%swap3A_2098, %swap3A_2099, %swap3A_2100, %swap3A_2101], %gather3A_1942 {strides = array<i32>} : memref<8x2x8x128xf32, #tpu.memory_space<vmem>>, vector<16xf32>,
        %gather3A_2103 = tpu.vector_load_idx %arg8[%add3A_924] : memref<16640xf32, #tpu.memory_space<vmem>>[vector<16xi32>], vector<16xf32>,
        %gather3A_2104 = tpu.vector_load_idx %arg8[%add3A_928] : memref<16640xf32, #tpu.memory_space<vmem>>[vector<16xi32>], vector<16xf32>,
        %gather3A_2105 = tpu.vector_load_idx %arg8[%add3A_932] : memref<16640xf32, #tpu.memory_space<vmem>>[vector<16xi32>], vector<16xf32>,
        %gather3A_2106 = tpu.vector_load_idx %arg8[%add3A_936] : memref<16640xf32, #tpu.memory_space<vmem>>[vector<16xi32>], vector<16xf32>,
        %gather3A_2107 = tpu.vector_load_idx %arg8[%add3A_940] : memref<16640xf32, #tpu.memory_space<vmem>>[vector<16xi32>], vector<16xf32>,
        %gather3A_2108 = tpu.vector_load_idx %arg8[%add3A_944] : memref<16640xf32, #tpu.memory_space<vmem>>[vector<16xi32>], vector<16xf32>,
        %gather3A_2109 = tpu.vector_load_idx %arg8[%add3A_948] : memref<16640xf32, #tpu.memory_space<vmem>>[vector<16xi32>], vector<16xf32>,
        %gather3A_2110 = tpu.vector_load_idx %arg8[%add3A_952] : memref<16640xf32, #tpu.memory_space<vmem>>[vector<16xi32>], vector<16xf32>,
        %gather3A_2111 = tpu.vector_load_idx %arg8[%add3A_956] : memref<16640xf32, #tpu.memory_space<vmem>>[vector<16xi32>], vector<16xf32>,
        %gather3A_2112 = tpu.vector_load_idx %arg8[%add3A_960] : memref<16640xf32, #tpu.memory_space<vmem>>[vector<16xi32>], vector<16xf32>,
        %gather3A_2113 = tpu.vector_load_idx %arg8[%add3A_964] : memref<16640xf32, #tpu.memory_space<vmem>>[vector<16xi32>], vector<16xf32>,
        %gather3A_2114 = tpu.vector_load_idx %arg8[%add3A_968] : memref<16640xf32, #tpu.memory_space<vmem>>[vector<16xi32>], vector<16xf32>,
        %gather3A_2115 = tpu.vector_load_idx %arg8[%add3A_972] : memref<16640xf32, #tpu.memory_space<vmem>>[vector<16xi32>], vector<16xf32>,
        %gather3A_2116 = tpu.vector_load_idx %arg8[%add3A_976] : memref<16640xf32, #tpu.memory_space<vmem>>[vector<16xi32>], vector<16xf32>,
        %gather3A_2117 = tpu.vector_load_idx %arg8[%add3A_980] : memref<16640xf32, #tpu.memory_space<vmem>>[vector<16xi32>], vector<16xf32>,
        %gather3A_2118 = tpu.vector_load_idx %arg8[%add3A_984] : memref<16640xf32, #tpu.memory_space<vmem>>[vector<16xi32>], vector<16xf32>,
        %mul3A_2119 = arith.constant 16 : i32
        %mul3A_2120 = arith.muli %scan3A_534, %mul3A_2119 : i32
        %swap3A_2121 = arith.constant 6 : i32
        %swap3A_2122 = arith.constant 0 : i32
        %swap3A_2123 = arith.constant 0 : i32
        %swap3A_2124 = arith.index_cast %swap3A_2121 : i32 to index
        %swap3A_2125 = arith.index_cast %swap3A_2122 : i32 to index
        %swap3A_2126 = arith.index_cast %swap3A_2123 : i32 to index
        %swap3A_2127 = arith.index_cast %mul3A_2120 : i32 to index
        %swap3A_2128 = tpu.vector_load %arg9[%swap3A_2124, %swap3A_2125, %swap3A_2126, %swap3A_2127] {strides = array<i32>} : memref<8x2x8x128xf32, #tpu.memory_space<vmem>>, vector<16xf32>,
        tpu.vector_store %arg9[%swap3A_2124, %swap3A_2125, %swap3A_2126, %swap3A_2127], %gather3A_2103 {strides = array<i32>} : memref<8x2x8x128xf32, #tpu.memory_space<vmem>>, vector<16xf32>,
        %mul3A_2129 = arith.constant 16 : i32
        %mul3A_2130 = arith.muli %scan3A_534, %mul3A_2129 : i32
        %swap3A_2131 = arith.constant 6 : i32
        %swap3A_2132 = arith.constant 1 : i32
        %swap3A_2133 = arith.constant 0 : i32
        %swap3A_2134 = arith.index_cast %swap3A_2131 : i32 to index
        %swap3A_2135 = arith.index_cast %swap3A_2132 : i32 to index
        %swap3A_2136 = arith.index_cast %swap3A_2133 : i32 to index
        %swap3A_2137 = arith.index_cast %mul3A_2130 : i32 to index
        %swap3A_2138 = tpu.vector_load %arg9[%swap3A_2134, %swap3A_2135, %swap3A_2136, %swap3A_2137] {strides = array<i32>} : memref<8x2x8x128xf32, #tpu.memory_space<vmem>>, vector<16xf32>,
        tpu.vector_store %arg9[%swap3A_2134, %swap3A_2135, %swap3A_2136, %swap3A_2137], %gather3A_2104 {strides = array<i32>} : memref<8x2x8x128xf32, #tpu.memory_space<vmem>>, vector<16xf32>,
        %mul3A_2139 = arith.constant 16 : i32
        %mul3A_2140 = arith.muli %scan3A_534, %mul3A_2139 : i32
        %swap3A_2141 = arith.constant 6 : i32
        %swap3A_2142 = arith.constant 0 : i32
        %swap3A_2143 = arith.constant 1 : i32
        %swap3A_2144 = arith.index_cast %swap3A_2141 : i32 to index
        %swap3A_2145 = arith.index_cast %swap3A_2142 : i32 to index
        %swap3A_2146 = arith.index_cast %swap3A_2143 : i32 to index
        %swap3A_2147 = arith.index_cast %mul3A_2140 : i32 to index
        %swap3A_2148 = tpu.vector_load %arg9[%swap3A_2144, %swap3A_2145, %swap3A_2146, %swap3A_2147] {strides = array<i32>} : memref<8x2x8x128xf32, #tpu.memory_space<vmem>>, vector<16xf32>,
        tpu.vector_store %arg9[%swap3A_2144, %swap3A_2145, %swap3A_2146, %swap3A_2147], %gather3A_2105 {strides = array<i32>} : memref<8x2x8x128xf32, #tpu.memory_space<vmem>>, vector<16xf32>,
        %mul3A_2149 = arith.constant 16 : i32
        %mul3A_2150 = arith.muli %scan3A_534, %mul3A_2149 : i32
        %swap3A_2151 = arith.constant 6 : i32
        %swap3A_2152 = arith.constant 1 : i32
        %swap3A_2153 = arith.constant 1 : i32
        %swap3A_2154 = arith.index_cast %swap3A_2151 : i32 to index
        %swap3A_2155 = arith.index_cast %swap3A_2152 : i32 to index
        %swap3A_2156 = arith.index_cast %swap3A_2153 : i32 to index
        %swap3A_2157 = arith.index_cast %mul3A_2150 : i32 to index
        %swap3A_2158 = tpu.vector_load %arg9[%swap3A_2154, %swap3A_2155, %swap3A_2156, %swap3A_2157] {strides = array<i32>} : memref<8x2x8x128xf32, #tpu.memory_space<vmem>>, vector<16xf32>,
        tpu.vector_store %arg9[%swap3A_2154, %swap3A_2155, %swap3A_2156, %swap3A_2157], %gather3A_2106 {strides = array<i32>} : memref<8x2x8x128xf32, #tpu.memory_space<vmem>>, vector<16xf32>,
        %mul3A_2159 = arith.constant 16 : i32
        %mul3A_2160 = arith.muli %scan3A_534, %mul3A_2159 : i32
        %swap3A_2161 = arith.constant 6 : i32
        %swap3A_2162 = arith.constant 0 : i32
        %swap3A_2163 = arith.constant 2 : i32
        %swap3A_2164 = arith.index_cast %swap3A_2161 : i32 to index
        %swap3A_2165 = arith.index_cast %swap3A_2162 : i32 to index
        %swap3A_2166 = arith.index_cast %swap3A_2163 : i32 to index
        %swap3A_2167 = arith.index_cast %mul3A_2160 : i32 to index
        %swap3A_2168 = tpu.vector_load %arg9[%swap3A_2164, %swap3A_2165, %swap3A_2166, %swap3A_2167] {strides = array<i32>} : memref<8x2x8x128xf32, #tpu.memory_space<vmem>>, vector<16xf32>,
        tpu.vector_store %arg9[%swap3A_2164, %swap3A_2165, %swap3A_2166, %swap3A_2167], %gather3A_2107 {strides = array<i32>} : memref<8x2x8x128xf32, #tpu.memory_space<vmem>>, vector<16xf32>,
        %mul3A_2169 = arith.constant 16 : i32
        %mul3A_2170 = arith.muli %scan3A_534, %mul3A_2169 : i32
        %swap3A_2171 = arith.constant 6 : i32
        %swap3A_2172 = arith.constant 1 : i32
        %swap3A_2173 = arith.constant 2 : i32
        %swap3A_2174 = arith.index_cast %swap3A_2171 : i32 to index
        %swap3A_2175 = arith.index_cast %swap3A_2172 : i32 to index
        %swap3A_2176 = arith.index_cast %swap3A_2173 : i32 to index
        %swap3A_2177 = arith.index_cast %mul3A_2170 : i32 to index
        %swap3A_2178 = tpu.vector_load %arg9[%swap3A_2174, %swap3A_2175, %swap3A_2176, %swap3A_2177] {strides = array<i32>} : memref<8x2x8x128xf32, #tpu.memory_space<vmem>>, vector<16xf32>,
        tpu.vector_store %arg9[%swap3A_2174, %swap3A_2175, %swap3A_2176, %swap3A_2177], %gather3A_2108 {strides = array<i32>} : memref<8x2x8x128xf32, #tpu.memory_space<vmem>>, vector<16xf32>,
        %mul3A_2179 = arith.constant 16 : i32
        %mul3A_2180 = arith.muli %scan3A_534, %mul3A_2179 : i32
        %swap3A_2181 = arith.constant 6 : i32
        %swap3A_2182 = arith.constant 0 : i32
        %swap3A_2183 = arith.constant 3 : i32
        %swap3A_2184 = arith.index_cast %swap3A_2181 : i32 to index
        %swap3A_2185 = arith.index_cast %swap3A_2182 : i32 to index
        %swap3A_2186 = arith.index_cast %swap3A_2183 : i32 to index
        %swap3A_2187 = arith.index_cast %mul3A_2180 : i32 to index
        %swap3A_2188 = tpu.vector_load %arg9[%swap3A_2184, %swap3A_2185, %swap3A_2186, %swap3A_2187] {strides = array<i32>} : memref<8x2x8x128xf32, #tpu.memory_space<vmem>>, vector<16xf32>,
        tpu.vector_store %arg9[%swap3A_2184, %swap3A_2185, %swap3A_2186, %swap3A_2187], %gather3A_2109 {strides = array<i32>} : memref<8x2x8x128xf32, #tpu.memory_space<vmem>>, vector<16xf32>,
        %mul3A_2189 = arith.constant 16 : i32
        %mul3A_2190 = arith.muli %scan3A_534, %mul3A_2189 : i32
        %swap3A_2191 = arith.constant 6 : i32
        %swap3A_2192 = arith.constant 1 : i32
        %swap3A_2193 = arith.constant 3 : i32
        %swap3A_2194 = arith.index_cast %swap3A_2191 : i32 to index
        %swap3A_2195 = arith.index_cast %swap3A_2192 : i32 to index
        %swap3A_2196 = arith.index_cast %swap3A_2193 : i32 to index
        %swap3A_2197 = arith.index_cast %mul3A_2190 : i32 to index
        %swap3A_2198 = tpu.vector_load %arg9[%swap3A_2194, %swap3A_2195, %swap3A_2196, %swap3A_2197] {strides = array<i32>} : memref<8x2x8x128xf32, #tpu.memory_space<vmem>>, vector<16xf32>,
        tpu.vector_store %arg9[%swap3A_2194, %swap3A_2195, %swap3A_2196, %swap3A_2197], %gather3A_2110 {strides = array<i32>} : memref<8x2x8x128xf32, #tpu.memory_space<vmem>>, vector<16xf32>,
        %mul3A_2199 = arith.constant 16 : i32
        %mul3A_2200 = arith.muli %scan3A_534, %mul3A_2199 : i32
        %swap3A_2201 = arith.constant 6 : i32
        %swap3A_2202 = arith.constant 0 : i32
        %swap3A_2203 = arith.constant 4 : i32
        %swap3A_2204 = arith.index_cast %swap3A_2201 : i32 to index
        %swap3A_2205 = arith.index_cast %swap3A_2202 : i32 to index
        %swap3A_2206 = arith.index_cast %swap3A_2203 : i32 to index
        %swap3A_2207 = arith.index_cast %mul3A_2200 : i32 to index
        %swap3A_2208 = tpu.vector_load %arg9[%swap3A_2204, %swap3A_2205, %swap3A_2206, %swap3A_2207] {strides = array<i32>} : memref<8x2x8x128xf32, #tpu.memory_space<vmem>>, vector<16xf32>,
        tpu.vector_store %arg9[%swap3A_2204, %swap3A_2205, %swap3A_2206, %swap3A_2207], %gather3A_2111 {strides = array<i32>} : memref<8x2x8x128xf32, #tpu.memory_space<vmem>>, vector<16xf32>,
        %mul3A_2209 = arith.constant 16 : i32
        %mul3A_2210 = arith.muli %scan3A_534, %mul3A_2209 : i32
        %swap3A_2211 = arith.constant 6 : i32
        %swap3A_2212 = arith.constant 1 : i32
        %swap3A_2213 = arith.constant 4 : i32
        %swap3A_2214 = arith.index_cast %swap3A_2211 : i32 to index
        %swap3A_2215 = arith.index_cast %swap3A_2212 : i32 to index
        %swap3A_2216 = arith.index_cast %swap3A_2213 : i32 to index
        %swap3A_2217 = arith.index_cast %mul3A_2210 : i32 to index
        %swap3A_2218 = tpu.vector_load %arg9[%swap3A_2214, %swap3A_2215, %swap3A_2216, %swap3A_2217] {strides = array<i32>} : memref<8x2x8x128xf32, #tpu.memory_space<vmem>>, vector<16xf32>,
        tpu.vector_store %arg9[%swap3A_2214, %swap3A_2215, %swap3A_2216, %swap3A_2217], %gather3A_2112 {strides = array<i32>} : memref<8x2x8x128xf32, #tpu.memory_space<vmem>>, vector<16xf32>,
        %mul3A_2219 = arith.constant 16 : i32
        %mul3A_2220 = arith.muli %scan3A_534, %mul3A_2219 : i32
        %swap3A_2221 = arith.constant 6 : i32
        %swap3A_2222 = arith.constant 0 : i32
        %swap3A_2223 = arith.constant 5 : i32
        %swap3A_2224 = arith.index_cast %swap3A_2221 : i32 to index
        %swap3A_2225 = arith.index_cast %swap3A_2222 : i32 to index
        %swap3A_2226 = arith.index_cast %swap3A_2223 : i32 to index
        %swap3A_2227 = arith.index_cast %mul3A_2220 : i32 to index
        %swap3A_2228 = tpu.vector_load %arg9[%swap3A_2224, %swap3A_2225, %swap3A_2226, %swap3A_2227] {strides = array<i32>} : memref<8x2x8x128xf32, #tpu.memory_space<vmem>>, vector<16xf32>,
        tpu.vector_store %arg9[%swap3A_2224, %swap3A_2225, %swap3A_2226, %swap3A_2227], %gather3A_2113 {strides = array<i32>} : memref<8x2x8x128xf32, #tpu.memory_space<vmem>>, vector<16xf32>,
        %mul3A_2229 = arith.constant 16 : i32
        %mul3A_2230 = arith.muli %scan3A_534, %mul3A_2229 : i32
        %swap3A_2231 = arith.constant 6 : i32
        %swap3A_2232 = arith.constant 1 : i32
        %swap3A_2233 = arith.constant 5 : i32
        %swap3A_2234 = arith.index_cast %swap3A_2231 : i32 to index
        %swap3A_2235 = arith.index_cast %swap3A_2232 : i32 to index
        %swap3A_2236 = arith.index_cast %swap3A_2233 : i32 to index
        %swap3A_2237 = arith.index_cast %mul3A_2230 : i32 to index
        %swap3A_2238 = tpu.vector_load %arg9[%swap3A_2234, %swap3A_2235, %swap3A_2236, %swap3A_2237] {strides = array<i32>} : memref<8x2x8x128xf32, #tpu.memory_space<vmem>>, vector<16xf32>,
        tpu.vector_store %arg9[%swap3A_2234, %swap3A_2235, %swap3A_2236, %swap3A_2237], %gather3A_2114 {strides = array<i32>} : memref<8x2x8x128xf32, #tpu.memory_space<vmem>>, vector<16xf32>,
        %mul3A_2239 = arith.constant 16 : i32
        %mul3A_2240 = arith.muli %scan3A_534, %mul3A_2239 : i32
        %swap3A_2241 = arith.constant 6 : i32
        %swap3A_2242 = arith.constant 0 : i32
        %swap3A_2243 = arith.constant 6 : i32
        %swap3A_2244 = arith.index_cast %swap3A_2241 : i32 to index
        %swap3A_2245 = arith.index_cast %swap3A_2242 : i32 to index
        %swap3A_2246 = arith.index_cast %swap3A_2243 : i32 to index
        %swap3A_2247 = arith.index_cast %mul3A_2240 : i32 to index
        %swap3A_2248 = tpu.vector_load %arg9[%swap3A_2244, %swap3A_2245, %swap3A_2246, %swap3A_2247] {strides = array<i32>} : memref<8x2x8x128xf32, #tpu.memory_space<vmem>>, vector<16xf32>,
        tpu.vector_store %arg9[%swap3A_2244, %swap3A_2245, %swap3A_2246, %swap3A_2247], %gather3A_2115 {strides = array<i32>} : memref<8x2x8x128xf32, #tpu.memory_space<vmem>>, vector<16xf32>,
        %mul3A_2249 = arith.constant 16 : i32
        %mul3A_2250 = arith.muli %scan3A_534, %mul3A_2249 : i32
        %swap3A_2251 = arith.constant 6 : i32
        %swap3A_2252 = arith.constant 1 : i32
        %swap3A_2253 = arith.constant 6 : i32
        %swap3A_2254 = arith.index_cast %swap3A_2251 : i32 to index
        %swap3A_2255 = arith.index_cast %swap3A_2252 : i32 to index
        %swap3A_2256 = arith.index_cast %swap3A_2253 : i32 to index
        %swap3A_2257 = arith.index_cast %mul3A_2250 : i32 to index
        %swap3A_2258 = tpu.vector_load %arg9[%swap3A_2254, %swap3A_2255, %swap3A_2256, %swap3A_2257] {strides = array<i32>} : memref<8x2x8x128xf32, #tpu.memory_space<vmem>>, vector<16xf32>,
        tpu.vector_store %arg9[%swap3A_2254, %swap3A_2255, %swap3A_2256, %swap3A_2257], %gather3A_2116 {strides = array<i32>} : memref<8x2x8x128xf32, #tpu.memory_space<vmem>>, vector<16xf32>,
        %mul3A_2259 = arith.constant 16 : i32
        %mul3A_2260 = arith.muli %scan3A_534, %mul3A_2259 : i32
        %swap3A_2261 = arith.constant 6 : i32
        %swap3A_2262 = arith.constant 0 : i32
        %swap3A_2263 = arith.constant 7 : i32
        %swap3A_2264 = arith.index_cast %swap3A_2261 : i32 to index
        %swap3A_2265 = arith.index_cast %swap3A_2262 : i32 to index
        %swap3A_2266 = arith.index_cast %swap3A_2263 : i32 to index
        %swap3A_2267 = arith.index_cast %mul3A_2260 : i32 to index
        %swap3A_2268 = tpu.vector_load %arg9[%swap3A_2264, %swap3A_2265, %swap3A_2266, %swap3A_2267] {strides = array<i32>} : memref<8x2x8x128xf32, #tpu.memory_space<vmem>>, vector<16xf32>,
        tpu.vector_store %arg9[%swap3A_2264, %swap3A_2265, %swap3A_2266, %swap3A_2267], %gather3A_2117 {strides = array<i32>} : memref<8x2x8x128xf32, #tpu.memory_space<vmem>>, vector<16xf32>,
        %mul3A_2269 = arith.constant 16 : i32
        %mul3A_2270 = arith.muli %scan3A_534, %mul3A_2269 : i32
        %swap3A_2271 = arith.constant 6 : i32
        %swap3A_2272 = arith.constant 1 : i32
        %swap3A_2273 = arith.constant 7 : i32
        %swap3A_2274 = arith.index_cast %swap3A_2271 : i32 to index
        %swap3A_2275 = arith.index_cast %swap3A_2272 : i32 to index
        %swap3A_2276 = arith.index_cast %swap3A_2273 : i32 to index
        %swap3A_2277 = arith.index_cast %mul3A_2270 : i32 to index
        %swap3A_2278 = tpu.vector_load %arg9[%swap3A_2274, %swap3A_2275, %swap3A_2276, %swap3A_2277] {strides = array<i32>} : memref<8x2x8x128xf32, #tpu.memory_space<vmem>>, vector<16xf32>,
        tpu.vector_store %arg9[%swap3A_2274, %swap3A_2275, %swap3A_2276, %swap3A_2277], %gather3A_2118 {strides = array<i32>} : memref<8x2x8x128xf32, #tpu.memory_space<vmem>>, vector<16xf32>,
        %gather3A_2279 = tpu.vector_load_idx %arg8[%add3A_988] : memref<16640xf32, #tpu.memory_space<vmem>>[vector<16xi32>], vector<16xf32>,
        %gather3A_2280 = tpu.vector_load_idx %arg8[%add3A_992] : memref<16640xf32, #tpu.memory_space<vmem>>[vector<16xi32>], vector<16xf32>,
        %gather3A_2281 = tpu.vector_load_idx %arg8[%add3A_996] : memref<16640xf32, #tpu.memory_space<vmem>>[vector<16xi32>], vector<16xf32>,
        %gather3A_2282 = tpu.vector_load_idx %arg8[%add3A_1000] : memref<16640xf32, #tpu.memory_space<vmem>>[vector<16xi32>], vector<16xf32>,
        %gather3A_2283 = tpu.vector_load_idx %arg8[%add3A_1004] : memref<16640xf32, #tpu.memory_space<vmem>>[vector<16xi32>], vector<16xf32>,
        %gather3A_2284 = tpu.vector_load_idx %arg8[%add3A_1008] : memref<16640xf32, #tpu.memory_space<vmem>>[vector<16xi32>], vector<16xf32>,
        %gather3A_2285 = tpu.vector_load_idx %arg8[%add3A_1012] : memref<16640xf32, #tpu.memory_space<vmem>>[vector<16xi32>], vector<16xf32>,
        %gather3A_2286 = tpu.vector_load_idx %arg8[%add3A_1016] : memref<16640xf32, #tpu.memory_space<vmem>>[vector<16xi32>], vector<16xf32>,
        %gather3A_2287 = tpu.vector_load_idx %arg8[%add3A_1020] : memref<16640xf32, #tpu.memory_space<vmem>>[vector<16xi32>], vector<16xf32>,
        %gather3A_2288 = tpu.vector_load_idx %arg8[%add3A_1024] : memref<16640xf32, #tpu.memory_space<vmem>>[vector<16xi32>], vector<16xf32>,
        %gather3A_2289 = tpu.vector_load_idx %arg8[%add3A_1028] : memref<16640xf32, #tpu.memory_space<vmem>>[vector<16xi32>], vector<16xf32>,
        %gather3A_2290 = tpu.vector_load_idx %arg8[%add3A_1032] : memref<16640xf32, #tpu.memory_space<vmem>>[vector<16xi32>], vector<16xf32>,
        %gather3A_2291 = tpu.vector_load_idx %arg8[%add3A_1036] : memref<16640xf32, #tpu.memory_space<vmem>>[vector<16xi32>], vector<16xf32>,
        %gather3A_2292 = tpu.vector_load_idx %arg8[%add3A_1040] : memref<16640xf32, #tpu.memory_space<vmem>>[vector<16xi32>], vector<16xf32>,
        %gather3A_2293 = tpu.vector_load_idx %arg8[%add3A_1044] : memref<16640xf32, #tpu.memory_space<vmem>>[vector<16xi32>], vector<16xf32>,
        %gather3A_2294 = tpu.vector_load_idx %arg8[%add3A_1048] : memref<16640xf32, #tpu.memory_space<vmem>>[vector<16xi32>], vector<16xf32>,
        %mul3A_2295 = arith.constant 16 : i32
        %mul3A_2296 = arith.muli %scan3A_534, %mul3A_2295 : i32
        %swap3A_2297 = arith.constant 7 : i32
        %swap3A_2298 = arith.constant 0 : i32
        %swap3A_2299 = arith.constant 0 : i32
        %swap3A_2300 = arith.index_cast %swap3A_2297 : i32 to index
        %swap3A_2301 = arith.index_cast %swap3A_2298 : i32 to index
        %swap3A_2302 = arith.index_cast %swap3A_2299 : i32 to index
        %swap3A_2303 = arith.index_cast %mul3A_2296 : i32 to index
        %swap3A_2304 = tpu.vector_load %arg9[%swap3A_2300, %swap3A_2301, %swap3A_2302, %swap3A_2303] {strides = array<i32>} : memref<8x2x8x128xf32, #tpu.memory_space<vmem>>, vector<16xf32>,
        tpu.vector_store %arg9[%swap3A_2300, %swap3A_2301, %swap3A_2302, %swap3A_2303], %gather3A_2279 {strides = array<i32>} : memref<8x2x8x128xf32, #tpu.memory_space<vmem>>, vector<16xf32>,
        %mul3A_2305 = arith.constant 16 : i32
        %mul3A_2306 = arith.muli %scan3A_534, %mul3A_2305 : i32
        %swap3A_2307 = arith.constant 7 : i32
        %swap3A_2308 = arith.constant 1 : i32
        %swap3A_2309 = arith.constant 0 : i32
        %swap3A_2310 = arith.index_cast %swap3A_2307 : i32 to index
        %swap3A_2311 = arith.index_cast %swap3A_2308 : i32 to index
        %swap3A_2312 = arith.index_cast %swap3A_2309 : i32 to index
        %swap3A_2313 = arith.index_cast %mul3A_2306 : i32 to index
        %swap3A_2314 = tpu.vector_load %arg9[%swap3A_2310, %swap3A_2311, %swap3A_2312, %swap3A_2313] {strides = array<i32>} : memref<8x2x8x128xf32, #tpu.memory_space<vmem>>, vector<16xf32>,
        tpu.vector_store %arg9[%swap3A_2310, %swap3A_2311, %swap3A_2312, %swap3A_2313], %gather3A_2280 {strides = array<i32>} : memref<8x2x8x128xf32, #tpu.memory_space<vmem>>, vector<16xf32>,
        %mul3A_2315 = arith.constant 16 : i32
        %mul3A_2316 = arith.muli %scan3A_534, %mul3A_2315 : i32
        %swap3A_2317 = arith.constant 7 : i32
        %swap3A_2318 = arith.constant 0 : i32
        %swap3A_2319 = arith.constant 1 : i32
        %swap3A_2320 = arith.index_cast %swap3A_2317 : i32 to index
        %swap3A_2321 = arith.index_cast %swap3A_2318 : i32 to index
        %swap3A_2322 = arith.index_cast %swap3A_2319 : i32 to index
        %swap3A_2323 = arith.index_cast %mul3A_2316 : i32 to index
        %swap3A_2324 = tpu.vector_load %arg9[%swap3A_2320, %swap3A_2321, %swap3A_2322, %swap3A_2323] {strides = array<i32>} : memref<8x2x8x128xf32, #tpu.memory_space<vmem>>, vector<16xf32>,
        tpu.vector_store %arg9[%swap3A_2320, %swap3A_2321, %swap3A_2322, %swap3A_2323], %gather3A_2281 {strides = array<i32>} : memref<8x2x8x128xf32, #tpu.memory_space<vmem>>, vector<16xf32>,
        %mul3A_2325 = arith.constant 16 : i32
        %mul3A_2326 = arith.muli %scan3A_534, %mul3A_2325 : i32
        %swap3A_2327 = arith.constant 7 : i32
        %swap3A_2328 = arith.constant 1 : i32
        %swap3A_2329 = arith.constant 1 : i32
        %swap3A_2330 = arith.index_cast %swap3A_2327 : i32 to index
        %swap3A_2331 = arith.index_cast %swap3A_2328 : i32 to index
        %swap3A_2332 = arith.index_cast %swap3A_2329 : i32 to index
        %swap3A_2333 = arith.index_cast %mul3A_2326 : i32 to index
        %swap3A_2334 = tpu.vector_load %arg9[%swap3A_2330, %swap3A_2331, %swap3A_2332, %swap3A_2333] {strides = array<i32>} : memref<8x2x8x128xf32, #tpu.memory_space<vmem>>, vector<16xf32>,
        tpu.vector_store %arg9[%swap3A_2330, %swap3A_2331, %swap3A_2332, %swap3A_2333], %gather3A_2282 {strides = array<i32>} : memref<8x2x8x128xf32, #tpu.memory_space<vmem>>, vector<16xf32>,
        %mul3A_2335 = arith.constant 16 : i32
        %mul3A_2336 = arith.muli %scan3A_534, %mul3A_2335 : i32
        %swap3A_2337 = arith.constant 7 : i32
        %swap3A_2338 = arith.constant 0 : i32
        %swap3A_2339 = arith.constant 2 : i32
        %swap3A_2340 = arith.index_cast %swap3A_2337 : i32 to index
        %swap3A_2341 = arith.index_cast %swap3A_2338 : i32 to index
        %swap3A_2342 = arith.index_cast %swap3A_2339 : i32 to index
        %swap3A_2343 = arith.index_cast %mul3A_2336 : i32 to index
        %swap3A_2344 = tpu.vector_load %arg9[%swap3A_2340, %swap3A_2341, %swap3A_2342, %swap3A_2343] {strides = array<i32>} : memref<8x2x8x128xf32, #tpu.memory_space<vmem>>, vector<16xf32>,
        tpu.vector_store %arg9[%swap3A_2340, %swap3A_2341, %swap3A_2342, %swap3A_2343], %gather3A_2283 {strides = array<i32>} : memref<8x2x8x128xf32, #tpu.memory_space<vmem>>, vector<16xf32>,
        %mul3A_2345 = arith.constant 16 : i32
        %mul3A_2346 = arith.muli %scan3A_534, %mul3A_2345 : i32
        %swap3A_2347 = arith.constant 7 : i32
        %swap3A_2348 = arith.constant 1 : i32
        %swap3A_2349 = arith.constant 2 : i32
        %swap3A_2350 = arith.index_cast %swap3A_2347 : i32 to index
        %swap3A_2351 = arith.index_cast %swap3A_2348 : i32 to index
        %swap3A_2352 = arith.index_cast %swap3A_2349 : i32 to index
        %swap3A_2353 = arith.index_cast %mul3A_2346 : i32 to index
        %swap3A_2354 = tpu.vector_load %arg9[%swap3A_2350, %swap3A_2351, %swap3A_2352, %swap3A_2353] {strides = array<i32>} : memref<8x2x8x128xf32, #tpu.memory_space<vmem>>, vector<16xf32>,
        tpu.vector_store %arg9[%swap3A_2350, %swap3A_2351, %swap3A_2352, %swap3A_2353], %gather3A_2284 {strides = array<i32>} : memref<8x2x8x128xf32, #tpu.memory_space<vmem>>, vector<16xf32>,
        %mul3A_2355 = arith.constant 16 : i32
        %mul3A_2356 = arith.muli %scan3A_534, %mul3A_2355 : i32
        %swap3A_2357 = arith.constant 7 : i32
        %swap3A_2358 = arith.constant 0 : i32
        %swap3A_2359 = arith.constant 3 : i32
        %swap3A_2360 = arith.index_cast %swap3A_2357 : i32 to index
        %swap3A_2361 = arith.index_cast %swap3A_2358 : i32 to index
        %swap3A_2362 = arith.index_cast %swap3A_2359 : i32 to index
        %swap3A_2363 = arith.index_cast %mul3A_2356 : i32 to index
        %swap3A_2364 = tpu.vector_load %arg9[%swap3A_2360, %swap3A_2361, %swap3A_2362, %swap3A_2363] {strides = array<i32>} : memref<8x2x8x128xf32, #tpu.memory_space<vmem>>, vector<16xf32>,
        tpu.vector_store %arg9[%swap3A_2360, %swap3A_2361, %swap3A_2362, %swap3A_2363], %gather3A_2285 {strides = array<i32>} : memref<8x2x8x128xf32, #tpu.memory_space<vmem>>, vector<16xf32>,
        %mul3A_2365 = arith.constant 16 : i32
        %mul3A_2366 = arith.muli %scan3A_534, %mul3A_2365 : i32
        %swap3A_2367 = arith.constant 7 : i32
        %swap3A_2368 = arith.constant 1 : i32
        %swap3A_2369 = arith.constant 3 : i32
        %swap3A_2370 = arith.index_cast %swap3A_2367 : i32 to index
        %swap3A_2371 = arith.index_cast %swap3A_2368 : i32 to index
        %swap3A_2372 = arith.index_cast %swap3A_2369 : i32 to index
        %swap3A_2373 = arith.index_cast %mul3A_2366 : i32 to index
        %swap3A_2374 = tpu.vector_load %arg9[%swap3A_2370, %swap3A_2371, %swap3A_2372, %swap3A_2373] {strides = array<i32>} : memref<8x2x8x128xf32, #tpu.memory_space<vmem>>, vector<16xf32>,
        tpu.vector_store %arg9[%swap3A_2370, %swap3A_2371, %swap3A_2372, %swap3A_2373], %gather3A_2286 {strides = array<i32>} : memref<8x2x8x128xf32, #tpu.memory_space<vmem>>, vector<16xf32>,
        %mul3A_2375 = arith.constant 16 : i32
        %mul3A_2376 = arith.muli %scan3A_534, %mul3A_2375 : i32
        %swap3A_2377 = arith.constant 7 : i32
        %swap3A_2378 = arith.constant 0 : i32
        %swap3A_2379 = arith.constant 4 : i32
        %swap3A_2380 = arith.index_cast %swap3A_2377 : i32 to index
        %swap3A_2381 = arith.index_cast %swap3A_2378 : i32 to index
        %swap3A_2382 = arith.index_cast %swap3A_2379 : i32 to index
        %swap3A_2383 = arith.index_cast %mul3A_2376 : i32 to index
        %swap3A_2384 = tpu.vector_load %arg9[%swap3A_2380, %swap3A_2381, %swap3A_2382, %swap3A_2383] {strides = array<i32>} : memref<8x2x8x128xf32, #tpu.memory_space<vmem>>, vector<16xf32>,
        tpu.vector_store %arg9[%swap3A_2380, %swap3A_2381, %swap3A_2382, %swap3A_2383], %gather3A_2287 {strides = array<i32>} : memref<8x2x8x128xf32, #tpu.memory_space<vmem>>, vector<16xf32>,
        %mul3A_2385 = arith.constant 16 : i32
        %mul3A_2386 = arith.muli %scan3A_534, %mul3A_2385 : i32
        %swap3A_2387 = arith.constant 7 : i32
        %swap3A_2388 = arith.constant 1 : i32
        %swap3A_2389 = arith.constant 4 : i32
        %swap3A_2390 = arith.index_cast %swap3A_2387 : i32 to index
        %swap3A_2391 = arith.index_cast %swap3A_2388 : i32 to index
        %swap3A_2392 = arith.index_cast %swap3A_2389 : i32 to index
        %swap3A_2393 = arith.index_cast %mul3A_2386 : i32 to index
        %swap3A_2394 = tpu.vector_load %arg9[%swap3A_2390, %swap3A_2391, %swap3A_2392, %swap3A_2393] {strides = array<i32>} : memref<8x2x8x128xf32, #tpu.memory_space<vmem>>, vector<16xf32>,
        tpu.vector_store %arg9[%swap3A_2390, %swap3A_2391, %swap3A_2392, %swap3A_2393], %gather3A_2288 {strides = array<i32>} : memref<8x2x8x128xf32, #tpu.memory_space<vmem>>, vector<16xf32>,
        %mul3A_2395 = arith.constant 16 : i32
        %mul3A_2396 = arith.muli %scan3A_534, %mul3A_2395 : i32
        %swap3A_2397 = arith.constant 7 : i32
        %swap3A_2398 = arith.constant 0 : i32
        %swap3A_2399 = arith.constant 5 : i32
        %swap3A_2400 = arith.index_cast %swap3A_2397 : i32 to index
        %swap3A_2401 = arith.index_cast %swap3A_2398 : i32 to index
        %swap3A_2402 = arith.index_cast %swap3A_2399 : i32 to index
        %swap3A_2403 = arith.index_cast %mul3A_2396 : i32 to index
        %swap3A_2404 = tpu.vector_load %arg9[%swap3A_2400, %swap3A_2401, %swap3A_2402, %swap3A_2403] {strides = array<i32>} : memref<8x2x8x128xf32, #tpu.memory_space<vmem>>, vector<16xf32>,
        tpu.vector_store %arg9[%swap3A_2400, %swap3A_2401, %swap3A_2402, %swap3A_2403], %gather3A_2289 {strides = array<i32>} : memref<8x2x8x128xf32, #tpu.memory_space<vmem>>, vector<16xf32>,
        %mul3A_2405 = arith.constant 16 : i32
        %mul3A_2406 = arith.muli %scan3A_534, %mul3A_2405 : i32
        %swap3A_2407 = arith.constant 7 : i32
        %swap3A_2408 = arith.constant 1 : i32
        %swap3A_2409 = arith.constant 5 : i32
        %swap3A_2410 = arith.index_cast %swap3A_2407 : i32 to index
        %swap3A_2411 = arith.index_cast %swap3A_2408 : i32 to index
        %swap3A_2412 = arith.index_cast %swap3A_2409 : i32 to index
        %swap3A_2413 = arith.index_cast %mul3A_2406 : i32 to index
        %swap3A_2414 = tpu.vector_load %arg9[%swap3A_2410, %swap3A_2411, %swap3A_2412, %swap3A_2413] {strides = array<i32>} : memref<8x2x8x128xf32, #tpu.memory_space<vmem>>, vector<16xf32>,
        tpu.vector_store %arg9[%swap3A_2410, %swap3A_2411, %swap3A_2412, %swap3A_2413], %gather3A_2290 {strides = array<i32>} : memref<8x2x8x128xf32, #tpu.memory_space<vmem>>, vector<16xf32>,
        %mul3A_2415 = arith.constant 16 : i32
        %mul3A_2416 = arith.muli %scan3A_534, %mul3A_2415 : i32
        %swap3A_2417 = arith.constant 7 : i32
        %swap3A_2418 = arith.constant 0 : i32
        %swap3A_2419 = arith.constant 6 : i32
        %swap3A_2420 = arith.index_cast %swap3A_2417 : i32 to index
        %swap3A_2421 = arith.index_cast %swap3A_2418 : i32 to index
        %swap3A_2422 = arith.index_cast %swap3A_2419 : i32 to index
        %swap3A_2423 = arith.index_cast %mul3A_2416 : i32 to index
        %swap3A_2424 = tpu.vector_load %arg9[%swap3A_2420, %swap3A_2421, %swap3A_2422, %swap3A_2423] {strides = array<i32>} : memref<8x2x8x128xf32, #tpu.memory_space<vmem>>, vector<16xf32>,
        tpu.vector_store %arg9[%swap3A_2420, %swap3A_2421, %swap3A_2422, %swap3A_2423], %gather3A_2291 {strides = array<i32>} : memref<8x2x8x128xf32, #tpu.memory_space<vmem>>, vector<16xf32>,
        %mul3A_2425 = arith.constant 16 : i32
        %mul3A_2426 = arith.muli %scan3A_534, %mul3A_2425 : i32
        %swap3A_2427 = arith.constant 7 : i32
        %swap3A_2428 = arith.constant 1 : i32
        %swap3A_2429 = arith.constant 6 : i32
        %swap3A_2430 = arith.index_cast %swap3A_2427 : i32 to index
        %swap3A_2431 = arith.index_cast %swap3A_2428 : i32 to index
        %swap3A_2432 = arith.index_cast %swap3A_2429 : i32 to index
        %swap3A_2433 = arith.index_cast %mul3A_2426 : i32 to index
        %swap3A_2434 = tpu.vector_load %arg9[%swap3A_2430, %swap3A_2431, %swap3A_2432, %swap3A_2433] {strides = array<i32>} : memref<8x2x8x128xf32, #tpu.memory_space<vmem>>, vector<16xf32>,
        tpu.vector_store %arg9[%swap3A_2430, %swap3A_2431, %swap3A_2432, %swap3A_2433], %gather3A_2292 {strides = array<i32>} : memref<8x2x8x128xf32, #tpu.memory_space<vmem>>, vector<16xf32>,
        %mul3A_2435 = arith.constant 16 : i32
        %mul3A_2436 = arith.muli %scan3A_534, %mul3A_2435 : i32
        %swap3A_2437 = arith.constant 7 : i32
        %swap3A_2438 = arith.constant 0 : i32
        %swap3A_2439 = arith.constant 7 : i32
        %swap3A_2440 = arith.index_cast %swap3A_2437 : i32 to index
        %swap3A_2441 = arith.index_cast %swap3A_2438 : i32 to index
        %swap3A_2442 = arith.index_cast %swap3A_2439 : i32 to index
        %swap3A_2443 = arith.index_cast %mul3A_2436 : i32 to index
        %swap3A_2444 = tpu.vector_load %arg9[%swap3A_2440, %swap3A_2441, %swap3A_2442, %swap3A_2443] {strides = array<i32>} : memref<8x2x8x128xf32, #tpu.memory_space<vmem>>, vector<16xf32>,
        tpu.vector_store %arg9[%swap3A_2440, %swap3A_2441, %swap3A_2442, %swap3A_2443], %gather3A_2293 {strides = array<i32>} : memref<8x2x8x128xf32, #tpu.memory_space<vmem>>, vector<16xf32>,
        %mul3A_2445 = arith.constant 16 : i32
        %mul3A_2446 = arith.muli %scan3A_534, %mul3A_2445 : i32
        %swap3A_2447 = arith.constant 7 : i32
        %swap3A_2448 = arith.constant 1 : i32
        %swap3A_2449 = arith.constant 7 : i32
        %swap3A_2450 = arith.index_cast %swap3A_2447 : i32 to index
        %swap3A_2451 = arith.index_cast %swap3A_2448 : i32 to index
        %swap3A_2452 = arith.index_cast %swap3A_2449 : i32 to index
        %swap3A_2453 = arith.index_cast %mul3A_2446 : i32 to index
        %swap3A_2454 = tpu.vector_load %arg9[%swap3A_2450, %swap3A_2451, %swap3A_2452, %swap3A_2453] {strides = array<i32>} : memref<8x2x8x128xf32, #tpu.memory_space<vmem>>, vector<16xf32>,
        tpu.vector_store %arg9[%swap3A_2450, %swap3A_2451, %swap3A_2452, %swap3A_2453], %gather3A_2294 {strides = array<i32>} : memref<8x2x8x128xf32, #tpu.memory_space<vmem>>, vector<16xf32>,
      }
      %scan3A_105 = arith.constant 8 : i32
      %mul3A_106 = arith.constant 2 : i32
      %mul3A_107 = arith.muli %mul3A_57, %mul3A_106 : i32
      %add3A_108 = arith.addi %mul3A_2, %mul3A_107 : i32
      %jit3A = arith.constant 32 : i32
      %div3A = arith.divsi %add3A_108, %jit3A : i32
      %sign3A = arith.constant 0 : i32
      %sign3A_109 = arith.cmpi sgt, %add3A_108, %sign3A : i32
      %sign3A_110 = arith.extui %sign3A_109 : i1 to i32
      %sign3A_111 = arith.constant 0 : i32
      %sign3A_112 = arith.cmpi slt, %add3A_108, %sign3A_111 : i32
      %sign3A_113 = arith.extui %sign3A_112 : i1 to i32
      %sign3A_114 = arith.subi %sign3A_110, %sign3A_113 : i32
      %sign3A_115 = arith.constant 0 : i32
      %sign3A_116 = arith.cmpi sgt, %jit3A, %sign3A_115 : i32
      %sign3A_117 = arith.extui %sign3A_116 : i1 to i32
      %sign3A_118 = arith.constant 0 : i32
      %sign3A_119 = arith.cmpi slt, %jit3A, %sign3A_118 : i32
      %sign3A_120 = arith.extui %sign3A_119 : i1 to i32
      %sign3A_121 = arith.subi %sign3A_117, %sign3A_120 : i32
      %ne3A = arith.cmpi ne, %sign3A_114, %sign3A_121 : i32
      %rem3A = arith.remsi %add3A_108, %jit3A : i32
      %ne3A_122 = arith.constant 0 : i32
      %ne3A_123 = arith.cmpi ne, %rem3A, %ne3A_122 : i32
      %and3A = arith.andi %ne3A, %ne3A_123 : i1
      %sub3A = arith.constant 1 : i32
      %sub3A_124 = arith.subi %div3A, %sub3A : i32
      %select_n3A = arith.select %and3A, %sub3A_124, %div3A : i32
      %jit3A_125 = arith.constant 32 : i32
      %eq3A = arith.constant 0 : i32
      %eq3A_126 = arith.cmpi eq, %jit3A_125, %eq3A : i32
      %jit3A_127 = arith.constant 1 : i32
      %select_n3A_128 = arith.select %eq3A_126, %jit3A_127, %jit3A_125 : i32
      %rem3A_129 = arith.remsi %add3A_108, %select_n3A_128 : i32
      %ne3A_130 = arith.constant 0 : i32
      %ne3A_131 = arith.cmpi ne, %rem3A_129, %ne3A_130 : i32
      %lt3A = arith.constant 0 : i32
      %lt3A_132 = arith.cmpi slt, %rem3A_129, %lt3A : i32
      %lt3A_133 = arith.constant 0 : i32
      %lt3A_134 = arith.cmpi slt, %select_n3A_128, %lt3A_133 : i32
      %ne3A_135 = arith.xori %lt3A_132, %lt3A_134 : i1
      %and3A_136 = arith.andi %ne3A_135, %ne3A_131 : i1
      %add3A_137 = arith.addi %rem3A_129, %select_n3A_128 : i32
      %select_n3A_138 = arith.select %and3A_136, %add3A_137, %rem3A_129 : i32
      %dma_start3A_139 = arith.constant 0 : i32
      %dma_start3A_140 = arith.constant 0 : i32
      %dma_start3A_141 = arith.constant 0 : i32
      %dma_start3A_142 = arith.constant 0 : i32
      %dma_start3A_143 = arith.constant 0 : i32
      %dma_start3A_144 = tpu.memref_slice %arg9[%dma_start3A_139, %dma_start3A_141, %dma_start3A_142, %dma_start3A_143] : memref<8x2x8x128xf32, #tpu.memory_space<vmem>> -> memref<1x2x8x128xf32, #tpu.memory_space<vmem>>
      %dma_start3A_145 = tpu.memref_squeeze %dma_start3A_144 : memref<1x2x8x128xf32, #tpu.memory_space<vmem>> -> memref<2x8x128xf32, #tpu.memory_space<vmem>>
      %dma_start3A_146 = arith.constant 0 : i32
      %dma_start3A_147 = arith.constant 0 : i32
      %dma_start3A_148 = tpu.memref_slice %arg4[%select_n3A, %dma_start3A_140, %select_n3A_138, %dma_start3A_146, %dma_start3A_147] : memref<200x8x32x8x128xf32, #tpu.memory_space<hbm>> -> memref<1x1x2x8x128xf32, #tpu.memory_space<hbm>>
      %dma_start3A_149 = tpu.memref_squeeze %dma_start3A_148 : memref<1x1x2x8x128xf32, #tpu.memory_space<hbm>> -> memref<2x8x128xf32, #tpu.memory_space<hbm>>
      %dma_start3A_150 = arith.constant 0 : i32
      %dma_start3A_151 = arith.constant 0 : i32
      %dma_start3A_152 = tpu.memref_slice %arg4[%select_n3A, %dma_start3A_140, %select_n3A_138, %dma_start3A_150, %dma_start3A_151] : memref<200x8x32x8x128xf32, #tpu.memory_space<hbm>> -> memref<1x1x2x8x128xf32, #tpu.memory_space<hbm>>
      %dma_start3A_153 = tpu.memref_squeeze %dma_start3A_152 : memref<1x1x2x8x128xf32, #tpu.memory_space<hbm>> -> memref<2x8x128xf32, #tpu.memory_space<hbm>>
      %dma_start3A_154 = arith.constant 0 : i32
      %dma_start3A_155 = arith.constant 0 : i32
      %dma_start3A_156 = arith.constant 0 : i32
      %dma_start3A_157 = tpu.memref_slice %arg9[%dma_start3A_139, %dma_start3A_154, %dma_start3A_155, %dma_start3A_156] : memref<8x2x8x128xf32, #tpu.memory_space<vmem>> -> memref<1x2x8x128xf32, #tpu.memory_space<vmem>>
      %dma_start3A_158 = tpu.memref_squeeze %dma_start3A_157 : memref<1x2x8x128xf32, #tpu.memory_space<vmem>> -> memref<2x8x128xf32, #tpu.memory_space<vmem>>
      tpu.enqueue_dma source(%dma_start3A_158 : memref<2x8x128xf32, #tpu.memory_space<vmem>>) target(%dma_start3A_153 : memref<2x8x128xf32, #tpu.memory_space<hbm>>) target_semaphore(%arg13 : memref<!tpu.dma_semaphore, #tpu.memory_space<semaphore_mem>>)
      %dma_start3A_159 = arith.constant 1 : i32
      %dma_start3A_160 = arith.constant 1 : i32
      %dma_start3A_161 = arith.constant 0 : i32
      %dma_start3A_162 = arith.constant 0 : i32
      %dma_start3A_163 = arith.constant 0 : i32
      %dma_start3A_164 = tpu.memref_slice %arg9[%dma_start3A_159, %dma_start3A_161, %dma_start3A_162, %dma_start3A_163] : memref<8x2x8x128xf32, #tpu.memory_space<vmem>> -> memref<1x2x8x128xf32, #tpu.memory_space<vmem>>
      %dma_start3A_165 = tpu.memref_squeeze %dma_start3A_164 : memref<1x2x8x128xf32, #tpu.memory_space<vmem>> -> memref<2x8x128xf32, #tpu.memory_space<vmem>>
      %dma_start3A_166 = arith.constant 0 : i32
      %dma_start3A_167 = arith.constant 0 : i32
      %dma_start3A_168 = tpu.memref_slice %arg4[%select_n3A, %dma_start3A_160, %select_n3A_138, %dma_start3A_166, %dma_start3A_167] : memref<200x8x32x8x128xf32, #tpu.memory_space<hbm>> -> memref<1x1x2x8x128xf32, #tpu.memory_space<hbm>>
      %dma_start3A_169 = tpu.memref_squeeze %dma_start3A_168 : memref<1x1x2x8x128xf32, #tpu.memory_space<hbm>> -> memref<2x8x128xf32, #tpu.memory_space<hbm>>
      %dma_start3A_170 = arith.constant 0 : i32
      %dma_start3A_171 = arith.constant 0 : i32
      %dma_start3A_172 = tpu.memref_slice %arg4[%select_n3A, %dma_start3A_160, %select_n3A_138, %dma_start3A_170, %dma_start3A_171] : memref<200x8x32x8x128xf32, #tpu.memory_space<hbm>> -> memref<1x1x2x8x128xf32, #tpu.memory_space<hbm>>
      %dma_start3A_173 = tpu.memref_squeeze %dma_start3A_172 : memref<1x1x2x8x128xf32, #tpu.memory_space<hbm>> -> memref<2x8x128xf32, #tpu.memory_space<hbm>>
      %dma_start3A_174 = arith.constant 0 : i32
      %dma_start3A_175 = arith.constant 0 : i32
      %dma_start3A_176 = arith.constant 0 : i32
      %dma_start3A_177 = tpu.memref_slice %arg9[%dma_start3A_159, %dma_start3A_174, %dma_start3A_175, %dma_start3A_176] : memref<8x2x8x128xf32, #tpu.memory_space<vmem>> -> memref<1x2x8x128xf32, #tpu.memory_space<vmem>>
      %dma_start3A_178 = tpu.memref_squeeze %dma_start3A_177 : memref<1x2x8x128xf32, #tpu.memory_space<vmem>> -> memref<2x8x128xf32, #tpu.memory_space<vmem>>
      tpu.enqueue_dma source(%dma_start3A_178 : memref<2x8x128xf32, #tpu.memory_space<vmem>>) target(%dma_start3A_173 : memref<2x8x128xf32, #tpu.memory_space<hbm>>) target_semaphore(%arg13 : memref<!tpu.dma_semaphore, #tpu.memory_space<semaphore_mem>>)
      %dma_start3A_179 = arith.constant 2 : i32
      %dma_start3A_180 = arith.constant 2 : i32
      %dma_start3A_181 = arith.constant 0 : i32
      %dma_start3A_182 = arith.constant 0 : i32
      %dma_start3A_183 = arith.constant 0 : i32
      %dma_start3A_184 = tpu.memref_slice %arg9[%dma_start3A_179, %dma_start3A_181, %dma_start3A_182, %dma_start3A_183] : memref<8x2x8x128xf32, #tpu.memory_space<vmem>> -> memref<1x2x8x128xf32, #tpu.memory_space<vmem>>
      %dma_start3A_185 = tpu.memref_squeeze %dma_start3A_184 : memref<1x2x8x128xf32, #tpu.memory_space<vmem>> -> memref<2x8x128xf32, #tpu.memory_space<vmem>>
      %dma_start3A_186 = arith.constant 0 : i32
      %dma_start3A_187 = arith.constant 0 : i32
      %dma_start3A_188 = tpu.memref_slice %arg4[%select_n3A, %dma_start3A_180, %select_n3A_138, %dma_start3A_186, %dma_start3A_187] : memref<200x8x32x8x128xf32, #tpu.memory_space<hbm>> -> memref<1x1x2x8x128xf32, #tpu.memory_space<hbm>>
      %dma_start3A_189 = tpu.memref_squeeze %dma_start3A_188 : memref<1x1x2x8x128xf32, #tpu.memory_space<hbm>> -> memref<2x8x128xf32, #tpu.memory_space<hbm>>
      %dma_start3A_190 = arith.constant 0 : i32
      %dma_start3A_191 = arith.constant 0 : i32
      %dma_start3A_192 = tpu.memref_slice %arg4[%select_n3A, %dma_start3A_180, %select_n3A_138, %dma_start3A_190, %dma_start3A_191] : memref<200x8x32x8x128xf32, #tpu.memory_space<hbm>> -> memref<1x1x2x8x128xf32, #tpu.memory_space<hbm>>
      %dma_start3A_193 = tpu.memref_squeeze %dma_start3A_192 : memref<1x1x2x8x128xf32, #tpu.memory_space<hbm>> -> memref<2x8x128xf32, #tpu.memory_space<hbm>>
      %dma_start3A_194 = arith.constant 0 : i32
      %dma_start3A_195 = arith.constant 0 : i32
      %dma_start3A_196 = arith.constant 0 : i32
      %dma_start3A_197 = tpu.memref_slice %arg9[%dma_start3A_179, %dma_start3A_194, %dma_start3A_195, %dma_start3A_196] : memref<8x2x8x128xf32, #tpu.memory_space<vmem>> -> memref<1x2x8x128xf32, #tpu.memory_space<vmem>>
      %dma_start3A_198 = tpu.memref_squeeze %dma_start3A_197 : memref<1x2x8x128xf32, #tpu.memory_space<vmem>> -> memref<2x8x128xf32, #tpu.memory_space<vmem>>
      tpu.enqueue_dma source(%dma_start3A_198 : memref<2x8x128xf32, #tpu.memory_space<vmem>>) target(%dma_start3A_193 : memref<2x8x128xf32, #tpu.memory_space<hbm>>) target_semaphore(%arg13 : memref<!tpu.dma_semaphore, #tpu.memory_space<semaphore_mem>>)
      %dma_start3A_199 = arith.constant 3 : i32
      %dma_start3A_200 = arith.constant 3 : i32
      %dma_start3A_201 = arith.constant 0 : i32
      %dma_start3A_202 = arith.constant 0 : i32
      %dma_start3A_203 = arith.constant 0 : i32
      %dma_start3A_204 = tpu.memref_slice %arg9[%dma_start3A_199, %dma_start3A_201, %dma_start3A_202, %dma_start3A_203] : memref<8x2x8x128xf32, #tpu.memory_space<vmem>> -> memref<1x2x8x128xf32, #tpu.memory_space<vmem>>
      %dma_start3A_205 = tpu.memref_squeeze %dma_start3A_204 : memref<1x2x8x128xf32, #tpu.memory_space<vmem>> -> memref<2x8x128xf32, #tpu.memory_space<vmem>>
      %dma_start3A_206 = arith.constant 0 : i32
      %dma_start3A_207 = arith.constant 0 : i32
      %dma_start3A_208 = tpu.memref_slice %arg4[%select_n3A, %dma_start3A_200, %select_n3A_138, %dma_start3A_206, %dma_start3A_207] : memref<200x8x32x8x128xf32, #tpu.memory_space<hbm>> -> memref<1x1x2x8x128xf32, #tpu.memory_space<hbm>>
      %dma_start3A_209 = tpu.memref_squeeze %dma_start3A_208 : memref<1x1x2x8x128xf32, #tpu.memory_space<hbm>> -> memref<2x8x128xf32, #tpu.memory_space<hbm>>
      %dma_start3A_210 = arith.constant 0 : i32
      %dma_start3A_211 = arith.constant 0 : i32
      %dma_start3A_212 = tpu.memref_slice %arg4[%select_n3A, %dma_start3A_200, %select_n3A_138, %dma_start3A_210, %dma_start3A_211] : memref<200x8x32x8x128xf32, #tpu.memory_space<hbm>> -> memref<1x1x2x8x128xf32, #tpu.memory_space<hbm>>
      %dma_start3A_213 = tpu.memref_squeeze %dma_start3A_212 : memref<1x1x2x8x128xf32, #tpu.memory_space<hbm>> -> memref<2x8x128xf32, #tpu.memory_space<hbm>>
      %dma_start3A_214 = arith.constant 0 : i32
      %dma_start3A_215 = arith.constant 0 : i32
      %dma_start3A_216 = arith.constant 0 : i32
      %dma_start3A_217 = tpu.memref_slice %arg9[%dma_start3A_199, %dma_start3A_214, %dma_start3A_215, %dma_start3A_216] : memref<8x2x8x128xf32, #tpu.memory_space<vmem>> -> memref<1x2x8x128xf32, #tpu.memory_space<vmem>>
      %dma_start3A_218 = tpu.memref_squeeze %dma_start3A_217 : memref<1x2x8x128xf32, #tpu.memory_space<vmem>> -> memref<2x8x128xf32, #tpu.memory_space<vmem>>
      tpu.enqueue_dma source(%dma_start3A_218 : memref<2x8x128xf32, #tpu.memory_space<vmem>>) target(%dma_start3A_213 : memref<2x8x128xf32, #tpu.memory_space<hbm>>) target_semaphore(%arg13 : memref<!tpu.dma_semaphore, #tpu.memory_space<semaphore_mem>>)
      %dma_start3A_219 = arith.constant 4 : i32
      %dma_start3A_220 = arith.constant 4 : i32
      %dma_start3A_221 = arith.constant 0 : i32
      %dma_start3A_222 = arith.constant 0 : i32
      %dma_start3A_223 = arith.constant 0 : i32
      %dma_start3A_224 = tpu.memref_slice %arg9[%dma_start3A_219, %dma_start3A_221, %dma_start3A_222, %dma_start3A_223] : memref<8x2x8x128xf32, #tpu.memory_space<vmem>> -> memref<1x2x8x128xf32, #tpu.memory_space<vmem>>
      %dma_start3A_225 = tpu.memref_squeeze %dma_start3A_224 : memref<1x2x8x128xf32, #tpu.memory_space<vmem>> -> memref<2x8x128xf32, #tpu.memory_space<vmem>>
      %dma_start3A_226 = arith.constant 0 : i32
      %dma_start3A_227 = arith.constant 0 : i32
      %dma_start3A_228 = tpu.memref_slice %arg4[%select_n3A, %dma_start3A_220, %select_n3A_138, %dma_start3A_226, %dma_start3A_227] : memref<200x8x32x8x128xf32, #tpu.memory_space<hbm>> -> memref<1x1x2x8x128xf32, #tpu.memory_space<hbm>>
      %dma_start3A_229 = tpu.memref_squeeze %dma_start3A_228 : memref<1x1x2x8x128xf32, #tpu.memory_space<hbm>> -> memref<2x8x128xf32, #tpu.memory_space<hbm>>
      %dma_start3A_230 = arith.constant 0 : i32
      %dma_start3A_231 = arith.constant 0 : i32
      %dma_start3A_232 = tpu.memref_slice %arg4[%select_n3A, %dma_start3A_220, %select_n3A_138, %dma_start3A_230, %dma_start3A_231] : memref<200x8x32x8x128xf32, #tpu.memory_space<hbm>> -> memref<1x1x2x8x128xf32, #tpu.memory_space<hbm>>
      %dma_start3A_233 = tpu.memref_squeeze %dma_start3A_232 : memref<1x1x2x8x128xf32, #tpu.memory_space<hbm>> -> memref<2x8x128xf32, #tpu.memory_space<hbm>>
      %dma_start3A_234 = arith.constant 0 : i32
      %dma_start3A_235 = arith.constant 0 : i32
      %dma_start3A_236 = arith.constant 0 : i32
      %dma_start3A_237 = tpu.memref_slice %arg9[%dma_start3A_219, %dma_start3A_234, %dma_start3A_235, %dma_start3A_236] : memref<8x2x8x128xf32, #tpu.memory_space<vmem>> -> memref<1x2x8x128xf32, #tpu.memory_space<vmem>>
      %dma_start3A_238 = tpu.memref_squeeze %dma_start3A_237 : memref<1x2x8x128xf32, #tpu.memory_space<vmem>> -> memref<2x8x128xf32, #tpu.memory_space<vmem>>
      tpu.enqueue_dma source(%dma_start3A_238 : memref<2x8x128xf32, #tpu.memory_space<vmem>>) target(%dma_start3A_233 : memref<2x8x128xf32, #tpu.memory_space<hbm>>) target_semaphore(%arg13 : memref<!tpu.dma_semaphore, #tpu.memory_space<semaphore_mem>>)
      %dma_start3A_239 = arith.constant 5 : i32
      %dma_start3A_240 = arith.constant 5 : i32
      %dma_start3A_241 = arith.constant 0 : i32
      %dma_start3A_242 = arith.constant 0 : i32
      %dma_start3A_243 = arith.constant 0 : i32
      %dma_start3A_244 = tpu.memref_slice %arg9[%dma_start3A_239, %dma_start3A_241, %dma_start3A_242, %dma_start3A_243] : memref<8x2x8x128xf32, #tpu.memory_space<vmem>> -> memref<1x2x8x128xf32, #tpu.memory_space<vmem>>
      %dma_start3A_245 = tpu.memref_squeeze %dma_start3A_244 : memref<1x2x8x128xf32, #tpu.memory_space<vmem>> -> memref<2x8x128xf32, #tpu.memory_space<vmem>>
      %dma_start3A_246 = arith.constant 0 : i32
      %dma_start3A_247 = arith.constant 0 : i32
      %dma_start3A_248 = tpu.memref_slice %arg4[%select_n3A, %dma_start3A_240, %select_n3A_138, %dma_start3A_246, %dma_start3A_247] : memref<200x8x32x8x128xf32, #tpu.memory_space<hbm>> -> memref<1x1x2x8x128xf32, #tpu.memory_space<hbm>>
      %dma_start3A_249 = tpu.memref_squeeze %dma_start3A_248 : memref<1x1x2x8x128xf32, #tpu.memory_space<hbm>> -> memref<2x8x128xf32, #tpu.memory_space<hbm>>
      %dma_start3A_250 = arith.constant 0 : i32
      %dma_start3A_251 = arith.constant 0 : i32
      %dma_start3A_252 = tpu.memref_slice %arg4[%select_n3A, %dma_start3A_240, %select_n3A_138, %dma_start3A_250, %dma_start3A_251] : memref<200x8x32x8x128xf32, #tpu.memory_space<hbm>> -> memref<1x1x2x8x128xf32, #tpu.memory_space<hbm>>
      %dma_start3A_253 = tpu.memref_squeeze %dma_start3A_252 : memref<1x1x2x8x128xf32, #tpu.memory_space<hbm>> -> memref<2x8x128xf32, #tpu.memory_space<hbm>>
      %dma_start3A_254 = arith.constant 0 : i32
      %dma_start3A_255 = arith.constant 0 : i32
      %dma_start3A_256 = arith.constant 0 : i32
      %dma_start3A_257 = tpu.memref_slice %arg9[%dma_start3A_239, %dma_start3A_254, %dma_start3A_255, %dma_start3A_256] : memref<8x2x8x128xf32, #tpu.memory_space<vmem>> -> memref<1x2x8x128xf32, #tpu.memory_space<vmem>>
      %dma_start3A_258 = tpu.memref_squeeze %dma_start3A_257 : memref<1x2x8x128xf32, #tpu.memory_space<vmem>> -> memref<2x8x128xf32, #tpu.memory_space<vmem>>
      tpu.enqueue_dma source(%dma_start3A_258 : memref<2x8x128xf32, #tpu.memory_space<vmem>>) target(%dma_start3A_253 : memref<2x8x128xf32, #tpu.memory_space<hbm>>) target_semaphore(%arg13 : memref<!tpu.dma_semaphore, #tpu.memory_space<semaphore_mem>>)
      %dma_start3A_259 = arith.constant 6 : i32
      %dma_start3A_260 = arith.constant 6 : i32
      %dma_start3A_261 = arith.constant 0 : i32
      %dma_start3A_262 = arith.constant 0 : i32
      %dma_start3A_263 = arith.constant 0 : i32
      %dma_start3A_264 = tpu.memref_slice %arg9[%dma_start3A_259, %dma_start3A_261, %dma_start3A_262, %dma_start3A_263] : memref<8x2x8x128xf32, #tpu.memory_space<vmem>> -> memref<1x2x8x128xf32, #tpu.memory_space<vmem>>
      %dma_start3A_265 = tpu.memref_squeeze %dma_start3A_264 : memref<1x2x8x128xf32, #tpu.memory_space<vmem>> -> memref<2x8x128xf32, #tpu.memory_space<vmem>>
      %dma_start3A_266 = arith.constant 0 : i32
      %dma_start3A_267 = arith.constant 0 : i32
      %dma_start3A_268 = tpu.memref_slice %arg4[%select_n3A, %dma_start3A_260, %select_n3A_138, %dma_start3A_266, %dma_start3A_267] : memref<200x8x32x8x128xf32, #tpu.memory_space<hbm>> -> memref<1x1x2x8x128xf32, #tpu.memory_space<hbm>>
      %dma_start3A_269 = tpu.memref_squeeze %dma_start3A_268 : memref<1x1x2x8x128xf32, #tpu.memory_space<hbm>> -> memref<2x8x128xf32, #tpu.memory_space<hbm>>
      %dma_start3A_270 = arith.constant 0 : i32
      %dma_start3A_271 = arith.constant 0 : i32
      %dma_start3A_272 = tpu.memref_slice %arg4[%select_n3A, %dma_start3A_260, %select_n3A_138, %dma_start3A_270, %dma_start3A_271] : memref<200x8x32x8x128xf32, #tpu.memory_space<hbm>> -> memref<1x1x2x8x128xf32, #tpu.memory_space<hbm>>
      %dma_start3A_273 = tpu.memref_squeeze %dma_start3A_272 : memref<1x1x2x8x128xf32, #tpu.memory_space<hbm>> -> memref<2x8x128xf32, #tpu.memory_space<hbm>>
      %dma_start3A_274 = arith.constant 0 : i32
      %dma_start3A_275 = arith.constant 0 : i32
      %dma_start3A_276 = arith.constant 0 : i32
      %dma_start3A_277 = tpu.memref_slice %arg9[%dma_start3A_259, %dma_start3A_274, %dma_start3A_275, %dma_start3A_276] : memref<8x2x8x128xf32, #tpu.memory_space<vmem>> -> memref<1x2x8x128xf32, #tpu.memory_space<vmem>>
      %dma_start3A_278 = tpu.memref_squeeze %dma_start3A_277 : memref<1x2x8x128xf32, #tpu.memory_space<vmem>> -> memref<2x8x128xf32, #tpu.memory_space<vmem>>
      tpu.enqueue_dma source(%dma_start3A_278 : memref<2x8x128xf32, #tpu.memory_space<vmem>>) target(%dma_start3A_273 : memref<2x8x128xf32, #tpu.memory_space<hbm>>) target_semaphore(%arg13 : memref<!tpu.dma_semaphore, #tpu.memory_space<semaphore_mem>>)
      %dma_start3A_279 = arith.constant 7 : i32
      %dma_start3A_280 = arith.constant 7 : i32
      %dma_start3A_281 = arith.constant 0 : i32
      %dma_start3A_282 = arith.constant 0 : i32
      %dma_start3A_283 = arith.constant 0 : i32
      %dma_start3A_284 = tpu.memref_slice %arg9[%dma_start3A_279, %dma_start3A_281, %dma_start3A_282, %dma_start3A_283] : memref<8x2x8x128xf32, #tpu.memory_space<vmem>> -> memref<1x2x8x128xf32, #tpu.memory_space<vmem>>
      %dma_start3A_285 = tpu.memref_squeeze %dma_start3A_284 : memref<1x2x8x128xf32, #tpu.memory_space<vmem>> -> memref<2x8x128xf32, #tpu.memory_space<vmem>>
      %dma_start3A_286 = arith.constant 0 : i32
      %dma_start3A_287 = arith.constant 0 : i32
      %dma_start3A_288 = tpu.memref_slice %arg4[%select_n3A, %dma_start3A_280, %select_n3A_138, %dma_start3A_286, %dma_start3A_287] : memref<200x8x32x8x128xf32, #tpu.memory_space<hbm>> -> memref<1x1x2x8x128xf32, #tpu.memory_space<hbm>>
      %dma_start3A_289 = tpu.memref_squeeze %dma_start3A_288 : memref<1x1x2x8x128xf32, #tpu.memory_space<hbm>> -> memref<2x8x128xf32, #tpu.memory_space<hbm>>
      %dma_start3A_290 = arith.constant 0 : i32
      %dma_start3A_291 = arith.constant 0 : i32
      %dma_start3A_292 = tpu.memref_slice %arg4[%select_n3A, %dma_start3A_280, %select_n3A_138, %dma_start3A_290, %dma_start3A_291] : memref<200x8x32x8x128xf32, #tpu.memory_space<hbm>> -> memref<1x1x2x8x128xf32, #tpu.memory_space<hbm>>
      %dma_start3A_293 = tpu.memref_squeeze %dma_start3A_292 : memref<1x1x2x8x128xf32, #tpu.memory_space<hbm>> -> memref<2x8x128xf32, #tpu.memory_space<hbm>>
      %dma_start3A_294 = arith.constant 0 : i32
      %dma_start3A_295 = arith.constant 0 : i32
      %dma_start3A_296 = arith.constant 0 : i32
      %dma_start3A_297 = tpu.memref_slice %arg9[%dma_start3A_279, %dma_start3A_294, %dma_start3A_295, %dma_start3A_296] : memref<8x2x8x128xf32, #tpu.memory_space<vmem>> -> memref<1x2x8x128xf32, #tpu.memory_space<vmem>>
      %dma_start3A_298 = tpu.memref_squeeze %dma_start3A_297 : memref<1x2x8x128xf32, #tpu.memory_space<vmem>> -> memref<2x8x128xf32, #tpu.memory_space<vmem>>
      tpu.enqueue_dma source(%dma_start3A_298 : memref<2x8x128xf32, #tpu.memory_space<vmem>>) target(%dma_start3A_293 : memref<2x8x128xf32, #tpu.memory_space<hbm>>) target_semaphore(%arg13 : memref<!tpu.dma_semaphore, #tpu.memory_space<semaphore_mem>>)
      %add3A_299 = arith.constant 1 : i32
      %add3A_300 = arith.addi %scan3A_55, %add3A_299 : i32
      %lt3A_301 = arith.constant 50 : i32
      %lt3A_302 = arith.cmpi slt, %add3A_300, %lt3A_301 : i32
      %convert_element_type3A_303 = arith.extui %lt3A_302 : i1 to i32
      %cond3A_304 = arith.constant 0 : i32
      %cond3A_305 = arith.cmpi ne, %convert_element_type3A_303, %cond3A_304 : i32
      scf.if %cond3A_305 {
        %add3A_534 = arith.constant 2 : i32
        %add3A_535 = arith.addi %mul3A_57, %add3A_534 : i32
        %mul3A_536 = arith.constant 2 : i32
        %mul3A_537 = arith.muli %add3A_535, %mul3A_536 : i32
        %add3A_538 = arith.constant 0 : i32
        %add3A_539 = arith.addi %mul3A_537, %add3A_538 : i32
        %dma_start3A_540 = arith.constant 0 : i32
        %dma_start3A_541 = arith.constant 0 : i32
        %dma_start3A_542 = tpu.memref_slice %arg6[%dma_start3A_540, %dma_start3A_541] : memref<256x64xf32, #tpu.memory_space<vmem>> -> memref<128x64xf32, #tpu.memory_space<vmem>>
        %dma_start3A_543 = arith.constant 0 : i32
        %dma_start3A_544 = tpu.memref_slice %arg5[%add3A_539, %dma_start3A_543] : memref<200x128xi32, #tpu.memory_space<vmem>> -> memref<1x128xi32, #tpu.memory_space<vmem>>
        %dma_start3A_545 = tpu.memref_squeeze %dma_start3A_544 : memref<1x128xi32, #tpu.memory_space<vmem>> -> memref<128xi32, #tpu.memory_space<vmem>>
        %dma_start3A_546 = arith.constant 0 : i32
        %dma_start3A_547 = arith.constant 0 : i32
        %dma_start3A_548 = tpu.memref_slice %arg3[%dma_start3A_546, %dma_start3A_547] : memref<1000000x64xf32, #tpu.memory_space<hbm>> -> memref<1000000x64xf32, #tpu.memory_space<hbm>>
        tpu.enqueue_indirect_dma source(%dma_start3A_548 : memref<1000000x64xf32, #tpu.memory_space<hbm>>) target(%dma_start3A_542 : memref<128x64xf32, #tpu.memory_space<vmem>>) offsets(%dma_start3A_545 : memref<128xi32, #tpu.memory_space<vmem>>) semaphore(%arg11 : memref<!tpu.dma_semaphore, #tpu.memory_space<semaphore_mem>>)
        %mul3A_549 = arith.constant 2 : i32
        %mul3A_550 = arith.muli %add3A_535, %mul3A_549 : i32
        %add3A_551 = arith.constant 1 : i32
        %add3A_552 = arith.addi %mul3A_550, %add3A_551 : i32
        %dma_start3A_553 = arith.constant 128 : i32
        %dma_start3A_554 = arith.constant 0 : i32
        %dma_start3A_555 = tpu.memref_slice %arg6[%dma_start3A_553, %dma_start3A_554] : memref<256x64xf32, #tpu.memory_space<vmem>> -> memref<128x64xf32, #tpu.memory_space<vmem>>
        %dma_start3A_556 = arith.constant 0 : i32
        %dma_start3A_557 = tpu.memref_slice %arg5[%add3A_552, %dma_start3A_556] : memref<200x128xi32, #tpu.memory_space<vmem>> -> memref<1x128xi32, #tpu.memory_space<vmem>>
        %dma_start3A_558 = tpu.memref_squeeze %dma_start3A_557 : memref<1x128xi32, #tpu.memory_space<vmem>> -> memref<128xi32, #tpu.memory_space<vmem>>
        %dma_start3A_559 = arith.constant 0 : i32
        %dma_start3A_560 = arith.constant 0 : i32
        %dma_start3A_561 = tpu.memref_slice %arg3[%dma_start3A_559, %dma_start3A_560] : memref<1000000x64xf32, #tpu.memory_space<hbm>> -> memref<1000000x64xf32, #tpu.memory_space<hbm>>
        tpu.enqueue_indirect_dma source(%dma_start3A_561 : memref<1000000x64xf32, #tpu.memory_space<hbm>>) target(%dma_start3A_555 : memref<128x64xf32, #tpu.memory_space<vmem>>) offsets(%dma_start3A_558 : memref<128xi32, #tpu.memory_space<vmem>>) semaphore(%arg11 : memref<!tpu.dma_semaphore, #tpu.memory_space<semaphore_mem>>)
      } else {
      }
      %dma_wait3A_306 = arith.constant 0 : i32
      %dma_wait3A_307 = arith.constant 0 : i32
      %dma_wait3A_308 = tpu.memref_slice %arg3[%dma_wait3A_306, %dma_wait3A_307] : memref<1000000x64xf32, #tpu.memory_space<hbm>> -> memref<256x64xf32, #tpu.memory_space<hbm>>
      %dma_wait3A_309 = arith.constant 0 : i32
      %dma_wait3A_310 = arith.constant 0 : i32
      %dma_wait3A_311 = tpu.memref_slice %arg3[%dma_wait3A_309, %dma_wait3A_310] : memref<1000000x64xf32, #tpu.memory_space<hbm>> -> memref<256x64xf32, #tpu.memory_space<hbm>>
      tpu.wait_dma2 semaphore(%arg12 : memref<!tpu.dma_semaphore, #tpu.memory_space<semaphore_mem>>) src(%dma_wait3A_311 : memref<256x64xf32, #tpu.memory_space<hbm>>) dst(%arg7 : memref<256x64xf32, #tpu.memory_space<vmem>>)
      %gt3A_312 = arith.constant 0 : i32
      %gt3A_313 = arith.cmpi sgt, %scan3A_55, %gt3A_312 : i32
      %convert_element_type3A_314 = arith.extui %gt3A_313 : i1 to i32
      %cond3A_315 = arith.constant 0 : i32
      %cond3A_316 = arith.cmpi ne, %convert_element_type3A_314, %cond3A_315 : i32
      scf.if %cond3A_316 {
        %dma_wait3A_534 = arith.constant 0 : i32
        %dma_wait3A_535 = arith.constant 0 : i32
        %dma_wait3A_536 = arith.constant 0 : i32
        %dma_wait3A_537 = arith.constant 0 : i32
        %dma_wait3A_538 = arith.constant 0 : i32
        %dma_wait3A_539 = tpu.memref_slice %arg4[%dma_wait3A_534, %dma_wait3A_535, %dma_wait3A_536, %dma_wait3A_537, %dma_wait3A_538] : memref<200x8x32x8x128xf32, #tpu.memory_space<hbm>> -> memref<1x8x2x8x128xf32, #tpu.memory_space<hbm>>
        %dma_wait3A_540 = tpu.memref_squeeze %dma_wait3A_539 : memref<1x8x2x8x128xf32, #tpu.memory_space<hbm>> -> memref<8x2x8x128xf32, #tpu.memory_space<hbm>>
        %dma_wait3A_541 = arith.constant 0 : i32
        %dma_wait3A_542 = arith.constant 0 : i32
        %dma_wait3A_543 = arith.constant 0 : i32
        %dma_wait3A_544 = arith.constant 0 : i32
        %dma_wait3A_545 = tpu.memref_slice %arg4[%dma_wait3A_534, %dma_wait3A_541, %dma_wait3A_542, %dma_wait3A_543, %dma_wait3A_544] : memref<200x8x32x8x128xf32, #tpu.memory_space<hbm>> -> memref<1x8x2x8x128xf32, #tpu.memory_space<hbm>>
        %dma_wait3A_546 = tpu.memref_squeeze %dma_wait3A_545 : memref<1x8x2x8x128xf32, #tpu.memory_space<hbm>> -> memref<8x2x8x128xf32, #tpu.memory_space<hbm>>
        tpu.wait_dma2 semaphore(%arg14 : memref<!tpu.dma_semaphore, #tpu.memory_space<semaphore_mem>>) src(%arg10 : memref<8x2x8x128xf32, #tpu.memory_space<vmem>>) dst(%dma_wait3A_546 : memref<8x2x8x128xf32, #tpu.memory_space<hbm>>)
      } else {
      }
      %scan3A_317 = arith.constant 0 : i32
      %scan3A_318 = arith.constant 0 : i32
      %scan3A_319 = arith.constant 32 : i32
      %scan3A_320 = arith.addi %scan3A_318, %scan3A_319 : i32
      %scan3A_321 = arith.constant 1 : i32
      scf.for %scan3A_534 = %scan3A_318 to %scan3A_320 step %scan3A_321  : i32 {
        %mul3A_535 = arith.constant 8 : i32
        %mul3A_536 = arith.muli %scan3A_534, %mul3A_535 : i32
        %add3A_537 = arith.constant 0 : i32
        %add3A_538 = arith.addi %mul3A_536, %add3A_537 : i32
        %add3A_539 = arith.constant 0 : i32
        %add3A_540 = arith.addi %add3A_538, %add3A_539 : i32
        %get3A = arith.index_cast %add3A_540 : i32 to index
        %get3A_541 = arith.constant 0 : index
        %get3A_542 = tpu.vector_load %arg7[%get3A, %get3A_541] {strides = array<i32>} : memref<256x64xf32, #tpu.memory_space<vmem>>, vector<16xf32>,
        %get3A_543 = arith.index_cast %add3A_540 : i32 to index
        %get3A_544 = arith.constant 16 : index
        %get3A_545 = tpu.vector_load %arg7[%get3A_543, %get3A_544] {strides = array<i32>} : memref<256x64xf32, #tpu.memory_space<vmem>>, vector<16xf32>,
        %get3A_546 = arith.index_cast %add3A_540 : i32 to index
        %get3A_547 = arith.constant 32 : index
        %get3A_548 = tpu.vector_load %arg7[%get3A_546, %get3A_547] {strides = array<i32>} : memref<256x64xf32, #tpu.memory_space<vmem>>, vector<16xf32>,
        %get3A_549 = arith.index_cast %add3A_540 : i32 to index
        %get3A_550 = arith.constant 48 : index
        %get3A_551 = tpu.vector_load %arg7[%get3A_549, %get3A_550] {strides = array<i32>} : memref<256x64xf32, #tpu.memory_space<vmem>>, vector<16xf32>,
        %mul3A_552 = arith.constant 8 : i32
        %mul3A_553 = arith.muli %scan3A_534, %mul3A_552 : i32
        %add3A_554 = arith.constant 0 : i32
        %add3A_555 = arith.addi %mul3A_553, %add3A_554 : i32
        %add3A_556 = arith.constant 1 : i32
        %add3A_557 = arith.addi %add3A_555, %add3A_556 : i32
        %get3A_558 = arith.index_cast %add3A_557 : i32 to index
        %get3A_559 = arith.constant 0 : index
        %get3A_560 = tpu.vector_load %arg7[%get3A_558, %get3A_559] {strides = array<i32>} : memref<256x64xf32, #tpu.memory_space<vmem>>, vector<16xf32>,
        %get3A_561 = arith.index_cast %add3A_557 : i32 to index
        %get3A_562 = arith.constant 16 : index
        %get3A_563 = tpu.vector_load %arg7[%get3A_561, %get3A_562] {strides = array<i32>} : memref<256x64xf32, #tpu.memory_space<vmem>>, vector<16xf32>,
        %get3A_564 = arith.index_cast %add3A_557 : i32 to index
        %get3A_565 = arith.constant 32 : index
        %get3A_566 = tpu.vector_load %arg7[%get3A_564, %get3A_565] {strides = array<i32>} : memref<256x64xf32, #tpu.memory_space<vmem>>, vector<16xf32>,
        %get3A_567 = arith.index_cast %add3A_557 : i32 to index
        %get3A_568 = arith.constant 48 : index
        %get3A_569 = tpu.vector_load %arg7[%get3A_567, %get3A_568] {strides = array<i32>} : memref<256x64xf32, #tpu.memory_space<vmem>>, vector<16xf32>,
        %mul3A_570 = arith.constant 8 : i32
        %mul3A_571 = arith.muli %scan3A_534, %mul3A_570 : i32
        %add3A_572 = arith.constant 0 : i32
        %add3A_573 = arith.addi %mul3A_571, %add3A_572 : i32
        %add3A_574 = arith.constant 2 : i32
        %add3A_575 = arith.addi %add3A_573, %add3A_574 : i32
        %get3A_576 = arith.index_cast %add3A_575 : i32 to index
        %get3A_577 = arith.constant 0 : index
        %get3A_578 = tpu.vector_load %arg7[%get3A_576, %get3A_577] {strides = array<i32>} : memref<256x64xf32, #tpu.memory_space<vmem>>, vector<16xf32>,
        %get3A_579 = arith.index_cast %add3A_575 : i32 to index
        %get3A_580 = arith.constant 16 : index
        %get3A_581 = tpu.vector_load %arg7[%get3A_579, %get3A_580] {strides = array<i32>} : memref<256x64xf32, #tpu.memory_space<vmem>>, vector<16xf32>,
        %get3A_582 = arith.index_cast %add3A_575 : i32 to index
        %get3A_583 = arith.constant 32 : index
        %get3A_584 = tpu.vector_load %arg7[%get3A_582, %get3A_583] {strides = array<i32>} : memref<256x64xf32, #tpu.memory_space<vmem>>, vector<16xf32>,
        %get3A_585 = arith.index_cast %add3A_575 : i32 to index
        %get3A_586 = arith.constant 48 : index
        %get3A_587 = tpu.vector_load %arg7[%get3A_585, %get3A_586] {strides = array<i32>} : memref<256x64xf32, #tpu.memory_space<vmem>>, vector<16xf32>,
        %mul3A_588 = arith.constant 8 : i32
        %mul3A_589 = arith.muli %scan3A_534, %mul3A_588 : i32
        %add3A_590 = arith.constant 0 : i32
        %add3A_591 = arith.addi %mul3A_589, %add3A_590 : i32
        %add3A_592 = arith.constant 3 : i32
        %add3A_593 = arith.addi %add3A_591, %add3A_592 : i32
        %get3A_594 = arith.index_cast %add3A_593 : i32 to index
        %get3A_595 = arith.constant 0 : index
        %get3A_596 = tpu.vector_load %arg7[%get3A_594, %get3A_595] {strides = array<i32>} : memref<256x64xf32, #tpu.memory_space<vmem>>, vector<16xf32>,
        %get3A_597 = arith.index_cast %add3A_593 : i32 to index
        %get3A_598 = arith.constant 16 : index
        %get3A_599 = tpu.vector_load %arg7[%get3A_597, %get3A_598] {strides = array<i32>} : memref<256x64xf32, #tpu.memory_space<vmem>>, vector<16xf32>,
        %get3A_600 = arith.index_cast %add3A_593 : i32 to index
        %get3A_601 = arith.constant 32 : index
        %get3A_602 = tpu.vector_load %arg7[%get3A_600, %get3A_601] {strides = array<i32>} : memref<256x64xf32, #tpu.memory_space<vmem>>, vector<16xf32>,
        %get3A_603 = arith.index_cast %add3A_593 : i32 to index
        %get3A_604 = arith.constant 48 : index
        %get3A_605 = tpu.vector_load %arg7[%get3A_603, %get3A_604] {strides = array<i32>} : memref<256x64xf32, #tpu.memory_space<vmem>>, vector<16xf32>,
        %mul3A_606 = arith.constant 65 : i32
        %mul3A_607 = arith.muli %add3A_540, %mul3A_606 : i32
        %add3A_608 = arith.constant 0 : i32
        %add3A_609 = arith.addi %mul3A_607, %add3A_608 : i32
        %swap3A = arith.index_cast %add3A_609 : i32 to index
        %swap3A_610 = tpu.vector_load %arg8[%swap3A] {strides = array<i32>} : memref<16640xf32, #tpu.memory_space<vmem>>, vector<16xf32>,
        tpu.vector_store %arg8[%swap3A], %get3A_542 {strides = array<i32>} : memref<16640xf32, #tpu.memory_space<vmem>>, vector<16xf32>,
        %mul3A_611 = arith.constant 65 : i32
        %mul3A_612 = arith.muli %add3A_540, %mul3A_611 : i32
        %add3A_613 = arith.constant 16 : i32
        %add3A_614 = arith.addi %mul3A_612, %add3A_613 : i32
        %swap3A_615 = arith.index_cast %add3A_614 : i32 to index
        %swap3A_616 = tpu.vector_load %arg8[%swap3A_615] {strides = array<i32>} : memref<16640xf32, #tpu.memory_space<vmem>>, vector<16xf32>,
        tpu.vector_store %arg8[%swap3A_615], %get3A_545 {strides = array<i32>} : memref<16640xf32, #tpu.memory_space<vmem>>, vector<16xf32>,
        %mul3A_617 = arith.constant 65 : i32
        %mul3A_618 = arith.muli %add3A_540, %mul3A_617 : i32
        %add3A_619 = arith.constant 32 : i32
        %add3A_620 = arith.addi %mul3A_618, %add3A_619 : i32
        %swap3A_621 = arith.index_cast %add3A_620 : i32 to index
        %swap3A_622 = tpu.vector_load %arg8[%swap3A_621] {strides = array<i32>} : memref<16640xf32, #tpu.memory_space<vmem>>, vector<16xf32>,
        tpu.vector_store %arg8[%swap3A_621], %get3A_548 {strides = array<i32>} : memref<16640xf32, #tpu.memory_space<vmem>>, vector<16xf32>,
        %mul3A_623 = arith.constant 65 : i32
        %mul3A_624 = arith.muli %add3A_540, %mul3A_623 : i32
        %add3A_625 = arith.constant 48 : i32
        %add3A_626 = arith.addi %mul3A_624, %add3A_625 : i32
        %swap3A_627 = arith.index_cast %add3A_626 : i32 to index
        %swap3A_628 = tpu.vector_load %arg8[%swap3A_627] {strides = array<i32>} : memref<16640xf32, #tpu.memory_space<vmem>>, vector<16xf32>,
        tpu.vector_store %arg8[%swap3A_627], %get3A_551 {strides = array<i32>} : memref<16640xf32, #tpu.memory_space<vmem>>, vector<16xf32>,
        %mul3A_629 = arith.constant 65 : i32
        %mul3A_630 = arith.muli %add3A_557, %mul3A_629 : i32
        %add3A_631 = arith.constant 0 : i32
        %add3A_632 = arith.addi %mul3A_630, %add3A_631 : i32
        %swap3A_633 = arith.index_cast %add3A_632 : i32 to index
        %swap3A_634 = tpu.vector_load %arg8[%swap3A_633] {strides = array<i32>} : memref<16640xf32, #tpu.memory_space<vmem>>, vector<16xf32>,
        tpu.vector_store %arg8[%swap3A_633], %get3A_560 {strides = array<i32>} : memref<16640xf32, #tpu.memory_space<vmem>>, vector<16xf32>,
        %mul3A_635 = arith.constant 65 : i32
        %mul3A_636 = arith.muli %add3A_557, %mul3A_635 : i32
        %add3A_637 = arith.constant 16 : i32
        %add3A_638 = arith.addi %mul3A_636, %add3A_637 : i32
        %swap3A_639 = arith.index_cast %add3A_638 : i32 to index
        %swap3A_640 = tpu.vector_load %arg8[%swap3A_639] {strides = array<i32>} : memref<16640xf32, #tpu.memory_space<vmem>>, vector<16xf32>,
        tpu.vector_store %arg8[%swap3A_639], %get3A_563 {strides = array<i32>} : memref<16640xf32, #tpu.memory_space<vmem>>, vector<16xf32>,
        %mul3A_641 = arith.constant 65 : i32
        %mul3A_642 = arith.muli %add3A_557, %mul3A_641 : i32
        %add3A_643 = arith.constant 32 : i32
        %add3A_644 = arith.addi %mul3A_642, %add3A_643 : i32
        %swap3A_645 = arith.index_cast %add3A_644 : i32 to index
        %swap3A_646 = tpu.vector_load %arg8[%swap3A_645] {strides = array<i32>} : memref<16640xf32, #tpu.memory_space<vmem>>, vector<16xf32>,
        tpu.vector_store %arg8[%swap3A_645], %get3A_566 {strides = array<i32>} : memref<16640xf32, #tpu.memory_space<vmem>>, vector<16xf32>,
        %mul3A_647 = arith.constant 65 : i32
        %mul3A_648 = arith.muli %add3A_557, %mul3A_647 : i32
        %add3A_649 = arith.constant 48 : i32
        %add3A_650 = arith.addi %mul3A_648, %add3A_649 : i32
        %swap3A_651 = arith.index_cast %add3A_650 : i32 to index
        %swap3A_652 = tpu.vector_load %arg8[%swap3A_651] {strides = array<i32>} : memref<16640xf32, #tpu.memory_space<vmem>>, vector<16xf32>,
        tpu.vector_store %arg8[%swap3A_651], %get3A_569 {strides = array<i32>} : memref<16640xf32, #tpu.memory_space<vmem>>, vector<16xf32>,
        %mul3A_653 = arith.constant 65 : i32
        %mul3A_654 = arith.muli %add3A_575, %mul3A_653 : i32
        %add3A_655 = arith.constant 0 : i32
        %add3A_656 = arith.addi %mul3A_654, %add3A_655 : i32
        %swap3A_657 = arith.index_cast %add3A_656 : i32 to index
        %swap3A_658 = tpu.vector_load %arg8[%swap3A_657] {strides = array<i32>} : memref<16640xf32, #tpu.memory_space<vmem>>, vector<16xf32>,
        tpu.vector_store %arg8[%swap3A_657], %get3A_578 {strides = array<i32>} : memref<16640xf32, #tpu.memory_space<vmem>>, vector<16xf32>,
        %mul3A_659 = arith.constant 65 : i32
        %mul3A_660 = arith.muli %add3A_575, %mul3A_659 : i32
        %add3A_661 = arith.constant 16 : i32
        %add3A_662 = arith.addi %mul3A_660, %add3A_661 : i32
        %swap3A_663 = arith.index_cast %add3A_662 : i32 to index
        %swap3A_664 = tpu.vector_load %arg8[%swap3A_663] {strides = array<i32>} : memref<16640xf32, #tpu.memory_space<vmem>>, vector<16xf32>,
        tpu.vector_store %arg8[%swap3A_663], %get3A_581 {strides = array<i32>} : memref<16640xf32, #tpu.memory_space<vmem>>, vector<16xf32>,
        %mul3A_665 = arith.constant 65 : i32
        %mul3A_666 = arith.muli %add3A_575, %mul3A_665 : i32
        %add3A_667 = arith.constant 32 : i32
        %add3A_668 = arith.addi %mul3A_666, %add3A_667 : i32
        %swap3A_669 = arith.index_cast %add3A_668 : i32 to index
        %swap3A_670 = tpu.vector_load %arg8[%swap3A_669] {strides = array<i32>} : memref<16640xf32, #tpu.memory_space<vmem>>, vector<16xf32>,
        tpu.vector_store %arg8[%swap3A_669], %get3A_584 {strides = array<i32>} : memref<16640xf32, #tpu.memory_space<vmem>>, vector<16xf32>,
        %mul3A_671 = arith.constant 65 : i32
        %mul3A_672 = arith.muli %add3A_575, %mul3A_671 : i32
        %add3A_673 = arith.constant 48 : i32
        %add3A_674 = arith.addi %mul3A_672, %add3A_673 : i32
        %swap3A_675 = arith.index_cast %add3A_674 : i32 to index
        %swap3A_676 = tpu.vector_load %arg8[%swap3A_675] {strides = array<i32>} : memref<16640xf32, #tpu.memory_space<vmem>>, vector<16xf32>,
        tpu.vector_store %arg8[%swap3A_675], %get3A_587 {strides = array<i32>} : memref<16640xf32, #tpu.memory_space<vmem>>, vector<16xf32>,
        %mul3A_677 = arith.constant 65 : i32
        %mul3A_678 = arith.muli %add3A_593, %mul3A_677 : i32
        %add3A_679 = arith.constant 0 : i32
        %add3A_680 = arith.addi %mul3A_678, %add3A_679 : i32
        %swap3A_681 = arith.index_cast %add3A_680 : i32 to index
        %swap3A_682 = tpu.vector_load %arg8[%swap3A_681] {strides = array<i32>} : memref<16640xf32, #tpu.memory_space<vmem>>, vector<16xf32>,
        tpu.vector_store %arg8[%swap3A_681], %get3A_596 {strides = array<i32>} : memref<16640xf32, #tpu.memory_space<vmem>>, vector<16xf32>,
        %mul3A_683 = arith.constant 65 : i32
        %mul3A_684 = arith.muli %add3A_593, %mul3A_683 : i32
        %add3A_685 = arith.constant 16 : i32
        %add3A_686 = arith.addi %mul3A_684, %add3A_685 : i32
        %swap3A_687 = arith.index_cast %add3A_686 : i32 to index
        %swap3A_688 = tpu.vector_load %arg8[%swap3A_687] {strides = array<i32>} : memref<16640xf32, #tpu.memory_space<vmem>>, vector<16xf32>,
        tpu.vector_store %arg8[%swap3A_687], %get3A_599 {strides = array<i32>} : memref<16640xf32, #tpu.memory_space<vmem>>, vector<16xf32>,
        %mul3A_689 = arith.constant 65 : i32
        %mul3A_690 = arith.muli %add3A_593, %mul3A_689 : i32
        %add3A_691 = arith.constant 32 : i32
        %add3A_692 = arith.addi %mul3A_690, %add3A_691 : i32
        %swap3A_693 = arith.index_cast %add3A_692 : i32 to index
        %swap3A_694 = tpu.vector_load %arg8[%swap3A_693] {strides = array<i32>} : memref<16640xf32, #tpu.memory_space<vmem>>, vector<16xf32>,
        tpu.vector_store %arg8[%swap3A_693], %get3A_602 {strides = array<i32>} : memref<16640xf32, #tpu.memory_space<vmem>>, vector<16xf32>,
        %mul3A_695 = arith.constant 65 : i32
        %mul3A_696 = arith.muli %add3A_593, %mul3A_695 : i32
        %add3A_697 = arith.constant 48 : i32
        %add3A_698 = arith.addi %mul3A_696, %add3A_697 : i32
        %swap3A_699 = arith.index_cast %add3A_698 : i32 to index
        %swap3A_700 = tpu.vector_load %arg8[%swap3A_699] {strides = array<i32>} : memref<16640xf32, #tpu.memory_space<vmem>>, vector<16xf32>,
        tpu.vector_store %arg8[%swap3A_699], %get3A_605 {strides = array<i32>} : memref<16640xf32, #tpu.memory_space<vmem>>, vector<16xf32>,
        %mul3A_701 = arith.constant 8 : i32
        %mul3A_702 = arith.muli %scan3A_534, %mul3A_701 : i32
        %add3A_703 = arith.constant 4 : i32
        %add3A_704 = arith.addi %mul3A_702, %add3A_703 : i32
        %add3A_705 = arith.constant 0 : i32
        %add3A_706 = arith.addi %add3A_704, %add3A_705 : i32
        %get3A_707 = arith.index_cast %add3A_706 : i32 to index
        %get3A_708 = arith.constant 0 : index
        %get3A_709 = tpu.vector_load %arg7[%get3A_707, %get3A_708] {strides = array<i32>} : memref<256x64xf32, #tpu.memory_space<vmem>>, vector<16xf32>,
        %get3A_710 = arith.index_cast %add3A_706 : i32 to index
        %get3A_711 = arith.constant 16 : index
        %get3A_712 = tpu.vector_load %arg7[%get3A_710, %get3A_711] {strides = array<i32>} : memref<256x64xf32, #tpu.memory_space<vmem>>, vector<16xf32>,
        %get3A_713 = arith.index_cast %add3A_706 : i32 to index
        %get3A_714 = arith.constant 32 : index
        %get3A_715 = tpu.vector_load %arg7[%get3A_713, %get3A_714] {strides = array<i32>} : memref<256x64xf32, #tpu.memory_space<vmem>>, vector<16xf32>,
        %get3A_716 = arith.index_cast %add3A_706 : i32 to index
        %get3A_717 = arith.constant 48 : index
        %get3A_718 = tpu.vector_load %arg7[%get3A_716, %get3A_717] {strides = array<i32>} : memref<256x64xf32, #tpu.memory_space<vmem>>, vector<16xf32>,
        %mul3A_719 = arith.constant 8 : i32
        %mul3A_720 = arith.muli %scan3A_534, %mul3A_719 : i32
        %add3A_721 = arith.constant 4 : i32
        %add3A_722 = arith.addi %mul3A_720, %add3A_721 : i32
        %add3A_723 = arith.constant 1 : i32
        %add3A_724 = arith.addi %add3A_722, %add3A_723 : i32
        %get3A_725 = arith.index_cast %add3A_724 : i32 to index
        %get3A_726 = arith.constant 0 : index
        %get3A_727 = tpu.vector_load %arg7[%get3A_725, %get3A_726] {strides = array<i32>} : memref<256x64xf32, #tpu.memory_space<vmem>>, vector<16xf32>,
        %get3A_728 = arith.index_cast %add3A_724 : i32 to index
        %get3A_729 = arith.constant 16 : index
        %get3A_730 = tpu.vector_load %arg7[%get3A_728, %get3A_729] {strides = array<i32>} : memref<256x64xf32, #tpu.memory_space<vmem>>, vector<16xf32>,
        %get3A_731 = arith.index_cast %add3A_724 : i32 to index
        %get3A_732 = arith.constant 32 : index
        %get3A_733 = tpu.vector_load %arg7[%get3A_731, %get3A_732] {strides = array<i32>} : memref<256x64xf32, #tpu.memory_space<vmem>>, vector<16xf32>,
        %get3A_734 = arith.index_cast %add3A_724 : i32 to index
        %get3A_735 = arith.constant 48 : index
        %get3A_736 = tpu.vector_load %arg7[%get3A_734, %get3A_735] {strides = array<i32>} : memref<256x64xf32, #tpu.memory_space<vmem>>, vector<16xf32>,
        %mul3A_737 = arith.constant 8 : i32
        %mul3A_738 = arith.muli %scan3A_534, %mul3A_737 : i32
        %add3A_739 = arith.constant 4 : i32
        %add3A_740 = arith.addi %mul3A_738, %add3A_739 : i32
        %add3A_741 = arith.constant 2 : i32
        %add3A_742 = arith.addi %add3A_740, %add3A_741 : i32
        %get3A_743 = arith.index_cast %add3A_742 : i32 to index
        %get3A_744 = arith.constant 0 : index
        %get3A_745 = tpu.vector_load %arg7[%get3A_743, %get3A_744] {strides = array<i32>} : memref<256x64xf32, #tpu.memory_space<vmem>>, vector<16xf32>,
        %get3A_746 = arith.index_cast %add3A_742 : i32 to index
        %get3A_747 = arith.constant 16 : index
        %get3A_748 = tpu.vector_load %arg7[%get3A_746, %get3A_747] {strides = array<i32>} : memref<256x64xf32, #tpu.memory_space<vmem>>, vector<16xf32>,
        %get3A_749 = arith.index_cast %add3A_742 : i32 to index
        %get3A_750 = arith.constant 32 : index
        %get3A_751 = tpu.vector_load %arg7[%get3A_749, %get3A_750] {strides = array<i32>} : memref<256x64xf32, #tpu.memory_space<vmem>>, vector<16xf32>,
        %get3A_752 = arith.index_cast %add3A_742 : i32 to index
        %get3A_753 = arith.constant 48 : index
        %get3A_754 = tpu.vector_load %arg7[%get3A_752, %get3A_753] {strides = array<i32>} : memref<256x64xf32, #tpu.memory_space<vmem>>, vector<16xf32>,
        %mul3A_755 = arith.constant 8 : i32
        %mul3A_756 = arith.muli %scan3A_534, %mul3A_755 : i32
        %add3A_757 = arith.constant 4 : i32
        %add3A_758 = arith.addi %mul3A_756, %add3A_757 : i32
        %add3A_759 = arith.constant 3 : i32
        %add3A_760 = arith.addi %add3A_758, %add3A_759 : i32
        %get3A_761 = arith.index_cast %add3A_760 : i32 to index
        %get3A_762 = arith.constant 0 : index
        %get3A_763 = tpu.vector_load %arg7[%get3A_761, %get3A_762] {strides = array<i32>} : memref<256x64xf32, #tpu.memory_space<vmem>>, vector<16xf32>,
        %get3A_764 = arith.index_cast %add3A_760 : i32 to index
        %get3A_765 = arith.constant 16 : index
        %get3A_766 = tpu.vector_load %arg7[%get3A_764, %get3A_765] {strides = array<i32>} : memref<256x64xf32, #tpu.memory_space<vmem>>, vector<16xf32>,
        %get3A_767 = arith.index_cast %add3A_760 : i32 to index
        %get3A_768 = arith.constant 32 : index
        %get3A_769 = tpu.vector_load %arg7[%get3A_767, %get3A_768] {strides = array<i32>} : memref<256x64xf32, #tpu.memory_space<vmem>>, vector<16xf32>,
        %get3A_770 = arith.index_cast %add3A_760 : i32 to index
        %get3A_771 = arith.constant 48 : index
        %get3A_772 = tpu.vector_load %arg7[%get3A_770, %get3A_771] {strides = array<i32>} : memref<256x64xf32, #tpu.memory_space<vmem>>, vector<16xf32>,
        %mul3A_773 = arith.constant 65 : i32
        %mul3A_774 = arith.muli %add3A_706, %mul3A_773 : i32
        %add3A_775 = arith.constant 0 : i32
        %add3A_776 = arith.addi %mul3A_774, %add3A_775 : i32
        %swap3A_777 = arith.index_cast %add3A_776 : i32 to index
        %swap3A_778 = tpu.vector_load %arg8[%swap3A_777] {strides = array<i32>} : memref<16640xf32, #tpu.memory_space<vmem>>, vector<16xf32>,
        tpu.vector_store %arg8[%swap3A_777], %get3A_709 {strides = array<i32>} : memref<16640xf32, #tpu.memory_space<vmem>>, vector<16xf32>,
        %mul3A_779 = arith.constant 65 : i32
        %mul3A_780 = arith.muli %add3A_706, %mul3A_779 : i32
        %add3A_781 = arith.constant 16 : i32
        %add3A_782 = arith.addi %mul3A_780, %add3A_781 : i32
        %swap3A_783 = arith.index_cast %add3A_782 : i32 to index
        %swap3A_784 = tpu.vector_load %arg8[%swap3A_783] {strides = array<i32>} : memref<16640xf32, #tpu.memory_space<vmem>>, vector<16xf32>,
        tpu.vector_store %arg8[%swap3A_783], %get3A_712 {strides = array<i32>} : memref<16640xf32, #tpu.memory_space<vmem>>, vector<16xf32>,
        %mul3A_785 = arith.constant 65 : i32
        %mul3A_786 = arith.muli %add3A_706, %mul3A_785 : i32
        %add3A_787 = arith.constant 32 : i32
        %add3A_788 = arith.addi %mul3A_786, %add3A_787 : i32
        %swap3A_789 = arith.index_cast %add3A_788 : i32 to index
        %swap3A_790 = tpu.vector_load %arg8[%swap3A_789] {strides = array<i32>} : memref<16640xf32, #tpu.memory_space<vmem>>, vector<16xf32>,
        tpu.vector_store %arg8[%swap3A_789], %get3A_715 {strides = array<i32>} : memref<16640xf32, #tpu.memory_space<vmem>>, vector<16xf32>,
        %mul3A_791 = arith.constant 65 : i32
        %mul3A_792 = arith.muli %add3A_706, %mul3A_791 : i32
        %add3A_793 = arith.constant 48 : i32
        %add3A_794 = arith.addi %mul3A_792, %add3A_793 : i32
        %swap3A_795 = arith.index_cast %add3A_794 : i32 to index
        %swap3A_796 = tpu.vector_load %arg8[%swap3A_795] {strides = array<i32>} : memref<16640xf32, #tpu.memory_space<vmem>>, vector<16xf32>,
        tpu.vector_store %arg8[%swap3A_795], %get3A_718 {strides = array<i32>} : memref<16640xf32, #tpu.memory_space<vmem>>, vector<16xf32>,
        %mul3A_797 = arith.constant 65 : i32
        %mul3A_798 = arith.muli %add3A_724, %mul3A_797 : i32
        %add3A_799 = arith.constant 0 : i32
        %add3A_800 = arith.addi %mul3A_798, %add3A_799 : i32
        %swap3A_801 = arith.index_cast %add3A_800 : i32 to index
        %swap3A_802 = tpu.vector_load %arg8[%swap3A_801] {strides = array<i32>} : memref<16640xf32, #tpu.memory_space<vmem>>, vector<16xf32>,
        tpu.vector_store %arg8[%swap3A_801], %get3A_727 {strides = array<i32>} : memref<16640xf32, #tpu.memory_space<vmem>>, vector<16xf32>,
        %mul3A_803 = arith.constant 65 : i32
        %mul3A_804 = arith.muli %add3A_724, %mul3A_803 : i32
        %add3A_805 = arith.constant 16 : i32
        %add3A_806 = arith.addi %mul3A_804, %add3A_805 : i32
        %swap3A_807 = arith.index_cast %add3A_806 : i32 to index
        %swap3A_808 = tpu.vector_load %arg8[%swap3A_807] {strides = array<i32>} : memref<16640xf32, #tpu.memory_space<vmem>>, vector<16xf32>,
        tpu.vector_store %arg8[%swap3A_807], %get3A_730 {strides = array<i32>} : memref<16640xf32, #tpu.memory_space<vmem>>, vector<16xf32>,
        %mul3A_809 = arith.constant 65 : i32
        %mul3A_810 = arith.muli %add3A_724, %mul3A_809 : i32
        %add3A_811 = arith.constant 32 : i32
        %add3A_812 = arith.addi %mul3A_810, %add3A_811 : i32
        %swap3A_813 = arith.index_cast %add3A_812 : i32 to index
        %swap3A_814 = tpu.vector_load %arg8[%swap3A_813] {strides = array<i32>} : memref<16640xf32, #tpu.memory_space<vmem>>, vector<16xf32>,
        tpu.vector_store %arg8[%swap3A_813], %get3A_733 {strides = array<i32>} : memref<16640xf32, #tpu.memory_space<vmem>>, vector<16xf32>,
        %mul3A_815 = arith.constant 65 : i32
        %mul3A_816 = arith.muli %add3A_724, %mul3A_815 : i32
        %add3A_817 = arith.constant 48 : i32
        %add3A_818 = arith.addi %mul3A_816, %add3A_817 : i32
        %swap3A_819 = arith.index_cast %add3A_818 : i32 to index
        %swap3A_820 = tpu.vector_load %arg8[%swap3A_819] {strides = array<i32>} : memref<16640xf32, #tpu.memory_space<vmem>>, vector<16xf32>,
        tpu.vector_store %arg8[%swap3A_819], %get3A_736 {strides = array<i32>} : memref<16640xf32, #tpu.memory_space<vmem>>, vector<16xf32>,
        %mul3A_821 = arith.constant 65 : i32
        %mul3A_822 = arith.muli %add3A_742, %mul3A_821 : i32
        %add3A_823 = arith.constant 0 : i32
        %add3A_824 = arith.addi %mul3A_822, %add3A_823 : i32
        %swap3A_825 = arith.index_cast %add3A_824 : i32 to index
        %swap3A_826 = tpu.vector_load %arg8[%swap3A_825] {strides = array<i32>} : memref<16640xf32, #tpu.memory_space<vmem>>, vector<16xf32>,
        tpu.vector_store %arg8[%swap3A_825], %get3A_745 {strides = array<i32>} : memref<16640xf32, #tpu.memory_space<vmem>>, vector<16xf32>,
        %mul3A_827 = arith.constant 65 : i32
        %mul3A_828 = arith.muli %add3A_742, %mul3A_827 : i32
        %add3A_829 = arith.constant 16 : i32
        %add3A_830 = arith.addi %mul3A_828, %add3A_829 : i32
        %swap3A_831 = arith.index_cast %add3A_830 : i32 to index
        %swap3A_832 = tpu.vector_load %arg8[%swap3A_831] {strides = array<i32>} : memref<16640xf32, #tpu.memory_space<vmem>>, vector<16xf32>,
        tpu.vector_store %arg8[%swap3A_831], %get3A_748 {strides = array<i32>} : memref<16640xf32, #tpu.memory_space<vmem>>, vector<16xf32>,
        %mul3A_833 = arith.constant 65 : i32
        %mul3A_834 = arith.muli %add3A_742, %mul3A_833 : i32
        %add3A_835 = arith.constant 32 : i32
        %add3A_836 = arith.addi %mul3A_834, %add3A_835 : i32
        %swap3A_837 = arith.index_cast %add3A_836 : i32 to index
        %swap3A_838 = tpu.vector_load %arg8[%swap3A_837] {strides = array<i32>} : memref<16640xf32, #tpu.memory_space<vmem>>, vector<16xf32>,
        tpu.vector_store %arg8[%swap3A_837], %get3A_751 {strides = array<i32>} : memref<16640xf32, #tpu.memory_space<vmem>>, vector<16xf32>,
        %mul3A_839 = arith.constant 65 : i32
        %mul3A_840 = arith.muli %add3A_742, %mul3A_839 : i32
        %add3A_841 = arith.constant 48 : i32
        %add3A_842 = arith.addi %mul3A_840, %add3A_841 : i32
        %swap3A_843 = arith.index_cast %add3A_842 : i32 to index
        %swap3A_844 = tpu.vector_load %arg8[%swap3A_843] {strides = array<i32>} : memref<16640xf32, #tpu.memory_space<vmem>>, vector<16xf32>,
        tpu.vector_store %arg8[%swap3A_843], %get3A_754 {strides = array<i32>} : memref<16640xf32, #tpu.memory_space<vmem>>, vector<16xf32>,
        %mul3A_845 = arith.constant 65 : i32
        %mul3A_846 = arith.muli %add3A_760, %mul3A_845 : i32
        %add3A_847 = arith.constant 0 : i32
        %add3A_848 = arith.addi %mul3A_846, %add3A_847 : i32
        %swap3A_849 = arith.index_cast %add3A_848 : i32 to index
        %swap3A_850 = tpu.vector_load %arg8[%swap3A_849] {strides = array<i32>} : memref<16640xf32, #tpu.memory_space<vmem>>, vector<16xf32>,
        tpu.vector_store %arg8[%swap3A_849], %get3A_763 {strides = array<i32>} : memref<16640xf32, #tpu.memory_space<vmem>>, vector<16xf32>,
        %mul3A_851 = arith.constant 65 : i32
        %mul3A_852 = arith.muli %add3A_760, %mul3A_851 : i32
        %add3A_853 = arith.constant 16 : i32
        %add3A_854 = arith.addi %mul3A_852, %add3A_853 : i32
        %swap3A_855 = arith.index_cast %add3A_854 : i32 to index
        %swap3A_856 = tpu.vector_load %arg8[%swap3A_855] {strides = array<i32>} : memref<16640xf32, #tpu.memory_space<vmem>>, vector<16xf32>,
        tpu.vector_store %arg8[%swap3A_855], %get3A_766 {strides = array<i32>} : memref<16640xf32, #tpu.memory_space<vmem>>, vector<16xf32>,
        %mul3A_857 = arith.constant 65 : i32
        %mul3A_858 = arith.muli %add3A_760, %mul3A_857 : i32
        %add3A_859 = arith.constant 32 : i32
        %add3A_860 = arith.addi %mul3A_858, %add3A_859 : i32
        %swap3A_861 = arith.index_cast %add3A_860 : i32 to index
        %swap3A_862 = tpu.vector_load %arg8[%swap3A_861] {strides = array<i32>} : memref<16640xf32, #tpu.memory_space<vmem>>, vector<16xf32>,
        tpu.vector_store %arg8[%swap3A_861], %get3A_769 {strides = array<i32>} : memref<16640xf32, #tpu.memory_space<vmem>>, vector<16xf32>,
        %mul3A_863 = arith.constant 65 : i32
        %mul3A_864 = arith.muli %add3A_760, %mul3A_863 : i32
        %add3A_865 = arith.constant 48 : i32
        %add3A_866 = arith.addi %mul3A_864, %add3A_865 : i32
        %swap3A_867 = arith.index_cast %add3A_866 : i32 to index
        %swap3A_868 = tpu.vector_load %arg8[%swap3A_867] {strides = array<i32>} : memref<16640xf32, #tpu.memory_space<vmem>>, vector<16xf32>,
        tpu.vector_store %arg8[%swap3A_867], %get3A_772 {strides = array<i32>} : memref<16640xf32, #tpu.memory_space<vmem>>, vector<16xf32>,
      }
      %scan3A_322 = arith.constant 32 : i32
      %scan3A_323 = arith.constant 0 : i32
      %scan3A_324 = arith.constant 0 : i32
      %scan3A_325 = arith.constant 8 : i32
      %scan3A_326 = arith.addi %scan3A_324, %scan3A_325 : i32
      %scan3A_327 = arith.constant 1 : i32
      scf.for %scan3A_534 = %scan3A_324 to %scan3A_326 step %scan3A_327  : i32 {
        %mul3A_535 = arith.constant 1040 : i32
        %mul3A_536 = arith.muli %scan3A_534, %mul3A_535 : i32
        %add3A_537 = arith.constant 0 : i32
        %add3A_538 = arith.addi %mul3A_536, %add3A_537 : i32
        %add3A_539 = vector.broadcast %add3A_538 : i32 to vector<16xi32>
        %add3A_540 = arith.addi %mul3A_5, %add3A_539 : vector<16xi32>
        %add3A_541 = arith.constant 8320 : i32
        %add3A_542 = arith.addi %mul3A_536, %add3A_541 : i32
        %add3A_543 = vector.broadcast %add3A_542 : i32 to vector<16xi32>
        %add3A_544 = arith.addi %mul3A_5, %add3A_543 : vector<16xi32>
        %add3A_545 = arith.constant 1 : i32
        %add3A_546 = arith.addi %mul3A_536, %add3A_545 : i32
        %add3A_547 = vector.broadcast %add3A_546 : i32 to vector<16xi32>
        %add3A_548 = arith.addi %mul3A_5, %add3A_547 : vector<16xi32>
        %add3A_549 = arith.constant 8321 : i32
        %add3A_550 = arith.addi %mul3A_536, %add3A_549 : i32
        %add3A_551 = vector.broadcast %add3A_550 : i32 to vector<16xi32>
        %add3A_552 = arith.addi %mul3A_5, %add3A_551 : vector<16xi32>
        %add3A_553 = arith.constant 2 : i32
        %add3A_554 = arith.addi %mul3A_536, %add3A_553 : i32
        %add3A_555 = vector.broadcast %add3A_554 : i32 to vector<16xi32>
        %add3A_556 = arith.addi %mul3A_5, %add3A_555 : vector<16xi32>
        %add3A_557 = arith.constant 8322 : i32
        %add3A_558 = arith.addi %mul3A_536, %add3A_557 : i32
        %add3A_559 = vector.broadcast %add3A_558 : i32 to vector<16xi32>
        %add3A_560 = arith.addi %mul3A_5, %add3A_559 : vector<16xi32>
        %add3A_561 = arith.constant 3 : i32
        %add3A_562 = arith.addi %mul3A_536, %add3A_561 : i32
        %add3A_563 = vector.broadcast %add3A_562 : i32 to vector<16xi32>
        %add3A_564 = arith.addi %mul3A_5, %add3A_563 : vector<16xi32>
        %add3A_565 = arith.constant 8323 : i32
        %add3A_566 = arith.addi %mul3A_536, %add3A_565 : i32
        %add3A_567 = vector.broadcast %add3A_566 : i32 to vector<16xi32>
        %add3A_568 = arith.addi %mul3A_5, %add3A_567 : vector<16xi32>
        %add3A_569 = arith.constant 4 : i32
        %add3A_570 = arith.addi %mul3A_536, %add3A_569 : i32
        %add3A_571 = vector.broadcast %add3A_570 : i32 to vector<16xi32>
        %add3A_572 = arith.addi %mul3A_5, %add3A_571 : vector<16xi32>
        %add3A_573 = arith.constant 8324 : i32
        %add3A_574 = arith.addi %mul3A_536, %add3A_573 : i32
        %add3A_575 = vector.broadcast %add3A_574 : i32 to vector<16xi32>
        %add3A_576 = arith.addi %mul3A_5, %add3A_575 : vector<16xi32>
        %add3A_577 = arith.constant 5 : i32
        %add3A_578 = arith.addi %mul3A_536, %add3A_577 : i32
        %add3A_579 = vector.broadcast %add3A_578 : i32 to vector<16xi32>
        %add3A_580 = arith.addi %mul3A_5, %add3A_579 : vector<16xi32>
        %add3A_581 = arith.constant 8325 : i32
        %add3A_582 = arith.addi %mul3A_536, %add3A_581 : i32
        %add3A_583 = vector.broadcast %add3A_582 : i32 to vector<16xi32>
        %add3A_584 = arith.addi %mul3A_5, %add3A_583 : vector<16xi32>
        %add3A_585 = arith.constant 6 : i32
        %add3A_586 = arith.addi %mul3A_536, %add3A_585 : i32
        %add3A_587 = vector.broadcast %add3A_586 : i32 to vector<16xi32>
        %add3A_588 = arith.addi %mul3A_5, %add3A_587 : vector<16xi32>
        %add3A_589 = arith.constant 8326 : i32
        %add3A_590 = arith.addi %mul3A_536, %add3A_589 : i32
        %add3A_591 = vector.broadcast %add3A_590 : i32 to vector<16xi32>
        %add3A_592 = arith.addi %mul3A_5, %add3A_591 : vector<16xi32>
        %add3A_593 = arith.constant 7 : i32
        %add3A_594 = arith.addi %mul3A_536, %add3A_593 : i32
        %add3A_595 = vector.broadcast %add3A_594 : i32 to vector<16xi32>
        %add3A_596 = arith.addi %mul3A_5, %add3A_595 : vector<16xi32>
        %add3A_597 = arith.constant 8327 : i32
        %add3A_598 = arith.addi %mul3A_536, %add3A_597 : i32
        %add3A_599 = vector.broadcast %add3A_598 : i32 to vector<16xi32>
        %add3A_600 = arith.addi %mul3A_5, %add3A_599 : vector<16xi32>
        %add3A_601 = arith.constant 8 : i32
        %add3A_602 = arith.addi %mul3A_536, %add3A_601 : i32
        %add3A_603 = vector.broadcast %add3A_602 : i32 to vector<16xi32>
        %add3A_604 = arith.addi %mul3A_5, %add3A_603 : vector<16xi32>
        %add3A_605 = arith.constant 8328 : i32
        %add3A_606 = arith.addi %mul3A_536, %add3A_605 : i32
        %add3A_607 = vector.broadcast %add3A_606 : i32 to vector<16xi32>
        %add3A_608 = arith.addi %mul3A_5, %add3A_607 : vector<16xi32>
        %add3A_609 = arith.constant 9 : i32
        %add3A_610 = arith.addi %mul3A_536, %add3A_609 : i32
        %add3A_611 = vector.broadcast %add3A_610 : i32 to vector<16xi32>
        %add3A_612 = arith.addi %mul3A_5, %add3A_611 : vector<16xi32>
        %add3A_613 = arith.constant 8329 : i32
        %add3A_614 = arith.addi %mul3A_536, %add3A_613 : i32
        %add3A_615 = vector.broadcast %add3A_614 : i32 to vector<16xi32>
        %add3A_616 = arith.addi %mul3A_5, %add3A_615 : vector<16xi32>
        %add3A_617 = arith.constant 10 : i32
        %add3A_618 = arith.addi %mul3A_536, %add3A_617 : i32
        %add3A_619 = vector.broadcast %add3A_618 : i32 to vector<16xi32>
        %add3A_620 = arith.addi %mul3A_5, %add3A_619 : vector<16xi32>
        %add3A_621 = arith.constant 8330 : i32
        %add3A_622 = arith.addi %mul3A_536, %add3A_621 : i32
        %add3A_623 = vector.broadcast %add3A_622 : i32 to vector<16xi32>
        %add3A_624 = arith.addi %mul3A_5, %add3A_623 : vector<16xi32>
        %add3A_625 = arith.constant 11 : i32
        %add3A_626 = arith.addi %mul3A_536, %add3A_625 : i32
        %add3A_627 = vector.broadcast %add3A_626 : i32 to vector<16xi32>
        %add3A_628 = arith.addi %mul3A_5, %add3A_627 : vector<16xi32>
        %add3A_629 = arith.constant 8331 : i32
        %add3A_630 = arith.addi %mul3A_536, %add3A_629 : i32
        %add3A_631 = vector.broadcast %add3A_630 : i32 to vector<16xi32>
        %add3A_632 = arith.addi %mul3A_5, %add3A_631 : vector<16xi32>
        %add3A_633 = arith.constant 12 : i32
        %add3A_634 = arith.addi %mul3A_536, %add3A_633 : i32
        %add3A_635 = vector.broadcast %add3A_634 : i32 to vector<16xi32>
        %add3A_636 = arith.addi %mul3A_5, %add3A_635 : vector<16xi32>
        %add3A_637 = arith.constant 8332 : i32
        %add3A_638 = arith.addi %mul3A_536, %add3A_637 : i32
        %add3A_639 = vector.broadcast %add3A_638 : i32 to vector<16xi32>
        %add3A_640 = arith.addi %mul3A_5, %add3A_639 : vector<16xi32>
        %add3A_641 = arith.constant 13 : i32
        %add3A_642 = arith.addi %mul3A_536, %add3A_641 : i32
        %add3A_643 = vector.broadcast %add3A_642 : i32 to vector<16xi32>
        %add3A_644 = arith.addi %mul3A_5, %add3A_643 : vector<16xi32>
        %add3A_645 = arith.constant 8333 : i32
        %add3A_646 = arith.addi %mul3A_536, %add3A_645 : i32
        %add3A_647 = vector.broadcast %add3A_646 : i32 to vector<16xi32>
        %add3A_648 = arith.addi %mul3A_5, %add3A_647 : vector<16xi32>
        %add3A_649 = arith.constant 14 : i32
        %add3A_650 = arith.addi %mul3A_536, %add3A_649 : i32
        %add3A_651 = vector.broadcast %add3A_650 : i32 to vector<16xi32>
        %add3A_652 = arith.addi %mul3A_5, %add3A_651 : vector<16xi32>
        %add3A_653 = arith.constant 8334 : i32
        %add3A_654 = arith.addi %mul3A_536, %add3A_653 : i32
        %add3A_655 = vector.broadcast %add3A_654 : i32 to vector<16xi32>
        %add3A_656 = arith.addi %mul3A_5, %add3A_655 : vector<16xi32>
        %add3A_657 = arith.constant 15 : i32
        %add3A_658 = arith.addi %mul3A_536, %add3A_657 : i32
        %add3A_659 = vector.broadcast %add3A_658 : i32 to vector<16xi32>
        %add3A_660 = arith.addi %mul3A_5, %add3A_659 : vector<16xi32>
        %add3A_661 = arith.constant 8335 : i32
        %add3A_662 = arith.addi %mul3A_536, %add3A_661 : i32
        %add3A_663 = vector.broadcast %add3A_662 : i32 to vector<16xi32>
        %add3A_664 = arith.addi %mul3A_5, %add3A_663 : vector<16xi32>
        %add3A_665 = arith.constant 16 : i32
        %add3A_666 = arith.addi %mul3A_536, %add3A_665 : i32
        %add3A_667 = vector.broadcast %add3A_666 : i32 to vector<16xi32>
        %add3A_668 = arith.addi %mul3A_5, %add3A_667 : vector<16xi32>
        %add3A_669 = arith.constant 8336 : i32
        %add3A_670 = arith.addi %mul3A_536, %add3A_669 : i32
        %add3A_671 = vector.broadcast %add3A_670 : i32 to vector<16xi32>
        %add3A_672 = arith.addi %mul3A_5, %add3A_671 : vector<16xi32>
        %add3A_673 = arith.constant 17 : i32
        %add3A_674 = arith.addi %mul3A_536, %add3A_673 : i32
        %add3A_675 = vector.broadcast %add3A_674 : i32 to vector<16xi32>
        %add3A_676 = arith.addi %mul3A_5, %add3A_675 : vector<16xi32>
        %add3A_677 = arith.constant 8337 : i32
        %add3A_678 = arith.addi %mul3A_536, %add3A_677 : i32
        %add3A_679 = vector.broadcast %add3A_678 : i32 to vector<16xi32>
        %add3A_680 = arith.addi %mul3A_5, %add3A_679 : vector<16xi32>
        %add3A_681 = arith.constant 18 : i32
        %add3A_682 = arith.addi %mul3A_536, %add3A_681 : i32
        %add3A_683 = vector.broadcast %add3A_682 : i32 to vector<16xi32>
        %add3A_684 = arith.addi %mul3A_5, %add3A_683 : vector<16xi32>
        %add3A_685 = arith.constant 8338 : i32
        %add3A_686 = arith.addi %mul3A_536, %add3A_685 : i32
        %add3A_687 = vector.broadcast %add3A_686 : i32 to vector<16xi32>
        %add3A_688 = arith.addi %mul3A_5, %add3A_687 : vector<16xi32>
        %add3A_689 = arith.constant 19 : i32
        %add3A_690 = arith.addi %mul3A_536, %add3A_689 : i32
        %add3A_691 = vector.broadcast %add3A_690 : i32 to vector<16xi32>
        %add3A_692 = arith.addi %mul3A_5, %add3A_691 : vector<16xi32>
        %add3A_693 = arith.constant 8339 : i32
        %add3A_694 = arith.addi %mul3A_536, %add3A_693 : i32
        %add3A_695 = vector.broadcast %add3A_694 : i32 to vector<16xi32>
        %add3A_696 = arith.addi %mul3A_5, %add3A_695 : vector<16xi32>
        %add3A_697 = arith.constant 20 : i32
        %add3A_698 = arith.addi %mul3A_536, %add3A_697 : i32
        %add3A_699 = vector.broadcast %add3A_698 : i32 to vector<16xi32>
        %add3A_700 = arith.addi %mul3A_5, %add3A_699 : vector<16xi32>
        %add3A_701 = arith.constant 8340 : i32
        %add3A_702 = arith.addi %mul3A_536, %add3A_701 : i32
        %add3A_703 = vector.broadcast %add3A_702 : i32 to vector<16xi32>
        %add3A_704 = arith.addi %mul3A_5, %add3A_703 : vector<16xi32>
        %add3A_705 = arith.constant 21 : i32
        %add3A_706 = arith.addi %mul3A_536, %add3A_705 : i32
        %add3A_707 = vector.broadcast %add3A_706 : i32 to vector<16xi32>
        %add3A_708 = arith.addi %mul3A_5, %add3A_707 : vector<16xi32>
        %add3A_709 = arith.constant 8341 : i32
        %add3A_710 = arith.addi %mul3A_536, %add3A_709 : i32
        %add3A_711 = vector.broadcast %add3A_710 : i32 to vector<16xi32>
        %add3A_712 = arith.addi %mul3A_5, %add3A_711 : vector<16xi32>
        %add3A_713 = arith.constant 22 : i32
        %add3A_714 = arith.addi %mul3A_536, %add3A_713 : i32
        %add3A_715 = vector.broadcast %add3A_714 : i32 to vector<16xi32>
        %add3A_716 = arith.addi %mul3A_5, %add3A_715 : vector<16xi32>
        %add3A_717 = arith.constant 8342 : i32
        %add3A_718 = arith.addi %mul3A_536, %add3A_717 : i32
        %add3A_719 = vector.broadcast %add3A_718 : i32 to vector<16xi32>
        %add3A_720 = arith.addi %mul3A_5, %add3A_719 : vector<16xi32>
        %add3A_721 = arith.constant 23 : i32
        %add3A_722 = arith.addi %mul3A_536, %add3A_721 : i32
        %add3A_723 = vector.broadcast %add3A_722 : i32 to vector<16xi32>
        %add3A_724 = arith.addi %mul3A_5, %add3A_723 : vector<16xi32>
        %add3A_725 = arith.constant 8343 : i32
        %add3A_726 = arith.addi %mul3A_536, %add3A_725 : i32
        %add3A_727 = vector.broadcast %add3A_726 : i32 to vector<16xi32>
        %add3A_728 = arith.addi %mul3A_5, %add3A_727 : vector<16xi32>
        %add3A_729 = arith.constant 24 : i32
        %add3A_730 = arith.addi %mul3A_536, %add3A_729 : i32
        %add3A_731 = vector.broadcast %add3A_730 : i32 to vector<16xi32>
        %add3A_732 = arith.addi %mul3A_5, %add3A_731 : vector<16xi32>
        %add3A_733 = arith.constant 8344 : i32
        %add3A_734 = arith.addi %mul3A_536, %add3A_733 : i32
        %add3A_735 = vector.broadcast %add3A_734 : i32 to vector<16xi32>
        %add3A_736 = arith.addi %mul3A_5, %add3A_735 : vector<16xi32>
        %add3A_737 = arith.constant 25 : i32
        %add3A_738 = arith.addi %mul3A_536, %add3A_737 : i32
        %add3A_739 = vector.broadcast %add3A_738 : i32 to vector<16xi32>
        %add3A_740 = arith.addi %mul3A_5, %add3A_739 : vector<16xi32>
        %add3A_741 = arith.constant 8345 : i32
        %add3A_742 = arith.addi %mul3A_536, %add3A_741 : i32
        %add3A_743 = vector.broadcast %add3A_742 : i32 to vector<16xi32>
        %add3A_744 = arith.addi %mul3A_5, %add3A_743 : vector<16xi32>
        %add3A_745 = arith.constant 26 : i32
        %add3A_746 = arith.addi %mul3A_536, %add3A_745 : i32
        %add3A_747 = vector.broadcast %add3A_746 : i32 to vector<16xi32>
        %add3A_748 = arith.addi %mul3A_5, %add3A_747 : vector<16xi32>
        %add3A_749 = arith.constant 8346 : i32
        %add3A_750 = arith.addi %mul3A_536, %add3A_749 : i32
        %add3A_751 = vector.broadcast %add3A_750 : i32 to vector<16xi32>
        %add3A_752 = arith.addi %mul3A_5, %add3A_751 : vector<16xi32>
        %add3A_753 = arith.constant 27 : i32
        %add3A_754 = arith.addi %mul3A_536, %add3A_753 : i32
        %add3A_755 = vector.broadcast %add3A_754 : i32 to vector<16xi32>
        %add3A_756 = arith.addi %mul3A_5, %add3A_755 : vector<16xi32>
        %add3A_757 = arith.constant 8347 : i32
        %add3A_758 = arith.addi %mul3A_536, %add3A_757 : i32
        %add3A_759 = vector.broadcast %add3A_758 : i32 to vector<16xi32>
        %add3A_760 = arith.addi %mul3A_5, %add3A_759 : vector<16xi32>
        %add3A_761 = arith.constant 28 : i32
        %add3A_762 = arith.addi %mul3A_536, %add3A_761 : i32
        %add3A_763 = vector.broadcast %add3A_762 : i32 to vector<16xi32>
        %add3A_764 = arith.addi %mul3A_5, %add3A_763 : vector<16xi32>
        %add3A_765 = arith.constant 8348 : i32
        %add3A_766 = arith.addi %mul3A_536, %add3A_765 : i32
        %add3A_767 = vector.broadcast %add3A_766 : i32 to vector<16xi32>
        %add3A_768 = arith.addi %mul3A_5, %add3A_767 : vector<16xi32>
        %add3A_769 = arith.constant 29 : i32
        %add3A_770 = arith.addi %mul3A_536, %add3A_769 : i32
        %add3A_771 = vector.broadcast %add3A_770 : i32 to vector<16xi32>
        %add3A_772 = arith.addi %mul3A_5, %add3A_771 : vector<16xi32>
        %add3A_773 = arith.constant 8349 : i32
        %add3A_774 = arith.addi %mul3A_536, %add3A_773 : i32
        %add3A_775 = vector.broadcast %add3A_774 : i32 to vector<16xi32>
        %add3A_776 = arith.addi %mul3A_5, %add3A_775 : vector<16xi32>
        %add3A_777 = arith.constant 30 : i32
        %add3A_778 = arith.addi %mul3A_536, %add3A_777 : i32
        %add3A_779 = vector.broadcast %add3A_778 : i32 to vector<16xi32>
        %add3A_780 = arith.addi %mul3A_5, %add3A_779 : vector<16xi32>
        %add3A_781 = arith.constant 8350 : i32
        %add3A_782 = arith.addi %mul3A_536, %add3A_781 : i32
        %add3A_783 = vector.broadcast %add3A_782 : i32 to vector<16xi32>
        %add3A_784 = arith.addi %mul3A_5, %add3A_783 : vector<16xi32>
        %add3A_785 = arith.constant 31 : i32
        %add3A_786 = arith.addi %mul3A_536, %add3A_785 : i32
        %add3A_787 = vector.broadcast %add3A_786 : i32 to vector<16xi32>
        %add3A_788 = arith.addi %mul3A_5, %add3A_787 : vector<16xi32>
        %add3A_789 = arith.constant 8351 : i32
        %add3A_790 = arith.addi %mul3A_536, %add3A_789 : i32
        %add3A_791 = vector.broadcast %add3A_790 : i32 to vector<16xi32>
        %add3A_792 = arith.addi %mul3A_5, %add3A_791 : vector<16xi32>
        %add3A_793 = arith.constant 32 : i32
        %add3A_794 = arith.addi %mul3A_536, %add3A_793 : i32
        %add3A_795 = vector.broadcast %add3A_794 : i32 to vector<16xi32>
        %add3A_796 = arith.addi %mul3A_5, %add3A_795 : vector<16xi32>
        %add3A_797 = arith.constant 8352 : i32
        %add3A_798 = arith.addi %mul3A_536, %add3A_797 : i32
        %add3A_799 = vector.broadcast %add3A_798 : i32 to vector<16xi32>
        %add3A_800 = arith.addi %mul3A_5, %add3A_799 : vector<16xi32>
        %add3A_801 = arith.constant 33 : i32
        %add3A_802 = arith.addi %mul3A_536, %add3A_801 : i32
        %add3A_803 = vector.broadcast %add3A_802 : i32 to vector<16xi32>
        %add3A_804 = arith.addi %mul3A_5, %add3A_803 : vector<16xi32>
        %add3A_805 = arith.constant 8353 : i32
        %add3A_806 = arith.addi %mul3A_536, %add3A_805 : i32
        %add3A_807 = vector.broadcast %add3A_806 : i32 to vector<16xi32>
        %add3A_808 = arith.addi %mul3A_5, %add3A_807 : vector<16xi32>
        %add3A_809 = arith.constant 34 : i32
        %add3A_810 = arith.addi %mul3A_536, %add3A_809 : i32
        %add3A_811 = vector.broadcast %add3A_810 : i32 to vector<16xi32>
        %add3A_812 = arith.addi %mul3A_5, %add3A_811 : vector<16xi32>
        %add3A_813 = arith.constant 8354 : i32
        %add3A_814 = arith.addi %mul3A_536, %add3A_813 : i32
        %add3A_815 = vector.broadcast %add3A_814 : i32 to vector<16xi32>
        %add3A_816 = arith.addi %mul3A_5, %add3A_815 : vector<16xi32>
        %add3A_817 = arith.constant 35 : i32
        %add3A_818 = arith.addi %mul3A_536, %add3A_817 : i32
        %add3A_819 = vector.broadcast %add3A_818 : i32 to vector<16xi32>
        %add3A_820 = arith.addi %mul3A_5, %add3A_819 : vector<16xi32>
        %add3A_821 = arith.constant 8355 : i32
        %add3A_822 = arith.addi %mul3A_536, %add3A_821 : i32
        %add3A_823 = vector.broadcast %add3A_822 : i32 to vector<16xi32>
        %add3A_824 = arith.addi %mul3A_5, %add3A_823 : vector<16xi32>
        %add3A_825 = arith.constant 36 : i32
        %add3A_826 = arith.addi %mul3A_536, %add3A_825 : i32
        %add3A_827 = vector.broadcast %add3A_826 : i32 to vector<16xi32>
        %add3A_828 = arith.addi %mul3A_5, %add3A_827 : vector<16xi32>
        %add3A_829 = arith.constant 8356 : i32
        %add3A_830 = arith.addi %mul3A_536, %add3A_829 : i32
        %add3A_831 = vector.broadcast %add3A_830 : i32 to vector<16xi32>
        %add3A_832 = arith.addi %mul3A_5, %add3A_831 : vector<16xi32>
        %add3A_833 = arith.constant 37 : i32
        %add3A_834 = arith.addi %mul3A_536, %add3A_833 : i32
        %add3A_835 = vector.broadcast %add3A_834 : i32 to vector<16xi32>
        %add3A_836 = arith.addi %mul3A_5, %add3A_835 : vector<16xi32>
        %add3A_837 = arith.constant 8357 : i32
        %add3A_838 = arith.addi %mul3A_536, %add3A_837 : i32
        %add3A_839 = vector.broadcast %add3A_838 : i32 to vector<16xi32>
        %add3A_840 = arith.addi %mul3A_5, %add3A_839 : vector<16xi32>
        %add3A_841 = arith.constant 38 : i32
        %add3A_842 = arith.addi %mul3A_536, %add3A_841 : i32
        %add3A_843 = vector.broadcast %add3A_842 : i32 to vector<16xi32>
        %add3A_844 = arith.addi %mul3A_5, %add3A_843 : vector<16xi32>
        %add3A_845 = arith.constant 8358 : i32
        %add3A_846 = arith.addi %mul3A_536, %add3A_845 : i32
        %add3A_847 = vector.broadcast %add3A_846 : i32 to vector<16xi32>
        %add3A_848 = arith.addi %mul3A_5, %add3A_847 : vector<16xi32>
        %add3A_849 = arith.constant 39 : i32
        %add3A_850 = arith.addi %mul3A_536, %add3A_849 : i32
        %add3A_851 = vector.broadcast %add3A_850 : i32 to vector<16xi32>
        %add3A_852 = arith.addi %mul3A_5, %add3A_851 : vector<16xi32>
        %add3A_853 = arith.constant 8359 : i32
        %add3A_854 = arith.addi %mul3A_536, %add3A_853 : i32
        %add3A_855 = vector.broadcast %add3A_854 : i32 to vector<16xi32>
        %add3A_856 = arith.addi %mul3A_5, %add3A_855 : vector<16xi32>
        %add3A_857 = arith.constant 40 : i32
        %add3A_858 = arith.addi %mul3A_536, %add3A_857 : i32
        %add3A_859 = vector.broadcast %add3A_858 : i32 to vector<16xi32>
        %add3A_860 = arith.addi %mul3A_5, %add3A_859 : vector<16xi32>
        %add3A_861 = arith.constant 8360 : i32
        %add3A_862 = arith.addi %mul3A_536, %add3A_861 : i32
        %add3A_863 = vector.broadcast %add3A_862 : i32 to vector<16xi32>
        %add3A_864 = arith.addi %mul3A_5, %add3A_863 : vector<16xi32>
        %add3A_865 = arith.constant 41 : i32
        %add3A_866 = arith.addi %mul3A_536, %add3A_865 : i32
        %add3A_867 = vector.broadcast %add3A_866 : i32 to vector<16xi32>
        %add3A_868 = arith.addi %mul3A_5, %add3A_867 : vector<16xi32>
        %add3A_869 = arith.constant 8361 : i32
        %add3A_870 = arith.addi %mul3A_536, %add3A_869 : i32
        %add3A_871 = vector.broadcast %add3A_870 : i32 to vector<16xi32>
        %add3A_872 = arith.addi %mul3A_5, %add3A_871 : vector<16xi32>
        %add3A_873 = arith.constant 42 : i32
        %add3A_874 = arith.addi %mul3A_536, %add3A_873 : i32
        %add3A_875 = vector.broadcast %add3A_874 : i32 to vector<16xi32>
        %add3A_876 = arith.addi %mul3A_5, %add3A_875 : vector<16xi32>
        %add3A_877 = arith.constant 8362 : i32
        %add3A_878 = arith.addi %mul3A_536, %add3A_877 : i32
        %add3A_879 = vector.broadcast %add3A_878 : i32 to vector<16xi32>
        %add3A_880 = arith.addi %mul3A_5, %add3A_879 : vector<16xi32>
        %add3A_881 = arith.constant 43 : i32
        %add3A_882 = arith.addi %mul3A_536, %add3A_881 : i32
        %add3A_883 = vector.broadcast %add3A_882 : i32 to vector<16xi32>
        %add3A_884 = arith.addi %mul3A_5, %add3A_883 : vector<16xi32>
        %add3A_885 = arith.constant 8363 : i32
        %add3A_886 = arith.addi %mul3A_536, %add3A_885 : i32
        %add3A_887 = vector.broadcast %add3A_886 : i32 to vector<16xi32>
        %add3A_888 = arith.addi %mul3A_5, %add3A_887 : vector<16xi32>
        %add3A_889 = arith.constant 44 : i32
        %add3A_890 = arith.addi %mul3A_536, %add3A_889 : i32
        %add3A_891 = vector.broadcast %add3A_890 : i32 to vector<16xi32>
        %add3A_892 = arith.addi %mul3A_5, %add3A_891 : vector<16xi32>
        %add3A_893 = arith.constant 8364 : i32
        %add3A_894 = arith.addi %mul3A_536, %add3A_893 : i32
        %add3A_895 = vector.broadcast %add3A_894 : i32 to vector<16xi32>
        %add3A_896 = arith.addi %mul3A_5, %add3A_895 : vector<16xi32>
        %add3A_897 = arith.constant 45 : i32
        %add3A_898 = arith.addi %mul3A_536, %add3A_897 : i32
        %add3A_899 = vector.broadcast %add3A_898 : i32 to vector<16xi32>
        %add3A_900 = arith.addi %mul3A_5, %add3A_899 : vector<16xi32>
        %add3A_901 = arith.constant 8365 : i32
        %add3A_902 = arith.addi %mul3A_536, %add3A_901 : i32
        %add3A_903 = vector.broadcast %add3A_902 : i32 to vector<16xi32>
        %add3A_904 = arith.addi %mul3A_5, %add3A_903 : vector<16xi32>
        %add3A_905 = arith.constant 46 : i32
        %add3A_906 = arith.addi %mul3A_536, %add3A_905 : i32
        %add3A_907 = vector.broadcast %add3A_906 : i32 to vector<16xi32>
        %add3A_908 = arith.addi %mul3A_5, %add3A_907 : vector<16xi32>
        %add3A_909 = arith.constant 8366 : i32
        %add3A_910 = arith.addi %mul3A_536, %add3A_909 : i32
        %add3A_911 = vector.broadcast %add3A_910 : i32 to vector<16xi32>
        %add3A_912 = arith.addi %mul3A_5, %add3A_911 : vector<16xi32>
        %add3A_913 = arith.constant 47 : i32
        %add3A_914 = arith.addi %mul3A_536, %add3A_913 : i32
        %add3A_915 = vector.broadcast %add3A_914 : i32 to vector<16xi32>
        %add3A_916 = arith.addi %mul3A_5, %add3A_915 : vector<16xi32>
        %add3A_917 = arith.constant 8367 : i32
        %add3A_918 = arith.addi %mul3A_536, %add3A_917 : i32
        %add3A_919 = vector.broadcast %add3A_918 : i32 to vector<16xi32>
        %add3A_920 = arith.addi %mul3A_5, %add3A_919 : vector<16xi32>
        %add3A_921 = arith.constant 48 : i32
        %add3A_922 = arith.addi %mul3A_536, %add3A_921 : i32
        %add3A_923 = vector.broadcast %add3A_922 : i32 to vector<16xi32>
        %add3A_924 = arith.addi %mul3A_5, %add3A_923 : vector<16xi32>
        %add3A_925 = arith.constant 8368 : i32
        %add3A_926 = arith.addi %mul3A_536, %add3A_925 : i32
        %add3A_927 = vector.broadcast %add3A_926 : i32 to vector<16xi32>
        %add3A_928 = arith.addi %mul3A_5, %add3A_927 : vector<16xi32>
        %add3A_929 = arith.constant 49 : i32
        %add3A_930 = arith.addi %mul3A_536, %add3A_929 : i32
        %add3A_931 = vector.broadcast %add3A_930 : i32 to vector<16xi32>
        %add3A_932 = arith.addi %mul3A_5, %add3A_931 : vector<16xi32>
        %add3A_933 = arith.constant 8369 : i32
        %add3A_934 = arith.addi %mul3A_536, %add3A_933 : i32
        %add3A_935 = vector.broadcast %add3A_934 : i32 to vector<16xi32>
        %add3A_936 = arith.addi %mul3A_5, %add3A_935 : vector<16xi32>
        %add3A_937 = arith.constant 50 : i32
        %add3A_938 = arith.addi %mul3A_536, %add3A_937 : i32
        %add3A_939 = vector.broadcast %add3A_938 : i32 to vector<16xi32>
        %add3A_940 = arith.addi %mul3A_5, %add3A_939 : vector<16xi32>
        %add3A_941 = arith.constant 8370 : i32
        %add3A_942 = arith.addi %mul3A_536, %add3A_941 : i32
        %add3A_943 = vector.broadcast %add3A_942 : i32 to vector<16xi32>
        %add3A_944 = arith.addi %mul3A_5, %add3A_943 : vector<16xi32>
        %add3A_945 = arith.constant 51 : i32
        %add3A_946 = arith.addi %mul3A_536, %add3A_945 : i32
        %add3A_947 = vector.broadcast %add3A_946 : i32 to vector<16xi32>
        %add3A_948 = arith.addi %mul3A_5, %add3A_947 : vector<16xi32>
        %add3A_949 = arith.constant 8371 : i32
        %add3A_950 = arith.addi %mul3A_536, %add3A_949 : i32
        %add3A_951 = vector.broadcast %add3A_950 : i32 to vector<16xi32>
        %add3A_952 = arith.addi %mul3A_5, %add3A_951 : vector<16xi32>
        %add3A_953 = arith.constant 52 : i32
        %add3A_954 = arith.addi %mul3A_536, %add3A_953 : i32
        %add3A_955 = vector.broadcast %add3A_954 : i32 to vector<16xi32>
        %add3A_956 = arith.addi %mul3A_5, %add3A_955 : vector<16xi32>
        %add3A_957 = arith.constant 8372 : i32
        %add3A_958 = arith.addi %mul3A_536, %add3A_957 : i32
        %add3A_959 = vector.broadcast %add3A_958 : i32 to vector<16xi32>
        %add3A_960 = arith.addi %mul3A_5, %add3A_959 : vector<16xi32>
        %add3A_961 = arith.constant 53 : i32
        %add3A_962 = arith.addi %mul3A_536, %add3A_961 : i32
        %add3A_963 = vector.broadcast %add3A_962 : i32 to vector<16xi32>
        %add3A_964 = arith.addi %mul3A_5, %add3A_963 : vector<16xi32>
        %add3A_965 = arith.constant 8373 : i32
        %add3A_966 = arith.addi %mul3A_536, %add3A_965 : i32
        %add3A_967 = vector.broadcast %add3A_966 : i32 to vector<16xi32>
        %add3A_968 = arith.addi %mul3A_5, %add3A_967 : vector<16xi32>
        %add3A_969 = arith.constant 54 : i32
        %add3A_970 = arith.addi %mul3A_536, %add3A_969 : i32
        %add3A_971 = vector.broadcast %add3A_970 : i32 to vector<16xi32>
        %add3A_972 = arith.addi %mul3A_5, %add3A_971 : vector<16xi32>
        %add3A_973 = arith.constant 8374 : i32
        %add3A_974 = arith.addi %mul3A_536, %add3A_973 : i32
        %add3A_975 = vector.broadcast %add3A_974 : i32 to vector<16xi32>
        %add3A_976 = arith.addi %mul3A_5, %add3A_975 : vector<16xi32>
        %add3A_977 = arith.constant 55 : i32
        %add3A_978 = arith.addi %mul3A_536, %add3A_977 : i32
        %add3A_979 = vector.broadcast %add3A_978 : i32 to vector<16xi32>
        %add3A_980 = arith.addi %mul3A_5, %add3A_979 : vector<16xi32>
        %add3A_981 = arith.constant 8375 : i32
        %add3A_982 = arith.addi %mul3A_536, %add3A_981 : i32
        %add3A_983 = vector.broadcast %add3A_982 : i32 to vector<16xi32>
        %add3A_984 = arith.addi %mul3A_5, %add3A_983 : vector<16xi32>
        %add3A_985 = arith.constant 56 : i32
        %add3A_986 = arith.addi %mul3A_536, %add3A_985 : i32
        %add3A_987 = vector.broadcast %add3A_986 : i32 to vector<16xi32>
        %add3A_988 = arith.addi %mul3A_5, %add3A_987 : vector<16xi32>
        %add3A_989 = arith.constant 8376 : i32
        %add3A_990 = arith.addi %mul3A_536, %add3A_989 : i32
        %add3A_991 = vector.broadcast %add3A_990 : i32 to vector<16xi32>
        %add3A_992 = arith.addi %mul3A_5, %add3A_991 : vector<16xi32>
        %add3A_993 = arith.constant 57 : i32
        %add3A_994 = arith.addi %mul3A_536, %add3A_993 : i32
        %add3A_995 = vector.broadcast %add3A_994 : i32 to vector<16xi32>
        %add3A_996 = arith.addi %mul3A_5, %add3A_995 : vector<16xi32>
        %add3A_997 = arith.constant 8377 : i32
        %add3A_998 = arith.addi %mul3A_536, %add3A_997 : i32
        %add3A_999 = vector.broadcast %add3A_998 : i32 to vector<16xi32>
        %add3A_1000 = arith.addi %mul3A_5, %add3A_999 : vector<16xi32>
        %add3A_1001 = arith.constant 58 : i32
        %add3A_1002 = arith.addi %mul3A_536, %add3A_1001 : i32
        %add3A_1003 = vector.broadcast %add3A_1002 : i32 to vector<16xi32>
        %add3A_1004 = arith.addi %mul3A_5, %add3A_1003 : vector<16xi32>
        %add3A_1005 = arith.constant 8378 : i32
        %add3A_1006 = arith.addi %mul3A_536, %add3A_1005 : i32
        %add3A_1007 = vector.broadcast %add3A_1006 : i32 to vector<16xi32>
        %add3A_1008 = arith.addi %mul3A_5, %add3A_1007 : vector<16xi32>
        %add3A_1009 = arith.constant 59 : i32
        %add3A_1010 = arith.addi %mul3A_536, %add3A_1009 : i32
        %add3A_1011 = vector.broadcast %add3A_1010 : i32 to vector<16xi32>
        %add3A_1012 = arith.addi %mul3A_5, %add3A_1011 : vector<16xi32>
        %add3A_1013 = arith.constant 8379 : i32
        %add3A_1014 = arith.addi %mul3A_536, %add3A_1013 : i32
        %add3A_1015 = vector.broadcast %add3A_1014 : i32 to vector<16xi32>
        %add3A_1016 = arith.addi %mul3A_5, %add3A_1015 : vector<16xi32>
        %add3A_1017 = arith.constant 60 : i32
        %add3A_1018 = arith.addi %mul3A_536, %add3A_1017 : i32
        %add3A_1019 = vector.broadcast %add3A_1018 : i32 to vector<16xi32>
        %add3A_1020 = arith.addi %mul3A_5, %add3A_1019 : vector<16xi32>
        %add3A_1021 = arith.constant 8380 : i32
        %add3A_1022 = arith.addi %mul3A_536, %add3A_1021 : i32
        %add3A_1023 = vector.broadcast %add3A_1022 : i32 to vector<16xi32>
        %add3A_1024 = arith.addi %mul3A_5, %add3A_1023 : vector<16xi32>
        %add3A_1025 = arith.constant 61 : i32
        %add3A_1026 = arith.addi %mul3A_536, %add3A_1025 : i32
        %add3A_1027 = vector.broadcast %add3A_1026 : i32 to vector<16xi32>
        %add3A_1028 = arith.addi %mul3A_5, %add3A_1027 : vector<16xi32>
        %add3A_1029 = arith.constant 8381 : i32
        %add3A_1030 = arith.addi %mul3A_536, %add3A_1029 : i32
        %add3A_1031 = vector.broadcast %add3A_1030 : i32 to vector<16xi32>
        %add3A_1032 = arith.addi %mul3A_5, %add3A_1031 : vector<16xi32>
        %add3A_1033 = arith.constant 62 : i32
        %add3A_1034 = arith.addi %mul3A_536, %add3A_1033 : i32
        %add3A_1035 = vector.broadcast %add3A_1034 : i32 to vector<16xi32>
        %add3A_1036 = arith.addi %mul3A_5, %add3A_1035 : vector<16xi32>
        %add3A_1037 = arith.constant 8382 : i32
        %add3A_1038 = arith.addi %mul3A_536, %add3A_1037 : i32
        %add3A_1039 = vector.broadcast %add3A_1038 : i32 to vector<16xi32>
        %add3A_1040 = arith.addi %mul3A_5, %add3A_1039 : vector<16xi32>
        %add3A_1041 = arith.constant 63 : i32
        %add3A_1042 = arith.addi %mul3A_536, %add3A_1041 : i32
        %add3A_1043 = vector.broadcast %add3A_1042 : i32 to vector<16xi32>
        %add3A_1044 = arith.addi %mul3A_5, %add3A_1043 : vector<16xi32>
        %add3A_1045 = arith.constant 8383 : i32
        %add3A_1046 = arith.addi %mul3A_536, %add3A_1045 : i32
        %add3A_1047 = vector.broadcast %add3A_1046 : i32 to vector<16xi32>
        %add3A_1048 = arith.addi %mul3A_5, %add3A_1047 : vector<16xi32>
        %gather3A = tpu.vector_load_idx %arg8[%add3A_540] : memref<16640xf32, #tpu.memory_space<vmem>>[vector<16xi32>], vector<16xf32>,
        %gather3A_1049 = tpu.vector_load_idx %arg8[%add3A_544] : memref<16640xf32, #tpu.memory_space<vmem>>[vector<16xi32>], vector<16xf32>,
        %gather3A_1050 = tpu.vector_load_idx %arg8[%add3A_548] : memref<16640xf32, #tpu.memory_space<vmem>>[vector<16xi32>], vector<16xf32>,
        %gather3A_1051 = tpu.vector_load_idx %arg8[%add3A_552] : memref<16640xf32, #tpu.memory_space<vmem>>[vector<16xi32>], vector<16xf32>,
        %gather3A_1052 = tpu.vector_load_idx %arg8[%add3A_556] : memref<16640xf32, #tpu.memory_space<vmem>>[vector<16xi32>], vector<16xf32>,
        %gather3A_1053 = tpu.vector_load_idx %arg8[%add3A_560] : memref<16640xf32, #tpu.memory_space<vmem>>[vector<16xi32>], vector<16xf32>,
        %gather3A_1054 = tpu.vector_load_idx %arg8[%add3A_564] : memref<16640xf32, #tpu.memory_space<vmem>>[vector<16xi32>], vector<16xf32>,
        %gather3A_1055 = tpu.vector_load_idx %arg8[%add3A_568] : memref<16640xf32, #tpu.memory_space<vmem>>[vector<16xi32>], vector<16xf32>,
        %gather3A_1056 = tpu.vector_load_idx %arg8[%add3A_572] : memref<16640xf32, #tpu.memory_space<vmem>>[vector<16xi32>], vector<16xf32>,
        %gather3A_1057 = tpu.vector_load_idx %arg8[%add3A_576] : memref<16640xf32, #tpu.memory_space<vmem>>[vector<16xi32>], vector<16xf32>,
        %gather3A_1058 = tpu.vector_load_idx %arg8[%add3A_580] : memref<16640xf32, #tpu.memory_space<vmem>>[vector<16xi32>], vector<16xf32>,
        %gather3A_1059 = tpu.vector_load_idx %arg8[%add3A_584] : memref<16640xf32, #tpu.memory_space<vmem>>[vector<16xi32>], vector<16xf32>,
        %gather3A_1060 = tpu.vector_load_idx %arg8[%add3A_588] : memref<16640xf32, #tpu.memory_space<vmem>>[vector<16xi32>], vector<16xf32>,
        %gather3A_1061 = tpu.vector_load_idx %arg8[%add3A_592] : memref<16640xf32, #tpu.memory_space<vmem>>[vector<16xi32>], vector<16xf32>,
        %gather3A_1062 = tpu.vector_load_idx %arg8[%add3A_596] : memref<16640xf32, #tpu.memory_space<vmem>>[vector<16xi32>], vector<16xf32>,
        %gather3A_1063 = tpu.vector_load_idx %arg8[%add3A_600] : memref<16640xf32, #tpu.memory_space<vmem>>[vector<16xi32>], vector<16xf32>,
        %mul3A_1064 = arith.constant 16 : i32
        %mul3A_1065 = arith.muli %scan3A_534, %mul3A_1064 : i32
        %swap3A = arith.constant 0 : i32
        %swap3A_1066 = arith.constant 0 : i32
        %swap3A_1067 = arith.constant 0 : i32
        %swap3A_1068 = arith.index_cast %swap3A : i32 to index
        %swap3A_1069 = arith.index_cast %swap3A_1066 : i32 to index
        %swap3A_1070 = arith.index_cast %swap3A_1067 : i32 to index
        %swap3A_1071 = arith.index_cast %mul3A_1065 : i32 to index
        %swap3A_1072 = tpu.vector_load %arg10[%swap3A_1068, %swap3A_1069, %swap3A_1070, %swap3A_1071] {strides = array<i32>} : memref<8x2x8x128xf32, #tpu.memory_space<vmem>>, vector<16xf32>,
        tpu.vector_store %arg10[%swap3A_1068, %swap3A_1069, %swap3A_1070, %swap3A_1071], %gather3A {strides = array<i32>} : memref<8x2x8x128xf32, #tpu.memory_space<vmem>>, vector<16xf32>,
        %mul3A_1073 = arith.constant 16 : i32
        %mul3A_1074 = arith.muli %scan3A_534, %mul3A_1073 : i32
        %swap3A_1075 = arith.constant 0 : i32
        %swap3A_1076 = arith.constant 1 : i32
        %swap3A_1077 = arith.constant 0 : i32
        %swap3A_1078 = arith.index_cast %swap3A_1075 : i32 to index
        %swap3A_1079 = arith.index_cast %swap3A_1076 : i32 to index
        %swap3A_1080 = arith.index_cast %swap3A_1077 : i32 to index
        %swap3A_1081 = arith.index_cast %mul3A_1074 : i32 to index
        %swap3A_1082 = tpu.vector_load %arg10[%swap3A_1078, %swap3A_1079, %swap3A_1080, %swap3A_1081] {strides = array<i32>} : memref<8x2x8x128xf32, #tpu.memory_space<vmem>>, vector<16xf32>,
        tpu.vector_store %arg10[%swap3A_1078, %swap3A_1079, %swap3A_1080, %swap3A_1081], %gather3A_1049 {strides = array<i32>} : memref<8x2x8x128xf32, #tpu.memory_space<vmem>>, vector<16xf32>,
        %mul3A_1083 = arith.constant 16 : i32
        %mul3A_1084 = arith.muli %scan3A_534, %mul3A_1083 : i32
        %swap3A_1085 = arith.constant 0 : i32
        %swap3A_1086 = arith.constant 0 : i32
        %swap3A_1087 = arith.constant 1 : i32
        %swap3A_1088 = arith.index_cast %swap3A_1085 : i32 to index
        %swap3A_1089 = arith.index_cast %swap3A_1086 : i32 to index
        %swap3A_1090 = arith.index_cast %swap3A_1087 : i32 to index
        %swap3A_1091 = arith.index_cast %mul3A_1084 : i32 to index
        %swap3A_1092 = tpu.vector_load %arg10[%swap3A_1088, %swap3A_1089, %swap3A_1090, %swap3A_1091] {strides = array<i32>} : memref<8x2x8x128xf32, #tpu.memory_space<vmem>>, vector<16xf32>,
        tpu.vector_store %arg10[%swap3A_1088, %swap3A_1089, %swap3A_1090, %swap3A_1091], %gather3A_1050 {strides = array<i32>} : memref<8x2x8x128xf32, #tpu.memory_space<vmem>>, vector<16xf32>,
        %mul3A_1093 = arith.constant 16 : i32
        %mul3A_1094 = arith.muli %scan3A_534, %mul3A_1093 : i32
        %swap3A_1095 = arith.constant 0 : i32
        %swap3A_1096 = arith.constant 1 : i32
        %swap3A_1097 = arith.constant 1 : i32
        %swap3A_1098 = arith.index_cast %swap3A_1095 : i32 to index
        %swap3A_1099 = arith.index_cast %swap3A_1096 : i32 to index
        %swap3A_1100 = arith.index_cast %swap3A_1097 : i32 to index
        %swap3A_1101 = arith.index_cast %mul3A_1094 : i32 to index
        %swap3A_1102 = tpu.vector_load %arg10[%swap3A_1098, %swap3A_1099, %swap3A_1100, %swap3A_1101] {strides = array<i32>} : memref<8x2x8x128xf32, #tpu.memory_space<vmem>>, vector<16xf32>,
        tpu.vector_store %arg10[%swap3A_1098, %swap3A_1099, %swap3A_1100, %swap3A_1101], %gather3A_1051 {strides = array<i32>} : memref<8x2x8x128xf32, #tpu.memory_space<vmem>>, vector<16xf32>,
        %mul3A_1103 = arith.constant 16 : i32
        %mul3A_1104 = arith.muli %scan3A_534, %mul3A_1103 : i32
        %swap3A_1105 = arith.constant 0 : i32
        %swap3A_1106 = arith.constant 0 : i32
        %swap3A_1107 = arith.constant 2 : i32
        %swap3A_1108 = arith.index_cast %swap3A_1105 : i32 to index
        %swap3A_1109 = arith.index_cast %swap3A_1106 : i32 to index
        %swap3A_1110 = arith.index_cast %swap3A_1107 : i32 to index
        %swap3A_1111 = arith.index_cast %mul3A_1104 : i32 to index
        %swap3A_1112 = tpu.vector_load %arg10[%swap3A_1108, %swap3A_1109, %swap3A_1110, %swap3A_1111] {strides = array<i32>} : memref<8x2x8x128xf32, #tpu.memory_space<vmem>>, vector<16xf32>,
        tpu.vector_store %arg10[%swap3A_1108, %swap3A_1109, %swap3A_1110, %swap3A_1111], %gather3A_1052 {strides = array<i32>} : memref<8x2x8x128xf32, #tpu.memory_space<vmem>>, vector<16xf32>,
        %mul3A_1113 = arith.constant 16 : i32
        %mul3A_1114 = arith.muli %scan3A_534, %mul3A_1113 : i32
        %swap3A_1115 = arith.constant 0 : i32
        %swap3A_1116 = arith.constant 1 : i32
        %swap3A_1117 = arith.constant 2 : i32
        %swap3A_1118 = arith.index_cast %swap3A_1115 : i32 to index
        %swap3A_1119 = arith.index_cast %swap3A_1116 : i32 to index
        %swap3A_1120 = arith.index_cast %swap3A_1117 : i32 to index
        %swap3A_1121 = arith.index_cast %mul3A_1114 : i32 to index
        %swap3A_1122 = tpu.vector_load %arg10[%swap3A_1118, %swap3A_1119, %swap3A_1120, %swap3A_1121] {strides = array<i32>} : memref<8x2x8x128xf32, #tpu.memory_space<vmem>>, vector<16xf32>,
        tpu.vector_store %arg10[%swap3A_1118, %swap3A_1119, %swap3A_1120, %swap3A_1121], %gather3A_1053 {strides = array<i32>} : memref<8x2x8x128xf32, #tpu.memory_space<vmem>>, vector<16xf32>,
        %mul3A_1123 = arith.constant 16 : i32
        %mul3A_1124 = arith.muli %scan3A_534, %mul3A_1123 : i32
        %swap3A_1125 = arith.constant 0 : i32
        %swap3A_1126 = arith.constant 0 : i32
        %swap3A_1127 = arith.constant 3 : i32
        %swap3A_1128 = arith.index_cast %swap3A_1125 : i32 to index
        %swap3A_1129 = arith.index_cast %swap3A_1126 : i32 to index
        %swap3A_1130 = arith.index_cast %swap3A_1127 : i32 to index
        %swap3A_1131 = arith.index_cast %mul3A_1124 : i32 to index
        %swap3A_1132 = tpu.vector_load %arg10[%swap3A_1128, %swap3A_1129, %swap3A_1130, %swap3A_1131] {strides = array<i32>} : memref<8x2x8x128xf32, #tpu.memory_space<vmem>>, vector<16xf32>,
        tpu.vector_store %arg10[%swap3A_1128, %swap3A_1129, %swap3A_1130, %swap3A_1131], %gather3A_1054 {strides = array<i32>} : memref<8x2x8x128xf32, #tpu.memory_space<vmem>>, vector<16xf32>,
        %mul3A_1133 = arith.constant 16 : i32
        %mul3A_1134 = arith.muli %scan3A_534, %mul3A_1133 : i32
        %swap3A_1135 = arith.constant 0 : i32
        %swap3A_1136 = arith.constant 1 : i32
        %swap3A_1137 = arith.constant 3 : i32
        %swap3A_1138 = arith.index_cast %swap3A_1135 : i32 to index
        %swap3A_1139 = arith.index_cast %swap3A_1136 : i32 to index
        %swap3A_1140 = arith.index_cast %swap3A_1137 : i32 to index
        %swap3A_1141 = arith.index_cast %mul3A_1134 : i32 to index
        %swap3A_1142 = tpu.vector_load %arg10[%swap3A_1138, %swap3A_1139, %swap3A_1140, %swap3A_1141] {strides = array<i32>} : memref<8x2x8x128xf32, #tpu.memory_space<vmem>>, vector<16xf32>,
        tpu.vector_store %arg10[%swap3A_1138, %swap3A_1139, %swap3A_1140, %swap3A_1141], %gather3A_1055 {strides = array<i32>} : memref<8x2x8x128xf32, #tpu.memory_space<vmem>>, vector<16xf32>,
        %mul3A_1143 = arith.constant 16 : i32
        %mul3A_1144 = arith.muli %scan3A_534, %mul3A_1143 : i32
        %swap3A_1145 = arith.constant 0 : i32
        %swap3A_1146 = arith.constant 0 : i32
        %swap3A_1147 = arith.constant 4 : i32
        %swap3A_1148 = arith.index_cast %swap3A_1145 : i32 to index
        %swap3A_1149 = arith.index_cast %swap3A_1146 : i32 to index
        %swap3A_1150 = arith.index_cast %swap3A_1147 : i32 to index
        %swap3A_1151 = arith.index_cast %mul3A_1144 : i32 to index
        %swap3A_1152 = tpu.vector_load %arg10[%swap3A_1148, %swap3A_1149, %swap3A_1150, %swap3A_1151] {strides = array<i32>} : memref<8x2x8x128xf32, #tpu.memory_space<vmem>>, vector<16xf32>,
        tpu.vector_store %arg10[%swap3A_1148, %swap3A_1149, %swap3A_1150, %swap3A_1151], %gather3A_1056 {strides = array<i32>} : memref<8x2x8x128xf32, #tpu.memory_space<vmem>>, vector<16xf32>,
        %mul3A_1153 = arith.constant 16 : i32
        %mul3A_1154 = arith.muli %scan3A_534, %mul3A_1153 : i32
        %swap3A_1155 = arith.constant 0 : i32
        %swap3A_1156 = arith.constant 1 : i32
        %swap3A_1157 = arith.constant 4 : i32
        %swap3A_1158 = arith.index_cast %swap3A_1155 : i32 to index
        %swap3A_1159 = arith.index_cast %swap3A_1156 : i32 to index
        %swap3A_1160 = arith.index_cast %swap3A_1157 : i32 to index
        %swap3A_1161 = arith.index_cast %mul3A_1154 : i32 to index
        %swap3A_1162 = tpu.vector_load %arg10[%swap3A_1158, %swap3A_1159, %swap3A_1160, %swap3A_1161] {strides = array<i32>} : memref<8x2x8x128xf32, #tpu.memory_space<vmem>>, vector<16xf32>,
        tpu.vector_store %arg10[%swap3A_1158, %swap3A_1159, %swap3A_1160, %swap3A_1161], %gather3A_1057 {strides = array<i32>} : memref<8x2x8x128xf32, #tpu.memory_space<vmem>>, vector<16xf32>,
        %mul3A_1163 = arith.constant 16 : i32
        %mul3A_1164 = arith.muli %scan3A_534, %mul3A_1163 : i32
        %swap3A_1165 = arith.constant 0 : i32
        %swap3A_1166 = arith.constant 0 : i32
        %swap3A_1167 = arith.constant 5 : i32
        %swap3A_1168 = arith.index_cast %swap3A_1165 : i32 to index
        %swap3A_1169 = arith.index_cast %swap3A_1166 : i32 to index
        %swap3A_1170 = arith.index_cast %swap3A_1167 : i32 to index
        %swap3A_1171 = arith.index_cast %mul3A_1164 : i32 to index
        %swap3A_1172 = tpu.vector_load %arg10[%swap3A_1168, %swap3A_1169, %swap3A_1170, %swap3A_1171] {strides = array<i32>} : memref<8x2x8x128xf32, #tpu.memory_space<vmem>>, vector<16xf32>,
        tpu.vector_store %arg10[%swap3A_1168, %swap3A_1169, %swap3A_1170, %swap3A_1171], %gather3A_1058 {strides = array<i32>} : memref<8x2x8x128xf32, #tpu.memory_space<vmem>>, vector<16xf32>,
        %mul3A_1173 = arith.constant 16 : i32
        %mul3A_1174 = arith.muli %scan3A_534, %mul3A_1173 : i32
        %swap3A_1175 = arith.constant 0 : i32
        %swap3A_1176 = arith.constant 1 : i32
        %swap3A_1177 = arith.constant 5 : i32
        %swap3A_1178 = arith.index_cast %swap3A_1175 : i32 to index
        %swap3A_1179 = arith.index_cast %swap3A_1176 : i32 to index
        %swap3A_1180 = arith.index_cast %swap3A_1177 : i32 to index
        %swap3A_1181 = arith.index_cast %mul3A_1174 : i32 to index
        %swap3A_1182 = tpu.vector_load %arg10[%swap3A_1178, %swap3A_1179, %swap3A_1180, %swap3A_1181] {strides = array<i32>} : memref<8x2x8x128xf32, #tpu.memory_space<vmem>>, vector<16xf32>,
        tpu.vector_store %arg10[%swap3A_1178, %swap3A_1179, %swap3A_1180, %swap3A_1181], %gather3A_1059 {strides = array<i32>} : memref<8x2x8x128xf32, #tpu.memory_space<vmem>>, vector<16xf32>,
        %mul3A_1183 = arith.constant 16 : i32
        %mul3A_1184 = arith.muli %scan3A_534, %mul3A_1183 : i32
        %swap3A_1185 = arith.constant 0 : i32
        %swap3A_1186 = arith.constant 0 : i32
        %swap3A_1187 = arith.constant 6 : i32
        %swap3A_1188 = arith.index_cast %swap3A_1185 : i32 to index
        %swap3A_1189 = arith.index_cast %swap3A_1186 : i32 to index
        %swap3A_1190 = arith.index_cast %swap3A_1187 : i32 to index
        %swap3A_1191 = arith.index_cast %mul3A_1184 : i32 to index
        %swap3A_1192 = tpu.vector_load %arg10[%swap3A_1188, %swap3A_1189, %swap3A_1190, %swap3A_1191] {strides = array<i32>} : memref<8x2x8x128xf32, #tpu.memory_space<vmem>>, vector<16xf32>,
        tpu.vector_store %arg10[%swap3A_1188, %swap3A_1189, %swap3A_1190, %swap3A_1191], %gather3A_1060 {strides = array<i32>} : memref<8x2x8x128xf32, #tpu.memory_space<vmem>>, vector<16xf32>,
        %mul3A_1193 = arith.constant 16 : i32
        %mul3A_1194 = arith.muli %scan3A_534, %mul3A_1193 : i32
        %swap3A_1195 = arith.constant 0 : i32
        %swap3A_1196 = arith.constant 1 : i32
        %swap3A_1197 = arith.constant 6 : i32
        %swap3A_1198 = arith.index_cast %swap3A_1195 : i32 to index
        %swap3A_1199 = arith.index_cast %swap3A_1196 : i32 to index
        %swap3A_1200 = arith.index_cast %swap3A_1197 : i32 to index
        %swap3A_1201 = arith.index_cast %mul3A_1194 : i32 to index
        %swap3A_1202 = tpu.vector_load %arg10[%swap3A_1198, %swap3A_1199, %swap3A_1200, %swap3A_1201] {strides = array<i32>} : memref<8x2x8x128xf32, #tpu.memory_space<vmem>>, vector<16xf32>,
        tpu.vector_store %arg10[%swap3A_1198, %swap3A_1199, %swap3A_1200, %swap3A_1201], %gather3A_1061 {strides = array<i32>} : memref<8x2x8x128xf32, #tpu.memory_space<vmem>>, vector<16xf32>,
        %mul3A_1203 = arith.constant 16 : i32
        %mul3A_1204 = arith.muli %scan3A_534, %mul3A_1203 : i32
        %swap3A_1205 = arith.constant 0 : i32
        %swap3A_1206 = arith.constant 0 : i32
        %swap3A_1207 = arith.constant 7 : i32
        %swap3A_1208 = arith.index_cast %swap3A_1205 : i32 to index
        %swap3A_1209 = arith.index_cast %swap3A_1206 : i32 to index
        %swap3A_1210 = arith.index_cast %swap3A_1207 : i32 to index
        %swap3A_1211 = arith.index_cast %mul3A_1204 : i32 to index
        %swap3A_1212 = tpu.vector_load %arg10[%swap3A_1208, %swap3A_1209, %swap3A_1210, %swap3A_1211] {strides = array<i32>} : memref<8x2x8x128xf32, #tpu.memory_space<vmem>>, vector<16xf32>,
        tpu.vector_store %arg10[%swap3A_1208, %swap3A_1209, %swap3A_1210, %swap3A_1211], %gather3A_1062 {strides = array<i32>} : memref<8x2x8x128xf32, #tpu.memory_space<vmem>>, vector<16xf32>,
        %mul3A_1213 = arith.constant 16 : i32
        %mul3A_1214 = arith.muli %scan3A_534, %mul3A_1213 : i32
        %swap3A_1215 = arith.constant 0 : i32
        %swap3A_1216 = arith.constant 1 : i32
        %swap3A_1217 = arith.constant 7 : i32
        %swap3A_1218 = arith.index_cast %swap3A_1215 : i32 to index
        %swap3A_1219 = arith.index_cast %swap3A_1216 : i32 to index
        %swap3A_1220 = arith.index_cast %swap3A_1217 : i32 to index
        %swap3A_1221 = arith.index_cast %mul3A_1214 : i32 to index
        %swap3A_1222 = tpu.vector_load %arg10[%swap3A_1218, %swap3A_1219, %swap3A_1220, %swap3A_1221] {strides = array<i32>} : memref<8x2x8x128xf32, #tpu.memory_space<vmem>>, vector<16xf32>,
        tpu.vector_store %arg10[%swap3A_1218, %swap3A_1219, %swap3A_1220, %swap3A_1221], %gather3A_1063 {strides = array<i32>} : memref<8x2x8x128xf32, #tpu.memory_space<vmem>>, vector<16xf32>,
        %gather3A_1223 = tpu.vector_load_idx %arg8[%add3A_604] : memref<16640xf32, #tpu.memory_space<vmem>>[vector<16xi32>], vector<16xf32>,
        %gather3A_1224 = tpu.vector_load_idx %arg8[%add3A_608] : memref<16640xf32, #tpu.memory_space<vmem>>[vector<16xi32>], vector<16xf32>,
        %gather3A_1225 = tpu.vector_load_idx %arg8[%add3A_612] : memref<16640xf32, #tpu.memory_space<vmem>>[vector<16xi32>], vector<16xf32>,
        %gather3A_1226 = tpu.vector_load_idx %arg8[%add3A_616] : memref<16640xf32, #tpu.memory_space<vmem>>[vector<16xi32>], vector<16xf32>,
        %gather3A_1227 = tpu.vector_load_idx %arg8[%add3A_620] : memref<16640xf32, #tpu.memory_space<vmem>>[vector<16xi32>], vector<16xf32>,
        %gather3A_1228 = tpu.vector_load_idx %arg8[%add3A_624] : memref<16640xf32, #tpu.memory_space<vmem>>[vector<16xi32>], vector<16xf32>,
        %gather3A_1229 = tpu.vector_load_idx %arg8[%add3A_628] : memref<16640xf32, #tpu.memory_space<vmem>>[vector<16xi32>], vector<16xf32>,
        %gather3A_1230 = tpu.vector_load_idx %arg8[%add3A_632] : memref<16640xf32, #tpu.memory_space<vmem>>[vector<16xi32>], vector<16xf32>,
        %gather3A_1231 = tpu.vector_load_idx %arg8[%add3A_636] : memref<16640xf32, #tpu.memory_space<vmem>>[vector<16xi32>], vector<16xf32>,
        %gather3A_1232 = tpu.vector_load_idx %arg8[%add3A_640] : memref<16640xf32, #tpu.memory_space<vmem>>[vector<16xi32>], vector<16xf32>,
        %gather3A_1233 = tpu.vector_load_idx %arg8[%add3A_644] : memref<16640xf32, #tpu.memory_space<vmem>>[vector<16xi32>], vector<16xf32>,
        %gather3A_1234 = tpu.vector_load_idx %arg8[%add3A_648] : memref<16640xf32, #tpu.memory_space<vmem>>[vector<16xi32>], vector<16xf32>,
        %gather3A_1235 = tpu.vector_load_idx %arg8[%add3A_652] : memref<16640xf32, #tpu.memory_space<vmem>>[vector<16xi32>], vector<16xf32>,
        %gather3A_1236 = tpu.vector_load_idx %arg8[%add3A_656] : memref<16640xf32, #tpu.memory_space<vmem>>[vector<16xi32>], vector<16xf32>,
        %gather3A_1237 = tpu.vector_load_idx %arg8[%add3A_660] : memref<16640xf32, #tpu.memory_space<vmem>>[vector<16xi32>], vector<16xf32>,
        %gather3A_1238 = tpu.vector_load_idx %arg8[%add3A_664] : memref<16640xf32, #tpu.memory_space<vmem>>[vector<16xi32>], vector<16xf32>,
        %mul3A_1239 = arith.constant 16 : i32
        %mul3A_1240 = arith.muli %scan3A_534, %mul3A_1239 : i32
        %swap3A_1241 = arith.constant 1 : i32
        %swap3A_1242 = arith.constant 0 : i32
        %swap3A_1243 = arith.constant 0 : i32
        %swap3A_1244 = arith.index_cast %swap3A_1241 : i32 to index
        %swap3A_1245 = arith.index_cast %swap3A_1242 : i32 to index
        %swap3A_1246 = arith.index_cast %swap3A_1243 : i32 to index
        %swap3A_1247 = arith.index_cast %mul3A_1240 : i32 to index
        %swap3A_1248 = tpu.vector_load %arg10[%swap3A_1244, %swap3A_1245, %swap3A_1246, %swap3A_1247] {strides = array<i32>} : memref<8x2x8x128xf32, #tpu.memory_space<vmem>>, vector<16xf32>,
        tpu.vector_store %arg10[%swap3A_1244, %swap3A_1245, %swap3A_1246, %swap3A_1247], %gather3A_1223 {strides = array<i32>} : memref<8x2x8x128xf32, #tpu.memory_space<vmem>>, vector<16xf32>,
        %mul3A_1249 = arith.constant 16 : i32
        %mul3A_1250 = arith.muli %scan3A_534, %mul3A_1249 : i32
        %swap3A_1251 = arith.constant 1 : i32
        %swap3A_1252 = arith.constant 1 : i32
        %swap3A_1253 = arith.constant 0 : i32
        %swap3A_1254 = arith.index_cast %swap3A_1251 : i32 to index
        %swap3A_1255 = arith.index_cast %swap3A_1252 : i32 to index
        %swap3A_1256 = arith.index_cast %swap3A_1253 : i32 to index
        %swap3A_1257 = arith.index_cast %mul3A_1250 : i32 to index
        %swap3A_1258 = tpu.vector_load %arg10[%swap3A_1254, %swap3A_1255, %swap3A_1256, %swap3A_1257] {strides = array<i32>} : memref<8x2x8x128xf32, #tpu.memory_space<vmem>>, vector<16xf32>,
        tpu.vector_store %arg10[%swap3A_1254, %swap3A_1255, %swap3A_1256, %swap3A_1257], %gather3A_1224 {strides = array<i32>} : memref<8x2x8x128xf32, #tpu.memory_space<vmem>>, vector<16xf32>,
        %mul3A_1259 = arith.constant 16 : i32
        %mul3A_1260 = arith.muli %scan3A_534, %mul3A_1259 : i32
        %swap3A_1261 = arith.constant 1 : i32
        %swap3A_1262 = arith.constant 0 : i32
        %swap3A_1263 = arith.constant 1 : i32
        %swap3A_1264 = arith.index_cast %swap3A_1261 : i32 to index
        %swap3A_1265 = arith.index_cast %swap3A_1262 : i32 to index
        %swap3A_1266 = arith.index_cast %swap3A_1263 : i32 to index
        %swap3A_1267 = arith.index_cast %mul3A_1260 : i32 to index
        %swap3A_1268 = tpu.vector_load %arg10[%swap3A_1264, %swap3A_1265, %swap3A_1266, %swap3A_1267] {strides = array<i32>} : memref<8x2x8x128xf32, #tpu.memory_space<vmem>>, vector<16xf32>,
        tpu.vector_store %arg10[%swap3A_1264, %swap3A_1265, %swap3A_1266, %swap3A_1267], %gather3A_1225 {strides = array<i32>} : memref<8x2x8x128xf32, #tpu.memory_space<vmem>>, vector<16xf32>,
        %mul3A_1269 = arith.constant 16 : i32
        %mul3A_1270 = arith.muli %scan3A_534, %mul3A_1269 : i32
        %swap3A_1271 = arith.constant 1 : i32
        %swap3A_1272 = arith.constant 1 : i32
        %swap3A_1273 = arith.constant 1 : i32
        %swap3A_1274 = arith.index_cast %swap3A_1271 : i32 to index
        %swap3A_1275 = arith.index_cast %swap3A_1272 : i32 to index
        %swap3A_1276 = arith.index_cast %swap3A_1273 : i32 to index
        %swap3A_1277 = arith.index_cast %mul3A_1270 : i32 to index
        %swap3A_1278 = tpu.vector_load %arg10[%swap3A_1274, %swap3A_1275, %swap3A_1276, %swap3A_1277] {strides = array<i32>} : memref<8x2x8x128xf32, #tpu.memory_space<vmem>>, vector<16xf32>,
        tpu.vector_store %arg10[%swap3A_1274, %swap3A_1275, %swap3A_1276, %swap3A_1277], %gather3A_1226 {strides = array<i32>} : memref<8x2x8x128xf32, #tpu.memory_space<vmem>>, vector<16xf32>,
        %mul3A_1279 = arith.constant 16 : i32
        %mul3A_1280 = arith.muli %scan3A_534, %mul3A_1279 : i32
        %swap3A_1281 = arith.constant 1 : i32
        %swap3A_1282 = arith.constant 0 : i32
        %swap3A_1283 = arith.constant 2 : i32
        %swap3A_1284 = arith.index_cast %swap3A_1281 : i32 to index
        %swap3A_1285 = arith.index_cast %swap3A_1282 : i32 to index
        %swap3A_1286 = arith.index_cast %swap3A_1283 : i32 to index
        %swap3A_1287 = arith.index_cast %mul3A_1280 : i32 to index
        %swap3A_1288 = tpu.vector_load %arg10[%swap3A_1284, %swap3A_1285, %swap3A_1286, %swap3A_1287] {strides = array<i32>} : memref<8x2x8x128xf32, #tpu.memory_space<vmem>>, vector<16xf32>,
        tpu.vector_store %arg10[%swap3A_1284, %swap3A_1285, %swap3A_1286, %swap3A_1287], %gather3A_1227 {strides = array<i32>} : memref<8x2x8x128xf32, #tpu.memory_space<vmem>>, vector<16xf32>,
        %mul3A_1289 = arith.constant 16 : i32
        %mul3A_1290 = arith.muli %scan3A_534, %mul3A_1289 : i32
        %swap3A_1291 = arith.constant 1 : i32
        %swap3A_1292 = arith.constant 1 : i32
        %swap3A_1293 = arith.constant 2 : i32
        %swap3A_1294 = arith.index_cast %swap3A_1291 : i32 to index
        %swap3A_1295 = arith.index_cast %swap3A_1292 : i32 to index
        %swap3A_1296 = arith.index_cast %swap3A_1293 : i32 to index
        %swap3A_1297 = arith.index_cast %mul3A_1290 : i32 to index
        %swap3A_1298 = tpu.vector_load %arg10[%swap3A_1294, %swap3A_1295, %swap3A_1296, %swap3A_1297] {strides = array<i32>} : memref<8x2x8x128xf32, #tpu.memory_space<vmem>>, vector<16xf32>,
        tpu.vector_store %arg10[%swap3A_1294, %swap3A_1295, %swap3A_1296, %swap3A_1297], %gather3A_1228 {strides = array<i32>} : memref<8x2x8x128xf32, #tpu.memory_space<vmem>>, vector<16xf32>,
        %mul3A_1299 = arith.constant 16 : i32
        %mul3A_1300 = arith.muli %scan3A_534, %mul3A_1299 : i32
        %swap3A_1301 = arith.constant 1 : i32
        %swap3A_1302 = arith.constant 0 : i32
        %swap3A_1303 = arith.constant 3 : i32
        %swap3A_1304 = arith.index_cast %swap3A_1301 : i32 to index
        %swap3A_1305 = arith.index_cast %swap3A_1302 : i32 to index
        %swap3A_1306 = arith.index_cast %swap3A_1303 : i32 to index
        %swap3A_1307 = arith.index_cast %mul3A_1300 : i32 to index
        %swap3A_1308 = tpu.vector_load %arg10[%swap3A_1304, %swap3A_1305, %swap3A_1306, %swap3A_1307] {strides = array<i32>} : memref<8x2x8x128xf32, #tpu.memory_space<vmem>>, vector<16xf32>,
        tpu.vector_store %arg10[%swap3A_1304, %swap3A_1305, %swap3A_1306, %swap3A_1307], %gather3A_1229 {strides = array<i32>} : memref<8x2x8x128xf32, #tpu.memory_space<vmem>>, vector<16xf32>,
        %mul3A_1309 = arith.constant 16 : i32
        %mul3A_1310 = arith.muli %scan3A_534, %mul3A_1309 : i32
        %swap3A_1311 = arith.constant 1 : i32
        %swap3A_1312 = arith.constant 1 : i32
        %swap3A_1313 = arith.constant 3 : i32
        %swap3A_1314 = arith.index_cast %swap3A_1311 : i32 to index
        %swap3A_1315 = arith.index_cast %swap3A_1312 : i32 to index
        %swap3A_1316 = arith.index_cast %swap3A_1313 : i32 to index
        %swap3A_1317 = arith.index_cast %mul3A_1310 : i32 to index
        %swap3A_1318 = tpu.vector_load %arg10[%swap3A_1314, %swap3A_1315, %swap3A_1316, %swap3A_1317] {strides = array<i32>} : memref<8x2x8x128xf32, #tpu.memory_space<vmem>>, vector<16xf32>,
        tpu.vector_store %arg10[%swap3A_1314, %swap3A_1315, %swap3A_1316, %swap3A_1317], %gather3A_1230 {strides = array<i32>} : memref<8x2x8x128xf32, #tpu.memory_space<vmem>>, vector<16xf32>,
        %mul3A_1319 = arith.constant 16 : i32
        %mul3A_1320 = arith.muli %scan3A_534, %mul3A_1319 : i32
        %swap3A_1321 = arith.constant 1 : i32
        %swap3A_1322 = arith.constant 0 : i32
        %swap3A_1323 = arith.constant 4 : i32
        %swap3A_1324 = arith.index_cast %swap3A_1321 : i32 to index
        %swap3A_1325 = arith.index_cast %swap3A_1322 : i32 to index
        %swap3A_1326 = arith.index_cast %swap3A_1323 : i32 to index
        %swap3A_1327 = arith.index_cast %mul3A_1320 : i32 to index
        %swap3A_1328 = tpu.vector_load %arg10[%swap3A_1324, %swap3A_1325, %swap3A_1326, %swap3A_1327] {strides = array<i32>} : memref<8x2x8x128xf32, #tpu.memory_space<vmem>>, vector<16xf32>,
        tpu.vector_store %arg10[%swap3A_1324, %swap3A_1325, %swap3A_1326, %swap3A_1327], %gather3A_1231 {strides = array<i32>} : memref<8x2x8x128xf32, #tpu.memory_space<vmem>>, vector<16xf32>,
        %mul3A_1329 = arith.constant 16 : i32
        %mul3A_1330 = arith.muli %scan3A_534, %mul3A_1329 : i32
        %swap3A_1331 = arith.constant 1 : i32
        %swap3A_1332 = arith.constant 1 : i32
        %swap3A_1333 = arith.constant 4 : i32
        %swap3A_1334 = arith.index_cast %swap3A_1331 : i32 to index
        %swap3A_1335 = arith.index_cast %swap3A_1332 : i32 to index
        %swap3A_1336 = arith.index_cast %swap3A_1333 : i32 to index
        %swap3A_1337 = arith.index_cast %mul3A_1330 : i32 to index
        %swap3A_1338 = tpu.vector_load %arg10[%swap3A_1334, %swap3A_1335, %swap3A_1336, %swap3A_1337] {strides = array<i32>} : memref<8x2x8x128xf32, #tpu.memory_space<vmem>>, vector<16xf32>,
        tpu.vector_store %arg10[%swap3A_1334, %swap3A_1335, %swap3A_1336, %swap3A_1337], %gather3A_1232 {strides = array<i32>} : memref<8x2x8x128xf32, #tpu.memory_space<vmem>>, vector<16xf32>,
        %mul3A_1339 = arith.constant 16 : i32
        %mul3A_1340 = arith.muli %scan3A_534, %mul3A_1339 : i32
        %swap3A_1341 = arith.constant 1 : i32
        %swap3A_1342 = arith.constant 0 : i32
        %swap3A_1343 = arith.constant 5 : i32
        %swap3A_1344 = arith.index_cast %swap3A_1341 : i32 to index
        %swap3A_1345 = arith.index_cast %swap3A_1342 : i32 to index
        %swap3A_1346 = arith.index_cast %swap3A_1343 : i32 to index
        %swap3A_1347 = arith.index_cast %mul3A_1340 : i32 to index
        %swap3A_1348 = tpu.vector_load %arg10[%swap3A_1344, %swap3A_1345, %swap3A_1346, %swap3A_1347] {strides = array<i32>} : memref<8x2x8x128xf32, #tpu.memory_space<vmem>>, vector<16xf32>,
        tpu.vector_store %arg10[%swap3A_1344, %swap3A_1345, %swap3A_1346, %swap3A_1347], %gather3A_1233 {strides = array<i32>} : memref<8x2x8x128xf32, #tpu.memory_space<vmem>>, vector<16xf32>,
        %mul3A_1349 = arith.constant 16 : i32
        %mul3A_1350 = arith.muli %scan3A_534, %mul3A_1349 : i32
        %swap3A_1351 = arith.constant 1 : i32
        %swap3A_1352 = arith.constant 1 : i32
        %swap3A_1353 = arith.constant 5 : i32
        %swap3A_1354 = arith.index_cast %swap3A_1351 : i32 to index
        %swap3A_1355 = arith.index_cast %swap3A_1352 : i32 to index
        %swap3A_1356 = arith.index_cast %swap3A_1353 : i32 to index
        %swap3A_1357 = arith.index_cast %mul3A_1350 : i32 to index
        %swap3A_1358 = tpu.vector_load %arg10[%swap3A_1354, %swap3A_1355, %swap3A_1356, %swap3A_1357] {strides = array<i32>} : memref<8x2x8x128xf32, #tpu.memory_space<vmem>>, vector<16xf32>,
        tpu.vector_store %arg10[%swap3A_1354, %swap3A_1355, %swap3A_1356, %swap3A_1357], %gather3A_1234 {strides = array<i32>} : memref<8x2x8x128xf32, #tpu.memory_space<vmem>>, vector<16xf32>,
        %mul3A_1359 = arith.constant 16 : i32
        %mul3A_1360 = arith.muli %scan3A_534, %mul3A_1359 : i32
        %swap3A_1361 = arith.constant 1 : i32
        %swap3A_1362 = arith.constant 0 : i32
        %swap3A_1363 = arith.constant 6 : i32
        %swap3A_1364 = arith.index_cast %swap3A_1361 : i32 to index
        %swap3A_1365 = arith.index_cast %swap3A_1362 : i32 to index
        %swap3A_1366 = arith.index_cast %swap3A_1363 : i32 to index
        %swap3A_1367 = arith.index_cast %mul3A_1360 : i32 to index
        %swap3A_1368 = tpu.vector_load %arg10[%swap3A_1364, %swap3A_1365, %swap3A_1366, %swap3A_1367] {strides = array<i32>} : memref<8x2x8x128xf32, #tpu.memory_space<vmem>>, vector<16xf32>,
        tpu.vector_store %arg10[%swap3A_1364, %swap3A_1365, %swap3A_1366, %swap3A_1367], %gather3A_1235 {strides = array<i32>} : memref<8x2x8x128xf32, #tpu.memory_space<vmem>>, vector<16xf32>,
        %mul3A_1369 = arith.constant 16 : i32
        %mul3A_1370 = arith.muli %scan3A_534, %mul3A_1369 : i32
        %swap3A_1371 = arith.constant 1 : i32
        %swap3A_1372 = arith.constant 1 : i32
        %swap3A_1373 = arith.constant 6 : i32
        %swap3A_1374 = arith.index_cast %swap3A_1371 : i32 to index
        %swap3A_1375 = arith.index_cast %swap3A_1372 : i32 to index
        %swap3A_1376 = arith.index_cast %swap3A_1373 : i32 to index
        %swap3A_1377 = arith.index_cast %mul3A_1370 : i32 to index
        %swap3A_1378 = tpu.vector_load %arg10[%swap3A_1374, %swap3A_1375, %swap3A_1376, %swap3A_1377] {strides = array<i32>} : memref<8x2x8x128xf32, #tpu.memory_space<vmem>>, vector<16xf32>,
        tpu.vector_store %arg10[%swap3A_1374, %swap3A_1375, %swap3A_1376, %swap3A_1377], %gather3A_1236 {strides = array<i32>} : memref<8x2x8x128xf32, #tpu.memory_space<vmem>>, vector<16xf32>,
        %mul3A_1379 = arith.constant 16 : i32
        %mul3A_1380 = arith.muli %scan3A_534, %mul3A_1379 : i32
        %swap3A_1381 = arith.constant 1 : i32
        %swap3A_1382 = arith.constant 0 : i32
        %swap3A_1383 = arith.constant 7 : i32
        %swap3A_1384 = arith.index_cast %swap3A_1381 : i32 to index
        %swap3A_1385 = arith.index_cast %swap3A_1382 : i32 to index
        %swap3A_1386 = arith.index_cast %swap3A_1383 : i32 to index
        %swap3A_1387 = arith.index_cast %mul3A_1380 : i32 to index
        %swap3A_1388 = tpu.vector_load %arg10[%swap3A_1384, %swap3A_1385, %swap3A_1386, %swap3A_1387] {strides = array<i32>} : memref<8x2x8x128xf32, #tpu.memory_space<vmem>>, vector<16xf32>,
        tpu.vector_store %arg10[%swap3A_1384, %swap3A_1385, %swap3A_1386, %swap3A_1387], %gather3A_1237 {strides = array<i32>} : memref<8x2x8x128xf32, #tpu.memory_space<vmem>>, vector<16xf32>,
        %mul3A_1389 = arith.constant 16 : i32
        %mul3A_1390 = arith.muli %scan3A_534, %mul3A_1389 : i32
        %swap3A_1391 = arith.constant 1 : i32
        %swap3A_1392 = arith.constant 1 : i32
        %swap3A_1393 = arith.constant 7 : i32
        %swap3A_1394 = arith.index_cast %swap3A_1391 : i32 to index
        %swap3A_1395 = arith.index_cast %swap3A_1392 : i32 to index
        %swap3A_1396 = arith.index_cast %swap3A_1393 : i32 to index
        %swap3A_1397 = arith.index_cast %mul3A_1390 : i32 to index
        %swap3A_1398 = tpu.vector_load %arg10[%swap3A_1394, %swap3A_1395, %swap3A_1396, %swap3A_1397] {strides = array<i32>} : memref<8x2x8x128xf32, #tpu.memory_space<vmem>>, vector<16xf32>,
        tpu.vector_store %arg10[%swap3A_1394, %swap3A_1395, %swap3A_1396, %swap3A_1397], %gather3A_1238 {strides = array<i32>} : memref<8x2x8x128xf32, #tpu.memory_space<vmem>>, vector<16xf32>,
        %gather3A_1399 = tpu.vector_load_idx %arg8[%add3A_668] : memref<16640xf32, #tpu.memory_space<vmem>>[vector<16xi32>], vector<16xf32>,
        %gather3A_1400 = tpu.vector_load_idx %arg8[%add3A_672] : memref<16640xf32, #tpu.memory_space<vmem>>[vector<16xi32>], vector<16xf32>,
        %gather3A_1401 = tpu.vector_load_idx %arg8[%add3A_676] : memref<16640xf32, #tpu.memory_space<vmem>>[vector<16xi32>], vector<16xf32>,
        %gather3A_1402 = tpu.vector_load_idx %arg8[%add3A_680] : memref<16640xf32, #tpu.memory_space<vmem>>[vector<16xi32>], vector<16xf32>,
        %gather3A_1403 = tpu.vector_load_idx %arg8[%add3A_684] : memref<16640xf32, #tpu.memory_space<vmem>>[vector<16xi32>], vector<16xf32>,
        %gather3A_1404 = tpu.vector_load_idx %arg8[%add3A_688] : memref<16640xf32, #tpu.memory_space<vmem>>[vector<16xi32>], vector<16xf32>,
        %gather3A_1405 = tpu.vector_load_idx %arg8[%add3A_692] : memref<16640xf32, #tpu.memory_space<vmem>>[vector<16xi32>], vector<16xf32>,
        %gather3A_1406 = tpu.vector_load_idx %arg8[%add3A_696] : memref<16640xf32, #tpu.memory_space<vmem>>[vector<16xi32>], vector<16xf32>,
        %gather3A_1407 = tpu.vector_load_idx %arg8[%add3A_700] : memref<16640xf32, #tpu.memory_space<vmem>>[vector<16xi32>], vector<16xf32>,
        %gather3A_1408 = tpu.vector_load_idx %arg8[%add3A_704] : memref<16640xf32, #tpu.memory_space<vmem>>[vector<16xi32>], vector<16xf32>,
        %gather3A_1409 = tpu.vector_load_idx %arg8[%add3A_708] : memref<16640xf32, #tpu.memory_space<vmem>>[vector<16xi32>], vector<16xf32>,
        %gather3A_1410 = tpu.vector_load_idx %arg8[%add3A_712] : memref<16640xf32, #tpu.memory_space<vmem>>[vector<16xi32>], vector<16xf32>,
        %gather3A_1411 = tpu.vector_load_idx %arg8[%add3A_716] : memref<16640xf32, #tpu.memory_space<vmem>>[vector<16xi32>], vector<16xf32>,
        %gather3A_1412 = tpu.vector_load_idx %arg8[%add3A_720] : memref<16640xf32, #tpu.memory_space<vmem>>[vector<16xi32>], vector<16xf32>,
        %gather3A_1413 = tpu.vector_load_idx %arg8[%add3A_724] : memref<16640xf32, #tpu.memory_space<vmem>>[vector<16xi32>], vector<16xf32>,
        %gather3A_1414 = tpu.vector_load_idx %arg8[%add3A_728] : memref<16640xf32, #tpu.memory_space<vmem>>[vector<16xi32>], vector<16xf32>,
        %mul3A_1415 = arith.constant 16 : i32
        %mul3A_1416 = arith.muli %scan3A_534, %mul3A_1415 : i32
        %swap3A_1417 = arith.constant 2 : i32
        %swap3A_1418 = arith.constant 0 : i32
        %swap3A_1419 = arith.constant 0 : i32
        %swap3A_1420 = arith.index_cast %swap3A_1417 : i32 to index
        %swap3A_1421 = arith.index_cast %swap3A_1418 : i32 to index
        %swap3A_1422 = arith.index_cast %swap3A_1419 : i32 to index
        %swap3A_1423 = arith.index_cast %mul3A_1416 : i32 to index
        %swap3A_1424 = tpu.vector_load %arg10[%swap3A_1420, %swap3A_1421, %swap3A_1422, %swap3A_1423] {strides = array<i32>} : memref<8x2x8x128xf32, #tpu.memory_space<vmem>>, vector<16xf32>,
        tpu.vector_store %arg10[%swap3A_1420, %swap3A_1421, %swap3A_1422, %swap3A_1423], %gather3A_1399 {strides = array<i32>} : memref<8x2x8x128xf32, #tpu.memory_space<vmem>>, vector<16xf32>,
        %mul3A_1425 = arith.constant 16 : i32
        %mul3A_1426 = arith.muli %scan3A_534, %mul3A_1425 : i32
        %swap3A_1427 = arith.constant 2 : i32
        %swap3A_1428 = arith.constant 1 : i32
        %swap3A_1429 = arith.constant 0 : i32
        %swap3A_1430 = arith.index_cast %swap3A_1427 : i32 to index
        %swap3A_1431 = arith.index_cast %swap3A_1428 : i32 to index
        %swap3A_1432 = arith.index_cast %swap3A_1429 : i32 to index
        %swap3A_1433 = arith.index_cast %mul3A_1426 : i32 to index
        %swap3A_1434 = tpu.vector_load %arg10[%swap3A_1430, %swap3A_1431, %swap3A_1432, %swap3A_1433] {strides = array<i32>} : memref<8x2x8x128xf32, #tpu.memory_space<vmem>>, vector<16xf32>,
        tpu.vector_store %arg10[%swap3A_1430, %swap3A_1431, %swap3A_1432, %swap3A_1433], %gather3A_1400 {strides = array<i32>} : memref<8x2x8x128xf32, #tpu.memory_space<vmem>>, vector<16xf32>,
        %mul3A_1435 = arith.constant 16 : i32
        %mul3A_1436 = arith.muli %scan3A_534, %mul3A_1435 : i32
        %swap3A_1437 = arith.constant 2 : i32
        %swap3A_1438 = arith.constant 0 : i32
        %swap3A_1439 = arith.constant 1 : i32
        %swap3A_1440 = arith.index_cast %swap3A_1437 : i32 to index
        %swap3A_1441 = arith.index_cast %swap3A_1438 : i32 to index
        %swap3A_1442 = arith.index_cast %swap3A_1439 : i32 to index
        %swap3A_1443 = arith.index_cast %mul3A_1436 : i32 to index
        %swap3A_1444 = tpu.vector_load %arg10[%swap3A_1440, %swap3A_1441, %swap3A_1442, %swap3A_1443] {strides = array<i32>} : memref<8x2x8x128xf32, #tpu.memory_space<vmem>>, vector<16xf32>,
        tpu.vector_store %arg10[%swap3A_1440, %swap3A_1441, %swap3A_1442, %swap3A_1443], %gather3A_1401 {strides = array<i32>} : memref<8x2x8x128xf32, #tpu.memory_space<vmem>>, vector<16xf32>,
        %mul3A_1445 = arith.constant 16 : i32
        %mul3A_1446 = arith.muli %scan3A_534, %mul3A_1445 : i32
        %swap3A_1447 = arith.constant 2 : i32
        %swap3A_1448 = arith.constant 1 : i32
        %swap3A_1449 = arith.constant 1 : i32
        %swap3A_1450 = arith.index_cast %swap3A_1447 : i32 to index
        %swap3A_1451 = arith.index_cast %swap3A_1448 : i32 to index
        %swap3A_1452 = arith.index_cast %swap3A_1449 : i32 to index
        %swap3A_1453 = arith.index_cast %mul3A_1446 : i32 to index
        %swap3A_1454 = tpu.vector_load %arg10[%swap3A_1450, %swap3A_1451, %swap3A_1452, %swap3A_1453] {strides = array<i32>} : memref<8x2x8x128xf32, #tpu.memory_space<vmem>>, vector<16xf32>,
        tpu.vector_store %arg10[%swap3A_1450, %swap3A_1451, %swap3A_1452, %swap3A_1453], %gather3A_1402 {strides = array<i32>} : memref<8x2x8x128xf32, #tpu.memory_space<vmem>>, vector<16xf32>,
        %mul3A_1455 = arith.constant 16 : i32
        %mul3A_1456 = arith.muli %scan3A_534, %mul3A_1455 : i32
        %swap3A_1457 = arith.constant 2 : i32
        %swap3A_1458 = arith.constant 0 : i32
        %swap3A_1459 = arith.constant 2 : i32
        %swap3A_1460 = arith.index_cast %swap3A_1457 : i32 to index
        %swap3A_1461 = arith.index_cast %swap3A_1458 : i32 to index
        %swap3A_1462 = arith.index_cast %swap3A_1459 : i32 to index
        %swap3A_1463 = arith.index_cast %mul3A_1456 : i32 to index
        %swap3A_1464 = tpu.vector_load %arg10[%swap3A_1460, %swap3A_1461, %swap3A_1462, %swap3A_1463] {strides = array<i32>} : memref<8x2x8x128xf32, #tpu.memory_space<vmem>>, vector<16xf32>,
        tpu.vector_store %arg10[%swap3A_1460, %swap3A_1461, %swap3A_1462, %swap3A_1463], %gather3A_1403 {strides = array<i32>} : memref<8x2x8x128xf32, #tpu.memory_space<vmem>>, vector<16xf32>,
        %mul3A_1465 = arith.constant 16 : i32
        %mul3A_1466 = arith.muli %scan3A_534, %mul3A_1465 : i32
        %swap3A_1467 = arith.constant 2 : i32
        %swap3A_1468 = arith.constant 1 : i32
        %swap3A_1469 = arith.constant 2 : i32
        %swap3A_1470 = arith.index_cast %swap3A_1467 : i32 to index
        %swap3A_1471 = arith.index_cast %swap3A_1468 : i32 to index
        %swap3A_1472 = arith.index_cast %swap3A_1469 : i32 to index
        %swap3A_1473 = arith.index_cast %mul3A_1466 : i32 to index
        %swap3A_1474 = tpu.vector_load %arg10[%swap3A_1470, %swap3A_1471, %swap3A_1472, %swap3A_1473] {strides = array<i32>} : memref<8x2x8x128xf32, #tpu.memory_space<vmem>>, vector<16xf32>,
        tpu.vector_store %arg10[%swap3A_1470, %swap3A_1471, %swap3A_1472, %swap3A_1473], %gather3A_1404 {strides = array<i32>} : memref<8x2x8x128xf32, #tpu.memory_space<vmem>>, vector<16xf32>,
        %mul3A_1475 = arith.constant 16 : i32
        %mul3A_1476 = arith.muli %scan3A_534, %mul3A_1475 : i32
        %swap3A_1477 = arith.constant 2 : i32
        %swap3A_1478 = arith.constant 0 : i32
        %swap3A_1479 = arith.constant 3 : i32
        %swap3A_1480 = arith.index_cast %swap3A_1477 : i32 to index
        %swap3A_1481 = arith.index_cast %swap3A_1478 : i32 to index
        %swap3A_1482 = arith.index_cast %swap3A_1479 : i32 to index
        %swap3A_1483 = arith.index_cast %mul3A_1476 : i32 to index
        %swap3A_1484 = tpu.vector_load %arg10[%swap3A_1480, %swap3A_1481, %swap3A_1482, %swap3A_1483] {strides = array<i32>} : memref<8x2x8x128xf32, #tpu.memory_space<vmem>>, vector<16xf32>,
        tpu.vector_store %arg10[%swap3A_1480, %swap3A_1481, %swap3A_1482, %swap3A_1483], %gather3A_1405 {strides = array<i32>} : memref<8x2x8x128xf32, #tpu.memory_space<vmem>>, vector<16xf32>,
        %mul3A_1485 = arith.constant 16 : i32
        %mul3A_1486 = arith.muli %scan3A_534, %mul3A_1485 : i32
        %swap3A_1487 = arith.constant 2 : i32
        %swap3A_1488 = arith.constant 1 : i32
        %swap3A_1489 = arith.constant 3 : i32
        %swap3A_1490 = arith.index_cast %swap3A_1487 : i32 to index
        %swap3A_1491 = arith.index_cast %swap3A_1488 : i32 to index
        %swap3A_1492 = arith.index_cast %swap3A_1489 : i32 to index
        %swap3A_1493 = arith.index_cast %mul3A_1486 : i32 to index
        %swap3A_1494 = tpu.vector_load %arg10[%swap3A_1490, %swap3A_1491, %swap3A_1492, %swap3A_1493] {strides = array<i32>} : memref<8x2x8x128xf32, #tpu.memory_space<vmem>>, vector<16xf32>,
        tpu.vector_store %arg10[%swap3A_1490, %swap3A_1491, %swap3A_1492, %swap3A_1493], %gather3A_1406 {strides = array<i32>} : memref<8x2x8x128xf32, #tpu.memory_space<vmem>>, vector<16xf32>,
        %mul3A_1495 = arith.constant 16 : i32
        %mul3A_1496 = arith.muli %scan3A_534, %mul3A_1495 : i32
        %swap3A_1497 = arith.constant 2 : i32
        %swap3A_1498 = arith.constant 0 : i32
        %swap3A_1499 = arith.constant 4 : i32
        %swap3A_1500 = arith.index_cast %swap3A_1497 : i32 to index
        %swap3A_1501 = arith.index_cast %swap3A_1498 : i32 to index
        %swap3A_1502 = arith.index_cast %swap3A_1499 : i32 to index
        %swap3A_1503 = arith.index_cast %mul3A_1496 : i32 to index
        %swap3A_1504 = tpu.vector_load %arg10[%swap3A_1500, %swap3A_1501, %swap3A_1502, %swap3A_1503] {strides = array<i32>} : memref<8x2x8x128xf32, #tpu.memory_space<vmem>>, vector<16xf32>,
        tpu.vector_store %arg10[%swap3A_1500, %swap3A_1501, %swap3A_1502, %swap3A_1503], %gather3A_1407 {strides = array<i32>} : memref<8x2x8x128xf32, #tpu.memory_space<vmem>>, vector<16xf32>,
        %mul3A_1505 = arith.constant 16 : i32
        %mul3A_1506 = arith.muli %scan3A_534, %mul3A_1505 : i32
        %swap3A_1507 = arith.constant 2 : i32
        %swap3A_1508 = arith.constant 1 : i32
        %swap3A_1509 = arith.constant 4 : i32
        %swap3A_1510 = arith.index_cast %swap3A_1507 : i32 to index
        %swap3A_1511 = arith.index_cast %swap3A_1508 : i32 to index
        %swap3A_1512 = arith.index_cast %swap3A_1509 : i32 to index
        %swap3A_1513 = arith.index_cast %mul3A_1506 : i32 to index
        %swap3A_1514 = tpu.vector_load %arg10[%swap3A_1510, %swap3A_1511, %swap3A_1512, %swap3A_1513] {strides = array<i32>} : memref<8x2x8x128xf32, #tpu.memory_space<vmem>>, vector<16xf32>,
        tpu.vector_store %arg10[%swap3A_1510, %swap3A_1511, %swap3A_1512, %swap3A_1513], %gather3A_1408 {strides = array<i32>} : memref<8x2x8x128xf32, #tpu.memory_space<vmem>>, vector<16xf32>,
        %mul3A_1515 = arith.constant 16 : i32
        %mul3A_1516 = arith.muli %scan3A_534, %mul3A_1515 : i32
        %swap3A_1517 = arith.constant 2 : i32
        %swap3A_1518 = arith.constant 0 : i32
        %swap3A_1519 = arith.constant 5 : i32
        %swap3A_1520 = arith.index_cast %swap3A_1517 : i32 to index
        %swap3A_1521 = arith.index_cast %swap3A_1518 : i32 to index
        %swap3A_1522 = arith.index_cast %swap3A_1519 : i32 to index
        %swap3A_1523 = arith.index_cast %mul3A_1516 : i32 to index
        %swap3A_1524 = tpu.vector_load %arg10[%swap3A_1520, %swap3A_1521, %swap3A_1522, %swap3A_1523] {strides = array<i32>} : memref<8x2x8x128xf32, #tpu.memory_space<vmem>>, vector<16xf32>,
        tpu.vector_store %arg10[%swap3A_1520, %swap3A_1521, %swap3A_1522, %swap3A_1523], %gather3A_1409 {strides = array<i32>} : memref<8x2x8x128xf32, #tpu.memory_space<vmem>>, vector<16xf32>,
        %mul3A_1525 = arith.constant 16 : i32
        %mul3A_1526 = arith.muli %scan3A_534, %mul3A_1525 : i32
        %swap3A_1527 = arith.constant 2 : i32
        %swap3A_1528 = arith.constant 1 : i32
        %swap3A_1529 = arith.constant 5 : i32
        %swap3A_1530 = arith.index_cast %swap3A_1527 : i32 to index
        %swap3A_1531 = arith.index_cast %swap3A_1528 : i32 to index
        %swap3A_1532 = arith.index_cast %swap3A_1529 : i32 to index
        %swap3A_1533 = arith.index_cast %mul3A_1526 : i32 to index
        %swap3A_1534 = tpu.vector_load %arg10[%swap3A_1530, %swap3A_1531, %swap3A_1532, %swap3A_1533] {strides = array<i32>} : memref<8x2x8x128xf32, #tpu.memory_space<vmem>>, vector<16xf32>,
        tpu.vector_store %arg10[%swap3A_1530, %swap3A_1531, %swap3A_1532, %swap3A_1533], %gather3A_1410 {strides = array<i32>} : memref<8x2x8x128xf32, #tpu.memory_space<vmem>>, vector<16xf32>,
        %mul3A_1535 = arith.constant 16 : i32
        %mul3A_1536 = arith.muli %scan3A_534, %mul3A_1535 : i32
        %swap3A_1537 = arith.constant 2 : i32
        %swap3A_1538 = arith.constant 0 : i32
        %swap3A_1539 = arith.constant 6 : i32
        %swap3A_1540 = arith.index_cast %swap3A_1537 : i32 to index
        %swap3A_1541 = arith.index_cast %swap3A_1538 : i32 to index
        %swap3A_1542 = arith.index_cast %swap3A_1539 : i32 to index
        %swap3A_1543 = arith.index_cast %mul3A_1536 : i32 to index
        %swap3A_1544 = tpu.vector_load %arg10[%swap3A_1540, %swap3A_1541, %swap3A_1542, %swap3A_1543] {strides = array<i32>} : memref<8x2x8x128xf32, #tpu.memory_space<vmem>>, vector<16xf32>,
        tpu.vector_store %arg10[%swap3A_1540, %swap3A_1541, %swap3A_1542, %swap3A_1543], %gather3A_1411 {strides = array<i32>} : memref<8x2x8x128xf32, #tpu.memory_space<vmem>>, vector<16xf32>,
        %mul3A_1545 = arith.constant 16 : i32
        %mul3A_1546 = arith.muli %scan3A_534, %mul3A_1545 : i32
        %swap3A_1547 = arith.constant 2 : i32
        %swap3A_1548 = arith.constant 1 : i32
        %swap3A_1549 = arith.constant 6 : i32
        %swap3A_1550 = arith.index_cast %swap3A_1547 : i32 to index
        %swap3A_1551 = arith.index_cast %swap3A_1548 : i32 to index
        %swap3A_1552 = arith.index_cast %swap3A_1549 : i32 to index
        %swap3A_1553 = arith.index_cast %mul3A_1546 : i32 to index
        %swap3A_1554 = tpu.vector_load %arg10[%swap3A_1550, %swap3A_1551, %swap3A_1552, %swap3A_1553] {strides = array<i32>} : memref<8x2x8x128xf32, #tpu.memory_space<vmem>>, vector<16xf32>,
        tpu.vector_store %arg10[%swap3A_1550, %swap3A_1551, %swap3A_1552, %swap3A_1553], %gather3A_1412 {strides = array<i32>} : memref<8x2x8x128xf32, #tpu.memory_space<vmem>>, vector<16xf32>,
        %mul3A_1555 = arith.constant 16 : i32
        %mul3A_1556 = arith.muli %scan3A_534, %mul3A_1555 : i32
        %swap3A_1557 = arith.constant 2 : i32
        %swap3A_1558 = arith.constant 0 : i32
        %swap3A_1559 = arith.constant 7 : i32
        %swap3A_1560 = arith.index_cast %swap3A_1557 : i32 to index
        %swap3A_1561 = arith.index_cast %swap3A_1558 : i32 to index
        %swap3A_1562 = arith.index_cast %swap3A_1559 : i32 to index
        %swap3A_1563 = arith.index_cast %mul3A_1556 : i32 to index
        %swap3A_1564 = tpu.vector_load %arg10[%swap3A_1560, %swap3A_1561, %swap3A_1562, %swap3A_1563] {strides = array<i32>} : memref<8x2x8x128xf32, #tpu.memory_space<vmem>>, vector<16xf32>,
        tpu.vector_store %arg10[%swap3A_1560, %swap3A_1561, %swap3A_1562, %swap3A_1563], %gather3A_1413 {strides = array<i32>} : memref<8x2x8x128xf32, #tpu.memory_space<vmem>>, vector<16xf32>,
        %mul3A_1565 = arith.constant 16 : i32
        %mul3A_1566 = arith.muli %scan3A_534, %mul3A_1565 : i32
        %swap3A_1567 = arith.constant 2 : i32
        %swap3A_1568 = arith.constant 1 : i32
        %swap3A_1569 = arith.constant 7 : i32
        %swap3A_1570 = arith.index_cast %swap3A_1567 : i32 to index
        %swap3A_1571 = arith.index_cast %swap3A_1568 : i32 to index
        %swap3A_1572 = arith.index_cast %swap3A_1569 : i32 to index
        %swap3A_1573 = arith.index_cast %mul3A_1566 : i32 to index
        %swap3A_1574 = tpu.vector_load %arg10[%swap3A_1570, %swap3A_1571, %swap3A_1572, %swap3A_1573] {strides = array<i32>} : memref<8x2x8x128xf32, #tpu.memory_space<vmem>>, vector<16xf32>,
        tpu.vector_store %arg10[%swap3A_1570, %swap3A_1571, %swap3A_1572, %swap3A_1573], %gather3A_1414 {strides = array<i32>} : memref<8x2x8x128xf32, #tpu.memory_space<vmem>>, vector<16xf32>,
        %gather3A_1575 = tpu.vector_load_idx %arg8[%add3A_732] : memref<16640xf32, #tpu.memory_space<vmem>>[vector<16xi32>], vector<16xf32>,
        %gather3A_1576 = tpu.vector_load_idx %arg8[%add3A_736] : memref<16640xf32, #tpu.memory_space<vmem>>[vector<16xi32>], vector<16xf32>,
        %gather3A_1577 = tpu.vector_load_idx %arg8[%add3A_740] : memref<16640xf32, #tpu.memory_space<vmem>>[vector<16xi32>], vector<16xf32>,
        %gather3A_1578 = tpu.vector_load_idx %arg8[%add3A_744] : memref<16640xf32, #tpu.memory_space<vmem>>[vector<16xi32>], vector<16xf32>,
        %gather3A_1579 = tpu.vector_load_idx %arg8[%add3A_748] : memref<16640xf32, #tpu.memory_space<vmem>>[vector<16xi32>], vector<16xf32>,
        %gather3A_1580 = tpu.vector_load_idx %arg8[%add3A_752] : memref<16640xf32, #tpu.memory_space<vmem>>[vector<16xi32>], vector<16xf32>,
        %gather3A_1581 = tpu.vector_load_idx %arg8[%add3A_756] : memref<16640xf32, #tpu.memory_space<vmem>>[vector<16xi32>], vector<16xf32>,
        %gather3A_1582 = tpu.vector_load_idx %arg8[%add3A_760] : memref<16640xf32, #tpu.memory_space<vmem>>[vector<16xi32>], vector<16xf32>,
        %gather3A_1583 = tpu.vector_load_idx %arg8[%add3A_764] : memref<16640xf32, #tpu.memory_space<vmem>>[vector<16xi32>], vector<16xf32>,
        %gather3A_1584 = tpu.vector_load_idx %arg8[%add3A_768] : memref<16640xf32, #tpu.memory_space<vmem>>[vector<16xi32>], vector<16xf32>,
        %gather3A_1585 = tpu.vector_load_idx %arg8[%add3A_772] : memref<16640xf32, #tpu.memory_space<vmem>>[vector<16xi32>], vector<16xf32>,
        %gather3A_1586 = tpu.vector_load_idx %arg8[%add3A_776] : memref<16640xf32, #tpu.memory_space<vmem>>[vector<16xi32>], vector<16xf32>,
        %gather3A_1587 = tpu.vector_load_idx %arg8[%add3A_780] : memref<16640xf32, #tpu.memory_space<vmem>>[vector<16xi32>], vector<16xf32>,
        %gather3A_1588 = tpu.vector_load_idx %arg8[%add3A_784] : memref<16640xf32, #tpu.memory_space<vmem>>[vector<16xi32>], vector<16xf32>,
        %gather3A_1589 = tpu.vector_load_idx %arg8[%add3A_788] : memref<16640xf32, #tpu.memory_space<vmem>>[vector<16xi32>], vector<16xf32>,
        %gather3A_1590 = tpu.vector_load_idx %arg8[%add3A_792] : memref<16640xf32, #tpu.memory_space<vmem>>[vector<16xi32>], vector<16xf32>,
        %mul3A_1591 = arith.constant 16 : i32
        %mul3A_1592 = arith.muli %scan3A_534, %mul3A_1591 : i32
        %swap3A_1593 = arith.constant 3 : i32
        %swap3A_1594 = arith.constant 0 : i32
        %swap3A_1595 = arith.constant 0 : i32
        %swap3A_1596 = arith.index_cast %swap3A_1593 : i32 to index
        %swap3A_1597 = arith.index_cast %swap3A_1594 : i32 to index
        %swap3A_1598 = arith.index_cast %swap3A_1595 : i32 to index
        %swap3A_1599 = arith.index_cast %mul3A_1592 : i32 to index
        %swap3A_1600 = tpu.vector_load %arg10[%swap3A_1596, %swap3A_1597, %swap3A_1598, %swap3A_1599] {strides = array<i32>} : memref<8x2x8x128xf32, #tpu.memory_space<vmem>>, vector<16xf32>,
        tpu.vector_store %arg10[%swap3A_1596, %swap3A_1597, %swap3A_1598, %swap3A_1599], %gather3A_1575 {strides = array<i32>} : memref<8x2x8x128xf32, #tpu.memory_space<vmem>>, vector<16xf32>,
        %mul3A_1601 = arith.constant 16 : i32
        %mul3A_1602 = arith.muli %scan3A_534, %mul3A_1601 : i32
        %swap3A_1603 = arith.constant 3 : i32
        %swap3A_1604 = arith.constant 1 : i32
        %swap3A_1605 = arith.constant 0 : i32
        %swap3A_1606 = arith.index_cast %swap3A_1603 : i32 to index
        %swap3A_1607 = arith.index_cast %swap3A_1604 : i32 to index
        %swap3A_1608 = arith.index_cast %swap3A_1605 : i32 to index
        %swap3A_1609 = arith.index_cast %mul3A_1602 : i32 to index
        %swap3A_1610 = tpu.vector_load %arg10[%swap3A_1606, %swap3A_1607, %swap3A_1608, %swap3A_1609] {strides = array<i32>} : memref<8x2x8x128xf32, #tpu.memory_space<vmem>>, vector<16xf32>,
        tpu.vector_store %arg10[%swap3A_1606, %swap3A_1607, %swap3A_1608, %swap3A_1609], %gather3A_1576 {strides = array<i32>} : memref<8x2x8x128xf32, #tpu.memory_space<vmem>>, vector<16xf32>,
        %mul3A_1611 = arith.constant 16 : i32
        %mul3A_1612 = arith.muli %scan3A_534, %mul3A_1611 : i32
        %swap3A_1613 = arith.constant 3 : i32
        %swap3A_1614 = arith.constant 0 : i32
        %swap3A_1615 = arith.constant 1 : i32
        %swap3A_1616 = arith.index_cast %swap3A_1613 : i32 to index
        %swap3A_1617 = arith.index_cast %swap3A_1614 : i32 to index
        %swap3A_1618 = arith.index_cast %swap3A_1615 : i32 to index
        %swap3A_1619 = arith.index_cast %mul3A_1612 : i32 to index
        %swap3A_1620 = tpu.vector_load %arg10[%swap3A_1616, %swap3A_1617, %swap3A_1618, %swap3A_1619] {strides = array<i32>} : memref<8x2x8x128xf32, #tpu.memory_space<vmem>>, vector<16xf32>,
        tpu.vector_store %arg10[%swap3A_1616, %swap3A_1617, %swap3A_1618, %swap3A_1619], %gather3A_1577 {strides = array<i32>} : memref<8x2x8x128xf32, #tpu.memory_space<vmem>>, vector<16xf32>,
        %mul3A_1621 = arith.constant 16 : i32
        %mul3A_1622 = arith.muli %scan3A_534, %mul3A_1621 : i32
        %swap3A_1623 = arith.constant 3 : i32
        %swap3A_1624 = arith.constant 1 : i32
        %swap3A_1625 = arith.constant 1 : i32
        %swap3A_1626 = arith.index_cast %swap3A_1623 : i32 to index
        %swap3A_1627 = arith.index_cast %swap3A_1624 : i32 to index
        %swap3A_1628 = arith.index_cast %swap3A_1625 : i32 to index
        %swap3A_1629 = arith.index_cast %mul3A_1622 : i32 to index
        %swap3A_1630 = tpu.vector_load %arg10[%swap3A_1626, %swap3A_1627, %swap3A_1628, %swap3A_1629] {strides = array<i32>} : memref<8x2x8x128xf32, #tpu.memory_space<vmem>>, vector<16xf32>,
        tpu.vector_store %arg10[%swap3A_1626, %swap3A_1627, %swap3A_1628, %swap3A_1629], %gather3A_1578 {strides = array<i32>} : memref<8x2x8x128xf32, #tpu.memory_space<vmem>>, vector<16xf32>,
        %mul3A_1631 = arith.constant 16 : i32
        %mul3A_1632 = arith.muli %scan3A_534, %mul3A_1631 : i32
        %swap3A_1633 = arith.constant 3 : i32
        %swap3A_1634 = arith.constant 0 : i32
        %swap3A_1635 = arith.constant 2 : i32
        %swap3A_1636 = arith.index_cast %swap3A_1633 : i32 to index
        %swap3A_1637 = arith.index_cast %swap3A_1634 : i32 to index
        %swap3A_1638 = arith.index_cast %swap3A_1635 : i32 to index
        %swap3A_1639 = arith.index_cast %mul3A_1632 : i32 to index
        %swap3A_1640 = tpu.vector_load %arg10[%swap3A_1636, %swap3A_1637, %swap3A_1638, %swap3A_1639] {strides = array<i32>} : memref<8x2x8x128xf32, #tpu.memory_space<vmem>>, vector<16xf32>,
        tpu.vector_store %arg10[%swap3A_1636, %swap3A_1637, %swap3A_1638, %swap3A_1639], %gather3A_1579 {strides = array<i32>} : memref<8x2x8x128xf32, #tpu.memory_space<vmem>>, vector<16xf32>,
        %mul3A_1641 = arith.constant 16 : i32
        %mul3A_1642 = arith.muli %scan3A_534, %mul3A_1641 : i32
        %swap3A_1643 = arith.constant 3 : i32
        %swap3A_1644 = arith.constant 1 : i32
        %swap3A_1645 = arith.constant 2 : i32
        %swap3A_1646 = arith.index_cast %swap3A_1643 : i32 to index
        %swap3A_1647 = arith.index_cast %swap3A_1644 : i32 to index
        %swap3A_1648 = arith.index_cast %swap3A_1645 : i32 to index
        %swap3A_1649 = arith.index_cast %mul3A_1642 : i32 to index
        %swap3A_1650 = tpu.vector_load %arg10[%swap3A_1646, %swap3A_1647, %swap3A_1648, %swap3A_1649] {strides = array<i32>} : memref<8x2x8x128xf32, #tpu.memory_space<vmem>>, vector<16xf32>,
        tpu.vector_store %arg10[%swap3A_1646, %swap3A_1647, %swap3A_1648, %swap3A_1649], %gather3A_1580 {strides = array<i32>} : memref<8x2x8x128xf32, #tpu.memory_space<vmem>>, vector<16xf32>,
        %mul3A_1651 = arith.constant 16 : i32
        %mul3A_1652 = arith.muli %scan3A_534, %mul3A_1651 : i32
        %swap3A_1653 = arith.constant 3 : i32
        %swap3A_1654 = arith.constant 0 : i32
        %swap3A_1655 = arith.constant 3 : i32
        %swap3A_1656 = arith.index_cast %swap3A_1653 : i32 to index
        %swap3A_1657 = arith.index_cast %swap3A_1654 : i32 to index
        %swap3A_1658 = arith.index_cast %swap3A_1655 : i32 to index
        %swap3A_1659 = arith.index_cast %mul3A_1652 : i32 to index
        %swap3A_1660 = tpu.vector_load %arg10[%swap3A_1656, %swap3A_1657, %swap3A_1658, %swap3A_1659] {strides = array<i32>} : memref<8x2x8x128xf32, #tpu.memory_space<vmem>>, vector<16xf32>,
        tpu.vector_store %arg10[%swap3A_1656, %swap3A_1657, %swap3A_1658, %swap3A_1659], %gather3A_1581 {strides = array<i32>} : memref<8x2x8x128xf32, #tpu.memory_space<vmem>>, vector<16xf32>,
        %mul3A_1661 = arith.constant 16 : i32
        %mul3A_1662 = arith.muli %scan3A_534, %mul3A_1661 : i32
        %swap3A_1663 = arith.constant 3 : i32
        %swap3A_1664 = arith.constant 1 : i32
        %swap3A_1665 = arith.constant 3 : i32
        %swap3A_1666 = arith.index_cast %swap3A_1663 : i32 to index
        %swap3A_1667 = arith.index_cast %swap3A_1664 : i32 to index
        %swap3A_1668 = arith.index_cast %swap3A_1665 : i32 to index
        %swap3A_1669 = arith.index_cast %mul3A_1662 : i32 to index
        %swap3A_1670 = tpu.vector_load %arg10[%swap3A_1666, %swap3A_1667, %swap3A_1668, %swap3A_1669] {strides = array<i32>} : memref<8x2x8x128xf32, #tpu.memory_space<vmem>>, vector<16xf32>,
        tpu.vector_store %arg10[%swap3A_1666, %swap3A_1667, %swap3A_1668, %swap3A_1669], %gather3A_1582 {strides = array<i32>} : memref<8x2x8x128xf32, #tpu.memory_space<vmem>>, vector<16xf32>,
        %mul3A_1671 = arith.constant 16 : i32
        %mul3A_1672 = arith.muli %scan3A_534, %mul3A_1671 : i32
        %swap3A_1673 = arith.constant 3 : i32
        %swap3A_1674 = arith.constant 0 : i32
        %swap3A_1675 = arith.constant 4 : i32
        %swap3A_1676 = arith.index_cast %swap3A_1673 : i32 to index
        %swap3A_1677 = arith.index_cast %swap3A_1674 : i32 to index
        %swap3A_1678 = arith.index_cast %swap3A_1675 : i32 to index
        %swap3A_1679 = arith.index_cast %mul3A_1672 : i32 to index
        %swap3A_1680 = tpu.vector_load %arg10[%swap3A_1676, %swap3A_1677, %swap3A_1678, %swap3A_1679] {strides = array<i32>} : memref<8x2x8x128xf32, #tpu.memory_space<vmem>>, vector<16xf32>,
        tpu.vector_store %arg10[%swap3A_1676, %swap3A_1677, %swap3A_1678, %swap3A_1679], %gather3A_1583 {strides = array<i32>} : memref<8x2x8x128xf32, #tpu.memory_space<vmem>>, vector<16xf32>,
        %mul3A_1681 = arith.constant 16 : i32
        %mul3A_1682 = arith.muli %scan3A_534, %mul3A_1681 : i32
        %swap3A_1683 = arith.constant 3 : i32
        %swap3A_1684 = arith.constant 1 : i32
        %swap3A_1685 = arith.constant 4 : i32
        %swap3A_1686 = arith.index_cast %swap3A_1683 : i32 to index
        %swap3A_1687 = arith.index_cast %swap3A_1684 : i32 to index
        %swap3A_1688 = arith.index_cast %swap3A_1685 : i32 to index
        %swap3A_1689 = arith.index_cast %mul3A_1682 : i32 to index
        %swap3A_1690 = tpu.vector_load %arg10[%swap3A_1686, %swap3A_1687, %swap3A_1688, %swap3A_1689] {strides = array<i32>} : memref<8x2x8x128xf32, #tpu.memory_space<vmem>>, vector<16xf32>,
        tpu.vector_store %arg10[%swap3A_1686, %swap3A_1687, %swap3A_1688, %swap3A_1689], %gather3A_1584 {strides = array<i32>} : memref<8x2x8x128xf32, #tpu.memory_space<vmem>>, vector<16xf32>,
        %mul3A_1691 = arith.constant 16 : i32
        %mul3A_1692 = arith.muli %scan3A_534, %mul3A_1691 : i32
        %swap3A_1693 = arith.constant 3 : i32
        %swap3A_1694 = arith.constant 0 : i32
        %swap3A_1695 = arith.constant 5 : i32
        %swap3A_1696 = arith.index_cast %swap3A_1693 : i32 to index
        %swap3A_1697 = arith.index_cast %swap3A_1694 : i32 to index
        %swap3A_1698 = arith.index_cast %swap3A_1695 : i32 to index
        %swap3A_1699 = arith.index_cast %mul3A_1692 : i32 to index
        %swap3A_1700 = tpu.vector_load %arg10[%swap3A_1696, %swap3A_1697, %swap3A_1698, %swap3A_1699] {strides = array<i32>} : memref<8x2x8x128xf32, #tpu.memory_space<vmem>>, vector<16xf32>,
        tpu.vector_store %arg10[%swap3A_1696, %swap3A_1697, %swap3A_1698, %swap3A_1699], %gather3A_1585 {strides = array<i32>} : memref<8x2x8x128xf32, #tpu.memory_space<vmem>>, vector<16xf32>,
        %mul3A_1701 = arith.constant 16 : i32
        %mul3A_1702 = arith.muli %scan3A_534, %mul3A_1701 : i32
        %swap3A_1703 = arith.constant 3 : i32
        %swap3A_1704 = arith.constant 1 : i32
        %swap3A_1705 = arith.constant 5 : i32
        %swap3A_1706 = arith.index_cast %swap3A_1703 : i32 to index
        %swap3A_1707 = arith.index_cast %swap3A_1704 : i32 to index
        %swap3A_1708 = arith.index_cast %swap3A_1705 : i32 to index
        %swap3A_1709 = arith.index_cast %mul3A_1702 : i32 to index
        %swap3A_1710 = tpu.vector_load %arg10[%swap3A_1706, %swap3A_1707, %swap3A_1708, %swap3A_1709] {strides = array<i32>} : memref<8x2x8x128xf32, #tpu.memory_space<vmem>>, vector<16xf32>,
        tpu.vector_store %arg10[%swap3A_1706, %swap3A_1707, %swap3A_1708, %swap3A_1709], %gather3A_1586 {strides = array<i32>} : memref<8x2x8x128xf32, #tpu.memory_space<vmem>>, vector<16xf32>,
        %mul3A_1711 = arith.constant 16 : i32
        %mul3A_1712 = arith.muli %scan3A_534, %mul3A_1711 : i32
        %swap3A_1713 = arith.constant 3 : i32
        %swap3A_1714 = arith.constant 0 : i32
        %swap3A_1715 = arith.constant 6 : i32
        %swap3A_1716 = arith.index_cast %swap3A_1713 : i32 to index
        %swap3A_1717 = arith.index_cast %swap3A_1714 : i32 to index
        %swap3A_1718 = arith.index_cast %swap3A_1715 : i32 to index
        %swap3A_1719 = arith.index_cast %mul3A_1712 : i32 to index
        %swap3A_1720 = tpu.vector_load %arg10[%swap3A_1716, %swap3A_1717, %swap3A_1718, %swap3A_1719] {strides = array<i32>} : memref<8x2x8x128xf32, #tpu.memory_space<vmem>>, vector<16xf32>,
        tpu.vector_store %arg10[%swap3A_1716, %swap3A_1717, %swap3A_1718, %swap3A_1719], %gather3A_1587 {strides = array<i32>} : memref<8x2x8x128xf32, #tpu.memory_space<vmem>>, vector<16xf32>,
        %mul3A_1721 = arith.constant 16 : i32
        %mul3A_1722 = arith.muli %scan3A_534, %mul3A_1721 : i32
        %swap3A_1723 = arith.constant 3 : i32
        %swap3A_1724 = arith.constant 1 : i32
        %swap3A_1725 = arith.constant 6 : i32
        %swap3A_1726 = arith.index_cast %swap3A_1723 : i32 to index
        %swap3A_1727 = arith.index_cast %swap3A_1724 : i32 to index
        %swap3A_1728 = arith.index_cast %swap3A_1725 : i32 to index
        %swap3A_1729 = arith.index_cast %mul3A_1722 : i32 to index
        %swap3A_1730 = tpu.vector_load %arg10[%swap3A_1726, %swap3A_1727, %swap3A_1728, %swap3A_1729] {strides = array<i32>} : memref<8x2x8x128xf32, #tpu.memory_space<vmem>>, vector<16xf32>,
        tpu.vector_store %arg10[%swap3A_1726, %swap3A_1727, %swap3A_1728, %swap3A_1729], %gather3A_1588 {strides = array<i32>} : memref<8x2x8x128xf32, #tpu.memory_space<vmem>>, vector<16xf32>,
        %mul3A_1731 = arith.constant 16 : i32
        %mul3A_1732 = arith.muli %scan3A_534, %mul3A_1731 : i32
        %swap3A_1733 = arith.constant 3 : i32
        %swap3A_1734 = arith.constant 0 : i32
        %swap3A_1735 = arith.constant 7 : i32
        %swap3A_1736 = arith.index_cast %swap3A_1733 : i32 to index
        %swap3A_1737 = arith.index_cast %swap3A_1734 : i32 to index
        %swap3A_1738 = arith.index_cast %swap3A_1735 : i32 to index
        %swap3A_1739 = arith.index_cast %mul3A_1732 : i32 to index
        %swap3A_1740 = tpu.vector_load %arg10[%swap3A_1736, %swap3A_1737, %swap3A_1738, %swap3A_1739] {strides = array<i32>} : memref<8x2x8x128xf32, #tpu.memory_space<vmem>>, vector<16xf32>,
        tpu.vector_store %arg10[%swap3A_1736, %swap3A_1737, %swap3A_1738, %swap3A_1739], %gather3A_1589 {strides = array<i32>} : memref<8x2x8x128xf32, #tpu.memory_space<vmem>>, vector<16xf32>,
        %mul3A_1741 = arith.constant 16 : i32
        %mul3A_1742 = arith.muli %scan3A_534, %mul3A_1741 : i32
        %swap3A_1743 = arith.constant 3 : i32
        %swap3A_1744 = arith.constant 1 : i32
        %swap3A_1745 = arith.constant 7 : i32
        %swap3A_1746 = arith.index_cast %swap3A_1743 : i32 to index
        %swap3A_1747 = arith.index_cast %swap3A_1744 : i32 to index
        %swap3A_1748 = arith.index_cast %swap3A_1745 : i32 to index
        %swap3A_1749 = arith.index_cast %mul3A_1742 : i32 to index
        %swap3A_1750 = tpu.vector_load %arg10[%swap3A_1746, %swap3A_1747, %swap3A_1748, %swap3A_1749] {strides = array<i32>} : memref<8x2x8x128xf32, #tpu.memory_space<vmem>>, vector<16xf32>,
        tpu.vector_store %arg10[%swap3A_1746, %swap3A_1747, %swap3A_1748, %swap3A_1749], %gather3A_1590 {strides = array<i32>} : memref<8x2x8x128xf32, #tpu.memory_space<vmem>>, vector<16xf32>,
        %gather3A_1751 = tpu.vector_load_idx %arg8[%add3A_796] : memref<16640xf32, #tpu.memory_space<vmem>>[vector<16xi32>], vector<16xf32>,
        %gather3A_1752 = tpu.vector_load_idx %arg8[%add3A_800] : memref<16640xf32, #tpu.memory_space<vmem>>[vector<16xi32>], vector<16xf32>,
        %gather3A_1753 = tpu.vector_load_idx %arg8[%add3A_804] : memref<16640xf32, #tpu.memory_space<vmem>>[vector<16xi32>], vector<16xf32>,
        %gather3A_1754 = tpu.vector_load_idx %arg8[%add3A_808] : memref<16640xf32, #tpu.memory_space<vmem>>[vector<16xi32>], vector<16xf32>,
        %gather3A_1755 = tpu.vector_load_idx %arg8[%add3A_812] : memref<16640xf32, #tpu.memory_space<vmem>>[vector<16xi32>], vector<16xf32>,
        %gather3A_1756 = tpu.vector_load_idx %arg8[%add3A_816] : memref<16640xf32, #tpu.memory_space<vmem>>[vector<16xi32>], vector<16xf32>,
        %gather3A_1757 = tpu.vector_load_idx %arg8[%add3A_820] : memref<16640xf32, #tpu.memory_space<vmem>>[vector<16xi32>], vector<16xf32>,
        %gather3A_1758 = tpu.vector_load_idx %arg8[%add3A_824] : memref<16640xf32, #tpu.memory_space<vmem>>[vector<16xi32>], vector<16xf32>,
        %gather3A_1759 = tpu.vector_load_idx %arg8[%add3A_828] : memref<16640xf32, #tpu.memory_space<vmem>>[vector<16xi32>], vector<16xf32>,
        %gather3A_1760 = tpu.vector_load_idx %arg8[%add3A_832] : memref<16640xf32, #tpu.memory_space<vmem>>[vector<16xi32>], vector<16xf32>,
        %gather3A_1761 = tpu.vector_load_idx %arg8[%add3A_836] : memref<16640xf32, #tpu.memory_space<vmem>>[vector<16xi32>], vector<16xf32>,
        %gather3A_1762 = tpu.vector_load_idx %arg8[%add3A_840] : memref<16640xf32, #tpu.memory_space<vmem>>[vector<16xi32>], vector<16xf32>,
        %gather3A_1763 = tpu.vector_load_idx %arg8[%add3A_844] : memref<16640xf32, #tpu.memory_space<vmem>>[vector<16xi32>], vector<16xf32>,
        %gather3A_1764 = tpu.vector_load_idx %arg8[%add3A_848] : memref<16640xf32, #tpu.memory_space<vmem>>[vector<16xi32>], vector<16xf32>,
        %gather3A_1765 = tpu.vector_load_idx %arg8[%add3A_852] : memref<16640xf32, #tpu.memory_space<vmem>>[vector<16xi32>], vector<16xf32>,
        %gather3A_1766 = tpu.vector_load_idx %arg8[%add3A_856] : memref<16640xf32, #tpu.memory_space<vmem>>[vector<16xi32>], vector<16xf32>,
        %mul3A_1767 = arith.constant 16 : i32
        %mul3A_1768 = arith.muli %scan3A_534, %mul3A_1767 : i32
        %swap3A_1769 = arith.constant 4 : i32
        %swap3A_1770 = arith.constant 0 : i32
        %swap3A_1771 = arith.constant 0 : i32
        %swap3A_1772 = arith.index_cast %swap3A_1769 : i32 to index
        %swap3A_1773 = arith.index_cast %swap3A_1770 : i32 to index
        %swap3A_1774 = arith.index_cast %swap3A_1771 : i32 to index
        %swap3A_1775 = arith.index_cast %mul3A_1768 : i32 to index
        %swap3A_1776 = tpu.vector_load %arg10[%swap3A_1772, %swap3A_1773, %swap3A_1774, %swap3A_1775] {strides = array<i32>} : memref<8x2x8x128xf32, #tpu.memory_space<vmem>>, vector<16xf32>,
        tpu.vector_store %arg10[%swap3A_1772, %swap3A_1773, %swap3A_1774, %swap3A_1775], %gather3A_1751 {strides = array<i32>} : memref<8x2x8x128xf32, #tpu.memory_space<vmem>>, vector<16xf32>,
        %mul3A_1777 = arith.constant 16 : i32
        %mul3A_1778 = arith.muli %scan3A_534, %mul3A_1777 : i32
        %swap3A_1779 = arith.constant 4 : i32
        %swap3A_1780 = arith.constant 1 : i32
        %swap3A_1781 = arith.constant 0 : i32
        %swap3A_1782 = arith.index_cast %swap3A_1779 : i32 to index
        %swap3A_1783 = arith.index_cast %swap3A_1780 : i32 to index
        %swap3A_1784 = arith.index_cast %swap3A_1781 : i32 to index
        %swap3A_1785 = arith.index_cast %mul3A_1778 : i32 to index
        %swap3A_1786 = tpu.vector_load %arg10[%swap3A_1782, %swap3A_1783, %swap3A_1784, %swap3A_1785] {strides = array<i32>} : memref<8x2x8x128xf32, #tpu.memory_space<vmem>>, vector<16xf32>,
        tpu.vector_store %arg10[%swap3A_1782, %swap3A_1783, %swap3A_1784, %swap3A_1785], %gather3A_1752 {strides = array<i32>} : memref<8x2x8x128xf32, #tpu.memory_space<vmem>>, vector<16xf32>,
        %mul3A_1787 = arith.constant 16 : i32
        %mul3A_1788 = arith.muli %scan3A_534, %mul3A_1787 : i32
        %swap3A_1789 = arith.constant 4 : i32
        %swap3A_1790 = arith.constant 0 : i32
        %swap3A_1791 = arith.constant 1 : i32
        %swap3A_1792 = arith.index_cast %swap3A_1789 : i32 to index
        %swap3A_1793 = arith.index_cast %swap3A_1790 : i32 to index
        %swap3A_1794 = arith.index_cast %swap3A_1791 : i32 to index
        %swap3A_1795 = arith.index_cast %mul3A_1788 : i32 to index
        %swap3A_1796 = tpu.vector_load %arg10[%swap3A_1792, %swap3A_1793, %swap3A_1794, %swap3A_1795] {strides = array<i32>} : memref<8x2x8x128xf32, #tpu.memory_space<vmem>>, vector<16xf32>,
        tpu.vector_store %arg10[%swap3A_1792, %swap3A_1793, %swap3A_1794, %swap3A_1795], %gather3A_1753 {strides = array<i32>} : memref<8x2x8x128xf32, #tpu.memory_space<vmem>>, vector<16xf32>,
        %mul3A_1797 = arith.constant 16 : i32
        %mul3A_1798 = arith.muli %scan3A_534, %mul3A_1797 : i32
        %swap3A_1799 = arith.constant 4 : i32
        %swap3A_1800 = arith.constant 1 : i32
        %swap3A_1801 = arith.constant 1 : i32
        %swap3A_1802 = arith.index_cast %swap3A_1799 : i32 to index
        %swap3A_1803 = arith.index_cast %swap3A_1800 : i32 to index
        %swap3A_1804 = arith.index_cast %swap3A_1801 : i32 to index
        %swap3A_1805 = arith.index_cast %mul3A_1798 : i32 to index
        %swap3A_1806 = tpu.vector_load %arg10[%swap3A_1802, %swap3A_1803, %swap3A_1804, %swap3A_1805] {strides = array<i32>} : memref<8x2x8x128xf32, #tpu.memory_space<vmem>>, vector<16xf32>,
        tpu.vector_store %arg10[%swap3A_1802, %swap3A_1803, %swap3A_1804, %swap3A_1805], %gather3A_1754 {strides = array<i32>} : memref<8x2x8x128xf32, #tpu.memory_space<vmem>>, vector<16xf32>,
        %mul3A_1807 = arith.constant 16 : i32
        %mul3A_1808 = arith.muli %scan3A_534, %mul3A_1807 : i32
        %swap3A_1809 = arith.constant 4 : i32
        %swap3A_1810 = arith.constant 0 : i32
        %swap3A_1811 = arith.constant 2 : i32
        %swap3A_1812 = arith.index_cast %swap3A_1809 : i32 to index
        %swap3A_1813 = arith.index_cast %swap3A_1810 : i32 to index
        %swap3A_1814 = arith.index_cast %swap3A_1811 : i32 to index
        %swap3A_1815 = arith.index_cast %mul3A_1808 : i32 to index
        %swap3A_1816 = tpu.vector_load %arg10[%swap3A_1812, %swap3A_1813, %swap3A_1814, %swap3A_1815] {strides = array<i32>} : memref<8x2x8x128xf32, #tpu.memory_space<vmem>>, vector<16xf32>,
        tpu.vector_store %arg10[%swap3A_1812, %swap3A_1813, %swap3A_1814, %swap3A_1815], %gather3A_1755 {strides = array<i32>} : memref<8x2x8x128xf32, #tpu.memory_space<vmem>>, vector<16xf32>,
        %mul3A_1817 = arith.constant 16 : i32
        %mul3A_1818 = arith.muli %scan3A_534, %mul3A_1817 : i32
        %swap3A_1819 = arith.constant 4 : i32
        %swap3A_1820 = arith.constant 1 : i32
        %swap3A_1821 = arith.constant 2 : i32
        %swap3A_1822 = arith.index_cast %swap3A_1819 : i32 to index
        %swap3A_1823 = arith.index_cast %swap3A_1820 : i32 to index
        %swap3A_1824 = arith.index_cast %swap3A_1821 : i32 to index
        %swap3A_1825 = arith.index_cast %mul3A_1818 : i32 to index
        %swap3A_1826 = tpu.vector_load %arg10[%swap3A_1822, %swap3A_1823, %swap3A_1824, %swap3A_1825] {strides = array<i32>} : memref<8x2x8x128xf32, #tpu.memory_space<vmem>>, vector<16xf32>,
        tpu.vector_store %arg10[%swap3A_1822, %swap3A_1823, %swap3A_1824, %swap3A_1825], %gather3A_1756 {strides = array<i32>} : memref<8x2x8x128xf32, #tpu.memory_space<vmem>>, vector<16xf32>,
        %mul3A_1827 = arith.constant 16 : i32
        %mul3A_1828 = arith.muli %scan3A_534, %mul3A_1827 : i32
        %swap3A_1829 = arith.constant 4 : i32
        %swap3A_1830 = arith.constant 0 : i32
        %swap3A_1831 = arith.constant 3 : i32
        %swap3A_1832 = arith.index_cast %swap3A_1829 : i32 to index
        %swap3A_1833 = arith.index_cast %swap3A_1830 : i32 to index
        %swap3A_1834 = arith.index_cast %swap3A_1831 : i32 to index
        %swap3A_1835 = arith.index_cast %mul3A_1828 : i32 to index
        %swap3A_1836 = tpu.vector_load %arg10[%swap3A_1832, %swap3A_1833, %swap3A_1834, %swap3A_1835] {strides = array<i32>} : memref<8x2x8x128xf32, #tpu.memory_space<vmem>>, vector<16xf32>,
        tpu.vector_store %arg10[%swap3A_1832, %swap3A_1833, %swap3A_1834, %swap3A_1835], %gather3A_1757 {strides = array<i32>} : memref<8x2x8x128xf32, #tpu.memory_space<vmem>>, vector<16xf32>,
        %mul3A_1837 = arith.constant 16 : i32
        %mul3A_1838 = arith.muli %scan3A_534, %mul3A_1837 : i32
        %swap3A_1839 = arith.constant 4 : i32
        %swap3A_1840 = arith.constant 1 : i32
        %swap3A_1841 = arith.constant 3 : i32
        %swap3A_1842 = arith.index_cast %swap3A_1839 : i32 to index
        %swap3A_1843 = arith.index_cast %swap3A_1840 : i32 to index
        %swap3A_1844 = arith.index_cast %swap3A_1841 : i32 to index
        %swap3A_1845 = arith.index_cast %mul3A_1838 : i32 to index
        %swap3A_1846 = tpu.vector_load %arg10[%swap3A_1842, %swap3A_1843, %swap3A_1844, %swap3A_1845] {strides = array<i32>} : memref<8x2x8x128xf32, #tpu.memory_space<vmem>>, vector<16xf32>,
        tpu.vector_store %arg10[%swap3A_1842, %swap3A_1843, %swap3A_1844, %swap3A_1845], %gather3A_1758 {strides = array<i32>} : memref<8x2x8x128xf32, #tpu.memory_space<vmem>>, vector<16xf32>,
        %mul3A_1847 = arith.constant 16 : i32
        %mul3A_1848 = arith.muli %scan3A_534, %mul3A_1847 : i32
        %swap3A_1849 = arith.constant 4 : i32
        %swap3A_1850 = arith.constant 0 : i32
        %swap3A_1851 = arith.constant 4 : i32
        %swap3A_1852 = arith.index_cast %swap3A_1849 : i32 to index
        %swap3A_1853 = arith.index_cast %swap3A_1850 : i32 to index
        %swap3A_1854 = arith.index_cast %swap3A_1851 : i32 to index
        %swap3A_1855 = arith.index_cast %mul3A_1848 : i32 to index
        %swap3A_1856 = tpu.vector_load %arg10[%swap3A_1852, %swap3A_1853, %swap3A_1854, %swap3A_1855] {strides = array<i32>} : memref<8x2x8x128xf32, #tpu.memory_space<vmem>>, vector<16xf32>,
        tpu.vector_store %arg10[%swap3A_1852, %swap3A_1853, %swap3A_1854, %swap3A_1855], %gather3A_1759 {strides = array<i32>} : memref<8x2x8x128xf32, #tpu.memory_space<vmem>>, vector<16xf32>,
        %mul3A_1857 = arith.constant 16 : i32
        %mul3A_1858 = arith.muli %scan3A_534, %mul3A_1857 : i32
        %swap3A_1859 = arith.constant 4 : i32
        %swap3A_1860 = arith.constant 1 : i32
        %swap3A_1861 = arith.constant 4 : i32
        %swap3A_1862 = arith.index_cast %swap3A_1859 : i32 to index
        %swap3A_1863 = arith.index_cast %swap3A_1860 : i32 to index
        %swap3A_1864 = arith.index_cast %swap3A_1861 : i32 to index
        %swap3A_1865 = arith.index_cast %mul3A_1858 : i32 to index
        %swap3A_1866 = tpu.vector_load %arg10[%swap3A_1862, %swap3A_1863, %swap3A_1864, %swap3A_1865] {strides = array<i32>} : memref<8x2x8x128xf32, #tpu.memory_space<vmem>>, vector<16xf32>,
        tpu.vector_store %arg10[%swap3A_1862, %swap3A_1863, %swap3A_1864, %swap3A_1865], %gather3A_1760 {strides = array<i32>} : memref<8x2x8x128xf32, #tpu.memory_space<vmem>>, vector<16xf32>,
        %mul3A_1867 = arith.constant 16 : i32
        %mul3A_1868 = arith.muli %scan3A_534, %mul3A_1867 : i32
        %swap3A_1869 = arith.constant 4 : i32
        %swap3A_1870 = arith.constant 0 : i32
        %swap3A_1871 = arith.constant 5 : i32
        %swap3A_1872 = arith.index_cast %swap3A_1869 : i32 to index
        %swap3A_1873 = arith.index_cast %swap3A_1870 : i32 to index
        %swap3A_1874 = arith.index_cast %swap3A_1871 : i32 to index
        %swap3A_1875 = arith.index_cast %mul3A_1868 : i32 to index
        %swap3A_1876 = tpu.vector_load %arg10[%swap3A_1872, %swap3A_1873, %swap3A_1874, %swap3A_1875] {strides = array<i32>} : memref<8x2x8x128xf32, #tpu.memory_space<vmem>>, vector<16xf32>,
        tpu.vector_store %arg10[%swap3A_1872, %swap3A_1873, %swap3A_1874, %swap3A_1875], %gather3A_1761 {strides = array<i32>} : memref<8x2x8x128xf32, #tpu.memory_space<vmem>>, vector<16xf32>,
        %mul3A_1877 = arith.constant 16 : i32
        %mul3A_1878 = arith.muli %scan3A_534, %mul3A_1877 : i32
        %swap3A_1879 = arith.constant 4 : i32
        %swap3A_1880 = arith.constant 1 : i32
        %swap3A_1881 = arith.constant 5 : i32
        %swap3A_1882 = arith.index_cast %swap3A_1879 : i32 to index
        %swap3A_1883 = arith.index_cast %swap3A_1880 : i32 to index
        %swap3A_1884 = arith.index_cast %swap3A_1881 : i32 to index
        %swap3A_1885 = arith.index_cast %mul3A_1878 : i32 to index
        %swap3A_1886 = tpu.vector_load %arg10[%swap3A_1882, %swap3A_1883, %swap3A_1884, %swap3A_1885] {strides = array<i32>} : memref<8x2x8x128xf32, #tpu.memory_space<vmem>>, vector<16xf32>,
        tpu.vector_store %arg10[%swap3A_1882, %swap3A_1883, %swap3A_1884, %swap3A_1885], %gather3A_1762 {strides = array<i32>} : memref<8x2x8x128xf32, #tpu.memory_space<vmem>>, vector<16xf32>,
        %mul3A_1887 = arith.constant 16 : i32
        %mul3A_1888 = arith.muli %scan3A_534, %mul3A_1887 : i32
        %swap3A_1889 = arith.constant 4 : i32
        %swap3A_1890 = arith.constant 0 : i32
        %swap3A_1891 = arith.constant 6 : i32
        %swap3A_1892 = arith.index_cast %swap3A_1889 : i32 to index
        %swap3A_1893 = arith.index_cast %swap3A_1890 : i32 to index
        %swap3A_1894 = arith.index_cast %swap3A_1891 : i32 to index
        %swap3A_1895 = arith.index_cast %mul3A_1888 : i32 to index
        %swap3A_1896 = tpu.vector_load %arg10[%swap3A_1892, %swap3A_1893, %swap3A_1894, %swap3A_1895] {strides = array<i32>} : memref<8x2x8x128xf32, #tpu.memory_space<vmem>>, vector<16xf32>,
        tpu.vector_store %arg10[%swap3A_1892, %swap3A_1893, %swap3A_1894, %swap3A_1895], %gather3A_1763 {strides = array<i32>} : memref<8x2x8x128xf32, #tpu.memory_space<vmem>>, vector<16xf32>,
        %mul3A_1897 = arith.constant 16 : i32
        %mul3A_1898 = arith.muli %scan3A_534, %mul3A_1897 : i32
        %swap3A_1899 = arith.constant 4 : i32
        %swap3A_1900 = arith.constant 1 : i32
        %swap3A_1901 = arith.constant 6 : i32
        %swap3A_1902 = arith.index_cast %swap3A_1899 : i32 to index
        %swap3A_1903 = arith.index_cast %swap3A_1900 : i32 to index
        %swap3A_1904 = arith.index_cast %swap3A_1901 : i32 to index
        %swap3A_1905 = arith.index_cast %mul3A_1898 : i32 to index
        %swap3A_1906 = tpu.vector_load %arg10[%swap3A_1902, %swap3A_1903, %swap3A_1904, %swap3A_1905] {strides = array<i32>} : memref<8x2x8x128xf32, #tpu.memory_space<vmem>>, vector<16xf32>,
        tpu.vector_store %arg10[%swap3A_1902, %swap3A_1903, %swap3A_1904, %swap3A_1905], %gather3A_1764 {strides = array<i32>} : memref<8x2x8x128xf32, #tpu.memory_space<vmem>>, vector<16xf32>,
        %mul3A_1907 = arith.constant 16 : i32
        %mul3A_1908 = arith.muli %scan3A_534, %mul3A_1907 : i32
        %swap3A_1909 = arith.constant 4 : i32
        %swap3A_1910 = arith.constant 0 : i32
        %swap3A_1911 = arith.constant 7 : i32
        %swap3A_1912 = arith.index_cast %swap3A_1909 : i32 to index
        %swap3A_1913 = arith.index_cast %swap3A_1910 : i32 to index
        %swap3A_1914 = arith.index_cast %swap3A_1911 : i32 to index
        %swap3A_1915 = arith.index_cast %mul3A_1908 : i32 to index
        %swap3A_1916 = tpu.vector_load %arg10[%swap3A_1912, %swap3A_1913, %swap3A_1914, %swap3A_1915] {strides = array<i32>} : memref<8x2x8x128xf32, #tpu.memory_space<vmem>>, vector<16xf32>,
        tpu.vector_store %arg10[%swap3A_1912, %swap3A_1913, %swap3A_1914, %swap3A_1915], %gather3A_1765 {strides = array<i32>} : memref<8x2x8x128xf32, #tpu.memory_space<vmem>>, vector<16xf32>,
        %mul3A_1917 = arith.constant 16 : i32
        %mul3A_1918 = arith.muli %scan3A_534, %mul3A_1917 : i32
        %swap3A_1919 = arith.constant 4 : i32
        %swap3A_1920 = arith.constant 1 : i32
        %swap3A_1921 = arith.constant 7 : i32
        %swap3A_1922 = arith.index_cast %swap3A_1919 : i32 to index
        %swap3A_1923 = arith.index_cast %swap3A_1920 : i32 to index
        %swap3A_1924 = arith.index_cast %swap3A_1921 : i32 to index
        %swap3A_1925 = arith.index_cast %mul3A_1918 : i32 to index
        %swap3A_1926 = tpu.vector_load %arg10[%swap3A_1922, %swap3A_1923, %swap3A_1924, %swap3A_1925] {strides = array<i32>} : memref<8x2x8x128xf32, #tpu.memory_space<vmem>>, vector<16xf32>,
        tpu.vector_store %arg10[%swap3A_1922, %swap3A_1923, %swap3A_1924, %swap3A_1925], %gather3A_1766 {strides = array<i32>} : memref<8x2x8x128xf32, #tpu.memory_space<vmem>>, vector<16xf32>,
        %gather3A_1927 = tpu.vector_load_idx %arg8[%add3A_860] : memref<16640xf32, #tpu.memory_space<vmem>>[vector<16xi32>], vector<16xf32>,
        %gather3A_1928 = tpu.vector_load_idx %arg8[%add3A_864] : memref<16640xf32, #tpu.memory_space<vmem>>[vector<16xi32>], vector<16xf32>,
        %gather3A_1929 = tpu.vector_load_idx %arg8[%add3A_868] : memref<16640xf32, #tpu.memory_space<vmem>>[vector<16xi32>], vector<16xf32>,
        %gather3A_1930 = tpu.vector_load_idx %arg8[%add3A_872] : memref<16640xf32, #tpu.memory_space<vmem>>[vector<16xi32>], vector<16xf32>,
        %gather3A_1931 = tpu.vector_load_idx %arg8[%add3A_876] : memref<16640xf32, #tpu.memory_space<vmem>>[vector<16xi32>], vector<16xf32>,
        %gather3A_1932 = tpu.vector_load_idx %arg8[%add3A_880] : memref<16640xf32, #tpu.memory_space<vmem>>[vector<16xi32>], vector<16xf32>,
        %gather3A_1933 = tpu.vector_load_idx %arg8[%add3A_884] : memref<16640xf32, #tpu.memory_space<vmem>>[vector<16xi32>], vector<16xf32>,
        %gather3A_1934 = tpu.vector_load_idx %arg8[%add3A_888] : memref<16640xf32, #tpu.memory_space<vmem>>[vector<16xi32>], vector<16xf32>,
        %gather3A_1935 = tpu.vector_load_idx %arg8[%add3A_892] : memref<16640xf32, #tpu.memory_space<vmem>>[vector<16xi32>], vector<16xf32>,
        %gather3A_1936 = tpu.vector_load_idx %arg8[%add3A_896] : memref<16640xf32, #tpu.memory_space<vmem>>[vector<16xi32>], vector<16xf32>,
        %gather3A_1937 = tpu.vector_load_idx %arg8[%add3A_900] : memref<16640xf32, #tpu.memory_space<vmem>>[vector<16xi32>], vector<16xf32>,
        %gather3A_1938 = tpu.vector_load_idx %arg8[%add3A_904] : memref<16640xf32, #tpu.memory_space<vmem>>[vector<16xi32>], vector<16xf32>,
        %gather3A_1939 = tpu.vector_load_idx %arg8[%add3A_908] : memref<16640xf32, #tpu.memory_space<vmem>>[vector<16xi32>], vector<16xf32>,
        %gather3A_1940 = tpu.vector_load_idx %arg8[%add3A_912] : memref<16640xf32, #tpu.memory_space<vmem>>[vector<16xi32>], vector<16xf32>,
        %gather3A_1941 = tpu.vector_load_idx %arg8[%add3A_916] : memref<16640xf32, #tpu.memory_space<vmem>>[vector<16xi32>], vector<16xf32>,
        %gather3A_1942 = tpu.vector_load_idx %arg8[%add3A_920] : memref<16640xf32, #tpu.memory_space<vmem>>[vector<16xi32>], vector<16xf32>,
        %mul3A_1943 = arith.constant 16 : i32
        %mul3A_1944 = arith.muli %scan3A_534, %mul3A_1943 : i32
        %swap3A_1945 = arith.constant 5 : i32
        %swap3A_1946 = arith.constant 0 : i32
        %swap3A_1947 = arith.constant 0 : i32
        %swap3A_1948 = arith.index_cast %swap3A_1945 : i32 to index
        %swap3A_1949 = arith.index_cast %swap3A_1946 : i32 to index
        %swap3A_1950 = arith.index_cast %swap3A_1947 : i32 to index
        %swap3A_1951 = arith.index_cast %mul3A_1944 : i32 to index
        %swap3A_1952 = tpu.vector_load %arg10[%swap3A_1948, %swap3A_1949, %swap3A_1950, %swap3A_1951] {strides = array<i32>} : memref<8x2x8x128xf32, #tpu.memory_space<vmem>>, vector<16xf32>,
        tpu.vector_store %arg10[%swap3A_1948, %swap3A_1949, %swap3A_1950, %swap3A_1951], %gather3A_1927 {strides = array<i32>} : memref<8x2x8x128xf32, #tpu.memory_space<vmem>>, vector<16xf32>,
        %mul3A_1953 = arith.constant 16 : i32
        %mul3A_1954 = arith.muli %scan3A_534, %mul3A_1953 : i32
        %swap3A_1955 = arith.constant 5 : i32
        %swap3A_1956 = arith.constant 1 : i32
        %swap3A_1957 = arith.constant 0 : i32
        %swap3A_1958 = arith.index_cast %swap3A_1955 : i32 to index
        %swap3A_1959 = arith.index_cast %swap3A_1956 : i32 to index
        %swap3A_1960 = arith.index_cast %swap3A_1957 : i32 to index
        %swap3A_1961 = arith.index_cast %mul3A_1954 : i32 to index
        %swap3A_1962 = tpu.vector_load %arg10[%swap3A_1958, %swap3A_1959, %swap3A_1960, %swap3A_1961] {strides = array<i32>} : memref<8x2x8x128xf32, #tpu.memory_space<vmem>>, vector<16xf32>,
        tpu.vector_store %arg10[%swap3A_1958, %swap3A_1959, %swap3A_1960, %swap3A_1961], %gather3A_1928 {strides = array<i32>} : memref<8x2x8x128xf32, #tpu.memory_space<vmem>>, vector<16xf32>,
        %mul3A_1963 = arith.constant 16 : i32
        %mul3A_1964 = arith.muli %scan3A_534, %mul3A_1963 : i32
        %swap3A_1965 = arith.constant 5 : i32
        %swap3A_1966 = arith.constant 0 : i32
        %swap3A_1967 = arith.constant 1 : i32
        %swap3A_1968 = arith.index_cast %swap3A_1965 : i32 to index
        %swap3A_1969 = arith.index_cast %swap3A_1966 : i32 to index
        %swap3A_1970 = arith.index_cast %swap3A_1967 : i32 to index
        %swap3A_1971 = arith.index_cast %mul3A_1964 : i32 to index
        %swap3A_1972 = tpu.vector_load %arg10[%swap3A_1968, %swap3A_1969, %swap3A_1970, %swap3A_1971] {strides = array<i32>} : memref<8x2x8x128xf32, #tpu.memory_space<vmem>>, vector<16xf32>,
        tpu.vector_store %arg10[%swap3A_1968, %swap3A_1969, %swap3A_1970, %swap3A_1971], %gather3A_1929 {strides = array<i32>} : memref<8x2x8x128xf32, #tpu.memory_space<vmem>>, vector<16xf32>,
        %mul3A_1973 = arith.constant 16 : i32
        %mul3A_1974 = arith.muli %scan3A_534, %mul3A_1973 : i32
        %swap3A_1975 = arith.constant 5 : i32
        %swap3A_1976 = arith.constant 1 : i32
        %swap3A_1977 = arith.constant 1 : i32
        %swap3A_1978 = arith.index_cast %swap3A_1975 : i32 to index
        %swap3A_1979 = arith.index_cast %swap3A_1976 : i32 to index
        %swap3A_1980 = arith.index_cast %swap3A_1977 : i32 to index
        %swap3A_1981 = arith.index_cast %mul3A_1974 : i32 to index
        %swap3A_1982 = tpu.vector_load %arg10[%swap3A_1978, %swap3A_1979, %swap3A_1980, %swap3A_1981] {strides = array<i32>} : memref<8x2x8x128xf32, #tpu.memory_space<vmem>>, vector<16xf32>,
        tpu.vector_store %arg10[%swap3A_1978, %swap3A_1979, %swap3A_1980, %swap3A_1981], %gather3A_1930 {strides = array<i32>} : memref<8x2x8x128xf32, #tpu.memory_space<vmem>>, vector<16xf32>,
        %mul3A_1983 = arith.constant 16 : i32
        %mul3A_1984 = arith.muli %scan3A_534, %mul3A_1983 : i32
        %swap3A_1985 = arith.constant 5 : i32
        %swap3A_1986 = arith.constant 0 : i32
        %swap3A_1987 = arith.constant 2 : i32
        %swap3A_1988 = arith.index_cast %swap3A_1985 : i32 to index
        %swap3A_1989 = arith.index_cast %swap3A_1986 : i32 to index
        %swap3A_1990 = arith.index_cast %swap3A_1987 : i32 to index
        %swap3A_1991 = arith.index_cast %mul3A_1984 : i32 to index
        %swap3A_1992 = tpu.vector_load %arg10[%swap3A_1988, %swap3A_1989, %swap3A_1990, %swap3A_1991] {strides = array<i32>} : memref<8x2x8x128xf32, #tpu.memory_space<vmem>>, vector<16xf32>,
        tpu.vector_store %arg10[%swap3A_1988, %swap3A_1989, %swap3A_1990, %swap3A_1991], %gather3A_1931 {strides = array<i32>} : memref<8x2x8x128xf32, #tpu.memory_space<vmem>>, vector<16xf32>,
        %mul3A_1993 = arith.constant 16 : i32
        %mul3A_1994 = arith.muli %scan3A_534, %mul3A_1993 : i32
        %swap3A_1995 = arith.constant 5 : i32
        %swap3A_1996 = arith.constant 1 : i32
        %swap3A_1997 = arith.constant 2 : i32
        %swap3A_1998 = arith.index_cast %swap3A_1995 : i32 to index
        %swap3A_1999 = arith.index_cast %swap3A_1996 : i32 to index
        %swap3A_2000 = arith.index_cast %swap3A_1997 : i32 to index
        %swap3A_2001 = arith.index_cast %mul3A_1994 : i32 to index
        %swap3A_2002 = tpu.vector_load %arg10[%swap3A_1998, %swap3A_1999, %swap3A_2000, %swap3A_2001] {strides = array<i32>} : memref<8x2x8x128xf32, #tpu.memory_space<vmem>>, vector<16xf32>,
        tpu.vector_store %arg10[%swap3A_1998, %swap3A_1999, %swap3A_2000, %swap3A_2001], %gather3A_1932 {strides = array<i32>} : memref<8x2x8x128xf32, #tpu.memory_space<vmem>>, vector<16xf32>,
        %mul3A_2003 = arith.constant 16 : i32
        %mul3A_2004 = arith.muli %scan3A_534, %mul3A_2003 : i32
        %swap3A_2005 = arith.constant 5 : i32
        %swap3A_2006 = arith.constant 0 : i32
        %swap3A_2007 = arith.constant 3 : i32
        %swap3A_2008 = arith.index_cast %swap3A_2005 : i32 to index
        %swap3A_2009 = arith.index_cast %swap3A_2006 : i32 to index
        %swap3A_2010 = arith.index_cast %swap3A_2007 : i32 to index
        %swap3A_2011 = arith.index_cast %mul3A_2004 : i32 to index
        %swap3A_2012 = tpu.vector_load %arg10[%swap3A_2008, %swap3A_2009, %swap3A_2010, %swap3A_2011] {strides = array<i32>} : memref<8x2x8x128xf32, #tpu.memory_space<vmem>>, vector<16xf32>,
        tpu.vector_store %arg10[%swap3A_2008, %swap3A_2009, %swap3A_2010, %swap3A_2011], %gather3A_1933 {strides = array<i32>} : memref<8x2x8x128xf32, #tpu.memory_space<vmem>>, vector<16xf32>,
        %mul3A_2013 = arith.constant 16 : i32
        %mul3A_2014 = arith.muli %scan3A_534, %mul3A_2013 : i32
        %swap3A_2015 = arith.constant 5 : i32
        %swap3A_2016 = arith.constant 1 : i32
        %swap3A_2017 = arith.constant 3 : i32
        %swap3A_2018 = arith.index_cast %swap3A_2015 : i32 to index
        %swap3A_2019 = arith.index_cast %swap3A_2016 : i32 to index
        %swap3A_2020 = arith.index_cast %swap3A_2017 : i32 to index
        %swap3A_2021 = arith.index_cast %mul3A_2014 : i32 to index
        %swap3A_2022 = tpu.vector_load %arg10[%swap3A_2018, %swap3A_2019, %swap3A_2020, %swap3A_2021] {strides = array<i32>} : memref<8x2x8x128xf32, #tpu.memory_space<vmem>>, vector<16xf32>,
        tpu.vector_store %arg10[%swap3A_2018, %swap3A_2019, %swap3A_2020, %swap3A_2021], %gather3A_1934 {strides = array<i32>} : memref<8x2x8x128xf32, #tpu.memory_space<vmem>>, vector<16xf32>,
        %mul3A_2023 = arith.constant 16 : i32
        %mul3A_2024 = arith.muli %scan3A_534, %mul3A_2023 : i32
        %swap3A_2025 = arith.constant 5 : i32
        %swap3A_2026 = arith.constant 0 : i32
        %swap3A_2027 = arith.constant 4 : i32
        %swap3A_2028 = arith.index_cast %swap3A_2025 : i32 to index
        %swap3A_2029 = arith.index_cast %swap3A_2026 : i32 to index
        %swap3A_2030 = arith.index_cast %swap3A_2027 : i32 to index
        %swap3A_2031 = arith.index_cast %mul3A_2024 : i32 to index
        %swap3A_2032 = tpu.vector_load %arg10[%swap3A_2028, %swap3A_2029, %swap3A_2030, %swap3A_2031] {strides = array<i32>} : memref<8x2x8x128xf32, #tpu.memory_space<vmem>>, vector<16xf32>,
        tpu.vector_store %arg10[%swap3A_2028, %swap3A_2029, %swap3A_2030, %swap3A_2031], %gather3A_1935 {strides = array<i32>} : memref<8x2x8x128xf32, #tpu.memory_space<vmem>>, vector<16xf32>,
        %mul3A_2033 = arith.constant 16 : i32
        %mul3A_2034 = arith.muli %scan3A_534, %mul3A_2033 : i32
        %swap3A_2035 = arith.constant 5 : i32
        %swap3A_2036 = arith.constant 1 : i32
        %swap3A_2037 = arith.constant 4 : i32
        %swap3A_2038 = arith.index_cast %swap3A_2035 : i32 to index
        %swap3A_2039 = arith.index_cast %swap3A_2036 : i32 to index
        %swap3A_2040 = arith.index_cast %swap3A_2037 : i32 to index
        %swap3A_2041 = arith.index_cast %mul3A_2034 : i32 to index
        %swap3A_2042 = tpu.vector_load %arg10[%swap3A_2038, %swap3A_2039, %swap3A_2040, %swap3A_2041] {strides = array<i32>} : memref<8x2x8x128xf32, #tpu.memory_space<vmem>>, vector<16xf32>,
        tpu.vector_store %arg10[%swap3A_2038, %swap3A_2039, %swap3A_2040, %swap3A_2041], %gather3A_1936 {strides = array<i32>} : memref<8x2x8x128xf32, #tpu.memory_space<vmem>>, vector<16xf32>,
        %mul3A_2043 = arith.constant 16 : i32
        %mul3A_2044 = arith.muli %scan3A_534, %mul3A_2043 : i32
        %swap3A_2045 = arith.constant 5 : i32
        %swap3A_2046 = arith.constant 0 : i32
        %swap3A_2047 = arith.constant 5 : i32
        %swap3A_2048 = arith.index_cast %swap3A_2045 : i32 to index
        %swap3A_2049 = arith.index_cast %swap3A_2046 : i32 to index
        %swap3A_2050 = arith.index_cast %swap3A_2047 : i32 to index
        %swap3A_2051 = arith.index_cast %mul3A_2044 : i32 to index
        %swap3A_2052 = tpu.vector_load %arg10[%swap3A_2048, %swap3A_2049, %swap3A_2050, %swap3A_2051] {strides = array<i32>} : memref<8x2x8x128xf32, #tpu.memory_space<vmem>>, vector<16xf32>,
        tpu.vector_store %arg10[%swap3A_2048, %swap3A_2049, %swap3A_2050, %swap3A_2051], %gather3A_1937 {strides = array<i32>} : memref<8x2x8x128xf32, #tpu.memory_space<vmem>>, vector<16xf32>,
        %mul3A_2053 = arith.constant 16 : i32
        %mul3A_2054 = arith.muli %scan3A_534, %mul3A_2053 : i32
        %swap3A_2055 = arith.constant 5 : i32
        %swap3A_2056 = arith.constant 1 : i32
        %swap3A_2057 = arith.constant 5 : i32
        %swap3A_2058 = arith.index_cast %swap3A_2055 : i32 to index
        %swap3A_2059 = arith.index_cast %swap3A_2056 : i32 to index
        %swap3A_2060 = arith.index_cast %swap3A_2057 : i32 to index
        %swap3A_2061 = arith.index_cast %mul3A_2054 : i32 to index
        %swap3A_2062 = tpu.vector_load %arg10[%swap3A_2058, %swap3A_2059, %swap3A_2060, %swap3A_2061] {strides = array<i32>} : memref<8x2x8x128xf32, #tpu.memory_space<vmem>>, vector<16xf32>,
        tpu.vector_store %arg10[%swap3A_2058, %swap3A_2059, %swap3A_2060, %swap3A_2061], %gather3A_1938 {strides = array<i32>} : memref<8x2x8x128xf32, #tpu.memory_space<vmem>>, vector<16xf32>,
        %mul3A_2063 = arith.constant 16 : i32
        %mul3A_2064 = arith.muli %scan3A_534, %mul3A_2063 : i32
        %swap3A_2065 = arith.constant 5 : i32
        %swap3A_2066 = arith.constant 0 : i32
        %swap3A_2067 = arith.constant 6 : i32
        %swap3A_2068 = arith.index_cast %swap3A_2065 : i32 to index
        %swap3A_2069 = arith.index_cast %swap3A_2066 : i32 to index
        %swap3A_2070 = arith.index_cast %swap3A_2067 : i32 to index
        %swap3A_2071 = arith.index_cast %mul3A_2064 : i32 to index
        %swap3A_2072 = tpu.vector_load %arg10[%swap3A_2068, %swap3A_2069, %swap3A_2070, %swap3A_2071] {strides = array<i32>} : memref<8x2x8x128xf32, #tpu.memory_space<vmem>>, vector<16xf32>,
        tpu.vector_store %arg10[%swap3A_2068, %swap3A_2069, %swap3A_2070, %swap3A_2071], %gather3A_1939 {strides = array<i32>} : memref<8x2x8x128xf32, #tpu.memory_space<vmem>>, vector<16xf32>,
        %mul3A_2073 = arith.constant 16 : i32
        %mul3A_2074 = arith.muli %scan3A_534, %mul3A_2073 : i32
        %swap3A_2075 = arith.constant 5 : i32
        %swap3A_2076 = arith.constant 1 : i32
        %swap3A_2077 = arith.constant 6 : i32
        %swap3A_2078 = arith.index_cast %swap3A_2075 : i32 to index
        %swap3A_2079 = arith.index_cast %swap3A_2076 : i32 to index
        %swap3A_2080 = arith.index_cast %swap3A_2077 : i32 to index
        %swap3A_2081 = arith.index_cast %mul3A_2074 : i32 to index
        %swap3A_2082 = tpu.vector_load %arg10[%swap3A_2078, %swap3A_2079, %swap3A_2080, %swap3A_2081] {strides = array<i32>} : memref<8x2x8x128xf32, #tpu.memory_space<vmem>>, vector<16xf32>,
        tpu.vector_store %arg10[%swap3A_2078, %swap3A_2079, %swap3A_2080, %swap3A_2081], %gather3A_1940 {strides = array<i32>} : memref<8x2x8x128xf32, #tpu.memory_space<vmem>>, vector<16xf32>,
        %mul3A_2083 = arith.constant 16 : i32
        %mul3A_2084 = arith.muli %scan3A_534, %mul3A_2083 : i32
        %swap3A_2085 = arith.constant 5 : i32
        %swap3A_2086 = arith.constant 0 : i32
        %swap3A_2087 = arith.constant 7 : i32
        %swap3A_2088 = arith.index_cast %swap3A_2085 : i32 to index
        %swap3A_2089 = arith.index_cast %swap3A_2086 : i32 to index
        %swap3A_2090 = arith.index_cast %swap3A_2087 : i32 to index
        %swap3A_2091 = arith.index_cast %mul3A_2084 : i32 to index
        %swap3A_2092 = tpu.vector_load %arg10[%swap3A_2088, %swap3A_2089, %swap3A_2090, %swap3A_2091] {strides = array<i32>} : memref<8x2x8x128xf32, #tpu.memory_space<vmem>>, vector<16xf32>,
        tpu.vector_store %arg10[%swap3A_2088, %swap3A_2089, %swap3A_2090, %swap3A_2091], %gather3A_1941 {strides = array<i32>} : memref<8x2x8x128xf32, #tpu.memory_space<vmem>>, vector<16xf32>,
        %mul3A_2093 = arith.constant 16 : i32
        %mul3A_2094 = arith.muli %scan3A_534, %mul3A_2093 : i32
        %swap3A_2095 = arith.constant 5 : i32
        %swap3A_2096 = arith.constant 1 : i32
        %swap3A_2097 = arith.constant 7 : i32
        %swap3A_2098 = arith.index_cast %swap3A_2095 : i32 to index
        %swap3A_2099 = arith.index_cast %swap3A_2096 : i32 to index
        %swap3A_2100 = arith.index_cast %swap3A_2097 : i32 to index
        %swap3A_2101 = arith.index_cast %mul3A_2094 : i32 to index
        %swap3A_2102 = tpu.vector_load %arg10[%swap3A_2098, %swap3A_2099, %swap3A_2100, %swap3A_2101] {strides = array<i32>} : memref<8x2x8x128xf32, #tpu.memory_space<vmem>>, vector<16xf32>,
        tpu.vector_store %arg10[%swap3A_2098, %swap3A_2099, %swap3A_2100, %swap3A_2101], %gather3A_1942 {strides = array<i32>} : memref<8x2x8x128xf32, #tpu.memory_space<vmem>>, vector<16xf32>,
        %gather3A_2103 = tpu.vector_load_idx %arg8[%add3A_924] : memref<16640xf32, #tpu.memory_space<vmem>>[vector<16xi32>], vector<16xf32>,
        %gather3A_2104 = tpu.vector_load_idx %arg8[%add3A_928] : memref<16640xf32, #tpu.memory_space<vmem>>[vector<16xi32>], vector<16xf32>,
        %gather3A_2105 = tpu.vector_load_idx %arg8[%add3A_932] : memref<16640xf32, #tpu.memory_space<vmem>>[vector<16xi32>], vector<16xf32>,
        %gather3A_2106 = tpu.vector_load_idx %arg8[%add3A_936] : memref<16640xf32, #tpu.memory_space<vmem>>[vector<16xi32>], vector<16xf32>,
        %gather3A_2107 = tpu.vector_load_idx %arg8[%add3A_940] : memref<16640xf32, #tpu.memory_space<vmem>>[vector<16xi32>], vector<16xf32>,
        %gather3A_2108 = tpu.vector_load_idx %arg8[%add3A_944] : memref<16640xf32, #tpu.memory_space<vmem>>[vector<16xi32>], vector<16xf32>,
        %gather3A_2109 = tpu.vector_load_idx %arg8[%add3A_948] : memref<16640xf32, #tpu.memory_space<vmem>>[vector<16xi32>], vector<16xf32>,
        %gather3A_2110 = tpu.vector_load_idx %arg8[%add3A_952] : memref<16640xf32, #tpu.memory_space<vmem>>[vector<16xi32>], vector<16xf32>,
        %gather3A_2111 = tpu.vector_load_idx %arg8[%add3A_956] : memref<16640xf32, #tpu.memory_space<vmem>>[vector<16xi32>], vector<16xf32>,
        %gather3A_2112 = tpu.vector_load_idx %arg8[%add3A_960] : memref<16640xf32, #tpu.memory_space<vmem>>[vector<16xi32>], vector<16xf32>,
        %gather3A_2113 = tpu.vector_load_idx %arg8[%add3A_964] : memref<16640xf32, #tpu.memory_space<vmem>>[vector<16xi32>], vector<16xf32>,
        %gather3A_2114 = tpu.vector_load_idx %arg8[%add3A_968] : memref<16640xf32, #tpu.memory_space<vmem>>[vector<16xi32>], vector<16xf32>,
        %gather3A_2115 = tpu.vector_load_idx %arg8[%add3A_972] : memref<16640xf32, #tpu.memory_space<vmem>>[vector<16xi32>], vector<16xf32>,
        %gather3A_2116 = tpu.vector_load_idx %arg8[%add3A_976] : memref<16640xf32, #tpu.memory_space<vmem>>[vector<16xi32>], vector<16xf32>,
        %gather3A_2117 = tpu.vector_load_idx %arg8[%add3A_980] : memref<16640xf32, #tpu.memory_space<vmem>>[vector<16xi32>], vector<16xf32>,
        %gather3A_2118 = tpu.vector_load_idx %arg8[%add3A_984] : memref<16640xf32, #tpu.memory_space<vmem>>[vector<16xi32>], vector<16xf32>,
        %mul3A_2119 = arith.constant 16 : i32
        %mul3A_2120 = arith.muli %scan3A_534, %mul3A_2119 : i32
        %swap3A_2121 = arith.constant 6 : i32
        %swap3A_2122 = arith.constant 0 : i32
        %swap3A_2123 = arith.constant 0 : i32
        %swap3A_2124 = arith.index_cast %swap3A_2121 : i32 to index
        %swap3A_2125 = arith.index_cast %swap3A_2122 : i32 to index
        %swap3A_2126 = arith.index_cast %swap3A_2123 : i32 to index
        %swap3A_2127 = arith.index_cast %mul3A_2120 : i32 to index
        %swap3A_2128 = tpu.vector_load %arg10[%swap3A_2124, %swap3A_2125, %swap3A_2126, %swap3A_2127] {strides = array<i32>} : memref<8x2x8x128xf32, #tpu.memory_space<vmem>>, vector<16xf32>,
        tpu.vector_store %arg10[%swap3A_2124, %swap3A_2125, %swap3A_2126, %swap3A_2127], %gather3A_2103 {strides = array<i32>} : memref<8x2x8x128xf32, #tpu.memory_space<vmem>>, vector<16xf32>,
        %mul3A_2129 = arith.constant 16 : i32
        %mul3A_2130 = arith.muli %scan3A_534, %mul3A_2129 : i32
        %swap3A_2131 = arith.constant 6 : i32
        %swap3A_2132 = arith.constant 1 : i32
        %swap3A_2133 = arith.constant 0 : i32
        %swap3A_2134 = arith.index_cast %swap3A_2131 : i32 to index
        %swap3A_2135 = arith.index_cast %swap3A_2132 : i32 to index
        %swap3A_2136 = arith.index_cast %swap3A_2133 : i32 to index
        %swap3A_2137 = arith.index_cast %mul3A_2130 : i32 to index
        %swap3A_2138 = tpu.vector_load %arg10[%swap3A_2134, %swap3A_2135, %swap3A_2136, %swap3A_2137] {strides = array<i32>} : memref<8x2x8x128xf32, #tpu.memory_space<vmem>>, vector<16xf32>,
        tpu.vector_store %arg10[%swap3A_2134, %swap3A_2135, %swap3A_2136, %swap3A_2137], %gather3A_2104 {strides = array<i32>} : memref<8x2x8x128xf32, #tpu.memory_space<vmem>>, vector<16xf32>,
        %mul3A_2139 = arith.constant 16 : i32
        %mul3A_2140 = arith.muli %scan3A_534, %mul3A_2139 : i32
        %swap3A_2141 = arith.constant 6 : i32
        %swap3A_2142 = arith.constant 0 : i32
        %swap3A_2143 = arith.constant 1 : i32
        %swap3A_2144 = arith.index_cast %swap3A_2141 : i32 to index
        %swap3A_2145 = arith.index_cast %swap3A_2142 : i32 to index
        %swap3A_2146 = arith.index_cast %swap3A_2143 : i32 to index
        %swap3A_2147 = arith.index_cast %mul3A_2140 : i32 to index
        %swap3A_2148 = tpu.vector_load %arg10[%swap3A_2144, %swap3A_2145, %swap3A_2146, %swap3A_2147] {strides = array<i32>} : memref<8x2x8x128xf32, #tpu.memory_space<vmem>>, vector<16xf32>,
        tpu.vector_store %arg10[%swap3A_2144, %swap3A_2145, %swap3A_2146, %swap3A_2147], %gather3A_2105 {strides = array<i32>} : memref<8x2x8x128xf32, #tpu.memory_space<vmem>>, vector<16xf32>,
        %mul3A_2149 = arith.constant 16 : i32
        %mul3A_2150 = arith.muli %scan3A_534, %mul3A_2149 : i32
        %swap3A_2151 = arith.constant 6 : i32
        %swap3A_2152 = arith.constant 1 : i32
        %swap3A_2153 = arith.constant 1 : i32
        %swap3A_2154 = arith.index_cast %swap3A_2151 : i32 to index
        %swap3A_2155 = arith.index_cast %swap3A_2152 : i32 to index
        %swap3A_2156 = arith.index_cast %swap3A_2153 : i32 to index
        %swap3A_2157 = arith.index_cast %mul3A_2150 : i32 to index
        %swap3A_2158 = tpu.vector_load %arg10[%swap3A_2154, %swap3A_2155, %swap3A_2156, %swap3A_2157] {strides = array<i32>} : memref<8x2x8x128xf32, #tpu.memory_space<vmem>>, vector<16xf32>,
        tpu.vector_store %arg10[%swap3A_2154, %swap3A_2155, %swap3A_2156, %swap3A_2157], %gather3A_2106 {strides = array<i32>} : memref<8x2x8x128xf32, #tpu.memory_space<vmem>>, vector<16xf32>,
        %mul3A_2159 = arith.constant 16 : i32
        %mul3A_2160 = arith.muli %scan3A_534, %mul3A_2159 : i32
        %swap3A_2161 = arith.constant 6 : i32
        %swap3A_2162 = arith.constant 0 : i32
        %swap3A_2163 = arith.constant 2 : i32
        %swap3A_2164 = arith.index_cast %swap3A_2161 : i32 to index
        %swap3A_2165 = arith.index_cast %swap3A_2162 : i32 to index
        %swap3A_2166 = arith.index_cast %swap3A_2163 : i32 to index
        %swap3A_2167 = arith.index_cast %mul3A_2160 : i32 to index
        %swap3A_2168 = tpu.vector_load %arg10[%swap3A_2164, %swap3A_2165, %swap3A_2166, %swap3A_2167] {strides = array<i32>} : memref<8x2x8x128xf32, #tpu.memory_space<vmem>>, vector<16xf32>,
        tpu.vector_store %arg10[%swap3A_2164, %swap3A_2165, %swap3A_2166, %swap3A_2167], %gather3A_2107 {strides = array<i32>} : memref<8x2x8x128xf32, #tpu.memory_space<vmem>>, vector<16xf32>,
        %mul3A_2169 = arith.constant 16 : i32
        %mul3A_2170 = arith.muli %scan3A_534, %mul3A_2169 : i32
        %swap3A_2171 = arith.constant 6 : i32
        %swap3A_2172 = arith.constant 1 : i32
        %swap3A_2173 = arith.constant 2 : i32
        %swap3A_2174 = arith.index_cast %swap3A_2171 : i32 to index
        %swap3A_2175 = arith.index_cast %swap3A_2172 : i32 to index
        %swap3A_2176 = arith.index_cast %swap3A_2173 : i32 to index
        %swap3A_2177 = arith.index_cast %mul3A_2170 : i32 to index
        %swap3A_2178 = tpu.vector_load %arg10[%swap3A_2174, %swap3A_2175, %swap3A_2176, %swap3A_2177] {strides = array<i32>} : memref<8x2x8x128xf32, #tpu.memory_space<vmem>>, vector<16xf32>,
        tpu.vector_store %arg10[%swap3A_2174, %swap3A_2175, %swap3A_2176, %swap3A_2177], %gather3A_2108 {strides = array<i32>} : memref<8x2x8x128xf32, #tpu.memory_space<vmem>>, vector<16xf32>,
        %mul3A_2179 = arith.constant 16 : i32
        %mul3A_2180 = arith.muli %scan3A_534, %mul3A_2179 : i32
        %swap3A_2181 = arith.constant 6 : i32
        %swap3A_2182 = arith.constant 0 : i32
        %swap3A_2183 = arith.constant 3 : i32
        %swap3A_2184 = arith.index_cast %swap3A_2181 : i32 to index
        %swap3A_2185 = arith.index_cast %swap3A_2182 : i32 to index
        %swap3A_2186 = arith.index_cast %swap3A_2183 : i32 to index
        %swap3A_2187 = arith.index_cast %mul3A_2180 : i32 to index
        %swap3A_2188 = tpu.vector_load %arg10[%swap3A_2184, %swap3A_2185, %swap3A_2186, %swap3A_2187] {strides = array<i32>} : memref<8x2x8x128xf32, #tpu.memory_space<vmem>>, vector<16xf32>,
        tpu.vector_store %arg10[%swap3A_2184, %swap3A_2185, %swap3A_2186, %swap3A_2187], %gather3A_2109 {strides = array<i32>} : memref<8x2x8x128xf32, #tpu.memory_space<vmem>>, vector<16xf32>,
        %mul3A_2189 = arith.constant 16 : i32
        %mul3A_2190 = arith.muli %scan3A_534, %mul3A_2189 : i32
        %swap3A_2191 = arith.constant 6 : i32
        %swap3A_2192 = arith.constant 1 : i32
        %swap3A_2193 = arith.constant 3 : i32
        %swap3A_2194 = arith.index_cast %swap3A_2191 : i32 to index
        %swap3A_2195 = arith.index_cast %swap3A_2192 : i32 to index
        %swap3A_2196 = arith.index_cast %swap3A_2193 : i32 to index
        %swap3A_2197 = arith.index_cast %mul3A_2190 : i32 to index
        %swap3A_2198 = tpu.vector_load %arg10[%swap3A_2194, %swap3A_2195, %swap3A_2196, %swap3A_2197] {strides = array<i32>} : memref<8x2x8x128xf32, #tpu.memory_space<vmem>>, vector<16xf32>,
        tpu.vector_store %arg10[%swap3A_2194, %swap3A_2195, %swap3A_2196, %swap3A_2197], %gather3A_2110 {strides = array<i32>} : memref<8x2x8x128xf32, #tpu.memory_space<vmem>>, vector<16xf32>,
        %mul3A_2199 = arith.constant 16 : i32
        %mul3A_2200 = arith.muli %scan3A_534, %mul3A_2199 : i32
        %swap3A_2201 = arith.constant 6 : i32
        %swap3A_2202 = arith.constant 0 : i32
        %swap3A_2203 = arith.constant 4 : i32
        %swap3A_2204 = arith.index_cast %swap3A_2201 : i32 to index
        %swap3A_2205 = arith.index_cast %swap3A_2202 : i32 to index
        %swap3A_2206 = arith.index_cast %swap3A_2203 : i32 to index
        %swap3A_2207 = arith.index_cast %mul3A_2200 : i32 to index
        %swap3A_2208 = tpu.vector_load %arg10[%swap3A_2204, %swap3A_2205, %swap3A_2206, %swap3A_2207] {strides = array<i32>} : memref<8x2x8x128xf32, #tpu.memory_space<vmem>>, vector<16xf32>,
        tpu.vector_store %arg10[%swap3A_2204, %swap3A_2205, %swap3A_2206, %swap3A_2207], %gather3A_2111 {strides = array<i32>} : memref<8x2x8x128xf32, #tpu.memory_space<vmem>>, vector<16xf32>,
        %mul3A_2209 = arith.constant 16 : i32
        %mul3A_2210 = arith.muli %scan3A_534, %mul3A_2209 : i32
        %swap3A_2211 = arith.constant 6 : i32
        %swap3A_2212 = arith.constant 1 : i32
        %swap3A_2213 = arith.constant 4 : i32
        %swap3A_2214 = arith.index_cast %swap3A_2211 : i32 to index
        %swap3A_2215 = arith.index_cast %swap3A_2212 : i32 to index
        %swap3A_2216 = arith.index_cast %swap3A_2213 : i32 to index
        %swap3A_2217 = arith.index_cast %mul3A_2210 : i32 to index
        %swap3A_2218 = tpu.vector_load %arg10[%swap3A_2214, %swap3A_2215, %swap3A_2216, %swap3A_2217] {strides = array<i32>} : memref<8x2x8x128xf32, #tpu.memory_space<vmem>>, vector<16xf32>,
        tpu.vector_store %arg10[%swap3A_2214, %swap3A_2215, %swap3A_2216, %swap3A_2217], %gather3A_2112 {strides = array<i32>} : memref<8x2x8x128xf32, #tpu.memory_space<vmem>>, vector<16xf32>,
        %mul3A_2219 = arith.constant 16 : i32
        %mul3A_2220 = arith.muli %scan3A_534, %mul3A_2219 : i32
        %swap3A_2221 = arith.constant 6 : i32
        %swap3A_2222 = arith.constant 0 : i32
        %swap3A_2223 = arith.constant 5 : i32
        %swap3A_2224 = arith.index_cast %swap3A_2221 : i32 to index
        %swap3A_2225 = arith.index_cast %swap3A_2222 : i32 to index
        %swap3A_2226 = arith.index_cast %swap3A_2223 : i32 to index
        %swap3A_2227 = arith.index_cast %mul3A_2220 : i32 to index
        %swap3A_2228 = tpu.vector_load %arg10[%swap3A_2224, %swap3A_2225, %swap3A_2226, %swap3A_2227] {strides = array<i32>} : memref<8x2x8x128xf32, #tpu.memory_space<vmem>>, vector<16xf32>,
        tpu.vector_store %arg10[%swap3A_2224, %swap3A_2225, %swap3A_2226, %swap3A_2227], %gather3A_2113 {strides = array<i32>} : memref<8x2x8x128xf32, #tpu.memory_space<vmem>>, vector<16xf32>,
        %mul3A_2229 = arith.constant 16 : i32
        %mul3A_2230 = arith.muli %scan3A_534, %mul3A_2229 : i32
        %swap3A_2231 = arith.constant 6 : i32
        %swap3A_2232 = arith.constant 1 : i32
        %swap3A_2233 = arith.constant 5 : i32
        %swap3A_2234 = arith.index_cast %swap3A_2231 : i32 to index
        %swap3A_2235 = arith.index_cast %swap3A_2232 : i32 to index
        %swap3A_2236 = arith.index_cast %swap3A_2233 : i32 to index
        %swap3A_2237 = arith.index_cast %mul3A_2230 : i32 to index
        %swap3A_2238 = tpu.vector_load %arg10[%swap3A_2234, %swap3A_2235, %swap3A_2236, %swap3A_2237] {strides = array<i32>} : memref<8x2x8x128xf32, #tpu.memory_space<vmem>>, vector<16xf32>,
        tpu.vector_store %arg10[%swap3A_2234, %swap3A_2235, %swap3A_2236, %swap3A_2237], %gather3A_2114 {strides = array<i32>} : memref<8x2x8x128xf32, #tpu.memory_space<vmem>>, vector<16xf32>,
        %mul3A_2239 = arith.constant 16 : i32
        %mul3A_2240 = arith.muli %scan3A_534, %mul3A_2239 : i32
        %swap3A_2241 = arith.constant 6 : i32
        %swap3A_2242 = arith.constant 0 : i32
        %swap3A_2243 = arith.constant 6 : i32
        %swap3A_2244 = arith.index_cast %swap3A_2241 : i32 to index
        %swap3A_2245 = arith.index_cast %swap3A_2242 : i32 to index
        %swap3A_2246 = arith.index_cast %swap3A_2243 : i32 to index
        %swap3A_2247 = arith.index_cast %mul3A_2240 : i32 to index
        %swap3A_2248 = tpu.vector_load %arg10[%swap3A_2244, %swap3A_2245, %swap3A_2246, %swap3A_2247] {strides = array<i32>} : memref<8x2x8x128xf32, #tpu.memory_space<vmem>>, vector<16xf32>,
        tpu.vector_store %arg10[%swap3A_2244, %swap3A_2245, %swap3A_2246, %swap3A_2247], %gather3A_2115 {strides = array<i32>} : memref<8x2x8x128xf32, #tpu.memory_space<vmem>>, vector<16xf32>,
        %mul3A_2249 = arith.constant 16 : i32
        %mul3A_2250 = arith.muli %scan3A_534, %mul3A_2249 : i32
        %swap3A_2251 = arith.constant 6 : i32
        %swap3A_2252 = arith.constant 1 : i32
        %swap3A_2253 = arith.constant 6 : i32
        %swap3A_2254 = arith.index_cast %swap3A_2251 : i32 to index
        %swap3A_2255 = arith.index_cast %swap3A_2252 : i32 to index
        %swap3A_2256 = arith.index_cast %swap3A_2253 : i32 to index
        %swap3A_2257 = arith.index_cast %mul3A_2250 : i32 to index
        %swap3A_2258 = tpu.vector_load %arg10[%swap3A_2254, %swap3A_2255, %swap3A_2256, %swap3A_2257] {strides = array<i32>} : memref<8x2x8x128xf32, #tpu.memory_space<vmem>>, vector<16xf32>,
        tpu.vector_store %arg10[%swap3A_2254, %swap3A_2255, %swap3A_2256, %swap3A_2257], %gather3A_2116 {strides = array<i32>} : memref<8x2x8x128xf32, #tpu.memory_space<vmem>>, vector<16xf32>,
        %mul3A_2259 = arith.constant 16 : i32
        %mul3A_2260 = arith.muli %scan3A_534, %mul3A_2259 : i32
        %swap3A_2261 = arith.constant 6 : i32
        %swap3A_2262 = arith.constant 0 : i32
        %swap3A_2263 = arith.constant 7 : i32
        %swap3A_2264 = arith.index_cast %swap3A_2261 : i32 to index
        %swap3A_2265 = arith.index_cast %swap3A_2262 : i32 to index
        %swap3A_2266 = arith.index_cast %swap3A_2263 : i32 to index
        %swap3A_2267 = arith.index_cast %mul3A_2260 : i32 to index
        %swap3A_2268 = tpu.vector_load %arg10[%swap3A_2264, %swap3A_2265, %swap3A_2266, %swap3A_2267] {strides = array<i32>} : memref<8x2x8x128xf32, #tpu.memory_space<vmem>>, vector<16xf32>,
        tpu.vector_store %arg10[%swap3A_2264, %swap3A_2265, %swap3A_2266, %swap3A_2267], %gather3A_2117 {strides = array<i32>} : memref<8x2x8x128xf32, #tpu.memory_space<vmem>>, vector<16xf32>,
        %mul3A_2269 = arith.constant 16 : i32
        %mul3A_2270 = arith.muli %scan3A_534, %mul3A_2269 : i32
        %swap3A_2271 = arith.constant 6 : i32
        %swap3A_2272 = arith.constant 1 : i32
        %swap3A_2273 = arith.constant 7 : i32
        %swap3A_2274 = arith.index_cast %swap3A_2271 : i32 to index
        %swap3A_2275 = arith.index_cast %swap3A_2272 : i32 to index
        %swap3A_2276 = arith.index_cast %swap3A_2273 : i32 to index
        %swap3A_2277 = arith.index_cast %mul3A_2270 : i32 to index
        %swap3A_2278 = tpu.vector_load %arg10[%swap3A_2274, %swap3A_2275, %swap3A_2276, %swap3A_2277] {strides = array<i32>} : memref<8x2x8x128xf32, #tpu.memory_space<vmem>>, vector<16xf32>,
        tpu.vector_store %arg10[%swap3A_2274, %swap3A_2275, %swap3A_2276, %swap3A_2277], %gather3A_2118 {strides = array<i32>} : memref<8x2x8x128xf32, #tpu.memory_space<vmem>>, vector<16xf32>,
        %gather3A_2279 = tpu.vector_load_idx %arg8[%add3A_988] : memref<16640xf32, #tpu.memory_space<vmem>>[vector<16xi32>], vector<16xf32>,
        %gather3A_2280 = tpu.vector_load_idx %arg8[%add3A_992] : memref<16640xf32, #tpu.memory_space<vmem>>[vector<16xi32>], vector<16xf32>,
        %gather3A_2281 = tpu.vector_load_idx %arg8[%add3A_996] : memref<16640xf32, #tpu.memory_space<vmem>>[vector<16xi32>], vector<16xf32>,
        %gather3A_2282 = tpu.vector_load_idx %arg8[%add3A_1000] : memref<16640xf32, #tpu.memory_space<vmem>>[vector<16xi32>], vector<16xf32>,
        %gather3A_2283 = tpu.vector_load_idx %arg8[%add3A_1004] : memref<16640xf32, #tpu.memory_space<vmem>>[vector<16xi32>], vector<16xf32>,
        %gather3A_2284 = tpu.vector_load_idx %arg8[%add3A_1008] : memref<16640xf32, #tpu.memory_space<vmem>>[vector<16xi32>], vector<16xf32>,
        %gather3A_2285 = tpu.vector_load_idx %arg8[%add3A_1012] : memref<16640xf32, #tpu.memory_space<vmem>>[vector<16xi32>], vector<16xf32>,
        %gather3A_2286 = tpu.vector_load_idx %arg8[%add3A_1016] : memref<16640xf32, #tpu.memory_space<vmem>>[vector<16xi32>], vector<16xf32>,
        %gather3A_2287 = tpu.vector_load_idx %arg8[%add3A_1020] : memref<16640xf32, #tpu.memory_space<vmem>>[vector<16xi32>], vector<16xf32>,
        %gather3A_2288 = tpu.vector_load_idx %arg8[%add3A_1024] : memref<16640xf32, #tpu.memory_space<vmem>>[vector<16xi32>], vector<16xf32>,
        %gather3A_2289 = tpu.vector_load_idx %arg8[%add3A_1028] : memref<16640xf32, #tpu.memory_space<vmem>>[vector<16xi32>], vector<16xf32>,
        %gather3A_2290 = tpu.vector_load_idx %arg8[%add3A_1032] : memref<16640xf32, #tpu.memory_space<vmem>>[vector<16xi32>], vector<16xf32>,
        %gather3A_2291 = tpu.vector_load_idx %arg8[%add3A_1036] : memref<16640xf32, #tpu.memory_space<vmem>>[vector<16xi32>], vector<16xf32>,
        %gather3A_2292 = tpu.vector_load_idx %arg8[%add3A_1040] : memref<16640xf32, #tpu.memory_space<vmem>>[vector<16xi32>], vector<16xf32>,
        %gather3A_2293 = tpu.vector_load_idx %arg8[%add3A_1044] : memref<16640xf32, #tpu.memory_space<vmem>>[vector<16xi32>], vector<16xf32>,
        %gather3A_2294 = tpu.vector_load_idx %arg8[%add3A_1048] : memref<16640xf32, #tpu.memory_space<vmem>>[vector<16xi32>], vector<16xf32>,
        %mul3A_2295 = arith.constant 16 : i32
        %mul3A_2296 = arith.muli %scan3A_534, %mul3A_2295 : i32
        %swap3A_2297 = arith.constant 7 : i32
        %swap3A_2298 = arith.constant 0 : i32
        %swap3A_2299 = arith.constant 0 : i32
        %swap3A_2300 = arith.index_cast %swap3A_2297 : i32 to index
        %swap3A_2301 = arith.index_cast %swap3A_2298 : i32 to index
        %swap3A_2302 = arith.index_cast %swap3A_2299 : i32 to index
        %swap3A_2303 = arith.index_cast %mul3A_2296 : i32 to index
        %swap3A_2304 = tpu.vector_load %arg10[%swap3A_2300, %swap3A_2301, %swap3A_2302, %swap3A_2303] {strides = array<i32>} : memref<8x2x8x128xf32, #tpu.memory_space<vmem>>, vector<16xf32>,
        tpu.vector_store %arg10[%swap3A_2300, %swap3A_2301, %swap3A_2302, %swap3A_2303], %gather3A_2279 {strides = array<i32>} : memref<8x2x8x128xf32, #tpu.memory_space<vmem>>, vector<16xf32>,
        %mul3A_2305 = arith.constant 16 : i32
        %mul3A_2306 = arith.muli %scan3A_534, %mul3A_2305 : i32
        %swap3A_2307 = arith.constant 7 : i32
        %swap3A_2308 = arith.constant 1 : i32
        %swap3A_2309 = arith.constant 0 : i32
        %swap3A_2310 = arith.index_cast %swap3A_2307 : i32 to index
        %swap3A_2311 = arith.index_cast %swap3A_2308 : i32 to index
        %swap3A_2312 = arith.index_cast %swap3A_2309 : i32 to index
        %swap3A_2313 = arith.index_cast %mul3A_2306 : i32 to index
        %swap3A_2314 = tpu.vector_load %arg10[%swap3A_2310, %swap3A_2311, %swap3A_2312, %swap3A_2313] {strides = array<i32>} : memref<8x2x8x128xf32, #tpu.memory_space<vmem>>, vector<16xf32>,
        tpu.vector_store %arg10[%swap3A_2310, %swap3A_2311, %swap3A_2312, %swap3A_2313], %gather3A_2280 {strides = array<i32>} : memref<8x2x8x128xf32, #tpu.memory_space<vmem>>, vector<16xf32>,
        %mul3A_2315 = arith.constant 16 : i32
        %mul3A_2316 = arith.muli %scan3A_534, %mul3A_2315 : i32
        %swap3A_2317 = arith.constant 7 : i32
        %swap3A_2318 = arith.constant 0 : i32
        %swap3A_2319 = arith.constant 1 : i32
        %swap3A_2320 = arith.index_cast %swap3A_2317 : i32 to index
        %swap3A_2321 = arith.index_cast %swap3A_2318 : i32 to index
        %swap3A_2322 = arith.index_cast %swap3A_2319 : i32 to index
        %swap3A_2323 = arith.index_cast %mul3A_2316 : i32 to index
        %swap3A_2324 = tpu.vector_load %arg10[%swap3A_2320, %swap3A_2321, %swap3A_2322, %swap3A_2323] {strides = array<i32>} : memref<8x2x8x128xf32, #tpu.memory_space<vmem>>, vector<16xf32>,
        tpu.vector_store %arg10[%swap3A_2320, %swap3A_2321, %swap3A_2322, %swap3A_2323], %gather3A_2281 {strides = array<i32>} : memref<8x2x8x128xf32, #tpu.memory_space<vmem>>, vector<16xf32>,
        %mul3A_2325 = arith.constant 16 : i32
        %mul3A_2326 = arith.muli %scan3A_534, %mul3A_2325 : i32
        %swap3A_2327 = arith.constant 7 : i32
        %swap3A_2328 = arith.constant 1 : i32
        %swap3A_2329 = arith.constant 1 : i32
        %swap3A_2330 = arith.index_cast %swap3A_2327 : i32 to index
        %swap3A_2331 = arith.index_cast %swap3A_2328 : i32 to index
        %swap3A_2332 = arith.index_cast %swap3A_2329 : i32 to index
        %swap3A_2333 = arith.index_cast %mul3A_2326 : i32 to index
        %swap3A_2334 = tpu.vector_load %arg10[%swap3A_2330, %swap3A_2331, %swap3A_2332, %swap3A_2333] {strides = array<i32>} : memref<8x2x8x128xf32, #tpu.memory_space<vmem>>, vector<16xf32>,
        tpu.vector_store %arg10[%swap3A_2330, %swap3A_2331, %swap3A_2332, %swap3A_2333], %gather3A_2282 {strides = array<i32>} : memref<8x2x8x128xf32, #tpu.memory_space<vmem>>, vector<16xf32>,
        %mul3A_2335 = arith.constant 16 : i32
        %mul3A_2336 = arith.muli %scan3A_534, %mul3A_2335 : i32
        %swap3A_2337 = arith.constant 7 : i32
        %swap3A_2338 = arith.constant 0 : i32
        %swap3A_2339 = arith.constant 2 : i32
        %swap3A_2340 = arith.index_cast %swap3A_2337 : i32 to index
        %swap3A_2341 = arith.index_cast %swap3A_2338 : i32 to index
        %swap3A_2342 = arith.index_cast %swap3A_2339 : i32 to index
        %swap3A_2343 = arith.index_cast %mul3A_2336 : i32 to index
        %swap3A_2344 = tpu.vector_load %arg10[%swap3A_2340, %swap3A_2341, %swap3A_2342, %swap3A_2343] {strides = array<i32>} : memref<8x2x8x128xf32, #tpu.memory_space<vmem>>, vector<16xf32>,
        tpu.vector_store %arg10[%swap3A_2340, %swap3A_2341, %swap3A_2342, %swap3A_2343], %gather3A_2283 {strides = array<i32>} : memref<8x2x8x128xf32, #tpu.memory_space<vmem>>, vector<16xf32>,
        %mul3A_2345 = arith.constant 16 : i32
        %mul3A_2346 = arith.muli %scan3A_534, %mul3A_2345 : i32
        %swap3A_2347 = arith.constant 7 : i32
        %swap3A_2348 = arith.constant 1 : i32
        %swap3A_2349 = arith.constant 2 : i32
        %swap3A_2350 = arith.index_cast %swap3A_2347 : i32 to index
        %swap3A_2351 = arith.index_cast %swap3A_2348 : i32 to index
        %swap3A_2352 = arith.index_cast %swap3A_2349 : i32 to index
        %swap3A_2353 = arith.index_cast %mul3A_2346 : i32 to index
        %swap3A_2354 = tpu.vector_load %arg10[%swap3A_2350, %swap3A_2351, %swap3A_2352, %swap3A_2353] {strides = array<i32>} : memref<8x2x8x128xf32, #tpu.memory_space<vmem>>, vector<16xf32>,
        tpu.vector_store %arg10[%swap3A_2350, %swap3A_2351, %swap3A_2352, %swap3A_2353], %gather3A_2284 {strides = array<i32>} : memref<8x2x8x128xf32, #tpu.memory_space<vmem>>, vector<16xf32>,
        %mul3A_2355 = arith.constant 16 : i32
        %mul3A_2356 = arith.muli %scan3A_534, %mul3A_2355 : i32
        %swap3A_2357 = arith.constant 7 : i32
        %swap3A_2358 = arith.constant 0 : i32
        %swap3A_2359 = arith.constant 3 : i32
        %swap3A_2360 = arith.index_cast %swap3A_2357 : i32 to index
        %swap3A_2361 = arith.index_cast %swap3A_2358 : i32 to index
        %swap3A_2362 = arith.index_cast %swap3A_2359 : i32 to index
        %swap3A_2363 = arith.index_cast %mul3A_2356 : i32 to index
        %swap3A_2364 = tpu.vector_load %arg10[%swap3A_2360, %swap3A_2361, %swap3A_2362, %swap3A_2363] {strides = array<i32>} : memref<8x2x8x128xf32, #tpu.memory_space<vmem>>, vector<16xf32>,
        tpu.vector_store %arg10[%swap3A_2360, %swap3A_2361, %swap3A_2362, %swap3A_2363], %gather3A_2285 {strides = array<i32>} : memref<8x2x8x128xf32, #tpu.memory_space<vmem>>, vector<16xf32>,
        %mul3A_2365 = arith.constant 16 : i32
        %mul3A_2366 = arith.muli %scan3A_534, %mul3A_2365 : i32
        %swap3A_2367 = arith.constant 7 : i32
        %swap3A_2368 = arith.constant 1 : i32
        %swap3A_2369 = arith.constant 3 : i32
        %swap3A_2370 = arith.index_cast %swap3A_2367 : i32 to index
        %swap3A_2371 = arith.index_cast %swap3A_2368 : i32 to index
        %swap3A_2372 = arith.index_cast %swap3A_2369 : i32 to index
        %swap3A_2373 = arith.index_cast %mul3A_2366 : i32 to index
        %swap3A_2374 = tpu.vector_load %arg10[%swap3A_2370, %swap3A_2371, %swap3A_2372, %swap3A_2373] {strides = array<i32>} : memref<8x2x8x128xf32, #tpu.memory_space<vmem>>, vector<16xf32>,
        tpu.vector_store %arg10[%swap3A_2370, %swap3A_2371, %swap3A_2372, %swap3A_2373], %gather3A_2286 {strides = array<i32>} : memref<8x2x8x128xf32, #tpu.memory_space<vmem>>, vector<16xf32>,
        %mul3A_2375 = arith.constant 16 : i32
        %mul3A_2376 = arith.muli %scan3A_534, %mul3A_2375 : i32
        %swap3A_2377 = arith.constant 7 : i32
        %swap3A_2378 = arith.constant 0 : i32
        %swap3A_2379 = arith.constant 4 : i32
        %swap3A_2380 = arith.index_cast %swap3A_2377 : i32 to index
        %swap3A_2381 = arith.index_cast %swap3A_2378 : i32 to index
        %swap3A_2382 = arith.index_cast %swap3A_2379 : i32 to index
        %swap3A_2383 = arith.index_cast %mul3A_2376 : i32 to index
        %swap3A_2384 = tpu.vector_load %arg10[%swap3A_2380, %swap3A_2381, %swap3A_2382, %swap3A_2383] {strides = array<i32>} : memref<8x2x8x128xf32, #tpu.memory_space<vmem>>, vector<16xf32>,
        tpu.vector_store %arg10[%swap3A_2380, %swap3A_2381, %swap3A_2382, %swap3A_2383], %gather3A_2287 {strides = array<i32>} : memref<8x2x8x128xf32, #tpu.memory_space<vmem>>, vector<16xf32>,
        %mul3A_2385 = arith.constant 16 : i32
        %mul3A_2386 = arith.muli %scan3A_534, %mul3A_2385 : i32
        %swap3A_2387 = arith.constant 7 : i32
        %swap3A_2388 = arith.constant 1 : i32
        %swap3A_2389 = arith.constant 4 : i32
        %swap3A_2390 = arith.index_cast %swap3A_2387 : i32 to index
        %swap3A_2391 = arith.index_cast %swap3A_2388 : i32 to index
        %swap3A_2392 = arith.index_cast %swap3A_2389 : i32 to index
        %swap3A_2393 = arith.index_cast %mul3A_2386 : i32 to index
        %swap3A_2394 = tpu.vector_load %arg10[%swap3A_2390, %swap3A_2391, %swap3A_2392, %swap3A_2393] {strides = array<i32>} : memref<8x2x8x128xf32, #tpu.memory_space<vmem>>, vector<16xf32>,
        tpu.vector_store %arg10[%swap3A_2390, %swap3A_2391, %swap3A_2392, %swap3A_2393], %gather3A_2288 {strides = array<i32>} : memref<8x2x8x128xf32, #tpu.memory_space<vmem>>, vector<16xf32>,
        %mul3A_2395 = arith.constant 16 : i32
        %mul3A_2396 = arith.muli %scan3A_534, %mul3A_2395 : i32
        %swap3A_2397 = arith.constant 7 : i32
        %swap3A_2398 = arith.constant 0 : i32
        %swap3A_2399 = arith.constant 5 : i32
        %swap3A_2400 = arith.index_cast %swap3A_2397 : i32 to index
        %swap3A_2401 = arith.index_cast %swap3A_2398 : i32 to index
        %swap3A_2402 = arith.index_cast %swap3A_2399 : i32 to index
        %swap3A_2403 = arith.index_cast %mul3A_2396 : i32 to index
        %swap3A_2404 = tpu.vector_load %arg10[%swap3A_2400, %swap3A_2401, %swap3A_2402, %swap3A_2403] {strides = array<i32>} : memref<8x2x8x128xf32, #tpu.memory_space<vmem>>, vector<16xf32>,
        tpu.vector_store %arg10[%swap3A_2400, %swap3A_2401, %swap3A_2402, %swap3A_2403], %gather3A_2289 {strides = array<i32>} : memref<8x2x8x128xf32, #tpu.memory_space<vmem>>, vector<16xf32>,
        %mul3A_2405 = arith.constant 16 : i32
        %mul3A_2406 = arith.muli %scan3A_534, %mul3A_2405 : i32
        %swap3A_2407 = arith.constant 7 : i32
        %swap3A_2408 = arith.constant 1 : i32
        %swap3A_2409 = arith.constant 5 : i32
        %swap3A_2410 = arith.index_cast %swap3A_2407 : i32 to index
        %swap3A_2411 = arith.index_cast %swap3A_2408 : i32 to index
        %swap3A_2412 = arith.index_cast %swap3A_2409 : i32 to index
        %swap3A_2413 = arith.index_cast %mul3A_2406 : i32 to index
        %swap3A_2414 = tpu.vector_load %arg10[%swap3A_2410, %swap3A_2411, %swap3A_2412, %swap3A_2413] {strides = array<i32>} : memref<8x2x8x128xf32, #tpu.memory_space<vmem>>, vector<16xf32>,
        tpu.vector_store %arg10[%swap3A_2410, %swap3A_2411, %swap3A_2412, %swap3A_2413], %gather3A_2290 {strides = array<i32>} : memref<8x2x8x128xf32, #tpu.memory_space<vmem>>, vector<16xf32>,
        %mul3A_2415 = arith.constant 16 : i32
        %mul3A_2416 = arith.muli %scan3A_534, %mul3A_2415 : i32
        %swap3A_2417 = arith.constant 7 : i32
        %swap3A_2418 = arith.constant 0 : i32
        %swap3A_2419 = arith.constant 6 : i32
        %swap3A_2420 = arith.index_cast %swap3A_2417 : i32 to index
        %swap3A_2421 = arith.index_cast %swap3A_2418 : i32 to index
        %swap3A_2422 = arith.index_cast %swap3A_2419 : i32 to index
        %swap3A_2423 = arith.index_cast %mul3A_2416 : i32 to index
        %swap3A_2424 = tpu.vector_load %arg10[%swap3A_2420, %swap3A_2421, %swap3A_2422, %swap3A_2423] {strides = array<i32>} : memref<8x2x8x128xf32, #tpu.memory_space<vmem>>, vector<16xf32>,
        tpu.vector_store %arg10[%swap3A_2420, %swap3A_2421, %swap3A_2422, %swap3A_2423], %gather3A_2291 {strides = array<i32>} : memref<8x2x8x128xf32, #tpu.memory_space<vmem>>, vector<16xf32>,
        %mul3A_2425 = arith.constant 16 : i32
        %mul3A_2426 = arith.muli %scan3A_534, %mul3A_2425 : i32
        %swap3A_2427 = arith.constant 7 : i32
        %swap3A_2428 = arith.constant 1 : i32
        %swap3A_2429 = arith.constant 6 : i32
        %swap3A_2430 = arith.index_cast %swap3A_2427 : i32 to index
        %swap3A_2431 = arith.index_cast %swap3A_2428 : i32 to index
        %swap3A_2432 = arith.index_cast %swap3A_2429 : i32 to index
        %swap3A_2433 = arith.index_cast %mul3A_2426 : i32 to index
        %swap3A_2434 = tpu.vector_load %arg10[%swap3A_2430, %swap3A_2431, %swap3A_2432, %swap3A_2433] {strides = array<i32>} : memref<8x2x8x128xf32, #tpu.memory_space<vmem>>, vector<16xf32>,
        tpu.vector_store %arg10[%swap3A_2430, %swap3A_2431, %swap3A_2432, %swap3A_2433], %gather3A_2292 {strides = array<i32>} : memref<8x2x8x128xf32, #tpu.memory_space<vmem>>, vector<16xf32>,
        %mul3A_2435 = arith.constant 16 : i32
        %mul3A_2436 = arith.muli %scan3A_534, %mul3A_2435 : i32
        %swap3A_2437 = arith.constant 7 : i32
        %swap3A_2438 = arith.constant 0 : i32
        %swap3A_2439 = arith.constant 7 : i32
        %swap3A_2440 = arith.index_cast %swap3A_2437 : i32 to index
        %swap3A_2441 = arith.index_cast %swap3A_2438 : i32 to index
        %swap3A_2442 = arith.index_cast %swap3A_2439 : i32 to index
        %swap3A_2443 = arith.index_cast %mul3A_2436 : i32 to index
        %swap3A_2444 = tpu.vector_load %arg10[%swap3A_2440, %swap3A_2441, %swap3A_2442, %swap3A_2443] {strides = array<i32>} : memref<8x2x8x128xf32, #tpu.memory_space<vmem>>, vector<16xf32>,
        tpu.vector_store %arg10[%swap3A_2440, %swap3A_2441, %swap3A_2442, %swap3A_2443], %gather3A_2293 {strides = array<i32>} : memref<8x2x8x128xf32, #tpu.memory_space<vmem>>, vector<16xf32>,
        %mul3A_2445 = arith.constant 16 : i32
        %mul3A_2446 = arith.muli %scan3A_534, %mul3A_2445 : i32
        %swap3A_2447 = arith.constant 7 : i32
        %swap3A_2448 = arith.constant 1 : i32
        %swap3A_2449 = arith.constant 7 : i32
        %swap3A_2450 = arith.index_cast %swap3A_2447 : i32 to index
        %swap3A_2451 = arith.index_cast %swap3A_2448 : i32 to index
        %swap3A_2452 = arith.index_cast %swap3A_2449 : i32 to index
        %swap3A_2453 = arith.index_cast %mul3A_2446 : i32 to index
        %swap3A_2454 = tpu.vector_load %arg10[%swap3A_2450, %swap3A_2451, %swap3A_2452, %swap3A_2453] {strides = array<i32>} : memref<8x2x8x128xf32, #tpu.memory_space<vmem>>, vector<16xf32>,
        tpu.vector_store %arg10[%swap3A_2450, %swap3A_2451, %swap3A_2452, %swap3A_2453], %gather3A_2294 {strides = array<i32>} : memref<8x2x8x128xf32, #tpu.memory_space<vmem>>, vector<16xf32>,
      }
      %scan3A_328 = arith.constant 8 : i32
      %add3A_329 = arith.constant 1 : i32
      %add3A_330 = arith.addi %mul3A_57, %add3A_329 : i32
      %mul3A_331 = arith.constant 2 : i32
      %mul3A_332 = arith.muli %add3A_330, %mul3A_331 : i32
      %add3A_333 = arith.addi %mul3A_2, %mul3A_332 : i32
      %jit3A_334 = arith.constant 32 : i32
      %div3A_335 = arith.divsi %add3A_333, %jit3A_334 : i32
      %sign3A_336 = arith.constant 0 : i32
      %sign3A_337 = arith.cmpi sgt, %add3A_333, %sign3A_336 : i32
      %sign3A_338 = arith.extui %sign3A_337 : i1 to i32
      %sign3A_339 = arith.constant 0 : i32
      %sign3A_340 = arith.cmpi slt, %add3A_333, %sign3A_339 : i32
      %sign3A_341 = arith.extui %sign3A_340 : i1 to i32
      %sign3A_342 = arith.subi %sign3A_338, %sign3A_341 : i32
      %sign3A_343 = arith.constant 0 : i32
      %sign3A_344 = arith.cmpi sgt, %jit3A_334, %sign3A_343 : i32
      %sign3A_345 = arith.extui %sign3A_344 : i1 to i32
      %sign3A_346 = arith.constant 0 : i32
      %sign3A_347 = arith.cmpi slt, %jit3A_334, %sign3A_346 : i32
      %sign3A_348 = arith.extui %sign3A_347 : i1 to i32
      %sign3A_349 = arith.subi %sign3A_345, %sign3A_348 : i32
      %ne3A_350 = arith.cmpi ne, %sign3A_342, %sign3A_349 : i32
      %rem3A_351 = arith.remsi %add3A_333, %jit3A_334 : i32
      %ne3A_352 = arith.constant 0 : i32
      %ne3A_353 = arith.cmpi ne, %rem3A_351, %ne3A_352 : i32
      %and3A_354 = arith.andi %ne3A_350, %ne3A_353 : i1
      %sub3A_355 = arith.constant 1 : i32
      %sub3A_356 = arith.subi %div3A_335, %sub3A_355 : i32
      %select_n3A_357 = arith.select %and3A_354, %sub3A_356, %div3A_335 : i32
      %jit3A_358 = arith.constant 32 : i32
      %eq3A_359 = arith.constant 0 : i32
      %eq3A_360 = arith.cmpi eq, %jit3A_358, %eq3A_359 : i32
      %jit3A_361 = arith.constant 1 : i32
      %select_n3A_362 = arith.select %eq3A_360, %jit3A_361, %jit3A_358 : i32
      %rem3A_363 = arith.remsi %add3A_333, %select_n3A_362 : i32
      %ne3A_364 = arith.constant 0 : i32
      %ne3A_365 = arith.cmpi ne, %rem3A_363, %ne3A_364 : i32
      %lt3A_366 = arith.constant 0 : i32
      %lt3A_367 = arith.cmpi slt, %rem3A_363, %lt3A_366 : i32
      %lt3A_368 = arith.constant 0 : i32
      %lt3A_369 = arith.cmpi slt, %select_n3A_362, %lt3A_368 : i32
      %ne3A_370 = arith.xori %lt3A_367, %lt3A_369 : i1
      %and3A_371 = arith.andi %ne3A_370, %ne3A_365 : i1
      %add3A_372 = arith.addi %rem3A_363, %select_n3A_362 : i32
      %select_n3A_373 = arith.select %and3A_371, %add3A_372, %rem3A_363 : i32
      %dma_start3A_374 = arith.constant 0 : i32
      %dma_start3A_375 = arith.constant 0 : i32
      %dma_start3A_376 = arith.constant 0 : i32
      %dma_start3A_377 = arith.constant 0 : i32
      %dma_start3A_378 = arith.constant 0 : i32
      %dma_start3A_379 = tpu.memref_slice %arg10[%dma_start3A_374, %dma_start3A_376, %dma_start3A_377, %dma_start3A_378] : memref<8x2x8x128xf32, #tpu.memory_space<vmem>> -> memref<1x2x8x128xf32, #tpu.memory_space<vmem>>
      %dma_start3A_380 = tpu.memref_squeeze %dma_start3A_379 : memref<1x2x8x128xf32, #tpu.memory_space<vmem>> -> memref<2x8x128xf32, #tpu.memory_space<vmem>>
      %dma_start3A_381 = arith.constant 0 : i32
      %dma_start3A_382 = arith.constant 0 : i32
      %dma_start3A_383 = tpu.memref_slice %arg4[%select_n3A_357, %dma_start3A_375, %select_n3A_373, %dma_start3A_381, %dma_start3A_382] : memref<200x8x32x8x128xf32, #tpu.memory_space<hbm>> -> memref<1x1x2x8x128xf32, #tpu.memory_space<hbm>>
      %dma_start3A_384 = tpu.memref_squeeze %dma_start3A_383 : memref<1x1x2x8x128xf32, #tpu.memory_space<hbm>> -> memref<2x8x128xf32, #tpu.memory_space<hbm>>
      %dma_start3A_385 = arith.constant 0 : i32
      %dma_start3A_386 = arith.constant 0 : i32
      %dma_start3A_387 = tpu.memref_slice %arg4[%select_n3A_357, %dma_start3A_375, %select_n3A_373, %dma_start3A_385, %dma_start3A_386] : memref<200x8x32x8x128xf32, #tpu.memory_space<hbm>> -> memref<1x1x2x8x128xf32, #tpu.memory_space<hbm>>
      %dma_start3A_388 = tpu.memref_squeeze %dma_start3A_387 : memref<1x1x2x8x128xf32, #tpu.memory_space<hbm>> -> memref<2x8x128xf32, #tpu.memory_space<hbm>>
      %dma_start3A_389 = arith.constant 0 : i32
      %dma_start3A_390 = arith.constant 0 : i32
      %dma_start3A_391 = arith.constant 0 : i32
      %dma_start3A_392 = tpu.memref_slice %arg10[%dma_start3A_374, %dma_start3A_389, %dma_start3A_390, %dma_start3A_391] : memref<8x2x8x128xf32, #tpu.memory_space<vmem>> -> memref<1x2x8x128xf32, #tpu.memory_space<vmem>>
      %dma_start3A_393 = tpu.memref_squeeze %dma_start3A_392 : memref<1x2x8x128xf32, #tpu.memory_space<vmem>> -> memref<2x8x128xf32, #tpu.memory_space<vmem>>
      tpu.enqueue_dma source(%dma_start3A_393 : memref<2x8x128xf32, #tpu.memory_space<vmem>>) target(%dma_start3A_388 : memref<2x8x128xf32, #tpu.memory_space<hbm>>) target_semaphore(%arg14 : memref<!tpu.dma_semaphore, #tpu.memory_space<semaphore_mem>>)
      %dma_start3A_394 = arith.constant 1 : i32
      %dma_start3A_395 = arith.constant 1 : i32
      %dma_start3A_396 = arith.constant 0 : i32
      %dma_start3A_397 = arith.constant 0 : i32
      %dma_start3A_398 = arith.constant 0 : i32
      %dma_start3A_399 = tpu.memref_slice %arg10[%dma_start3A_394, %dma_start3A_396, %dma_start3A_397, %dma_start3A_398] : memref<8x2x8x128xf32, #tpu.memory_space<vmem>> -> memref<1x2x8x128xf32, #tpu.memory_space<vmem>>
      %dma_start3A_400 = tpu.memref_squeeze %dma_start3A_399 : memref<1x2x8x128xf32, #tpu.memory_space<vmem>> -> memref<2x8x128xf32, #tpu.memory_space<vmem>>
      %dma_start3A_401 = arith.constant 0 : i32
      %dma_start3A_402 = arith.constant 0 : i32
      %dma_start3A_403 = tpu.memref_slice %arg4[%select_n3A_357, %dma_start3A_395, %select_n3A_373, %dma_start3A_401, %dma_start3A_402] : memref<200x8x32x8x128xf32, #tpu.memory_space<hbm>> -> memref<1x1x2x8x128xf32, #tpu.memory_space<hbm>>
      %dma_start3A_404 = tpu.memref_squeeze %dma_start3A_403 : memref<1x1x2x8x128xf32, #tpu.memory_space<hbm>> -> memref<2x8x128xf32, #tpu.memory_space<hbm>>
      %dma_start3A_405 = arith.constant 0 : i32
      %dma_start3A_406 = arith.constant 0 : i32
      %dma_start3A_407 = tpu.memref_slice %arg4[%select_n3A_357, %dma_start3A_395, %select_n3A_373, %dma_start3A_405, %dma_start3A_406] : memref<200x8x32x8x128xf32, #tpu.memory_space<hbm>> -> memref<1x1x2x8x128xf32, #tpu.memory_space<hbm>>
      %dma_start3A_408 = tpu.memref_squeeze %dma_start3A_407 : memref<1x1x2x8x128xf32, #tpu.memory_space<hbm>> -> memref<2x8x128xf32, #tpu.memory_space<hbm>>
      %dma_start3A_409 = arith.constant 0 : i32
      %dma_start3A_410 = arith.constant 0 : i32
      %dma_start3A_411 = arith.constant 0 : i32
      %dma_start3A_412 = tpu.memref_slice %arg10[%dma_start3A_394, %dma_start3A_409, %dma_start3A_410, %dma_start3A_411] : memref<8x2x8x128xf32, #tpu.memory_space<vmem>> -> memref<1x2x8x128xf32, #tpu.memory_space<vmem>>
      %dma_start3A_413 = tpu.memref_squeeze %dma_start3A_412 : memref<1x2x8x128xf32, #tpu.memory_space<vmem>> -> memref<2x8x128xf32, #tpu.memory_space<vmem>>
      tpu.enqueue_dma source(%dma_start3A_413 : memref<2x8x128xf32, #tpu.memory_space<vmem>>) target(%dma_start3A_408 : memref<2x8x128xf32, #tpu.memory_space<hbm>>) target_semaphore(%arg14 : memref<!tpu.dma_semaphore, #tpu.memory_space<semaphore_mem>>)
      %dma_start3A_414 = arith.constant 2 : i32
      %dma_start3A_415 = arith.constant 2 : i32
      %dma_start3A_416 = arith.constant 0 : i32
      %dma_start3A_417 = arith.constant 0 : i32
      %dma_start3A_418 = arith.constant 0 : i32
      %dma_start3A_419 = tpu.memref_slice %arg10[%dma_start3A_414, %dma_start3A_416, %dma_start3A_417, %dma_start3A_418] : memref<8x2x8x128xf32, #tpu.memory_space<vmem>> -> memref<1x2x8x128xf32, #tpu.memory_space<vmem>>
      %dma_start3A_420 = tpu.memref_squeeze %dma_start3A_419 : memref<1x2x8x128xf32, #tpu.memory_space<vmem>> -> memref<2x8x128xf32, #tpu.memory_space<vmem>>
      %dma_start3A_421 = arith.constant 0 : i32
      %dma_start3A_422 = arith.constant 0 : i32
      %dma_start3A_423 = tpu.memref_slice %arg4[%select_n3A_357, %dma_start3A_415, %select_n3A_373, %dma_start3A_421, %dma_start3A_422] : memref<200x8x32x8x128xf32, #tpu.memory_space<hbm>> -> memref<1x1x2x8x128xf32, #tpu.memory_space<hbm>>
      %dma_start3A_424 = tpu.memref_squeeze %dma_start3A_423 : memref<1x1x2x8x128xf32, #tpu.memory_space<hbm>> -> memref<2x8x128xf32, #tpu.memory_space<hbm>>
      %dma_start3A_425 = arith.constant 0 : i32
      %dma_start3A_426 = arith.constant 0 : i32
      %dma_start3A_427 = tpu.memref_slice %arg4[%select_n3A_357, %dma_start3A_415, %select_n3A_373, %dma_start3A_425, %dma_start3A_426] : memref<200x8x32x8x128xf32, #tpu.memory_space<hbm>> -> memref<1x1x2x8x128xf32, #tpu.memory_space<hbm>>
      %dma_start3A_428 = tpu.memref_squeeze %dma_start3A_427 : memref<1x1x2x8x128xf32, #tpu.memory_space<hbm>> -> memref<2x8x128xf32, #tpu.memory_space<hbm>>
      %dma_start3A_429 = arith.constant 0 : i32
      %dma_start3A_430 = arith.constant 0 : i32
      %dma_start3A_431 = arith.constant 0 : i32
      %dma_start3A_432 = tpu.memref_slice %arg10[%dma_start3A_414, %dma_start3A_429, %dma_start3A_430, %dma_start3A_431] : memref<8x2x8x128xf32, #tpu.memory_space<vmem>> -> memref<1x2x8x128xf32, #tpu.memory_space<vmem>>
      %dma_start3A_433 = tpu.memref_squeeze %dma_start3A_432 : memref<1x2x8x128xf32, #tpu.memory_space<vmem>> -> memref<2x8x128xf32, #tpu.memory_space<vmem>>
      tpu.enqueue_dma source(%dma_start3A_433 : memref<2x8x128xf32, #tpu.memory_space<vmem>>) target(%dma_start3A_428 : memref<2x8x128xf32, #tpu.memory_space<hbm>>) target_semaphore(%arg14 : memref<!tpu.dma_semaphore, #tpu.memory_space<semaphore_mem>>)
      %dma_start3A_434 = arith.constant 3 : i32
      %dma_start3A_435 = arith.constant 3 : i32
      %dma_start3A_436 = arith.constant 0 : i32
      %dma_start3A_437 = arith.constant 0 : i32
      %dma_start3A_438 = arith.constant 0 : i32
      %dma_start3A_439 = tpu.memref_slice %arg10[%dma_start3A_434, %dma_start3A_436, %dma_start3A_437, %dma_start3A_438] : memref<8x2x8x128xf32, #tpu.memory_space<vmem>> -> memref<1x2x8x128xf32, #tpu.memory_space<vmem>>
      %dma_start3A_440 = tpu.memref_squeeze %dma_start3A_439 : memref<1x2x8x128xf32, #tpu.memory_space<vmem>> -> memref<2x8x128xf32, #tpu.memory_space<vmem>>
      %dma_start3A_441 = arith.constant 0 : i32
      %dma_start3A_442 = arith.constant 0 : i32
      %dma_start3A_443 = tpu.memref_slice %arg4[%select_n3A_357, %dma_start3A_435, %select_n3A_373, %dma_start3A_441, %dma_start3A_442] : memref<200x8x32x8x128xf32, #tpu.memory_space<hbm>> -> memref<1x1x2x8x128xf32, #tpu.memory_space<hbm>>
      %dma_start3A_444 = tpu.memref_squeeze %dma_start3A_443 : memref<1x1x2x8x128xf32, #tpu.memory_space<hbm>> -> memref<2x8x128xf32, #tpu.memory_space<hbm>>
      %dma_start3A_445 = arith.constant 0 : i32
      %dma_start3A_446 = arith.constant 0 : i32
      %dma_start3A_447 = tpu.memref_slice %arg4[%select_n3A_357, %dma_start3A_435, %select_n3A_373, %dma_start3A_445, %dma_start3A_446] : memref<200x8x32x8x128xf32, #tpu.memory_space<hbm>> -> memref<1x1x2x8x128xf32, #tpu.memory_space<hbm>>
      %dma_start3A_448 = tpu.memref_squeeze %dma_start3A_447 : memref<1x1x2x8x128xf32, #tpu.memory_space<hbm>> -> memref<2x8x128xf32, #tpu.memory_space<hbm>>
      %dma_start3A_449 = arith.constant 0 : i32
      %dma_start3A_450 = arith.constant 0 : i32
      %dma_start3A_451 = arith.constant 0 : i32
      %dma_start3A_452 = tpu.memref_slice %arg10[%dma_start3A_434, %dma_start3A_449, %dma_start3A_450, %dma_start3A_451] : memref<8x2x8x128xf32, #tpu.memory_space<vmem>> -> memref<1x2x8x128xf32, #tpu.memory_space<vmem>>
      %dma_start3A_453 = tpu.memref_squeeze %dma_start3A_452 : memref<1x2x8x128xf32, #tpu.memory_space<vmem>> -> memref<2x8x128xf32, #tpu.memory_space<vmem>>
      tpu.enqueue_dma source(%dma_start3A_453 : memref<2x8x128xf32, #tpu.memory_space<vmem>>) target(%dma_start3A_448 : memref<2x8x128xf32, #tpu.memory_space<hbm>>) target_semaphore(%arg14 : memref<!tpu.dma_semaphore, #tpu.memory_space<semaphore_mem>>)
      %dma_start3A_454 = arith.constant 4 : i32
      %dma_start3A_455 = arith.constant 4 : i32
      %dma_start3A_456 = arith.constant 0 : i32
      %dma_start3A_457 = arith.constant 0 : i32
      %dma_start3A_458 = arith.constant 0 : i32
      %dma_start3A_459 = tpu.memref_slice %arg10[%dma_start3A_454, %dma_start3A_456, %dma_start3A_457, %dma_start3A_458] : memref<8x2x8x128xf32, #tpu.memory_space<vmem>> -> memref<1x2x8x128xf32, #tpu.memory_space<vmem>>
      %dma_start3A_460 = tpu.memref_squeeze %dma_start3A_459 : memref<1x2x8x128xf32, #tpu.memory_space<vmem>> -> memref<2x8x128xf32, #tpu.memory_space<vmem>>
      %dma_start3A_461 = arith.constant 0 : i32
      %dma_start3A_462 = arith.constant 0 : i32
      %dma_start3A_463 = tpu.memref_slice %arg4[%select_n3A_357, %dma_start3A_455, %select_n3A_373, %dma_start3A_461, %dma_start3A_462] : memref<200x8x32x8x128xf32, #tpu.memory_space<hbm>> -> memref<1x1x2x8x128xf32, #tpu.memory_space<hbm>>
      %dma_start3A_464 = tpu.memref_squeeze %dma_start3A_463 : memref<1x1x2x8x128xf32, #tpu.memory_space<hbm>> -> memref<2x8x128xf32, #tpu.memory_space<hbm>>
      %dma_start3A_465 = arith.constant 0 : i32
      %dma_start3A_466 = arith.constant 0 : i32
      %dma_start3A_467 = tpu.memref_slice %arg4[%select_n3A_357, %dma_start3A_455, %select_n3A_373, %dma_start3A_465, %dma_start3A_466] : memref<200x8x32x8x128xf32, #tpu.memory_space<hbm>> -> memref<1x1x2x8x128xf32, #tpu.memory_space<hbm>>
      %dma_start3A_468 = tpu.memref_squeeze %dma_start3A_467 : memref<1x1x2x8x128xf32, #tpu.memory_space<hbm>> -> memref<2x8x128xf32, #tpu.memory_space<hbm>>
      %dma_start3A_469 = arith.constant 0 : i32
      %dma_start3A_470 = arith.constant 0 : i32
      %dma_start3A_471 = arith.constant 0 : i32
      %dma_start3A_472 = tpu.memref_slice %arg10[%dma_start3A_454, %dma_start3A_469, %dma_start3A_470, %dma_start3A_471] : memref<8x2x8x128xf32, #tpu.memory_space<vmem>> -> memref<1x2x8x128xf32, #tpu.memory_space<vmem>>
      %dma_start3A_473 = tpu.memref_squeeze %dma_start3A_472 : memref<1x2x8x128xf32, #tpu.memory_space<vmem>> -> memref<2x8x128xf32, #tpu.memory_space<vmem>>
      tpu.enqueue_dma source(%dma_start3A_473 : memref<2x8x128xf32, #tpu.memory_space<vmem>>) target(%dma_start3A_468 : memref<2x8x128xf32, #tpu.memory_space<hbm>>) target_semaphore(%arg14 : memref<!tpu.dma_semaphore, #tpu.memory_space<semaphore_mem>>)
      %dma_start3A_474 = arith.constant 5 : i32
      %dma_start3A_475 = arith.constant 5 : i32
      %dma_start3A_476 = arith.constant 0 : i32
      %dma_start3A_477 = arith.constant 0 : i32
      %dma_start3A_478 = arith.constant 0 : i32
      %dma_start3A_479 = tpu.memref_slice %arg10[%dma_start3A_474, %dma_start3A_476, %dma_start3A_477, %dma_start3A_478] : memref<8x2x8x128xf32, #tpu.memory_space<vmem>> -> memref<1x2x8x128xf32, #tpu.memory_space<vmem>>
      %dma_start3A_480 = tpu.memref_squeeze %dma_start3A_479 : memref<1x2x8x128xf32, #tpu.memory_space<vmem>> -> memref<2x8x128xf32, #tpu.memory_space<vmem>>
      %dma_start3A_481 = arith.constant 0 : i32
      %dma_start3A_482 = arith.constant 0 : i32
      %dma_start3A_483 = tpu.memref_slice %arg4[%select_n3A_357, %dma_start3A_475, %select_n3A_373, %dma_start3A_481, %dma_start3A_482] : memref<200x8x32x8x128xf32, #tpu.memory_space<hbm>> -> memref<1x1x2x8x128xf32, #tpu.memory_space<hbm>>
      %dma_start3A_484 = tpu.memref_squeeze %dma_start3A_483 : memref<1x1x2x8x128xf32, #tpu.memory_space<hbm>> -> memref<2x8x128xf32, #tpu.memory_space<hbm>>
      %dma_start3A_485 = arith.constant 0 : i32
      %dma_start3A_486 = arith.constant 0 : i32
      %dma_start3A_487 = tpu.memref_slice %arg4[%select_n3A_357, %dma_start3A_475, %select_n3A_373, %dma_start3A_485, %dma_start3A_486] : memref<200x8x32x8x128xf32, #tpu.memory_space<hbm>> -> memref<1x1x2x8x128xf32, #tpu.memory_space<hbm>>
      %dma_start3A_488 = tpu.memref_squeeze %dma_start3A_487 : memref<1x1x2x8x128xf32, #tpu.memory_space<hbm>> -> memref<2x8x128xf32, #tpu.memory_space<hbm>>
      %dma_start3A_489 = arith.constant 0 : i32
      %dma_start3A_490 = arith.constant 0 : i32
      %dma_start3A_491 = arith.constant 0 : i32
      %dma_start3A_492 = tpu.memref_slice %arg10[%dma_start3A_474, %dma_start3A_489, %dma_start3A_490, %dma_start3A_491] : memref<8x2x8x128xf32, #tpu.memory_space<vmem>> -> memref<1x2x8x128xf32, #tpu.memory_space<vmem>>
      %dma_start3A_493 = tpu.memref_squeeze %dma_start3A_492 : memref<1x2x8x128xf32, #tpu.memory_space<vmem>> -> memref<2x8x128xf32, #tpu.memory_space<vmem>>
      tpu.enqueue_dma source(%dma_start3A_493 : memref<2x8x128xf32, #tpu.memory_space<vmem>>) target(%dma_start3A_488 : memref<2x8x128xf32, #tpu.memory_space<hbm>>) target_semaphore(%arg14 : memref<!tpu.dma_semaphore, #tpu.memory_space<semaphore_mem>>)
      %dma_start3A_494 = arith.constant 6 : i32
      %dma_start3A_495 = arith.constant 6 : i32
      %dma_start3A_496 = arith.constant 0 : i32
      %dma_start3A_497 = arith.constant 0 : i32
      %dma_start3A_498 = arith.constant 0 : i32
      %dma_start3A_499 = tpu.memref_slice %arg10[%dma_start3A_494, %dma_start3A_496, %dma_start3A_497, %dma_start3A_498] : memref<8x2x8x128xf32, #tpu.memory_space<vmem>> -> memref<1x2x8x128xf32, #tpu.memory_space<vmem>>
      %dma_start3A_500 = tpu.memref_squeeze %dma_start3A_499 : memref<1x2x8x128xf32, #tpu.memory_space<vmem>> -> memref<2x8x128xf32, #tpu.memory_space<vmem>>
      %dma_start3A_501 = arith.constant 0 : i32
      %dma_start3A_502 = arith.constant 0 : i32
      %dma_start3A_503 = tpu.memref_slice %arg4[%select_n3A_357, %dma_start3A_495, %select_n3A_373, %dma_start3A_501, %dma_start3A_502] : memref<200x8x32x8x128xf32, #tpu.memory_space<hbm>> -> memref<1x1x2x8x128xf32, #tpu.memory_space<hbm>>
      %dma_start3A_504 = tpu.memref_squeeze %dma_start3A_503 : memref<1x1x2x8x128xf32, #tpu.memory_space<hbm>> -> memref<2x8x128xf32, #tpu.memory_space<hbm>>
      %dma_start3A_505 = arith.constant 0 : i32
      %dma_start3A_506 = arith.constant 0 : i32
      %dma_start3A_507 = tpu.memref_slice %arg4[%select_n3A_357, %dma_start3A_495, %select_n3A_373, %dma_start3A_505, %dma_start3A_506] : memref<200x8x32x8x128xf32, #tpu.memory_space<hbm>> -> memref<1x1x2x8x128xf32, #tpu.memory_space<hbm>>
      %dma_start3A_508 = tpu.memref_squeeze %dma_start3A_507 : memref<1x1x2x8x128xf32, #tpu.memory_space<hbm>> -> memref<2x8x128xf32, #tpu.memory_space<hbm>>
      %dma_start3A_509 = arith.constant 0 : i32
      %dma_start3A_510 = arith.constant 0 : i32
      %dma_start3A_511 = arith.constant 0 : i32
      %dma_start3A_512 = tpu.memref_slice %arg10[%dma_start3A_494, %dma_start3A_509, %dma_start3A_510, %dma_start3A_511] : memref<8x2x8x128xf32, #tpu.memory_space<vmem>> -> memref<1x2x8x128xf32, #tpu.memory_space<vmem>>
      %dma_start3A_513 = tpu.memref_squeeze %dma_start3A_512 : memref<1x2x8x128xf32, #tpu.memory_space<vmem>> -> memref<2x8x128xf32, #tpu.memory_space<vmem>>
      tpu.enqueue_dma source(%dma_start3A_513 : memref<2x8x128xf32, #tpu.memory_space<vmem>>) target(%dma_start3A_508 : memref<2x8x128xf32, #tpu.memory_space<hbm>>) target_semaphore(%arg14 : memref<!tpu.dma_semaphore, #tpu.memory_space<semaphore_mem>>)
      %dma_start3A_514 = arith.constant 7 : i32
      %dma_start3A_515 = arith.constant 7 : i32
      %dma_start3A_516 = arith.constant 0 : i32
      %dma_start3A_517 = arith.constant 0 : i32
      %dma_start3A_518 = arith.constant 0 : i32
      %dma_start3A_519 = tpu.memref_slice %arg10[%dma_start3A_514, %dma_start3A_516, %dma_start3A_517, %dma_start3A_518] : memref<8x2x8x128xf32, #tpu.memory_space<vmem>> -> memref<1x2x8x128xf32, #tpu.memory_space<vmem>>
      %dma_start3A_520 = tpu.memref_squeeze %dma_start3A_519 : memref<1x2x8x128xf32, #tpu.memory_space<vmem>> -> memref<2x8x128xf32, #tpu.memory_space<vmem>>
      %dma_start3A_521 = arith.constant 0 : i32
      %dma_start3A_522 = arith.constant 0 : i32
      %dma_start3A_523 = tpu.memref_slice %arg4[%select_n3A_357, %dma_start3A_515, %select_n3A_373, %dma_start3A_521, %dma_start3A_522] : memref<200x8x32x8x128xf32, #tpu.memory_space<hbm>> -> memref<1x1x2x8x128xf32, #tpu.memory_space<hbm>>
      %dma_start3A_524 = tpu.memref_squeeze %dma_start3A_523 : memref<1x1x2x8x128xf32, #tpu.memory_space<hbm>> -> memref<2x8x128xf32, #tpu.memory_space<hbm>>
      %dma_start3A_525 = arith.constant 0 : i32
      %dma_start3A_526 = arith.constant 0 : i32
      %dma_start3A_527 = tpu.memref_slice %arg4[%select_n3A_357, %dma_start3A_515, %select_n3A_373, %dma_start3A_525, %dma_start3A_526] : memref<200x8x32x8x128xf32, #tpu.memory_space<hbm>> -> memref<1x1x2x8x128xf32, #tpu.memory_space<hbm>>
      %dma_start3A_528 = tpu.memref_squeeze %dma_start3A_527 : memref<1x1x2x8x128xf32, #tpu.memory_space<hbm>> -> memref<2x8x128xf32, #tpu.memory_space<hbm>>
      %dma_start3A_529 = arith.constant 0 : i32
      %dma_start3A_530 = arith.constant 0 : i32
      %dma_start3A_531 = arith.constant 0 : i32
      %dma_start3A_532 = tpu.memref_slice %arg10[%dma_start3A_514, %dma_start3A_529, %dma_start3A_530, %dma_start3A_531] : memref<8x2x8x128xf32, #tpu.memory_space<vmem>> -> memref<1x2x8x128xf32, #tpu.memory_space<vmem>>
      %dma_start3A_533 = tpu.memref_squeeze %dma_start3A_532 : memref<1x2x8x128xf32, #tpu.memory_space<vmem>> -> memref<2x8x128xf32, #tpu.memory_space<vmem>>
      tpu.enqueue_dma source(%dma_start3A_533 : memref<2x8x128xf32, #tpu.memory_space<vmem>>) target(%dma_start3A_528 : memref<2x8x128xf32, #tpu.memory_space<hbm>>) target_semaphore(%arg14 : memref<!tpu.dma_semaphore, #tpu.memory_space<semaphore_mem>>)
    }
    %scan3A_29 = arith.constant 50 : i32
    %dma_wait3A = arith.constant 0 : i32
    %dma_wait3A_30 = arith.constant 0 : i32
    %dma_wait3A_31 = arith.constant 0 : i32
    %dma_wait3A_32 = arith.constant 0 : i32
    %dma_wait3A_33 = arith.constant 0 : i32
    %dma_wait3A_34 = tpu.memref_slice %arg4[%dma_wait3A, %dma_wait3A_30, %dma_wait3A_31, %dma_wait3A_32, %dma_wait3A_33] : memref<200x8x32x8x128xf32, #tpu.memory_space<hbm>> -> memref<1x8x2x8x128xf32, #tpu.memory_space<hbm>>
    %dma_wait3A_35 = tpu.memref_squeeze %dma_wait3A_34 : memref<1x8x2x8x128xf32, #tpu.memory_space<hbm>> -> memref<8x2x8x128xf32, #tpu.memory_space<hbm>>
    %dma_wait3A_36 = arith.constant 0 : i32
    %dma_wait3A_37 = arith.constant 0 : i32
    %dma_wait3A_38 = arith.constant 0 : i32
    %dma_wait3A_39 = arith.constant 0 : i32
    %dma_wait3A_40 = tpu.memref_slice %arg4[%dma_wait3A, %dma_wait3A_36, %dma_wait3A_37, %dma_wait3A_38, %dma_wait3A_39] : memref<200x8x32x8x128xf32, #tpu.memory_space<hbm>> -> memref<1x8x2x8x128xf32, #tpu.memory_space<hbm>>
    %dma_wait3A_41 = tpu.memref_squeeze %dma_wait3A_40 : memref<1x8x2x8x128xf32, #tpu.memory_space<hbm>> -> memref<8x2x8x128xf32, #tpu.memory_space<hbm>>
    tpu.wait_dma2 semaphore(%arg13 : memref<!tpu.dma_semaphore, #tpu.memory_space<semaphore_mem>>) src(%arg9 : memref<8x2x8x128xf32, #tpu.memory_space<vmem>>) dst(%dma_wait3A_41 : memref<8x2x8x128xf32, #tpu.memory_space<hbm>>)
    %dma_wait3A_42 = arith.constant 0 : i32
    %dma_wait3A_43 = arith.constant 0 : i32
    %dma_wait3A_44 = arith.constant 0 : i32
    %dma_wait3A_45 = arith.constant 0 : i32
    %dma_wait3A_46 = arith.constant 0 : i32
    %dma_wait3A_47 = tpu.memref_slice %arg4[%dma_wait3A_42, %dma_wait3A_43, %dma_wait3A_44, %dma_wait3A_45, %dma_wait3A_46] : memref<200x8x32x8x128xf32, #tpu.memory_space<hbm>> -> memref<1x8x2x8x128xf32, #tpu.memory_space<hbm>>
    %dma_wait3A_48 = tpu.memref_squeeze %dma_wait3A_47 : memref<1x8x2x8x128xf32, #tpu.memory_space<hbm>> -> memref<8x2x8x128xf32, #tpu.memory_space<hbm>>
    %dma_wait3A_49 = arith.constant 0 : i32
    %dma_wait3A_50 = arith.constant 0 : i32
    %dma_wait3A_51 = arith.constant 0 : i32
    %dma_wait3A_52 = arith.constant 0 : i32
    %dma_wait3A_53 = tpu.memref_slice %arg4[%dma_wait3A_42, %dma_wait3A_49, %dma_wait3A_50, %dma_wait3A_51, %dma_wait3A_52] : memref<200x8x32x8x128xf32, #tpu.memory_space<hbm>> -> memref<1x8x2x8x128xf32, #tpu.memory_space<hbm>>
    %dma_wait3A_54 = tpu.memref_squeeze %dma_wait3A_53 : memref<1x8x2x8x128xf32, #tpu.memory_space<hbm>> -> memref<8x2x8x128xf32, #tpu.memory_space<hbm>>
    tpu.wait_dma2 semaphore(%arg14 : memref<!tpu.dma_semaphore, #tpu.memory_space<semaphore_mem>>) src(%arg10 : memref<8x2x8x128xf32, #tpu.memory_space<vmem>>) dst(%dma_wait3A_54 : memref<8x2x8x128xf32, #tpu.memory_space<hbm>>)
    return
  }
}

</mosaic_0001>

<sc_bundles>
// kernel: kernel.3.cloned.1.call-start
scs
__scs_entry_jumppad:
0x0: {  	(pc) =	sbr.rel $0x88, $3  }
0x1: {  	(tag) =	ssettag $0x0;
	lr =	simm.s32 $0x1  }
0x2: {  	[smem:$0x3F9F] =	sst lr;
	_ =	strace $0xD0000000  }
0x3: {  	_ = 	snop  }
0x4: {  	_ = 	snop  }
0x5: {  	_ = 	snop  }
0x6: {  	_ = 	snop  }
0x7: {  	_ = 	snop  }
__scs_overlays_trampoline_lowered:
0x8: {  	[smem:$0x3FAE] =	sst s0  }
0x9: {  	[smem:$0x3FAF] =	sst s1  }
0xa: {  	[smem:$0x3FB0] =	sst s2  }
0xb: {  	[smem:$0x3FB1] =	sst s3  }
0xc: {  	[smem:$0x3FB2] =	sst s4  }
0xd: {  	[smem:$0x3FB3] =	sst s5  }
0xe: {  	[smem:$0x3FB4] =	sst s6  }
0xf: {  	[smem:$0x3FB5] =	sst s7  }
0x10: {  	[smem:$0x3FB6] =	sst s8  }
0x11: {  	[smem:$0x3FB7] =	sst s9;
	s0 =	simm.s32 @!p0 $0x0  }
0x12: {  	s1 =	sld [smem:$0x3F9D];
	s0 =	simm.s32 @p0 $0x1  }
0x13: {  	[smem:$0x3FB8] =	sst s0;
	s0 =	simm.s32 @!p1 $0x0  }
0x14: {  	s2 =	sld [smem:$0x3F9C];
	s0 =	simm.s32 @p1 $0x1  }
0x15: {  	[smem:$0x3FB9] =	sst s0;
	s0 =	simm.s32 @!p2 $0x0  }
0x16: {  	s3 =	sld [smem:$0x3FDB];
	s0 =	simm.s32 @p2 $0x1  }
0x17: {  	s4 =	simm.s32 $0x1BF5;
	[smem:$0x3FBB] =	sst s0  }
0x18: {  	s0 =	sld [smem:$0x3F9E];
	_ =	swait.ge [sflag:s4], $0x0  }
0x19: {  	s7 =	sld [smem:$0x3F9F]  }
0x1a: {  	s8 =	sadd.s32 $0xFFFFE003, lr  }
0x1b: {  	s9 =	sadd.s32 $0xFFFFFEF7, lr;
	s5 =	simm.s32 $0xFFFFFFFF;
	p2 =	slt.u32 s8, $0xFFFFF086  }
0x1c: {  	p1 =	slt.u32 s9, $0xF7A;
	s5 =	simm.s32 @!p2 $0x0  }
0x1d: {  	s5 =	simm.s32 @p1 $0x1;
	p0 =	seq.s32 s7, s2  }
0x1e: {  	s7 =	smul.u32 @!p0 $0xF7A, s2;
	p2 =	seq.s32 @!p0 s5, $0x0  }
0x1f: {  	s9 =	smul.u32 $0xF7A, s1;
	s8 =	simm.s32 @!p0 $0x1BF5;
	p2 =	por !p2, p0  }
0x20: {  	[sflag:s8] =	ssyncset.s32 @!p0 $0xFFFFF086;
	s6 =	sadd.s32 @!p0 s3, s7;
	s7 =	simm.s32 @!p0 $0x108  }
0x21: {  	s3 =	sadd.s32 s3, s9;
	s6 =	sadd.s32 @!p0 $0x88, s6;
	s7 =	simm.s32 @p2 $0x1082  }
0x22: {  	[simem:s7], [sflag:s8] =	dma.local @!p0 [hbm:s6], $0xF7A  }
0x23: {  	s9 =	sor.u32 $0xD0000000, s2;
	s6 =	simm.s32 $0x108;
	_ =	swait.ge @!p0 [sflag:s8], $0x0  }
0x24: {  	s3 =	sadd.s32 $0x88, s3;
	s6 =	simm.s32 @!p1 $0x1082;
	[sflag:s4] =	ssyncset.s32 $0xFFFFF086  }
0x25: {  	[simem:s6], [sflag:s4] =	dma.local [hbm:s3], $0xF7A  }
0x26: {  	[smem:$0x3F9F] =	sst s1;
	(tag) =	ssettag s2;
	_ =	strace s9  }
0x27: {  	s1 =	sld [smem:$0x3FAF]  }
0x28: {  	s2 =	sld [smem:$0x3FB0]  }
0x29: {  	s4 =	sld [smem:$0x3FB2]  }
0x2a: {  	p0 =	seq.s32 s5, $0x0;
	s5 =	sld [smem:$0x3FB3]  }
0x2b: {  	s6 =	sld [smem:$0x3FB4]  }
0x2c: {  	s7 =	sld [smem:$0x3FB5]  }
0x2d: {  	s3 =	simm.s32 $0x108;
	s8 =	sld [smem:$0x3FB6]  }
0x2e: {  	s3 =	simm.s32 @!p0 $0x1082;
	s9 =	sld [smem:$0x3FB7]  }
0x2f: {  	lr =	sadd.s32 s0, s3;
	s0 =	sld [smem:$0x3FAE]  }
0x30: {  	s3 =	sld [smem:$0x3FB1]  }
0x31: {  	[smem:$0x3FBA] =	sst s10  }
0x32: {  	s10 =	sld [smem:$0x3FB8];
	_ =	sdelay $0x3  }
0x33: {  	p0 =	seq.s32 s10, $0x1;
	s10 =	sld [smem:$0x3FBA];
	_ =	sdelay $0x3  }
0x34: {  	[smem:$0x3FBA] =	sst s10  }
0x35: {  	s10 =	sld [smem:$0x3FB9];
	_ =	sdelay $0x3  }
0x36: {  	p1 =	seq.s32 s10, $0x1;
	s10 =	sld [smem:$0x3FBA];
	_ =	sdelay $0x3  }
0x37: {  	[smem:$0x3FBA] =	sst s10  }
0x38: {  	s10 =	sld [smem:$0x3FBB]  }
0x39: {  	_ = 	snop;
	(pc) =	sbr.ind lr, $3  }
0x3a: {  	_ = 	snop  }
0x3b: {  	_ = 	snop  }
0x3c: {  	p2 =	seq.s32 s10, $0x1;
	s10 =	sld [smem:$0x3FBA]  }
0x3d: {  	_ =	shalt  }
0x3e: {  	_ =	shalt  }
0x3f: {  	_ =	shalt  }
0x40: {  	_ =	shalt  }
0x41: {  	_ =	shalt  }
0x42: {  	_ =	shalt  }
0x43: {  	_ =	shalt  }
0x44: {  	_ =	shalt  }
0x45: {  	_ =	shalt  }
0x46: {  	_ =	shalt  }
0x47: {  	_ =	shalt  }
0x48: {  	_ =	shalt  }
0x49: {  	_ =	shalt  }
0x4a: {  	_ =	shalt  }
0x4b: {  	_ =	shalt  }
0x4c: {  	_ =	shalt  }
0x4d: {  	_ =	shalt  }
0x4e: {  	_ =	shalt  }
0x4f: {  	_ =	shalt  }
0x50: {  	_ =	shalt  }
0x51: {  	_ =	shalt  }
0x52: {  	_ =	shalt  }
0x53: {  	_ =	shalt  }
0x54: {  	_ =	shalt  }
0x55: {  	_ =	shalt  }
0x56: {  	_ =	shalt  }
0x57: {  	_ =	shalt  }
0x58: {  	_ =	shalt  }
0x59: {  	_ =	shalt  }
0x5a: {  	_ =	shalt  }
0x5b: {  	_ =	shalt  }
0x5c: {  	_ =	shalt  }
0x5d: {  	_ =	shalt  }
0x5e: {  	_ =	shalt  }
0x5f: {  	_ =	shalt  }
0x60: {  	_ =	shalt  }
0x61: {  	_ =	shalt  }
0x62: {  	_ =	shalt  }
0x63: {  	_ =	shalt  }
0x64: {  	_ =	shalt  }
0x65: {  	_ =	shalt  }
0x66: {  	_ =	shalt  }
0x67: {  	_ =	shalt  }
0x68: {  	_ =	shalt  }
0x69: {  	_ =	shalt  }
0x6a: {  	_ =	shalt  }
0x6b: {  	_ =	shalt  }
0x6c: {  	_ =	shalt  }
0x6d: {  	_ =	shalt  }
0x6e: {  	_ =	shalt  }
0x6f: {  	_ =	shalt  }
0x70: {  	_ =	shalt  }
0x71: {  	_ =	shalt  }
0x72: {  	_ =	shalt  }
0x73: {  	_ =	shalt  }
0x74: {  	_ =	shalt  }
0x75: {  	_ =	shalt  }
0x76: {  	_ =	shalt  }
0x77: {  	_ =	shalt  }
0x78: {  	_ =	shalt  }
0x79: {  	_ =	shalt  }
0x7a: {  	_ =	shalt  }
0x7b: {  	_ =	shalt  }
0x7c: {  	_ =	shalt  }
0x7d: {  	_ =	shalt  }
0x7e: {  	_ =	shalt  }
0x7f: {  	_ =	shalt  }
0x80: {  	_ =	shalt  }
0x81: {  	_ =	shalt  }
0x82: {  	_ =	shalt  }
0x83: {  	_ =	shalt  }
0x84: {  	_ =	shalt  }
0x85: {  	_ =	shalt  }
0x86: {  	_ =	shalt  }
0x87: {  	_ =	shalt  }
.Lfunc_end0:
.L_simem_size_0:
called_computation_lowered:
.L_overlay_start_0:
0x88: {  	s2 =	sld [smem:$0x3FD9]  }
0x89: {  	s3 =	sld [smem:$0x3FFE];
	_ =	sdelay $0x1  }
0x8a: {  	s1 =	srdreg.scid  }
0x8b: {  	s0 =	sand.u32 $0x1, s1  }
0x8c: {  	s17 =	sshll.u32 s0, $0xA;
	s2 =	sadd.s32 s3, s2  }
0x8d: {  	s2 =	sadd.s32 s2, s17  }
0x8e: {  	[smem:$0x3FC6] =	sst s2  }
0x8f: {  	_ = 	snop  }
0x90: {  	s2 =	sld [smem:$0x3FD0];
	(tm) =	ssettm $0x1  }
0x91: {  	s18 =	sld [smem:$0x3FFB];
	_ =	sdelay $0x3  }
0x92: {  	_ =	strace s18  }
0x93: {  	s3 =	sld [smem:$0x3FFC];
	_ =	sdelay $0x3  }
0x94: {  	_ =	strace s3  }
0x95: {  	s3 =	sld [smem:$0x3FFD];
	_ =	sdelay $0x3  }
0x96: {  	_ =	strace s3  }
0x97: {  	_ =	strace $0x8FFFFFFF  }
0x98: {  	s19 =	sld [smem:$0x3FDB];
	_ =	sdelay $0x1  }
0x99: {  	s4 =	simm.s32 $_scs_section_size  }
0x9a: {  	s5 =	simm.s32 $_size__tile_overlayer_lowered;
	s6 =	simm.s32 $_tile_overlayer_lowered  }
0x9b: {  	s22 =	simm.s32 $0x1BFF;
	s21 =	sshll.u32 s6, $0x1;
	s3 =	sadd.s32 s4, s19  }
0x9c: {  	s7 =	simm.s32 $0x0;
	s20 =	sshll.u32 s5, $0x1;
	s5 =	sadd.s32 s21, s3  }
0x9d: {  	[timem:s7], [sflag:s22] =	dma.local [hbm:s5], s20  }
0x9e: {  	_ =	swait.ge [sflag:s22], s20  }
0x9f: {  	s4 =	ssub.s32 $0x0, s20;
	[sflag:s22] =	ssyncset.done $0x0  }
0xa0: {  	[sflag:s22] =	ssyncadd.s32 s4;
	_ =	sdelay $0x1  }
0xa1: {  	s23 =	simm.s32 $0x1B8B  }
0xa2: {  	_ =	swait.ge [sflag:s23], $0x1  }
0xa3: {  	[sflag:s23] =	ssyncset.done $0x0  }
0xa4: {  	s25 =	simm.s32 $0x1B8E;
	s24 =	sld [smem:$0x3FFE];
	[sflag:s23] =	ssyncadd.s32 $0xFFFFFFFF  }
0xa5: {  	s26 =	simm.s32 $execute0_lowered;
	[smem:$0x3FD2] =	sst s25  }
0xa6: {  	s5 =	sshll.u32 s26, $0x1;
	_ =	strace $0x80000046;
	[dreg:$0x1] =	wrdreg $0xFFFFFFFF  }
0xa7: {  	s28 =	simm.s32 $_size_execute0_lowered;
	s3 =	sadd.s32 s3, s5;
	[dreg:$0x0] =	wrdreg $0x0  }
0xa8: {  	s5 =	sshll.u32 s28, $0x1;
	[dreg:$0x2] =	wrdreg s3  }
0xa9: {  	[dreg:$0x3] =	wrdreg s5  }
0xaa: {  	[dreg:$0x4] =	wrdreg $0xC0  }
0xab: {  	_ =	task [dreg:s7], $0x5FFFF  }
0xac: {  	[dreg:$0x1] =	wrdreg $0xFFFFFFFF  }
0xad: {  	[dreg:$0x0] =	wrdreg $0x60  }
0xae: {  	[dreg:$0x2] =	wrdreg s24  }
0xaf: {  	[dreg:$0x3] =	wrdreg s2  }
0xb0: {  	[dreg:$0x4] =	wrdreg $0x9  }
0xb1: {  	_ =	task.clear_ibuf [dreg:s7], $0x5FFFF;
	_ =	strace $0x90000046  }
0xb2: {  	s29 =	simm.s32 $0x9;
	_ =	strace $0x80000048  }
0xb3: {  	_ =	swait.ge [sflag:s29], $0x1  }
0xb4: {  	[sflag:s29] =	ssyncadd.s32 $0xFFFFFFFF  }
0xb5: {  	_ =	strace $0x90000048  }
0xb6: {  	_ =	sfence  }
0xb7: {  	s30 =	sld [smem:$0x0];
	_ =	sdelay $0x2  }
0xb8: {  	s31 =	sshll.u32 s1, $0xD;
	s1 =	sshrl.u32 s1, $0x2  }
0xb9: {  	s3 =	sand.u32 $0x4000, s31;
	s1 =	sadd.s32 s1, s30  }
0xba: {  	s0 =	sor.u32 s3, s0;
	s1 =	sshll.u32 s1, $0x11  }
0xbb: {  	s0 =	sor.u32 s1, s0  }
0xbc: {  	s0 =	sadd.s32 $0x8F2B, s0  }
0xbd: {  	[sflag:s0] =	ssyncadd.remote.s32 $0x1  }
0xbe: {  	_ =	sfence.sel $0xFFFF  }
0xbf: {  	[dreg:$0x0] =	wrdreg $0xFFFFFFFF;
	(pc) =	sbr.abs _section_cstart, $3  }
0xc0: {  	[dreg:$0x1] =	wrdreg $0xFFFFFFFF  }
0xc1: {  	_ =	task.clear_ibuf [dreg:s7], $0x2FFFF;
	_ =	strace $0x9FFFFFFF  }
0xc2: {  	(tm) =	ssettm $0x7FFFFFFF  }
0xc3: {  	_ =	shalt  }
tec
execute0_lowered:
.L_overlay_start_1:
0x0: {  	(tag) =	ssettag $0x1  }
0x1: {  	s0 =	rddreg [dreg:$0x0];
	s1 =	srdreg.scid  }
0x2: {  	s3 =	stileid.u32;
	s2 =	rddreg [dreg:$0x1];
	s16 =	simm.s32 $0x80  }
0x3: {  	s21 =	simm.s32 $0x1;
	s22 =	simm.s32 $0xE400;
	s14 =	simm.s32 $0x16D00  }
0x4: {  	s15 =	simm.s32 $0x17500;
	s17 =	simm.s32 $0x17D00;
	s18 =	simm.s32 $0x18500  }
0x5: {  	s19 =	simm.s32 $0x18D00;
	s20 =	simm.s32 $0x19500;
	s23 =	simm.s32 $0x19D00  }
0x6: {  	s24 =	simm.s32 $0x0;
	s1 =	sand.u32 $0x1, s1;
	s4 =	sshll.u32 s3, $0x1  }
0x7: {  	s3 =	simm.s32 $0x0;
	s7 =	sadd.s32 $0x1000, s2;
	s8 =	sadd.s32 $0x2000, s2  }
0x8: {  	s9 =	sadd.s32 $0x3000, s2;
	s10 =	sadd.s32 $0x4000, s2;
	s5 =	sor.u32 s1, s4  }
0x9: {  	s11 =	sadd.s32 $0x5000, s2;
	s12 =	sadd.s32 $0x6000, s2;
	s4 =	smul.u32 $0xC80, s5  }
0xa: {  	s13 =	sadd.s32 $0x7000, s2;
	[smem:$0x7FF] =	sst s3;
	s1 =	ssub.s32 $0x2, s1  }
0xb: {  	_ =	strace $0x80000047;
	s30 =	sshrl.u32 s1, $0x1;
	s6 =	sadd.s32 s4, s0  }
0xc: {  	s4 =	sadd.s32 $0xF42A00, s0;
	s0 =	ssub.s32 s1, s30;
	s31 =	sadd.s32 $0x600, s6  }
0xd: {  	v1 =	vlaneseq.u32;
	s5 =	smul.u32 $0xC8, s5;
	s0 =	smax.u32 s0, $0x1;
	[dreg:$0x3] =	wrdreg s31  }
0xe: {  	v0 =	vmul.u32 $0x41, v1;
	v1 =	vand.u32 $0x7, v1;
	s1 =	simm.s32 $0x2;
	[dreg:$0x4] =	wrdreg s0;
	s0 =	simm.s32 $0x4  }
.LBB2_1:
0xf: {  	[dreg:$0x5] =	wrdreg s24  }
0x10: {  	s6 =	rddreg [dreg:$0x3];
	s29 =	simm.s32 $0x5  }
0x11: {  	[tilespmem:s3], [sflag:$0x5] =	stream.linear.gather [hbm4b:s6+s3], $0x6400, $0x38;
	[tilespmem:$0x1A500] =	vst v63  }
0x12: {  	_ =	swait.ge [sflag:s29], $0x6400  }
0x13: {  	[sflag:s29] =	ssyncset.done $0x0  }
0x14: {  	s30 =	simm.s32 $0x6400;
	[sflag:s29] =	ssyncadd.s32 $0xFFFF9C00  }
0x15: {  	[tilespmem:s30], [sflag:$0x1] =	stream.indirect.gather [hbm4b:s4+s16], $0x40, s3, s16, $0xb8;
	[tilespmem:$0x1A500] =	vst v63  }
0x16: {  	s31 =	simm.s32 $0x8400;
	s24 =	simm.s32 $0x0  }
0x17: {  	[tilespmem:s31], [sflag:$0x1] =	stream.indirect.gather [hbm4b:s4+s16], $0x40, s16, s16, $0xb8;
	[tilespmem:$0x1A500] =	vst v63  }
.LBB2_2:
0x18: {  	s28 =	sshll.u32 s24, $0x2  }
0x19: {  	s25 =	sor.u32 $0x2, s28  }
0x1a: {  	s26 =	sshll.u32 s25, $0x7  }
0x1b: {  	s6 =	simm.s32 $0xA400;
	s26 =	sand.u32 $0x3FFFFF00, s26  }
0x1c: {  	[tilespmem:s6], [sflag:$0x2] =	stream.indirect.gather [hbm4b:s4+s16], $0x40, s26, s16, $0xb8;
	[tilespmem:$0x1A500] =	vst v63  }
0x1d: {  	s6 =	sshll.u32 s24, $0x9  }
0x1e: {  	s26 =	sand.u32 $0x3FFFFE00, s6  }
0x1f: {  	s31 =	simm.s32 $0xC400;
	s29 =	sor.u32 $0x180, s26  }
0x20: {  	[tilespmem:s31], [sflag:$0x2] =	stream.indirect.gather [hbm4b:s4+s16], $0x40, s29, s16, $0xb8;
	[tilespmem:$0x1A500] =	vst v63  }
0x21: {  	_ =	swait.ge [sflag:s21], $0x4000  }
0x22: {  	p0 =	seq.s32 s24, $0x0;
	[sflag:s21] =	ssyncset.done $0x0  }
0x23: {  	s29 =	simm.s32 @!p0 $0x3;
	[sflag:s21] =	ssyncadd.s32 $0xFFFFC000  }
0x24: {  	_ =	swait.ge @!p0 [sflag:s29], $0x4000  }
0x25: {  	[sflag:s29] =	ssyncset.done @!p0 $0x0  }
0x26: {  	s30 =	simm.s32 $0x6500;
	[sflag:s29] =	ssyncadd.s32 @!p0 $0xFFFFC000;
	s29 =	simm.s32 $0x7DC  }
.LBB2_3:
0x27: {  	v2 =	vld [tilespmem:s30+$0xFFFFFF00]  }
0x28: {  	v3 =	vld [tilespmem:s30+$0xFFFFFF10]  }
0x29: {  	v4 =	vld [tilespmem:s30+$0xFFFFFF20]  }
0x2a: {  	v5 =	vld [tilespmem:s30+$0xFFFFFF30]  }
0x2b: {  	v6 =	vld [tilespmem:s30+$0xFFFFFF40]  }
0x2c: {  	v7 =	vld [tilespmem:s30+$0xFFFFFF50]  }
0x2d: {  	v8 =	vld [tilespmem:s30+$0xFFFFFF60]  }
0x2e: {  	v9 =	vld [tilespmem:s30+$0xFFFFFF70]  }
0x2f: {  	v10 =	vld [tilespmem:s30+$0xFFFFFF80]  }
0x30: {  	v11 =	vld [tilespmem:s30+$0xFFFFFF90]  }
0x31: {  	v12 =	vld [tilespmem:s30+$0xFFFFFFA0]  }
0x32: {  	v13 =	vld [tilespmem:s30+$0xFFFFFFB0]  }
0x33: {  	v14 =	vld [tilespmem:s30+$0xFFFFFFC0]  }
0x34: {  	v15 =	vld [tilespmem:s30+$0xFFFFFFD0]  }
0x35: {  	v16 =	vld [tilespmem:s30+$0xFFFFFFE0];
	s31 =	sshra.s32 s29, $0x2  }
0x36: {  	v17 =	vld [tilespmem:s30+$0xFFFFFFF0];
	[tilespmem:s31+$0xE209] =	vst v2  }
0x37: {  	[tilespmem:s31+$0xE219] =	vst v3  }
0x38: {  	[tilespmem:s31+$0xE229] =	vst v4  }
0x39: {  	[tilespmem:s31+$0xE239] =	vst v5  }
0x3a: {  	[tilespmem:s31+$0xE24A] =	vst v6  }
0x3b: {  	[tilespmem:s31+$0xE25A] =	vst v7  }
0x3c: {  	[tilespmem:s31+$0xE26A] =	vst v8  }
0x3d: {  	[tilespmem:s31+$0xE27A] =	vst v9  }
0x3e: {  	[tilespmem:s31+$0xE28B] =	vst v10  }
0x3f: {  	[tilespmem:s31+$0xE29B] =	vst v11  }
0x40: {  	[tilespmem:s31+$0xE2AB] =	vst v12  }
0x41: {  	[tilespmem:s31+$0xE2BB] =	vst v13  }
0x42: {  	[tilespmem:s31+$0xE2CC] =	vst v14  }
0x43: {  	[tilespmem:s31+$0xE2DC] =	vst v15  }
0x44: {  	[tilespmem:s31+$0xE2EC] =	vst v16  }
0x45: {  	[tilespmem:s31+$0xE2FC] =	vst v17  }
0x46: {  	v2 =	vld [tilespmem:s30+$0x0]  }
0x47: {  	v3 =	vld [tilespmem:s30+$0x10]  }
0x48: {  	v4 =	vld [tilespmem:s30+$0x20]  }
0x49: {  	v5 =	vld [tilespmem:s30+$0x30]  }
0x4a: {  	v6 =	vld [tilespmem:s30+$0x40]  }
0x4b: {  	v7 =	vld [tilespmem:s30+$0x50]  }
0x4c: {  	v8 =	vld [tilespmem:s30+$0x60]  }
0x4d: {  	v9 =	vld [tilespmem:s30+$0x70]  }
0x4e: {  	v10 =	vld [tilespmem:s30+$0x80]  }
0x4f: {  	v11 =	vld [tilespmem:s30+$0x90]  }
0x50: {  	v12 =	vld [tilespmem:s30+$0xA0]  }
0x51: {  	v13 =	vld [tilespmem:s30+$0xB0]  }
0x52: {  	v14 =	vld [tilespmem:s30+$0xC0]  }
0x53: {  	v15 =	vld [tilespmem:s30+$0xD0]  }
0x54: {  	v16 =	vld [tilespmem:s30+$0xE0]  }
0x55: {  	v17 =	vld [tilespmem:s30+$0xF0];
	[tilespmem:s31+$0xE30D] =	vst v2  }
0x56: {  	[tilespmem:s31+$0xE31D] =	vst v3  }
0x57: {  	[tilespmem:s31+$0xE32D] =	vst v4  }
0x58: {  	[tilespmem:s31+$0xE33D] =	vst v5  }
0x59: {  	[tilespmem:s31+$0xE34E] =	vst v6  }
0x5a: {  	[tilespmem:s31+$0xE35E] =	vst v7  }
0x5b: {  	[tilespmem:s31+$0xE36E] =	vst v8  }
0x5c: {  	[tilespmem:s31+$0xE37E] =	vst v9  }
0x5d: {  	[tilespmem:s31+$0xE38F] =	vst v10  }
0x5e: {  	[tilespmem:s31+$0xE39F] =	vst v11  }
0x5f: {  	p1 =	sne.s32 s29, $0x103BC;
	[tilespmem:s31+$0xE3AF] =	vst v12  }
.Ltmp0:
0x60: {  	[tilespmem:s31+$0xE3BF] =	vst v13;
	(pc) =	sbr.rel @p1 .LBB2_3-.Ltmp0, $4  }
0x61: {  	[tilespmem:s31+$0xE3D0] =	vst v14  }
0x62: {  	[tilespmem:s31+$0xE3E0] =	vst v15  }
0x63: {  	[tilespmem:s31+$0xE3F0] =	vst v16  }
0x64: {  	s29 =	sadd.s32 $0x820, s29;
	s30 =	sadd.s32 $0x200, s30;
	[tilespmem:s31+$0xE400] =	vst v17  }
0x65: {  	s29 =	simm.s32 $0x0  }
.LBB2_5:
0x66: {  	s30 =	smul.u32 $0x410, s29;
	_ =	sdelay $0x1  }
0x67: {  	v2 =	vadd.s32 s30, v0;
	s6 =	sor.u32 $0x1, s30  }
0x68: {  	s31 =	sadd.s32 $0x2080, s30;
	v2 =	vand.u32 $0x3FF8, v2;
	v4 =	vadd.s32 s6, v0  }
0x69: {  	v3 =	vadd.s32 s31, v0;
	s6 =	sadd.s32 $0x2081, s30;
	v2 =	vor.u32 v1, v2  }
0x6a: {  	v3 =	vand.u32 $0xFFF8, v3;
	v5 =	vadd.s32 s6, v0  }
0x6b: {  	s6 =	sor.u32 $0x2, s30;
	v3 =	vor.u32 v1, v3  }
0x6c: {  	v6 =	vadd.s32 s6, v0;
	s6 =	sadd.s32 $0x2082, s30  }
0x6d: {  	v7 =	vadd.s32 s6, v0;
	s6 =	sor.u32 $0x3, s30;
	v4 =	vld.idx.msk [tilespmem:v4+s22+$0x0], $0xffff  }
0x6e: {  	v8 =	vadd.s32 s6, v0;
	s6 =	sadd.s32 $0x2083, s30;
	v2 =	vld.idx.msk [tilespmem:v2+s22+$0x0], $0xffff  }
0x6f: {  	v9 =	vadd.s32 s6, v0;
	s6 =	sor.u32 $0x4, s30;
	v5 =	vld.idx.msk [tilespmem:v5+s22+$0x0], $0xffff  }
0x70: {  	v10 =	vadd.s32 s6, v0;
	s6 =	sadd.s32 $0x2084, s30;
	v3 =	vld.idx.msk [tilespmem:v3+s22+$0x0], $0xffff  }
0x71: {  	v11 =	vadd.s32 s6, v0;
	s6 =	sor.u32 $0x5, s30;
	v6 =	vld.idx.msk [tilespmem:v6+s22+$0x0], $0xffff  }
0x72: {  	v12 =	vadd.s32 s6, v0;
	s6 =	sadd.s32 $0x2085, s30;
	v7 =	vld.idx.msk [tilespmem:v7+s22+$0x0], $0xffff  }
0x73: {  	v13 =	vadd.s32 s6, v0;
	s6 =	sor.u32 $0x6, s30;
	v8 =	vld.idx.msk [tilespmem:v8+s22+$0x0], $0xffff  }
0x74: {  	v14 =	vadd.s32 s6, v0;
	s6 =	sadd.s32 $0x2086, s30;
	v9 =	vld.idx.msk [tilespmem:v9+s22+$0x0], $0xffff  }
0x75: {  	v15 =	vadd.s32 s6, v0;
	s6 =	sor.u32 $0x7, s30;
	v10 =	vld.idx.msk [tilespmem:v10+s22+$0x0], $0xffff  }
0x76: {  	v16 =	vadd.s32 s6, v0;
	s6 =	sadd.s32 $0x2087, s30;
	v11 =	vld.idx.msk [tilespmem:v11+s22+$0x0], $0xffff  }
0x77: {  	v17 =	vadd.s32 s6, v0;
	v12 =	vld.idx.msk [tilespmem:v12+s22+$0x0], $0xffff  }
0x78: {  	v13 =	vld.idx.msk [tilespmem:v13+s22+$0x0], $0xffff  }
0x79: {  	v14 =	vld.idx.msk [tilespmem:v14+s22+$0x0], $0xffff  }
0x7a: {  	s6 =	sshll.u32 s29, $0x4;
	v15 =	vld.idx.msk [tilespmem:v15+s22+$0x0], $0xffff  }
0x7b: {  	s31 =	sand.u32 $0x3FFFFFF0, s6;
	v16 =	vld.idx.msk [tilespmem:v16+s22+$0x0], $0xffff  }
0x7c: {  	v17 =	vld.idx.msk [tilespmem:v17+s22+$0x0], $0xffff;
	[tilespmem:s31+$0x12500] =	vst v2  }
0x7d: {  	[tilespmem:s31+$0x12900] =	vst v3  }
0x7e: {  	[tilespmem:s31+$0x12580] =	vst v4  }
0x7f: {  	[tilespmem:s31+$0x12980] =	vst v5  }
0x80: {  	[tilespmem:s31+$0x12600] =	vst v6  }
0x81: {  	[tilespmem:s31+$0x12A00] =	vst v7  }
0x82: {  	[tilespmem:s31+$0x12680] =	vst v8  }
0x83: {  	[tilespmem:s31+$0x12A80] =	vst v9  }
0x84: {  	s6 =	sor.u32 $0x8, s30;
	[tilespmem:s31+$0x12700] =	vst v10  }
0x85: {  	v2 =	vadd.s32 s6, v0;
	[tilespmem:s31+$0x12B00] =	vst v11  }
0x86: {  	s6 =	sadd.s32 $0x2088, s30;
	[tilespmem:s31+$0x12780] =	vst v12;
	v2 =	vand.u32 $0x3FF8, v2  }
0x87: {  	v3 =	vadd.s32 s6, v0;
	[tilespmem:s31+$0x12B80] =	vst v13;
	s6 =	sor.u32 $0x9, s30;
	v2 =	vor.u32 v1, v2  }
0x88: {  	v3 =	vand.u32 $0xFFF8, v3;
	[tilespmem:s31+$0x12800] =	vst v14;
	v54 =	vadd.s32 s6, v0  }
0x89: {  	s6 =	sadd.s32 $0x2089, s30;
	v3 =	vor.u32 v1, v3;
	[tilespmem:s31+$0x12C00] =	vst v15  }
0x8a: {  	v55 =	vadd.s32 s6, v0;
	s6 =	sor.u32 $0xA, s30;
	[tilespmem:s31+$0x12880] =	vst v16  }
0x8b: {  	v56 =	vadd.s32 s6, v0;
	s6 =	sadd.s32 $0x208A, s30;
	[tilespmem:s31+$0x12C80] =	vst v17  }
0x8c: {  	v57 =	vadd.s32 s6, v0;
	s6 =	sor.u32 $0xB, s30;
	v2 =	vld.idx.msk [tilespmem:v2+s22+$0x0], $0xffff  }
0x8d: {  	v58 =	vadd.s32 s6, v0;
	s6 =	sadd.s32 $0x208B, s30;
	v4 =	vld.idx.msk [tilespmem:v54+s22+$0x0], $0xffff  }
0x8e: {  	v59 =	vadd.s32 s6, v0;
	s6 =	sor.u32 $0xC, s30;
	v3 =	vld.idx.msk [tilespmem:v3+s22+$0x0], $0xffff  }
0x8f: {  	v60 =	vadd.s32 s6, v0;
	s6 =	sadd.s32 $0x208C, s30;
	v5 =	vld.idx.msk [tilespmem:v55+s22+$0x0], $0xffff  }
0x90: {  	v61 =	vadd.s32 s6, v0;
	s6 =	sor.u32 $0xD, s30;
	v6 =	vld.idx.msk [tilespmem:v56+s22+$0x0], $0xffff  }
0x91: {  	v62 =	vadd.s32 s6, v0;
	s6 =	sadd.s32 $0x208D, s30;
	v7 =	vld.idx.msk [tilespmem:v57+s22+$0x0], $0xffff  }
0x92: {  	v63 =	vadd.s32 s6, v0;
	s6 =	sor.u32 $0xE, s30;
	v8 =	vld.idx.msk [tilespmem:v58+s22+$0x0], $0xffff  }
0x93: {  	v20 =	vadd.s32 s6, v0;
	s6 =	sadd.s32 $0x208E, s30;
	v9 =	vld.idx.msk [tilespmem:v59+s22+$0x0], $0xffff  }
0x94: {  	v21 =	vadd.s32 s6, v0;
	s6 =	sor.u32 $0xF, s30;
	v10 =	vld.idx.msk [tilespmem:v60+s22+$0x0], $0xffff  }
0x95: {  	v22 =	vadd.s32 s6, v0;
	s6 =	sadd.s32 $0x208F, s30;
	v11 =	vld.idx.msk [tilespmem:v61+s22+$0x0], $0xffff  }
0x96: {  	v23 =	vadd.s32 s6, v0;
	v12 =	vld.idx.msk [tilespmem:v62+s22+$0x0], $0xffff  }
0x97: {  	v13 =	vld.idx.msk [tilespmem:v63+s22+$0x0], $0xffff  }
0x98: {  	v14 =	vld.idx.msk [tilespmem:v20+s22+$0x0], $0xffff  }
0x99: {  	v15 =	vld.idx.msk [tilespmem:v21+s22+$0x0], $0xffff  }
0x9a: {  	v16 =	vld.idx.msk [tilespmem:v22+s22+$0x0], $0xffff  }
0x9b: {  	v17 =	vld.idx.msk [tilespmem:v23+s22+$0x0], $0xffff;
	[tilespmem:s31+$0x12D00] =	vst v2  }
0x9c: {  	[tilespmem:s31+$0x13100] =	vst v3  }
0x9d: {  	[tilespmem:s31+$0x12D80] =	vst v4  }
0x9e: {  	[tilespmem:s31+$0x13180] =	vst v5  }
0x9f: {  	[tilespmem:s31+$0x12E00] =	vst v6  }
0xa0: {  	[tilespmem:s31+$0x13200] =	vst v7  }
0xa1: {  	[tilespmem:s31+$0x12E80] =	vst v8  }
0xa2: {  	[tilespmem:s31+$0x13280] =	vst v9  }
0xa3: {  	s6 =	sadd.s32 $0x10, s30;
	[tilespmem:s31+$0x12F00] =	vst v10  }
0xa4: {  	v2 =	vadd.s32 s6, v0;
	[tilespmem:s31+$0x13300] =	vst v11  }
0xa5: {  	s6 =	sadd.s32 $0x2090, s30;
	[tilespmem:s31+$0x12F80] =	vst v12;
	v2 =	vand.u32 $0x7FF8, v2  }
0xa6: {  	v3 =	vadd.s32 s6, v0;
	[tilespmem:s31+$0x13380] =	vst v13;
	s6 =	sadd.s32 $0x11, s30;
	v2 =	vor.u32 v1, v2  }
0xa7: {  	v3 =	vand.u32 $0xFFF8, v3;
	[tilespmem:s31+$0x13000] =	vst v14;
	v24 =	vadd.s32 s6, v0  }
0xa8: {  	s6 =	sadd.s32 $0x2091, s30;
	v3 =	vor.u32 v1, v3;
	[tilespmem:s31+$0x13400] =	vst v15  }
0xa9: {  	v25 =	vadd.s32 s6, v0;
	s6 =	sadd.s32 $0x12, s30;
	[tilespmem:s31+$0x13080] =	vst v16  }
0xaa: {  	v26 =	vadd.s32 s6, v0;
	s6 =	sadd.s32 $0x2092, s30;
	[tilespmem:s31+$0x13480] =	vst v17  }
0xab: {  	v27 =	vadd.s32 s6, v0;
	s6 =	sadd.s32 $0x13, s30;
	v2 =	vld.idx.msk [tilespmem:v2+s22+$0x0], $0xffff  }
0xac: {  	v28 =	vadd.s32 s6, v0;
	s6 =	sadd.s32 $0x2093, s30;
	v4 =	vld.idx.msk [tilespmem:v24+s22+$0x0], $0xffff  }
0xad: {  	v29 =	vadd.s32 s6, v0;
	s6 =	sadd.s32 $0x14, s30;
	v3 =	vld.idx.msk [tilespmem:v3+s22+$0x0], $0xffff  }
0xae: {  	v30 =	vadd.s32 s6, v0;
	s6 =	sadd.s32 $0x2094, s30;
	v5 =	vld.idx.msk [tilespmem:v25+s22+$0x0], $0xffff  }
0xaf: {  	v31 =	vadd.s32 s6, v0;
	s6 =	sadd.s32 $0x15, s30;
	v6 =	vld.idx.msk [tilespmem:v26+s22+$0x0], $0xffff  }
0xb0: {  	v32 =	vadd.s32 s6, v0;
	s6 =	sadd.s32 $0x2095, s30;
	v7 =	vld.idx.msk [tilespmem:v27+s22+$0x0], $0xffff  }
0xb1: {  	v33 =	vadd.s32 s6, v0;
	s6 =	sadd.s32 $0x16, s30;
	v8 =	vld.idx.msk [tilespmem:v28+s22+$0x0], $0xffff  }
0xb2: {  	v34 =	vadd.s32 s6, v0;
	s6 =	sadd.s32 $0x2096, s30;
	v9 =	vld.idx.msk [tilespmem:v29+s22+$0x0], $0xffff  }
0xb3: {  	v35 =	vadd.s32 s6, v0;
	s6 =	sadd.s32 $0x17, s30;
	v10 =	vld.idx.msk [tilespmem:v30+s22+$0x0], $0xffff  }
0xb4: {  	v36 =	vadd.s32 s6, v0;
	s6 =	sadd.s32 $0x2097, s30;
	v11 =	vld.idx.msk [tilespmem:v31+s22+$0x0], $0xffff  }
0xb5: {  	v37 =	vadd.s32 s6, v0;
	v12 =	vld.idx.msk [tilespmem:v32+s22+$0x0], $0xffff  }
0xb6: {  	v13 =	vld.idx.msk [tilespmem:v33+s22+$0x0], $0xffff  }
0xb7: {  	v14 =	vld.idx.msk [tilespmem:v34+s22+$0x0], $0xffff  }
0xb8: {  	v15 =	vld.idx.msk [tilespmem:v35+s22+$0x0], $0xffff  }
0xb9: {  	v16 =	vld.idx.msk [tilespmem:v36+s22+$0x0], $0xffff  }
0xba: {  	v17 =	vld.idx.msk [tilespmem:v37+s22+$0x0], $0xffff;
	[tilespmem:s31+$0x13500] =	vst v2  }
0xbb: {  	[tilespmem:s31+$0x13900] =	vst v3  }
0xbc: {  	[tilespmem:s31+$0x13580] =	vst v4  }
0xbd: {  	[tilespmem:s31+$0x13980] =	vst v5  }
0xbe: {  	[tilespmem:s31+$0x13600] =	vst v6  }
0xbf: {  	[tilespmem:s31+$0x13A00] =	vst v7  }
0xc0: {  	[tilespmem:s31+$0x13680] =	vst v8  }
0xc1: {  	[tilespmem:s31+$0x13A80] =	vst v9  }
0xc2: {  	s6 =	sadd.s32 $0x18, s30;
	[tilespmem:s31+$0x13700] =	vst v10  }
0xc3: {  	v2 =	vadd.s32 s6, v0;
	[tilespmem:s31+$0x13B00] =	vst v11  }
0xc4: {  	s6 =	sadd.s32 $0x2098, s30;
	[tilespmem:s31+$0x13780] =	vst v12;
	v2 =	vand.u32 $0x7FF8, v2  }
0xc5: {  	v3 =	vadd.s32 s6, v0;
	[tilespmem:s31+$0x13B80] =	vst v13;
	s6 =	sadd.s32 $0x19, s30;
	v2 =	vor.u32 v1, v2  }
0xc6: {  	v3 =	vand.u32 $0xFFF8, v3;
	[tilespmem:s31+$0x13800] =	vst v14;
	v38 =	vadd.s32 s6, v0  }
0xc7: {  	s6 =	sadd.s32 $0x2099, s30;
	v3 =	vor.u32 v1, v3;
	[tilespmem:s31+$0x13C00] =	vst v15  }
0xc8: {  	v39 =	vadd.s32 s6, v0;
	s6 =	sadd.s32 $0x1A, s30;
	[tilespmem:s31+$0x13880] =	vst v16  }
0xc9: {  	v40 =	vadd.s32 s6, v0;
	s6 =	sadd.s32 $0x209A, s30;
	[tilespmem:s31+$0x13C80] =	vst v17  }
0xca: {  	v41 =	vadd.s32 s6, v0;
	s6 =	sadd.s32 $0x1B, s30;
	v2 =	vld.idx.msk [tilespmem:v2+s22+$0x0], $0xffff  }
0xcb: {  	v42 =	vadd.s32 s6, v0;
	s6 =	sadd.s32 $0x209B, s30;
	v4 =	vld.idx.msk [tilespmem:v38+s22+$0x0], $0xffff  }
0xcc: {  	v43 =	vadd.s32 s6, v0;
	s6 =	sadd.s32 $0x1C, s30;
	v3 =	vld.idx.msk [tilespmem:v3+s22+$0x0], $0xffff  }
0xcd: {  	v44 =	vadd.s32 s6, v0;
	s6 =	sadd.s32 $0x209C, s30;
	v5 =	vld.idx.msk [tilespmem:v39+s22+$0x0], $0xffff  }
0xce: {  	v45 =	vadd.s32 s6, v0;
	s6 =	sadd.s32 $0x1D, s30;
	v6 =	vld.idx.msk [tilespmem:v40+s22+$0x0], $0xffff  }
0xcf: {  	v46 =	vadd.s32 s6, v0;
	s6 =	sadd.s32 $0x209D, s30;
	v7 =	vld.idx.msk [tilespmem:v41+s22+$0x0], $0xffff  }
0xd0: {  	v47 =	vadd.s32 s6, v0;
	s6 =	sadd.s32 $0x1E, s30;
	v8 =	vld.idx.msk [tilespmem:v42+s22+$0x0], $0xffff  }
0xd1: {  	v48 =	vadd.s32 s6, v0;
	s6 =	sadd.s32 $0x209E, s30;
	v9 =	vld.idx.msk [tilespmem:v43+s22+$0x0], $0xffff  }
0xd2: {  	v49 =	vadd.s32 s6, v0;
	s6 =	sadd.s32 $0x1F, s30;
	v10 =	vld.idx.msk [tilespmem:v44+s22+$0x0], $0xffff  }
0xd3: {  	v50 =	vadd.s32 s6, v0;
	s6 =	sadd.s32 $0x209F, s30;
	v11 =	vld.idx.msk [tilespmem:v45+s22+$0x0], $0xffff  }
0xd4: {  	v51 =	vadd.s32 s6, v0;
	v12 =	vld.idx.msk [tilespmem:v46+s22+$0x0], $0xffff  }
0xd5: {  	v13 =	vld.idx.msk [tilespmem:v47+s22+$0x0], $0xffff  }
0xd6: {  	v14 =	vld.idx.msk [tilespmem:v48+s22+$0x0], $0xffff  }
0xd7: {  	v15 =	vld.idx.msk [tilespmem:v49+s22+$0x0], $0xffff  }
0xd8: {  	v16 =	vld.idx.msk [tilespmem:v50+s22+$0x0], $0xffff  }
0xd9: {  	v17 =	vld.idx.msk [tilespmem:v51+s22+$0x0], $0xffff;
	[tilespmem:s31+$0x13D00] =	vst v2  }
0xda: {  	[tilespmem:s31+$0x14100] =	vst v3  }
0xdb: {  	[tilespmem:s31+$0x13D80] =	vst v4  }
0xdc: {  	[tilespmem:s31+$0x14180] =	vst v5  }
0xdd: {  	[tilespmem:s31+$0x13E00] =	vst v6  }
0xde: {  	[tilespmem:s31+$0x14200] =	vst v7  }
0xdf: {  	[tilespmem:s31+$0x13E80] =	vst v8  }
0xe0: {  	[tilespmem:s31+$0x14280] =	vst v9  }
0xe1: {  	s6 =	sadd.s32 $0x20, s30;
	[tilespmem:s31+$0x13F00] =	vst v10  }
0xe2: {  	v2 =	vadd.s32 s6, v0;
	[tilespmem:s31+$0x14300] =	vst v11  }
0xe3: {  	s6 =	sadd.s32 $0x20A0, s30;
	[tilespmem:s31+$0x13F80] =	vst v12;
	v2 =	vand.u32 $0x7FF8, v2  }
0xe4: {  	v3 =	vadd.s32 s6, v0;
	[tilespmem:s31+$0x14380] =	vst v13;
	s6 =	sadd.s32 $0x21, s30;
	v2 =	vor.u32 v1, v2  }
0xe5: {  	v3 =	vand.u32 $0xFFF8, v3;
	[tilespmem:s31+$0x14000] =	vst v14;
	v52 =	vadd.s32 s6, v0  }
0xe6: {  	s6 =	sadd.s32 $0x20A1, s30;
	v3 =	vor.u32 v1, v3;
	[tilespmem:s31+$0x14400] =	vst v15  }
0xe7: {  	v53 =	vadd.s32 s6, v0;
	s6 =	sadd.s32 $0x22, s30;
	[tilespmem:s31+$0x14080] =	vst v16  }
0xe8: {  	v54 =	vadd.s32 s6, v0;
	s6 =	sadd.s32 $0x20A2, s30;
	[tilespmem:s31+$0x14480] =	vst v17  }
0xe9: {  	v55 =	vadd.s32 s6, v0;
	s6 =	sadd.s32 $0x23, s30;
	v2 =	vld.idx.msk [tilespmem:v2+s22+$0x0], $0xffff  }
0xea: {  	v56 =	vadd.s32 s6, v0;
	s6 =	sadd.s32 $0x20A3, s30;
	v4 =	vld.idx.msk [tilespmem:v52+s22+$0x0], $0xffff  }
0xeb: {  	v57 =	vadd.s32 s6, v0;
	s6 =	sadd.s32 $0x24, s30;
	v3 =	vld.idx.msk [tilespmem:v3+s22+$0x0], $0xffff  }
0xec: {  	v58 =	vadd.s32 s6, v0;
	s6 =	sadd.s32 $0x20A4, s30;
	v5 =	vld.idx.msk [tilespmem:v53+s22+$0x0], $0xffff  }
0xed: {  	v59 =	vadd.s32 s6, v0;
	s6 =	sadd.s32 $0x25, s30;
	v6 =	vld.idx.msk [tilespmem:v54+s22+$0x0], $0xffff  }
0xee: {  	v60 =	vadd.s32 s6, v0;
	s6 =	sadd.s32 $0x20A5, s30;
	v7 =	vld.idx.msk [tilespmem:v55+s22+$0x0], $0xffff  }
0xef: {  	v61 =	vadd.s32 s6, v0;
	s6 =	sadd.s32 $0x26, s30;
	v8 =	vld.idx.msk [tilespmem:v56+s22+$0x0], $0xffff  }
0xf0: {  	v62 =	vadd.s32 s6, v0;
	s6 =	sadd.s32 $0x20A6, s30;
	v9 =	vld.idx.msk [tilespmem:v57+s22+$0x0], $0xffff  }
0xf1: {  	v63 =	vadd.s32 s6, v0;
	s6 =	sadd.s32 $0x27, s30;
	v10 =	vld.idx.msk [tilespmem:v58+s22+$0x0], $0xffff  }
0xf2: {  	v20 =	vadd.s32 s6, v0;
	s6 =	sadd.s32 $0x20A7, s30;
	v11 =	vld.idx.msk [tilespmem:v59+s22+$0x0], $0xffff  }
0xf3: {  	v21 =	vadd.s32 s6, v0;
	v12 =	vld.idx.msk [tilespmem:v60+s22+$0x0], $0xffff  }
0xf4: {  	v13 =	vld.idx.msk [tilespmem:v61+s22+$0x0], $0xffff  }
0xf5: {  	v14 =	vld.idx.msk [tilespmem:v62+s22+$0x0], $0xffff  }
0xf6: {  	v15 =	vld.idx.msk [tilespmem:v63+s22+$0x0], $0xffff  }
0xf7: {  	v16 =	vld.idx.msk [tilespmem:v20+s22+$0x0], $0xffff  }
0xf8: {  	v17 =	vld.idx.msk [tilespmem:v21+s22+$0x0], $0xffff;
	[tilespmem:s31+$0x14500] =	vst v2  }
0xf9: {  	[tilespmem:s31+$0x14900] =	vst v3  }
0xfa: {  	[tilespmem:s31+$0x14580] =	vst v4  }
0xfb: {  	[tilespmem:s31+$0x14980] =	vst v5  }
0xfc: {  	[tilespmem:s31+$0x14600] =	vst v6  }
0xfd: {  	[tilespmem:s31+$0x14A00] =	vst v7  }
0xfe: {  	[tilespmem:s31+$0x14680] =	vst v8  }
0xff: {  	[tilespmem:s31+$0x14A80] =	vst v9  }
0x100: {  	s6 =	sadd.s32 $0x28, s30;
	[tilespmem:s31+$0x14700] =	vst v10  }
0x101: {  	v2 =	vadd.s32 s6, v0;
	[tilespmem:s31+$0x14B00] =	vst v11  }
0x102: {  	s6 =	sadd.s32 $0x20A8, s30;
	[tilespmem:s31+$0x14780] =	vst v12;
	v2 =	vand.u32 $0x7FF8, v2  }
0x103: {  	v3 =	vadd.s32 s6, v0;
	[tilespmem:s31+$0x14B80] =	vst v13;
	s6 =	sadd.s32 $0x29, s30;
	v2 =	vor.u32 v1, v2  }
0x104: {  	v3 =	vand.u32 $0xFFF8, v3;
	[tilespmem:s31+$0x14800] =	vst v14;
	v22 =	vadd.s32 s6, v0  }
0x105: {  	s6 =	sadd.s32 $0x20A9, s30;
	v3 =	vor.u32 v1, v3;
	[tilespmem:s31+$0x14C00] =	vst v15  }
0x106: {  	v23 =	vadd.s32 s6, v0;
	s6 =	sadd.s32 $0x2A, s30;
	[tilespmem:s31+$0x14880] =	vst v16  }
0x107: {  	v24 =	vadd.s32 s6, v0;
	s6 =	sadd.s32 $0x20AA, s30;
	[tilespmem:s31+$0x14C80] =	vst v17  }
0x108: {  	v25 =	vadd.s32 s6, v0;
	s6 =	sadd.s32 $0x2B, s30;
	v2 =	vld.idx.msk [tilespmem:v2+s22+$0x0], $0xffff  }
0x109: {  	v26 =	vadd.s32 s6, v0;
	s6 =	sadd.s32 $0x20AB, s30;
	v4 =	vld.idx.msk [tilespmem:v22+s22+$0x0], $0xffff  }
0x10a: {  	v27 =	vadd.s32 s6, v0;
	s6 =	sadd.s32 $0x2C, s30;
	v3 =	vld.idx.msk [tilespmem:v3+s22+$0x0], $0xffff  }
0x10b: {  	v28 =	vadd.s32 s6, v0;
	s6 =	sadd.s32 $0x20AC, s30;
	v5 =	vld.idx.msk [tilespmem:v23+s22+$0x0], $0xffff  }
0x10c: {  	v29 =	vadd.s32 s6, v0;
	s6 =	sadd.s32 $0x2D, s30;
	v6 =	vld.idx.msk [tilespmem:v24+s22+$0x0], $0xffff  }
0x10d: {  	v30 =	vadd.s32 s6, v0;
	s6 =	sadd.s32 $0x20AD, s30;
	v7 =	vld.idx.msk [tilespmem:v25+s22+$0x0], $0xffff  }
0x10e: {  	v31 =	vadd.s32 s6, v0;
	s6 =	sadd.s32 $0x2E, s30;
	v8 =	vld.idx.msk [tilespmem:v26+s22+$0x0], $0xffff  }
0x10f: {  	v32 =	vadd.s32 s6, v0;
	s6 =	sadd.s32 $0x20AE, s30;
	v9 =	vld.idx.msk [tilespmem:v27+s22+$0x0], $0xffff  }
0x110: {  	v33 =	vadd.s32 s6, v0;
	s6 =	sadd.s32 $0x2F, s30;
	v10 =	vld.idx.msk [tilespmem:v28+s22+$0x0], $0xffff  }
0x111: {  	v34 =	vadd.s32 s6, v0;
	s6 =	sadd.s32 $0x20AF, s30;
	v11 =	vld.idx.msk [tilespmem:v29+s22+$0x0], $0xffff  }
0x112: {  	v35 =	vadd.s32 s6, v0;
	v12 =	vld.idx.msk [tilespmem:v30+s22+$0x0], $0xffff  }
0x113: {  	v13 =	vld.idx.msk [tilespmem:v31+s22+$0x0], $0xffff  }
0x114: {  	v14 =	vld.idx.msk [tilespmem:v32+s22+$0x0], $0xffff  }
0x115: {  	v15 =	vld.idx.msk [tilespmem:v33+s22+$0x0], $0xffff  }
0x116: {  	v16 =	vld.idx.msk [tilespmem:v34+s22+$0x0], $0xffff  }
0x117: {  	v17 =	vld.idx.msk [tilespmem:v35+s22+$0x0], $0xffff;
	[tilespmem:s31+$0x14D00] =	vst v2  }
0x118: {  	[tilespmem:s31+$0x15100] =	vst v3  }
0x119: {  	[tilespmem:s31+$0x14D80] =	vst v4  }
0x11a: {  	[tilespmem:s31+$0x15180] =	vst v5  }
0x11b: {  	[tilespmem:s31+$0x14E00] =	vst v6  }
0x11c: {  	[tilespmem:s31+$0x15200] =	vst v7  }
0x11d: {  	[tilespmem:s31+$0x14E80] =	vst v8  }
0x11e: {  	[tilespmem:s31+$0x15280] =	vst v9  }
0x11f: {  	s6 =	sadd.s32 $0x30, s30;
	[tilespmem:s31+$0x14F00] =	vst v10  }
0x120: {  	v2 =	vadd.s32 s6, v0;
	[tilespmem:s31+$0x15300] =	vst v11  }
0x121: {  	s6 =	sadd.s32 $0x20B0, s30;
	[tilespmem:s31+$0x14F80] =	vst v12;
	v2 =	vand.u32 $0x7FF8, v2  }
0x122: {  	v3 =	vadd.s32 s6, v0;
	[tilespmem:s31+$0x15380] =	vst v13;
	s6 =	sadd.s32 $0x31, s30;
	v2 =	vor.u32 v1, v2  }
0x123: {  	v3 =	vand.u32 $0xFFF8, v3;
	[tilespmem:s31+$0x15000] =	vst v14;
	v36 =	vadd.s32 s6, v0  }
0x124: {  	s6 =	sadd.s32 $0x20B1, s30;
	v3 =	vor.u32 v1, v3;
	[tilespmem:s31+$0x15400] =	vst v15  }
0x125: {  	v37 =	vadd.s32 s6, v0;
	s6 =	sadd.s32 $0x32, s30;
	[tilespmem:s31+$0x15080] =	vst v16  }
0x126: {  	v38 =	vadd.s32 s6, v0;
	s6 =	sadd.s32 $0x20B2, s30;
	[tilespmem:s31+$0x15480] =	vst v17  }
0x127: {  	v39 =	vadd.s32 s6, v0;
	s6 =	sadd.s32 $0x33, s30;
	v2 =	vld.idx.msk [tilespmem:v2+s22+$0x0], $0xffff  }
0x128: {  	v40 =	vadd.s32 s6, v0;
	s6 =	sadd.s32 $0x20B3, s30;
	v4 =	vld.idx.msk [tilespmem:v36+s22+$0x0], $0xffff  }
0x129: {  	v41 =	vadd.s32 s6, v0;
	s6 =	sadd.s32 $0x34, s30;
	v3 =	vld.idx.msk [tilespmem:v3+s22+$0x0], $0xffff  }
0x12a: {  	v42 =	vadd.s32 s6, v0;
	s6 =	sadd.s32 $0x20B4, s30;
	v5 =	vld.idx.msk [tilespmem:v37+s22+$0x0], $0xffff  }
0x12b: {  	v43 =	vadd.s32 s6, v0;
	s6 =	sadd.s32 $0x35, s30;
	v6 =	vld.idx.msk [tilespmem:v38+s22+$0x0], $0xffff  }
0x12c: {  	v44 =	vadd.s32 s6, v0;
	s6 =	sadd.s32 $0x20B5, s30;
	v7 =	vld.idx.msk [tilespmem:v39+s22+$0x0], $0xffff  }
0x12d: {  	v45 =	vadd.s32 s6, v0;
	s6 =	sadd.s32 $0x36, s30;
	v8 =	vld.idx.msk [tilespmem:v40+s22+$0x0], $0xffff  }
0x12e: {  	v46 =	vadd.s32 s6, v0;
	s6 =	sadd.s32 $0x20B6, s30;
	v9 =	vld.idx.msk [tilespmem:v41+s22+$0x0], $0xffff  }
0x12f: {  	v47 =	vadd.s32 s6, v0;
	s6 =	sadd.s32 $0x37, s30;
	v10 =	vld.idx.msk [tilespmem:v42+s22+$0x0], $0xffff  }
0x130: {  	v48 =	vadd.s32 s6, v0;
	s6 =	sadd.s32 $0x20B7, s30;
	v11 =	vld.idx.msk [tilespmem:v43+s22+$0x0], $0xffff  }
0x131: {  	v49 =	vadd.s32 s6, v0;
	v12 =	vld.idx.msk [tilespmem:v44+s22+$0x0], $0xffff  }
0x132: {  	v13 =	vld.idx.msk [tilespmem:v45+s22+$0x0], $0xffff  }
0x133: {  	v14 =	vld.idx.msk [tilespmem:v46+s22+$0x0], $0xffff  }
0x134: {  	v15 =	vld.idx.msk [tilespmem:v47+s22+$0x0], $0xffff  }
0x135: {  	v16 =	vld.idx.msk [tilespmem:v48+s22+$0x0], $0xffff  }
0x136: {  	v17 =	vld.idx.msk [tilespmem:v49+s22+$0x0], $0xffff;
	[tilespmem:s31+$0x15500] =	vst v2  }
0x137: {  	[tilespmem:s31+$0x15900] =	vst v3  }
0x138: {  	[tilespmem:s31+$0x15580] =	vst v4  }
0x139: {  	[tilespmem:s31+$0x15980] =	vst v5  }
0x13a: {  	[tilespmem:s31+$0x15600] =	vst v6  }
0x13b: {  	[tilespmem:s31+$0x15A00] =	vst v7  }
0x13c: {  	[tilespmem:s31+$0x15680] =	vst v8  }
0x13d: {  	[tilespmem:s31+$0x15A80] =	vst v9  }
0x13e: {  	s6 =	sadd.s32 $0x38, s30;
	[tilespmem:s31+$0x15700] =	vst v10  }
0x13f: {  	v2 =	vadd.s32 s6, v0;
	[tilespmem:s31+$0x15B00] =	vst v11  }
0x140: {  	s6 =	sadd.s32 $0x20B8, s30;
	[tilespmem:s31+$0x15780] =	vst v12;
	v2 =	vand.u32 $0x7FF8, v2  }
0x141: {  	v3 =	vadd.s32 s6, v0;
	[tilespmem:s31+$0x15B80] =	vst v13;
	s6 =	sadd.s32 $0x39, s30;
	v2 =	vor.u32 v1, v2  }
0x142: {  	v3 =	vand.u32 $0xFFF8, v3;
	[tilespmem:s31+$0x15800] =	vst v14;
	v50 =	vadd.s32 s6, v0  }
0x143: {  	s6 =	sadd.s32 $0x20B9, s30;
	v3 =	vor.u32 v1, v3;
	[tilespmem:s31+$0x15C00] =	vst v15  }
0x144: {  	v51 =	vadd.s32 s6, v0;
	s6 =	sadd.s32 $0x3A, s30;
	[tilespmem:s31+$0x15880] =	vst v16  }
0x145: {  	v52 =	vadd.s32 s6, v0;
	s6 =	sadd.s32 $0x20BA, s30;
	[tilespmem:s31+$0x15C80] =	vst v17  }
0x146: {  	v53 =	vadd.s32 s6, v0;
	s6 =	sadd.s32 $0x3B, s30;
	v2 =	vld.idx.msk [tilespmem:v2+s22+$0x0], $0xffff  }
0x147: {  	v54 =	vadd.s32 s6, v0;
	s6 =	sadd.s32 $0x20BB, s30;
	v4 =	vld.idx.msk [tilespmem:v50+s22+$0x0], $0xffff  }
0x148: {  	v55 =	vadd.s32 s6, v0;
	s6 =	sadd.s32 $0x3C, s30;
	v3 =	vld.idx.msk [tilespmem:v3+s22+$0x0], $0xffff  }
0x149: {  	v56 =	vadd.s32 s6, v0;
	s6 =	sadd.s32 $0x20BC, s30;
	v5 =	vld.idx.msk [tilespmem:v51+s22+$0x0], $0xffff  }
0x14a: {  	v57 =	vadd.s32 s6, v0;
	s6 =	sadd.s32 $0x3D, s30;
	v6 =	vld.idx.msk [tilespmem:v52+s22+$0x0], $0xffff  }
0x14b: {  	v58 =	vadd.s32 s6, v0;
	s6 =	sadd.s32 $0x20BD, s30;
	v7 =	vld.idx.msk [tilespmem:v53+s22+$0x0], $0xffff  }
0x14c: {  	v59 =	vadd.s32 s6, v0;
	s6 =	sadd.s32 $0x3E, s30;
	v8 =	vld.idx.msk [tilespmem:v54+s22+$0x0], $0xffff  }
0x14d: {  	v60 =	vadd.s32 s6, v0;
	s6 =	sadd.s32 $0x20BE, s30;
	v9 =	vld.idx.msk [tilespmem:v55+s22+$0x0], $0xffff  }
0x14e: {  	v61 =	vadd.s32 s6, v0;
	s6 =	sadd.s32 $0x3F, s30;
	v10 =	vld.idx.msk [tilespmem:v56+s22+$0x0], $0xffff  }
0x14f: {  	s30 =	sadd.s32 $0x20BF, s30;
	v62 =	vadd.s32 s6, v0;
	v11 =	vld.idx.msk [tilespmem:v57+s22+$0x0], $0xffff  }
0x150: {  	v63 =	vadd.s32 s30, v0;
	v12 =	vld.idx.msk [tilespmem:v58+s22+$0x0], $0xffff  }
0x151: {  	v13 =	vld.idx.msk [tilespmem:v59+s22+$0x0], $0xffff  }
0x152: {  	v14 =	vld.idx.msk [tilespmem:v60+s22+$0x0], $0xffff  }
0x153: {  	v15 =	vld.idx.msk [tilespmem:v61+s22+$0x0], $0xffff  }
0x154: {  	v16 =	vld.idx.msk [tilespmem:v62+s22+$0x0], $0xffff  }
0x155: {  	v17 =	vld.idx.msk [tilespmem:v63+s22+$0x0], $0xffff;
	[tilespmem:s31+$0x15D00] =	vst v2  }
0x156: {  	[tilespmem:s31+$0x16100] =	vst v3  }
0x157: {  	[tilespmem:s31+$0x15D80] =	vst v4  }
0x158: {  	[tilespmem:s31+$0x16180] =	vst v5  }
0x159: {  	[tilespmem:s31+$0x15E00] =	vst v6  }
0x15a: {  	[tilespmem:s31+$0x16200] =	vst v7  }
0x15b: {  	[tilespmem:s31+$0x15E80] =	vst v8  }
0x15c: {  	[tilespmem:s31+$0x16280] =	vst v9  }
0x15d: {  	[tilespmem:s31+$0x15F00] =	vst v10  }
0x15e: {  	[tilespmem:s31+$0x16300] =	vst v11  }
0x15f: {  	p1 =	sne.s32 s29, $0x7;
	[tilespmem:s31+$0x15F80] =	vst v12  }
.Ltmp1:
0x160: {  	[tilespmem:s31+$0x16380] =	vst v13;
	(pc) =	sbr.rel @p1 .LBB2_5-.Ltmp1, $4  }
0x161: {  	[tilespmem:s31+$0x16000] =	vst v14  }
0x162: {  	[tilespmem:s31+$0x16400] =	vst v15  }
0x163: {  	[tilespmem:s31+$0x16080] =	vst v16  }
0x164: {  	s29 =	sadd.s32 $0x1, s29;
	[tilespmem:s31+$0x16480] =	vst v17  }
0x165: {  	s6 =	sadd.s32 s5, s28  }
0x166: {  	s28 =	sshll.u32 s6, $0xA;
	s6 =	sshll.u32 s6, $0x7  }
0x167: {  	s28 =	sand.u32 $0xFFF8000, s28;
	s6 =	sand.u32 $0xE00, s6  }
0x168: {  	s6 =	sor.u32 s6, s28  }
0x169: {  	s29 =	simm.s32 $0x12500;
	s28 =	sadd.s32 s2, s6  }
0x16a: {  	[hbm4b:s28+s3] =	stream.linear.scatter [tilespmem:s29], [sflag:$0x3], $0x800, $0x38;
	[tilespmem:$0x1A500] =	vst v63  }
0x16b: {  	s30 =	simm.s32 $0x12D00;
	s31 =	sadd.s32 s6, s7  }
0x16c: {  	[hbm4b:s31+s3] =	stream.linear.scatter [tilespmem:s30], [sflag:$0x3], $0x800, $0x38;
	[tilespmem:$0x1A500] =	vst v63  }
0x16d: {  	s31 =	sadd.s32 s6, s8;
	s30 =	simm.s32 $0x13500  }
0x16e: {  	[hbm4b:s31+s3] =	stream.linear.scatter [tilespmem:s30], [sflag:$0x3], $0x800, $0x38;
	[tilespmem:$0x1A500] =	vst v63  }
0x16f: {  	s31 =	sadd.s32 s6, s9;
	s30 =	simm.s32 $0x13D00  }
0x170: {  	[hbm4b:s31+s3] =	stream.linear.scatter [tilespmem:s30], [sflag:$0x3], $0x800, $0x38;
	[tilespmem:$0x1A500] =	vst v63  }
0x171: {  	s31 =	sadd.s32 s6, s10;
	s30 =	simm.s32 $0x14500  }
0x172: {  	[hbm4b:s31+s3] =	stream.linear.scatter [tilespmem:s30], [sflag:$0x3], $0x800, $0x38;
	[tilespmem:$0x1A500] =	vst v63  }
0x173: {  	p1 =	sne.s32 s24, $0x31;
	s31 =	sadd.s32 s6, s11;
	s30 =	simm.s32 $0x14D00  }
0x174: {  	[hbm4b:s31+s3] =	stream.linear.scatter [tilespmem:s30], [sflag:$0x3], $0x800, $0x38;
	[tilespmem:$0x1A500] =	vst v63  }
.Ltmp2:
0x175: {  	_ = 	snop;
	(pc) =	sbr.rel @p1 .LBB2_8-.Ltmp2, $4  }
0x176: {  	s31 =	sadd.s32 s6, s12;
	s30 =	simm.s32 $0x15500  }
0x177: {  	[hbm4b:s31+s3] =	stream.linear.scatter [tilespmem:s30], [sflag:$0x3], $0x800, $0x38;
	[tilespmem:$0x1A500] =	vst v63  }
0x178: {  	s6 =	sadd.s32 s6, s13;
	s31 =	simm.s32 $0x15D00  }
0x179: {  	[hbm4b:s6+s3] =	stream.linear.scatter [tilespmem:s31], [sflag:$0x3], $0x800, $0x38;
	[tilespmem:$0x1A500] =	vst v63  }
.Ltmp3:
0x17a: {  	(pc) =	sbr.rel .LBB2_9-.Ltmp3, $4  }
0x17b: {  	_ = 	snop  }
0x17c: {  	_ =	swait.ge [sflag:s1], $0x4000  }
0x17d: {  	[sflag:s1] =	ssyncset.done $0x0  }
0x17e: {  	[sflag:s1] =	ssyncadd.s32 $0xFFFFC000  }
.LBB2_8:
0x17f: {  	s6 =	sadd.s32 $0x200, s26;
	s28 =	simm.s32 $0x6400  }
0x180: {  	[tilespmem:s28], [sflag:$0x1] =	stream.indirect.gather [hbm4b:s4+s16], $0x40, s6, s16, $0xb8;
	[tilespmem:$0x1A500] =	vst v63  }
.Ltmp4:
0x181: {  	s30 =	sadd.s32 $0x280, s26;
	s31 =	simm.s32 $0x8400;
	(pc) =	sbr.rel @p0 .LBB2_10-.Ltmp4, $4  }
0x182: {  	[tilespmem:s31], [sflag:$0x1] =	stream.indirect.gather [hbm4b:s4+s16], $0x40, s30, s16, $0xb8;
	[tilespmem:$0x1A500] =	vst v63  }
0x183: {  	_ =	swait.ge [sflag:s1], $0x4000  }
0x184: {  	[sflag:s1] =	ssyncset.done $0x0  }
0x185: {  	[sflag:s1] =	ssyncadd.s32 $0xFFFFC000  }
.LBB2_9:
0x186: {  	_ =	swait.ge [sflag:s0], $0x4000  }
0x187: {  	[sflag:s0] =	ssyncset.done $0x0  }
0x188: {  	[sflag:s0] =	ssyncadd.s32 $0xFFFFC000  }
.LBB2_10:
0x189: {  	s24 =	sadd.s32 $0x1, s24;
	s26 =	simm.s32 $0x7DC;
	s28 =	simm.s32 $0xA500  }
.LBB2_11:
0x18a: {  	v2 =	vld [tilespmem:s28+$0xFFFFFF00]  }
0x18b: {  	v3 =	vld [tilespmem:s28+$0xFFFFFF10]  }
0x18c: {  	v4 =	vld [tilespmem:s28+$0xFFFFFF20]  }
0x18d: {  	v5 =	vld [tilespmem:s28+$0xFFFFFF30]  }
0x18e: {  	v6 =	vld [tilespmem:s28+$0xFFFFFF40]  }
0x18f: {  	v7 =	vld [tilespmem:s28+$0xFFFFFF50]  }
0x190: {  	v8 =	vld [tilespmem:s28+$0xFFFFFF60]  }
0x191: {  	v9 =	vld [tilespmem:s28+$0xFFFFFF70]  }
0x192: {  	v10 =	vld [tilespmem:s28+$0xFFFFFF80]  }
0x193: {  	v11 =	vld [tilespmem:s28+$0xFFFFFF90]  }
0x194: {  	v12 =	vld [tilespmem:s28+$0xFFFFFFA0]  }
0x195: {  	v13 =	vld [tilespmem:s28+$0xFFFFFFB0]  }
0x196: {  	v14 =	vld [tilespmem:s28+$0xFFFFFFC0]  }
0x197: {  	v15 =	vld [tilespmem:s28+$0xFFFFFFD0]  }
0x198: {  	v16 =	vld [tilespmem:s28+$0xFFFFFFE0];
	s6 =	sshra.s32 s26, $0x2  }
0x199: {  	v17 =	vld [tilespmem:s28+$0xFFFFFFF0];
	[tilespmem:s6+$0xE209] =	vst v2  }
0x19a: {  	[tilespmem:s6+$0xE219] =	vst v3  }
0x19b: {  	[tilespmem:s6+$0xE229] =	vst v4  }
0x19c: {  	[tilespmem:s6+$0xE239] =	vst v5  }
0x19d: {  	[tilespmem:s6+$0xE24A] =	vst v6  }
0x19e: {  	[tilespmem:s6+$0xE25A] =	vst v7  }
0x19f: {  	[tilespmem:s6+$0xE26A] =	vst v8  }
0x1a0: {  	[tilespmem:s6+$0xE27A] =	vst v9  }
0x1a1: {  	[tilespmem:s6+$0xE28B] =	vst v10  }
0x1a2: {  	[tilespmem:s6+$0xE29B] =	vst v11  }
0x1a3: {  	[tilespmem:s6+$0xE2AB] =	vst v12  }
0x1a4: {  	[tilespmem:s6+$0xE2BB] =	vst v13  }
0x1a5: {  	[tilespmem:s6+$0xE2CC] =	vst v14  }
0x1a6: {  	[tilespmem:s6+$0xE2DC] =	vst v15  }
0x1a7: {  	[tilespmem:s6+$0xE2EC] =	vst v16  }
0x1a8: {  	[tilespmem:s6+$0xE2FC] =	vst v17  }
0x1a9: {  	v2 =	vld [tilespmem:s28+$0x0]  }
0x1aa: {  	v3 =	vld [tilespmem:s28+$0x10]  }
0x1ab: {  	v4 =	vld [tilespmem:s28+$0x20]  }
0x1ac: {  	v5 =	vld [tilespmem:s28+$0x30]  }
0x1ad: {  	v6 =	vld [tilespmem:s28+$0x40]  }
0x1ae: {  	v7 =	vld [tilespmem:s28+$0x50]  }
0x1af: {  	v8 =	vld [tilespmem:s28+$0x60]  }
0x1b0: {  	v9 =	vld [tilespmem:s28+$0x70]  }
0x1b1: {  	v10 =	vld [tilespmem:s28+$0x80]  }
0x1b2: {  	v11 =	vld [tilespmem:s28+$0x90]  }
0x1b3: {  	v12 =	vld [tilespmem:s28+$0xA0]  }
0x1b4: {  	v13 =	vld [tilespmem:s28+$0xB0]  }
0x1b5: {  	v14 =	vld [tilespmem:s28+$0xC0]  }
0x1b6: {  	v15 =	vld [tilespmem:s28+$0xD0]  }
0x1b7: {  	v16 =	vld [tilespmem:s28+$0xE0]  }
0x1b8: {  	v17 =	vld [tilespmem:s28+$0xF0];
	[tilespmem:s6+$0xE30D] =	vst v2  }
0x1b9: {  	[tilespmem:s6+$0xE31D] =	vst v3  }
0x1ba: {  	[tilespmem:s6+$0xE32D] =	vst v4  }
0x1bb: {  	[tilespmem:s6+$0xE33D] =	vst v5  }
0x1bc: {  	[tilespmem:s6+$0xE34E] =	vst v6  }
0x1bd: {  	[tilespmem:s6+$0xE35E] =	vst v7  }
0x1be: {  	[tilespmem:s6+$0xE36E] =	vst v8  }
0x1bf: {  	[tilespmem:s6+$0xE37E] =	vst v9  }
0x1c0: {  	[tilespmem:s6+$0xE38F] =	vst v10  }
0x1c1: {  	[tilespmem:s6+$0xE39F] =	vst v11  }
0x1c2: {  	p0 =	sne.s32 s26, $0x103BC;
	[tilespmem:s6+$0xE3AF] =	vst v12  }
.Ltmp5:
0x1c3: {  	[tilespmem:s6+$0xE3BF] =	vst v13;
	(pc) =	sbr.rel @p0 .LBB2_11-.Ltmp5, $4  }
0x1c4: {  	[tilespmem:s6+$0xE3D0] =	vst v14  }
0x1c5: {  	[tilespmem:s6+$0xE3E0] =	vst v15  }
0x1c6: {  	[tilespmem:s6+$0xE3F0] =	vst v16  }
0x1c7: {  	s26 =	sadd.s32 $0x820, s26;
	s28 =	sadd.s32 $0x200, s28;
	[tilespmem:s6+$0xE400] =	vst v17  }
0x1c8: {  	s26 =	simm.s32 $0x0  }
.LBB2_13:
0x1c9: {  	s28 =	smul.u32 $0x410, s26;
	_ =	sdelay $0x1  }
0x1ca: {  	s30 =	sor.u32 $0x1, s28  }
0x1cb: {  	s31 =	sadd.s32 $0x2081, s28;
	v4 =	vadd.s32 s30, v0  }
0x1cc: {  	v2 =	vadd.s32 s28, v0;
	s29 =	sor.u32 $0x2, s28;
	v5 =	vadd.s32 s31, v0  }
0x1cd: {  	v2 =	vand.u32 $0x3FF8, v2;
	v6 =	vadd.s32 s29, v0  }
0x1ce: {  	s30 =	sadd.s32 $0x2082, s28;
	v2 =	vor.u32 v1, v2  }
0x1cf: {  	s6 =	sadd.s32 $0x2080, s28;
	s31 =	sor.u32 $0x3, s28;
	v7 =	vadd.s32 s30, v0  }
0x1d0: {  	v3 =	vadd.s32 s6, v0;
	s29 =	sadd.s32 $0x2083, s28;
	v8 =	vadd.s32 s31, v0;
	v4 =	vld.idx.msk [tilespmem:v4+s22+$0x0], $0xffff  }
0x1d1: {  	v3 =	vand.u32 $0xFFF8, v3;
	v9 =	vadd.s32 s29, v0;
	v5 =	vld.idx.msk [tilespmem:v5+s22+$0x0], $0xffff  }
0x1d2: {  	s30 =	sor.u32 $0x4, s28;
	v3 =	vor.u32 v1, v3;
	v6 =	vld.idx.msk [tilespmem:v6+s22+$0x0], $0xffff  }
0x1d3: {  	s31 =	sadd.s32 $0x2084, s28;
	v10 =	vadd.s32 s30, v0;
	v2 =	vld.idx.msk [tilespmem:v2+s22+$0x0], $0xffff  }
0x1d4: {  	s29 =	sor.u32 $0x5, s28;
	v11 =	vadd.s32 s31, v0;
	v7 =	vld.idx.msk [tilespmem:v7+s22+$0x0], $0xffff  }
0x1d5: {  	v12 =	vadd.s32 s29, v0;
	s30 =	sadd.s32 $0x2085, s28;
	v8 =	vld.idx.msk [tilespmem:v8+s22+$0x0], $0xffff  }
0x1d6: {  	s31 =	sor.u32 $0x6, s28;
	v13 =	vadd.s32 s30, v0;
	v9 =	vld.idx.msk [tilespmem:v9+s22+$0x0], $0xffff  }
0x1d7: {  	s29 =	sadd.s32 $0x2086, s28;
	v14 =	vadd.s32 s31, v0;
	v3 =	vld.idx.msk [tilespmem:v3+s22+$0x0], $0xffff  }
0x1d8: {  	v15 =	vadd.s32 s29, v0;
	s30 =	sor.u32 $0x7, s28;
	v10 =	vld.idx.msk [tilespmem:v10+s22+$0x0], $0xffff  }
0x1d9: {  	s31 =	sadd.s32 $0x2087, s28;
	v16 =	vadd.s32 s30, v0;
	v11 =	vld.idx.msk [tilespmem:v11+s22+$0x0], $0xffff  }
0x1da: {  	v17 =	vadd.s32 s31, v0;
	v12 =	vld.idx.msk [tilespmem:v12+s22+$0x0], $0xffff  }
0x1db: {  	v13 =	vld.idx.msk [tilespmem:v13+s22+$0x0], $0xffff  }
0x1dc: {  	v14 =	vld.idx.msk [tilespmem:v14+s22+$0x0], $0xffff  }
0x1dd: {  	s29 =	sshll.u32 s26, $0x4;
	v15 =	vld.idx.msk [tilespmem:v15+s22+$0x0], $0xffff  }
0x1de: {  	s29 =	sand.u32 $0x3FFFFFF0, s29;
	v16 =	vld.idx.msk [tilespmem:v16+s22+$0x0], $0xffff  }
0x1df: {  	v17 =	vld.idx.msk [tilespmem:v17+s22+$0x0], $0xffff;
	[tilespmem:s29+$0x16580] =	vst v4  }
0x1e0: {  	[tilespmem:s29+$0x16980] =	vst v5  }
0x1e1: {  	[tilespmem:s29+$0x16600] =	vst v6  }
0x1e2: {  	[tilespmem:s29+$0x16500] =	vst v2  }
0x1e3: {  	[tilespmem:s29+$0x16A00] =	vst v7  }
0x1e4: {  	[tilespmem:s29+$0x16680] =	vst v8  }
0x1e5: {  	[tilespmem:s29+$0x16A80] =	vst v9  }
0x1e6: {  	[tilespmem:s29+$0x16900] =	vst v3  }
0x1e7: {  	[tilespmem:s29+$0x16700] =	vst v10  }
0x1e8: {  	s30 =	sor.u32 $0x8, s28;
	[tilespmem:s29+$0x16B00] =	vst v11  }
0x1e9: {  	v2 =	vadd.s32 s30, v0;
	s30 =	sor.u32 $0x9, s28;
	[tilespmem:s29+$0x16780] =	vst v12  }
0x1ea: {  	s31 =	sadd.s32 $0x2088, s28;
	v2 =	vand.u32 $0x3FF8, v2;
	v54 =	vadd.s32 s30, v0;
	[tilespmem:s29+$0x16B80] =	vst v13  }
0x1eb: {  	v3 =	vadd.s32 s31, v0;
	s31 =	sadd.s32 $0x2089, s28;
	v2 =	vor.u32 v1, v2;
	[tilespmem:s29+$0x16800] =	vst v14  }
0x1ec: {  	s30 =	sor.u32 $0xA, s28;
	[tilespmem:s29+$0x16C00] =	vst v15;
	v55 =	vadd.s32 s31, v0  }
0x1ed: {  	v3 =	vand.u32 $0xFFF8, v3;
	v56 =	vadd.s32 s30, v0;
	[tilespmem:s29+$0x16880] =	vst v16  }
0x1ee: {  	s31 =	sadd.s32 $0x208A, s28;
	v3 =	vor.u32 v1, v3;
	[tilespmem:s29+$0x16C80] =	vst v17  }
0x1ef: {  	s30 =	sor.u32 $0xB, s28;
	v57 =	vadd.s32 s31, v0;
	v4 =	vld.idx.msk [tilespmem:v54+s22+$0x0], $0xffff  }
0x1f0: {  	v58 =	vadd.s32 s30, v0;
	s31 =	sadd.s32 $0x208B, s28;
	v2 =	vld.idx.msk [tilespmem:v2+s22+$0x0], $0xffff  }
0x1f1: {  	s30 =	sor.u32 $0xC, s28;
	v59 =	vadd.s32 s31, v0;
	v5 =	vld.idx.msk [tilespmem:v55+s22+$0x0], $0xffff  }
0x1f2: {  	v60 =	vadd.s32 s30, v0;
	s31 =	sadd.s32 $0x208C, s28;
	v6 =	vld.idx.msk [tilespmem:v56+s22+$0x0], $0xffff  }
0x1f3: {  	s30 =	sor.u32 $0xD, s28;
	v61 =	vadd.s32 s31, v0;
	v3 =	vld.idx.msk [tilespmem:v3+s22+$0x0], $0xffff  }
0x1f4: {  	v62 =	vadd.s32 s30, v0;
	s31 =	sadd.s32 $0x208D, s28;
	v7 =	vld.idx.msk [tilespmem:v57+s22+$0x0], $0xffff  }
0x1f5: {  	s30 =	sor.u32 $0xE, s28;
	v63 =	vadd.s32 s31, v0;
	v8 =	vld.idx.msk [tilespmem:v58+s22+$0x0], $0xffff  }
0x1f6: {  	v20 =	vadd.s32 s30, v0;
	s31 =	sadd.s32 $0x208E, s28;
	v9 =	vld.idx.msk [tilespmem:v59+s22+$0x0], $0xffff  }
0x1f7: {  	s30 =	sor.u32 $0xF, s28;
	v21 =	vadd.s32 s31, v0;
	v10 =	vld.idx.msk [tilespmem:v60+s22+$0x0], $0xffff  }
0x1f8: {  	v22 =	vadd.s32 s30, v0;
	s31 =	sadd.s32 $0x208F, s28;
	v11 =	vld.idx.msk [tilespmem:v61+s22+$0x0], $0xffff  }
0x1f9: {  	v23 =	vadd.s32 s31, v0;
	v12 =	vld.idx.msk [tilespmem:v62+s22+$0x0], $0xffff  }
0x1fa: {  	v13 =	vld.idx.msk [tilespmem:v63+s22+$0x0], $0xffff  }
0x1fb: {  	v14 =	vld.idx.msk [tilespmem:v20+s22+$0x0], $0xffff  }
0x1fc: {  	v15 =	vld.idx.msk [tilespmem:v21+s22+$0x0], $0xffff  }
0x1fd: {  	v16 =	vld.idx.msk [tilespmem:v22+s22+$0x0], $0xffff  }
0x1fe: {  	v17 =	vld.idx.msk [tilespmem:v23+s22+$0x0], $0xffff;
	[tilespmem:s29+$0x16D00] =	vst v2  }
0x1ff: {  	[tilespmem:s29+$0x17100] =	vst v3  }
0x200: {  	[tilespmem:s29+$0x16D80] =	vst v4  }
0x201: {  	[tilespmem:s29+$0x17180] =	vst v5  }
0x202: {  	[tilespmem:s29+$0x16E00] =	vst v6  }
0x203: {  	[tilespmem:s29+$0x17200] =	vst v7  }
0x204: {  	[tilespmem:s29+$0x16E80] =	vst v8  }
0x205: {  	[tilespmem:s29+$0x17280] =	vst v9  }
0x206: {  	[tilespmem:s29+$0x16F00] =	vst v10  }
0x207: {  	s30 =	sadd.s32 $0x10, s28;
	[tilespmem:s29+$0x17300] =	vst v11  }
0x208: {  	s31 =	sadd.s32 $0x2090, s28;
	v2 =	vadd.s32 s30, v0;
	s30 =	sadd.s32 $0x11, s28;
	[tilespmem:s29+$0x16F80] =	vst v12  }
0x209: {  	v3 =	vadd.s32 s31, v0;
	s31 =	sadd.s32 $0x2091, s28;
	v24 =	vadd.s32 s30, v0;
	[tilespmem:s29+$0x17380] =	vst v13  }
0x20a: {  	v2 =	vand.u32 $0x7FF8, v2;
	v25 =	vadd.s32 s31, v0;
	[tilespmem:s29+$0x17000] =	vst v14  }
0x20b: {  	v3 =	vand.u32 $0xFFF8, v3;
	v2 =	vor.u32 v1, v2;
	[tilespmem:s29+$0x17400] =	vst v15  }
0x20c: {  	s30 =	sadd.s32 $0x12, s28;
	v3 =	vor.u32 v1, v3;
	[tilespmem:s29+$0x17080] =	vst v16  }
0x20d: {  	s31 =	sadd.s32 $0x2092, s28;
	v26 =	vadd.s32 s30, v0;
	[tilespmem:s29+$0x17480] =	vst v17  }
0x20e: {  	v27 =	vadd.s32 s31, v0;
	s30 =	sadd.s32 $0x13, s28;
	v4 =	vld.idx.msk [tilespmem:v24+s22+$0x0], $0xffff  }
0x20f: {  	s31 =	sadd.s32 $0x2093, s28;
	v28 =	vadd.s32 s30, v0;
	v5 =	vld.idx.msk [tilespmem:v25+s22+$0x0], $0xffff  }
0x210: {  	v29 =	vadd.s32 s31, v0;
	s30 =	sadd.s32 $0x14, s28;
	v2 =	vld.idx.msk [tilespmem:v2+s22+$0x0], $0xffff  }
0x211: {  	s31 =	sadd.s32 $0x2094, s28;
	v30 =	vadd.s32 s30, v0;
	v3 =	vld.idx.msk [tilespmem:v3+s22+$0x0], $0xffff  }
0x212: {  	v31 =	vadd.s32 s31, v0;
	s30 =	sadd.s32 $0x15, s28;
	v6 =	vld.idx.msk [tilespmem:v26+s22+$0x0], $0xffff  }
0x213: {  	s31 =	sadd.s32 $0x2095, s28;
	v32 =	vadd.s32 s30, v0;
	v7 =	vld.idx.msk [tilespmem:v27+s22+$0x0], $0xffff  }
0x214: {  	v33 =	vadd.s32 s31, v0;
	s30 =	sadd.s32 $0x16, s28;
	v8 =	vld.idx.msk [tilespmem:v28+s22+$0x0], $0xffff  }
0x215: {  	s31 =	sadd.s32 $0x2096, s28;
	v34 =	vadd.s32 s30, v0;
	v9 =	vld.idx.msk [tilespmem:v29+s22+$0x0], $0xffff  }
0x216: {  	v35 =	vadd.s32 s31, v0;
	s30 =	sadd.s32 $0x17, s28;
	v10 =	vld.idx.msk [tilespmem:v30+s22+$0x0], $0xffff  }
0x217: {  	s31 =	sadd.s32 $0x2097, s28;
	v36 =	vadd.s32 s30, v0;
	v11 =	vld.idx.msk [tilespmem:v31+s22+$0x0], $0xffff  }
0x218: {  	v37 =	vadd.s32 s31, v0;
	v12 =	vld.idx.msk [tilespmem:v32+s22+$0x0], $0xffff  }
0x219: {  	v13 =	vld.idx.msk [tilespmem:v33+s22+$0x0], $0xffff  }
0x21a: {  	v14 =	vld.idx.msk [tilespmem:v34+s22+$0x0], $0xffff  }
0x21b: {  	v15 =	vld.idx.msk [tilespmem:v35+s22+$0x0], $0xffff  }
0x21c: {  	v16 =	vld.idx.msk [tilespmem:v36+s22+$0x0], $0xffff  }
0x21d: {  	v17 =	vld.idx.msk [tilespmem:v37+s22+$0x0], $0xffff;
	[tilespmem:s29+$0x17500] =	vst v2  }
0x21e: {  	[tilespmem:s29+$0x17900] =	vst v3  }
0x21f: {  	[tilespmem:s29+$0x17580] =	vst v4  }
0x220: {  	[tilespmem:s29+$0x17980] =	vst v5  }
0x221: {  	[tilespmem:s29+$0x17600] =	vst v6  }
0x222: {  	[tilespmem:s29+$0x17A00] =	vst v7  }
0x223: {  	[tilespmem:s29+$0x17680] =	vst v8  }
0x224: {  	[tilespmem:s29+$0x17A80] =	vst v9  }
0x225: {  	[tilespmem:s29+$0x17700] =	vst v10  }
0x226: {  	s30 =	sadd.s32 $0x18, s28;
	[tilespmem:s29+$0x17B00] =	vst v11  }
0x227: {  	s31 =	sadd.s32 $0x2098, s28;
	v2 =	vadd.s32 s30, v0;
	s30 =	sadd.s32 $0x19, s28;
	[tilespmem:s29+$0x17780] =	vst v12  }
0x228: {  	v3 =	vadd.s32 s31, v0;
	s31 =	sadd.s32 $0x2099, s28;
	v38 =	vadd.s32 s30, v0;
	[tilespmem:s29+$0x17B80] =	vst v13  }
0x229: {  	v2 =	vand.u32 $0x7FF8, v2;
	v39 =	vadd.s32 s31, v0;
	[tilespmem:s29+$0x17800] =	vst v14  }
0x22a: {  	v3 =	vand.u32 $0xFFF8, v3;
	v2 =	vor.u32 v1, v2;
	[tilespmem:s29+$0x17C00] =	vst v15  }
0x22b: {  	s30 =	sadd.s32 $0x1A, s28;
	v3 =	vor.u32 v1, v3;
	[tilespmem:s29+$0x17880] =	vst v16  }
0x22c: {  	s31 =	sadd.s32 $0x209A, s28;
	v40 =	vadd.s32 s30, v0;
	[tilespmem:s29+$0x17C80] =	vst v17  }
0x22d: {  	v41 =	vadd.s32 s31, v0;
	s30 =	sadd.s32 $0x1B, s28;
	v4 =	vld.idx.msk [tilespmem:v38+s22+$0x0], $0xffff  }
0x22e: {  	s31 =	sadd.s32 $0x209B, s28;
	v42 =	vadd.s32 s30, v0;
	v5 =	vld.idx.msk [tilespmem:v39+s22+$0x0], $0xffff  }
0x22f: {  	v43 =	vadd.s32 s31, v0;
	s30 =	sadd.s32 $0x1C, s28;
	v2 =	vld.idx.msk [tilespmem:v2+s22+$0x0], $0xffff  }
0x230: {  	s31 =	sadd.s32 $0x209C, s28;
	v44 =	vadd.s32 s30, v0;
	v3 =	vld.idx.msk [tilespmem:v3+s22+$0x0], $0xffff  }
0x231: {  	v45 =	vadd.s32 s31, v0;
	s30 =	sadd.s32 $0x1D, s28;
	v6 =	vld.idx.msk [tilespmem:v40+s22+$0x0], $0xffff  }
0x232: {  	s31 =	sadd.s32 $0x209D, s28;
	v46 =	vadd.s32 s30, v0;
	v7 =	vld.idx.msk [tilespmem:v41+s22+$0x0], $0xffff  }
0x233: {  	v47 =	vadd.s32 s31, v0;
	s30 =	sadd.s32 $0x1E, s28;
	v8 =	vld.idx.msk [tilespmem:v42+s22+$0x0], $0xffff  }
0x234: {  	s31 =	sadd.s32 $0x209E, s28;
	v48 =	vadd.s32 s30, v0;
	v9 =	vld.idx.msk [tilespmem:v43+s22+$0x0], $0xffff  }
0x235: {  	v49 =	vadd.s32 s31, v0;
	s30 =	sadd.s32 $0x1F, s28;
	v10 =	vld.idx.msk [tilespmem:v44+s22+$0x0], $0xffff  }
0x236: {  	s31 =	sadd.s32 $0x209F, s28;
	v50 =	vadd.s32 s30, v0;
	v11 =	vld.idx.msk [tilespmem:v45+s22+$0x0], $0xffff  }
0x237: {  	v51 =	vadd.s32 s31, v0;
	v12 =	vld.idx.msk [tilespmem:v46+s22+$0x0], $0xffff  }
0x238: {  	v13 =	vld.idx.msk [tilespmem:v47+s22+$0x0], $0xffff  }
0x239: {  	v14 =	vld.idx.msk [tilespmem:v48+s22+$0x0], $0xffff  }
0x23a: {  	v15 =	vld.idx.msk [tilespmem:v49+s22+$0x0], $0xffff  }
0x23b: {  	v16 =	vld.idx.msk [tilespmem:v50+s22+$0x0], $0xffff  }
0x23c: {  	v17 =	vld.idx.msk [tilespmem:v51+s22+$0x0], $0xffff;
	[tilespmem:s29+$0x17D00] =	vst v2  }
0x23d: {  	[tilespmem:s29+$0x18100] =	vst v3  }
0x23e: {  	[tilespmem:s29+$0x17D80] =	vst v4  }
0x23f: {  	[tilespmem:s29+$0x18180] =	vst v5  }
0x240: {  	[tilespmem:s29+$0x17E00] =	vst v6  }
0x241: {  	[tilespmem:s29+$0x18200] =	vst v7  }
0x242: {  	[tilespmem:s29+$0x17E80] =	vst v8  }
0x243: {  	[tilespmem:s29+$0x18280] =	vst v9  }
0x244: {  	[tilespmem:s29+$0x17F00] =	vst v10  }
0x245: {  	s30 =	sadd.s32 $0x20, s28;
	[tilespmem:s29+$0x18300] =	vst v11  }
0x246: {  	s31 =	sadd.s32 $0x20A0, s28;
	v2 =	vadd.s32 s30, v0;
	s30 =	sadd.s32 $0x21, s28;
	[tilespmem:s29+$0x17F80] =	vst v12  }
0x247: {  	v3 =	vadd.s32 s31, v0;
	s31 =	sadd.s32 $0x20A1, s28;
	v52 =	vadd.s32 s30, v0;
	[tilespmem:s29+$0x18380] =	vst v13  }
0x248: {  	v2 =	vand.u32 $0x7FF8, v2;
	v53 =	vadd.s32 s31, v0;
	[tilespmem:s29+$0x18000] =	vst v14  }
0x249: {  	v3 =	vand.u32 $0xFFF8, v3;
	v2 =	vor.u32 v1, v2;
	[tilespmem:s29+$0x18400] =	vst v15  }
0x24a: {  	s30 =	sadd.s32 $0x22, s28;
	v3 =	vor.u32 v1, v3;
	[tilespmem:s29+$0x18080] =	vst v16  }
0x24b: {  	s31 =	sadd.s32 $0x20A2, s28;
	v54 =	vadd.s32 s30, v0;
	[tilespmem:s29+$0x18480] =	vst v17  }
0x24c: {  	v55 =	vadd.s32 s31, v0;
	s30 =	sadd.s32 $0x23, s28;
	v4 =	vld.idx.msk [tilespmem:v52+s22+$0x0], $0xffff  }
0x24d: {  	s31 =	sadd.s32 $0x20A3, s28;
	v56 =	vadd.s32 s30, v0;
	v5 =	vld.idx.msk [tilespmem:v53+s22+$0x0], $0xffff  }
0x24e: {  	v57 =	vadd.s32 s31, v0;
	s30 =	sadd.s32 $0x24, s28;
	v2 =	vld.idx.msk [tilespmem:v2+s22+$0x0], $0xffff  }
0x24f: {  	s31 =	sadd.s32 $0x20A4, s28;
	v58 =	vadd.s32 s30, v0;
	v3 =	vld.idx.msk [tilespmem:v3+s22+$0x0], $0xffff  }
0x250: {  	v59 =	vadd.s32 s31, v0;
	s30 =	sadd.s32 $0x25, s28;
	v6 =	vld.idx.msk [tilespmem:v54+s22+$0x0], $0xffff  }
0x251: {  	s31 =	sadd.s32 $0x20A5, s28;
	v60 =	vadd.s32 s30, v0;
	v7 =	vld.idx.msk [tilespmem:v55+s22+$0x0], $0xffff  }
0x252: {  	v61 =	vadd.s32 s31, v0;
	s30 =	sadd.s32 $0x26, s28;
	v8 =	vld.idx.msk [tilespmem:v56+s22+$0x0], $0xffff  }
0x253: {  	s31 =	sadd.s32 $0x20A6, s28;
	v62 =	vadd.s32 s30, v0;
	v9 =	vld.idx.msk [tilespmem:v57+s22+$0x0], $0xffff  }
0x254: {  	v63 =	vadd.s32 s31, v0;
	s30 =	sadd.s32 $0x27, s28;
	v10 =	vld.idx.msk [tilespmem:v58+s22+$0x0], $0xffff  }
0x255: {  	s31 =	sadd.s32 $0x20A7, s28;
	v20 =	vadd.s32 s30, v0;
	v11 =	vld.idx.msk [tilespmem:v59+s22+$0x0], $0xffff  }
0x256: {  	v21 =	vadd.s32 s31, v0;
	v12 =	vld.idx.msk [tilespmem:v60+s22+$0x0], $0xffff  }
0x257: {  	v13 =	vld.idx.msk [tilespmem:v61+s22+$0x0], $0xffff  }
0x258: {  	v14 =	vld.idx.msk [tilespmem:v62+s22+$0x0], $0xffff  }
0x259: {  	v15 =	vld.idx.msk [tilespmem:v63+s22+$0x0], $0xffff  }
0x25a: {  	v16 =	vld.idx.msk [tilespmem:v20+s22+$0x0], $0xffff  }
0x25b: {  	v17 =	vld.idx.msk [tilespmem:v21+s22+$0x0], $0xffff;
	[tilespmem:s29+$0x18500] =	vst v2  }
0x25c: {  	[tilespmem:s29+$0x18900] =	vst v3  }
0x25d: {  	[tilespmem:s29+$0x18580] =	vst v4  }
0x25e: {  	[tilespmem:s29+$0x18980] =	vst v5  }
0x25f: {  	[tilespmem:s29+$0x18600] =	vst v6  }
0x260: {  	[tilespmem:s29+$0x18A00] =	vst v7  }
0x261: {  	[tilespmem:s29+$0x18680] =	vst v8  }
0x262: {  	[tilespmem:s29+$0x18A80] =	vst v9  }
0x263: {  	[tilespmem:s29+$0x18700] =	vst v10  }
0x264: {  	s30 =	sadd.s32 $0x28, s28;
	[tilespmem:s29+$0x18B00] =	vst v11  }
0x265: {  	s31 =	sadd.s32 $0x20A8, s28;
	v2 =	vadd.s32 s30, v0;
	s30 =	sadd.s32 $0x29, s28;
	[tilespmem:s29+$0x18780] =	vst v12  }
0x266: {  	v3 =	vadd.s32 s31, v0;
	s31 =	sadd.s32 $0x20A9, s28;
	v22 =	vadd.s32 s30, v0;
	[tilespmem:s29+$0x18B80] =	vst v13  }
0x267: {  	v2 =	vand.u32 $0x7FF8, v2;
	v23 =	vadd.s32 s31, v0;
	[tilespmem:s29+$0x18800] =	vst v14  }
0x268: {  	v3 =	vand.u32 $0xFFF8, v3;
	v2 =	vor.u32 v1, v2;
	[tilespmem:s29+$0x18C00] =	vst v15  }
0x269: {  	s30 =	sadd.s32 $0x2A, s28;
	v3 =	vor.u32 v1, v3;
	[tilespmem:s29+$0x18880] =	vst v16  }
0x26a: {  	s31 =	sadd.s32 $0x20AA, s28;
	v24 =	vadd.s32 s30, v0;
	[tilespmem:s29+$0x18C80] =	vst v17  }
0x26b: {  	v25 =	vadd.s32 s31, v0;
	s30 =	sadd.s32 $0x2B, s28;
	v4 =	vld.idx.msk [tilespmem:v22+s22+$0x0], $0xffff  }
0x26c: {  	s31 =	sadd.s32 $0x20AB, s28;
	v26 =	vadd.s32 s30, v0;
	v5 =	vld.idx.msk [tilespmem:v23+s22+$0x0], $0xffff  }
0x26d: {  	v27 =	vadd.s32 s31, v0;
	s30 =	sadd.s32 $0x2C, s28;
	v2 =	vld.idx.msk [tilespmem:v2+s22+$0x0], $0xffff  }
0x26e: {  	s31 =	sadd.s32 $0x20AC, s28;
	v28 =	vadd.s32 s30, v0;
	v3 =	vld.idx.msk [tilespmem:v3+s22+$0x0], $0xffff  }
0x26f: {  	v29 =	vadd.s32 s31, v0;
	s30 =	sadd.s32 $0x2D, s28;
	v6 =	vld.idx.msk [tilespmem:v24+s22+$0x0], $0xffff  }
0x270: {  	s31 =	sadd.s32 $0x20AD, s28;
	v30 =	vadd.s32 s30, v0;
	v7 =	vld.idx.msk [tilespmem:v25+s22+$0x0], $0xffff  }
0x271: {  	v31 =	vadd.s32 s31, v0;
	s30 =	sadd.s32 $0x2E, s28;
	v8 =	vld.idx.msk [tilespmem:v26+s22+$0x0], $0xffff  }
0x272: {  	s31 =	sadd.s32 $0x20AE, s28;
	v32 =	vadd.s32 s30, v0;
	v9 =	vld.idx.msk [tilespmem:v27+s22+$0x0], $0xffff  }
0x273: {  	v33 =	vadd.s32 s31, v0;
	s30 =	sadd.s32 $0x2F, s28;
	v10 =	vld.idx.msk [tilespmem:v28+s22+$0x0], $0xffff  }
0x274: {  	s31 =	sadd.s32 $0x20AF, s28;
	v34 =	vadd.s32 s30, v0;
	v11 =	vld.idx.msk [tilespmem:v29+s22+$0x0], $0xffff  }
0x275: {  	v35 =	vadd.s32 s31, v0;
	v12 =	vld.idx.msk [tilespmem:v30+s22+$0x0], $0xffff  }
0x276: {  	v13 =	vld.idx.msk [tilespmem:v31+s22+$0x0], $0xffff  }
0x277: {  	v14 =	vld.idx.msk [tilespmem:v32+s22+$0x0], $0xffff  }
0x278: {  	v15 =	vld.idx.msk [tilespmem:v33+s22+$0x0], $0xffff  }
0x279: {  	v16 =	vld.idx.msk [tilespmem:v34+s22+$0x0], $0xffff  }
0x27a: {  	v17 =	vld.idx.msk [tilespmem:v35+s22+$0x0], $0xffff;
	[tilespmem:s29+$0x18D00] =	vst v2  }
0x27b: {  	[tilespmem:s29+$0x19100] =	vst v3  }
0x27c: {  	[tilespmem:s29+$0x18D80] =	vst v4  }
0x27d: {  	[tilespmem:s29+$0x19180] =	vst v5  }
0x27e: {  	[tilespmem:s29+$0x18E00] =	vst v6  }
0x27f: {  	[tilespmem:s29+$0x19200] =	vst v7  }
0x280: {  	[tilespmem:s29+$0x18E80] =	vst v8  }
0x281: {  	[tilespmem:s29+$0x19280] =	vst v9  }
0x282: {  	[tilespmem:s29+$0x18F00] =	vst v10  }
0x283: {  	s30 =	sadd.s32 $0x30, s28;
	[tilespmem:s29+$0x19300] =	vst v11  }
0x284: {  	s31 =	sadd.s32 $0x20B0, s28;
	v2 =	vadd.s32 s30, v0;
	s30 =	sadd.s32 $0x31, s28;
	[tilespmem:s29+$0x18F80] =	vst v12  }
0x285: {  	v3 =	vadd.s32 s31, v0;
	s31 =	sadd.s32 $0x20B1, s28;
	v36 =	vadd.s32 s30, v0;
	[tilespmem:s29+$0x19380] =	vst v13  }
0x286: {  	v2 =	vand.u32 $0x7FF8, v2;
	v37 =	vadd.s32 s31, v0;
	[tilespmem:s29+$0x19000] =	vst v14  }
0x287: {  	v3 =	vand.u32 $0xFFF8, v3;
	v2 =	vor.u32 v1, v2;
	[tilespmem:s29+$0x19400] =	vst v15  }
0x288: {  	s30 =	sadd.s32 $0x32, s28;
	v3 =	vor.u32 v1, v3;
	[tilespmem:s29+$0x19080] =	vst v16  }
0x289: {  	s31 =	sadd.s32 $0x20B2, s28;
	v38 =	vadd.s32 s30, v0;
	[tilespmem:s29+$0x19480] =	vst v17  }
0x28a: {  	v39 =	vadd.s32 s31, v0;
	s30 =	sadd.s32 $0x33, s28;
	v4 =	vld.idx.msk [tilespmem:v36+s22+$0x0], $0xffff  }
0x28b: {  	s31 =	sadd.s32 $0x20B3, s28;
	v40 =	vadd.s32 s30, v0;
	v5 =	vld.idx.msk [tilespmem:v37+s22+$0x0], $0xffff  }
0x28c: {  	v41 =	vadd.s32 s31, v0;
	s30 =	sadd.s32 $0x34, s28;
	v2 =	vld.idx.msk [tilespmem:v2+s22+$0x0], $0xffff  }
0x28d: {  	s31 =	sadd.s32 $0x20B4, s28;
	v42 =	vadd.s32 s30, v0;
	v3 =	vld.idx.msk [tilespmem:v3+s22+$0x0], $0xffff  }
0x28e: {  	v43 =	vadd.s32 s31, v0;
	s30 =	sadd.s32 $0x35, s28;
	v6 =	vld.idx.msk [tilespmem:v38+s22+$0x0], $0xffff  }
0x28f: {  	s31 =	sadd.s32 $0x20B5, s28;
	v44 =	vadd.s32 s30, v0;
	v7 =	vld.idx.msk [tilespmem:v39+s22+$0x0], $0xffff  }
0x290: {  	v45 =	vadd.s32 s31, v0;
	s30 =	sadd.s32 $0x36, s28;
	v8 =	vld.idx.msk [tilespmem:v40+s22+$0x0], $0xffff  }
0x291: {  	s31 =	sadd.s32 $0x20B6, s28;
	v46 =	vadd.s32 s30, v0;
	v9 =	vld.idx.msk [tilespmem:v41+s22+$0x0], $0xffff  }
0x292: {  	v47 =	vadd.s32 s31, v0;
	s30 =	sadd.s32 $0x37, s28;
	v10 =	vld.idx.msk [tilespmem:v42+s22+$0x0], $0xffff  }
0x293: {  	s31 =	sadd.s32 $0x20B7, s28;
	v48 =	vadd.s32 s30, v0;
	v11 =	vld.idx.msk [tilespmem:v43+s22+$0x0], $0xffff  }
0x294: {  	v49 =	vadd.s32 s31, v0;
	v12 =	vld.idx.msk [tilespmem:v44+s22+$0x0], $0xffff  }
0x295: {  	v13 =	vld.idx.msk [tilespmem:v45+s22+$0x0], $0xffff  }
0x296: {  	v14 =	vld.idx.msk [tilespmem:v46+s22+$0x0], $0xffff  }
0x297: {  	v15 =	vld.idx.msk [tilespmem:v47+s22+$0x0], $0xffff  }
0x298: {  	v16 =	vld.idx.msk [tilespmem:v48+s22+$0x0], $0xffff  }
0x299: {  	v17 =	vld.idx.msk [tilespmem:v49+s22+$0x0], $0xffff;
	[tilespmem:s29+$0x19500] =	vst v2  }
0x29a: {  	[tilespmem:s29+$0x19900] =	vst v3  }
0x29b: {  	[tilespmem:s29+$0x19580] =	vst v4  }
0x29c: {  	[tilespmem:s29+$0x19980] =	vst v5  }
0x29d: {  	[tilespmem:s29+$0x19600] =	vst v6  }
0x29e: {  	[tilespmem:s29+$0x19A00] =	vst v7  }
0x29f: {  	[tilespmem:s29+$0x19680] =	vst v8  }
0x2a0: {  	[tilespmem:s29+$0x19A80] =	vst v9  }
0x2a1: {  	[tilespmem:s29+$0x19700] =	vst v10  }
0x2a2: {  	s30 =	sadd.s32 $0x38, s28;
	[tilespmem:s29+$0x19B00] =	vst v11  }
0x2a3: {  	s31 =	sadd.s32 $0x20B8, s28;
	v2 =	vadd.s32 s30, v0;
	s30 =	sadd.s32 $0x39, s28;
	[tilespmem:s29+$0x19780] =	vst v12  }
0x2a4: {  	v3 =	vadd.s32 s31, v0;
	s31 =	sadd.s32 $0x20B9, s28;
	v50 =	vadd.s32 s30, v0;
	[tilespmem:s29+$0x19B80] =	vst v13  }
0x2a5: {  	v2 =	vand.u32 $0x7FF8, v2;
	v51 =	vadd.s32 s31, v0;
	[tilespmem:s29+$0x19800] =	vst v14  }
0x2a6: {  	v3 =	vand.u32 $0xFFF8, v3;
	v2 =	vor.u32 v1, v2;
	[tilespmem:s29+$0x19C00] =	vst v15  }
0x2a7: {  	s30 =	sadd.s32 $0x3A, s28;
	v3 =	vor.u32 v1, v3;
	[tilespmem:s29+$0x19880] =	vst v16  }
0x2a8: {  	s31 =	sadd.s32 $0x20BA, s28;
	v52 =	vadd.s32 s30, v0;
	[tilespmem:s29+$0x19C80] =	vst v17  }
0x2a9: {  	v53 =	vadd.s32 s31, v0;
	s30 =	sadd.s32 $0x3B, s28;
	v4 =	vld.idx.msk [tilespmem:v50+s22+$0x0], $0xffff  }
0x2aa: {  	s31 =	sadd.s32 $0x20BB, s28;
	v54 =	vadd.s32 s30, v0;
	v5 =	vld.idx.msk [tilespmem:v51+s22+$0x0], $0xffff  }
0x2ab: {  	v55 =	vadd.s32 s31, v0;
	s30 =	sadd.s32 $0x3C, s28;
	v2 =	vld.idx.msk [tilespmem:v2+s22+$0x0], $0xffff  }
0x2ac: {  	s31 =	sadd.s32 $0x20BC, s28;
	v56 =	vadd.s32 s30, v0;
	v3 =	vld.idx.msk [tilespmem:v3+s22+$0x0], $0xffff  }
0x2ad: {  	v57 =	vadd.s32 s31, v0;
	s30 =	sadd.s32 $0x3D, s28;
	v6 =	vld.idx.msk [tilespmem:v52+s22+$0x0], $0xffff  }
0x2ae: {  	s31 =	sadd.s32 $0x20BD, s28;
	v58 =	vadd.s32 s30, v0;
	v7 =	vld.idx.msk [tilespmem:v53+s22+$0x0], $0xffff  }
0x2af: {  	v59 =	vadd.s32 s31, v0;
	s30 =	sadd.s32 $0x3E, s28;
	v8 =	vld.idx.msk [tilespmem:v54+s22+$0x0], $0xffff  }
0x2b0: {  	s31 =	sadd.s32 $0x20BE, s28;
	v60 =	vadd.s32 s30, v0;
	v9 =	vld.idx.msk [tilespmem:v55+s22+$0x0], $0xffff  }
0x2b1: {  	v61 =	vadd.s32 s31, v0;
	s30 =	sadd.s32 $0x3F, s28;
	v10 =	vld.idx.msk [tilespmem:v56+s22+$0x0], $0xffff  }
0x2b2: {  	s31 =	sadd.s32 $0x20BF, s28;
	v62 =	vadd.s32 s30, v0;
	v11 =	vld.idx.msk [tilespmem:v57+s22+$0x0], $0xffff  }
0x2b3: {  	v63 =	vadd.s32 s31, v0;
	v12 =	vld.idx.msk [tilespmem:v58+s22+$0x0], $0xffff  }
0x2b4: {  	v13 =	vld.idx.msk [tilespmem:v59+s22+$0x0], $0xffff  }
0x2b5: {  	v14 =	vld.idx.msk [tilespmem:v60+s22+$0x0], $0xffff  }
0x2b6: {  	v15 =	vld.idx.msk [tilespmem:v61+s22+$0x0], $0xffff  }
0x2b7: {  	v16 =	vld.idx.msk [tilespmem:v62+s22+$0x0], $0xffff  }
0x2b8: {  	v17 =	vld.idx.msk [tilespmem:v63+s22+$0x0], $0xffff;
	[tilespmem:s29+$0x19D00] =	vst v2  }
0x2b9: {  	[tilespmem:s29+$0x1A100] =	vst v3  }
0x2ba: {  	[tilespmem:s29+$0x19D80] =	vst v4  }
0x2bb: {  	[tilespmem:s29+$0x1A180] =	vst v5  }
0x2bc: {  	[tilespmem:s29+$0x19E00] =	vst v6  }
0x2bd: {  	[tilespmem:s29+$0x1A200] =	vst v7  }
0x2be: {  	[tilespmem:s29+$0x19E80] =	vst v8  }
0x2bf: {  	[tilespmem:s29+$0x1A280] =	vst v9  }
0x2c0: {  	[tilespmem:s29+$0x19F00] =	vst v10  }
0x2c1: {  	[tilespmem:s29+$0x1A300] =	vst v11  }
0x2c2: {  	p0 =	sne.s32 s26, $0x7;
	[tilespmem:s29+$0x19F80] =	vst v12  }
.Ltmp6:
0x2c3: {  	[tilespmem:s29+$0x1A380] =	vst v13;
	(pc) =	sbr.rel @p0 .LBB2_13-.Ltmp6, $4  }
0x2c4: {  	[tilespmem:s29+$0x1A000] =	vst v14  }
0x2c5: {  	[tilespmem:s29+$0x1A400] =	vst v15  }
0x2c6: {  	[tilespmem:s29+$0x1A080] =	vst v16  }
0x2c7: {  	s26 =	sadd.s32 $0x1, s26;
	[tilespmem:s29+$0x1A480] =	vst v17  }
0x2c8: {  	s6 =	sadd.s32 s5, s25  }
0x2c9: {  	s25 =	sshll.u32 s6, $0xA;
	s6 =	sshll.u32 s6, $0x7  }
0x2ca: {  	s25 =	sand.u32 $0xFFF8000, s25;
	s6 =	sand.u32 $0xF00, s6  }
0x2cb: {  	s6 =	sor.u32 s6, s25  }
0x2cc: {  	s26 =	simm.s32 $0x16500;
	s25 =	sadd.s32 s2, s6  }
0x2cd: {  	[hbm4b:s25+s3] =	stream.linear.scatter [tilespmem:s26], [sflag:$0x4], $0x800, $0x38;
	[tilespmem:$0x1A500] =	vst v63  }
0x2ce: {  	s31 =	sadd.s32 s6, s7  }
0x2cf: {  	[hbm4b:s31+s3] =	stream.linear.scatter [tilespmem:s14], [sflag:$0x4], $0x800, $0x38;
	[tilespmem:$0x1A500] =	vst v63  }
0x2d0: {  	s26 =	sadd.s32 s6, s8  }
0x2d1: {  	[hbm4b:s26+s3] =	stream.linear.scatter [tilespmem:s15], [sflag:$0x4], $0x800, $0x38;
	[tilespmem:$0x1A500] =	vst v63  }
0x2d2: {  	s28 =	sadd.s32 s6, s9  }
0x2d3: {  	[hbm4b:s28+s3] =	stream.linear.scatter [tilespmem:s17], [sflag:$0x4], $0x800, $0x38;
	[tilespmem:$0x1A500] =	vst v63  }
0x2d4: {  	s29 =	sadd.s32 s6, s10  }
0x2d5: {  	[hbm4b:s29+s3] =	stream.linear.scatter [tilespmem:s18], [sflag:$0x4], $0x800, $0x38;
	[tilespmem:$0x1A500] =	vst v63  }
0x2d6: {  	p0 =	sne.s32 s24, $0x32;
	s30 =	sadd.s32 s6, s11  }
0x2d7: {  	[hbm4b:s30+s3] =	stream.linear.scatter [tilespmem:s19], [sflag:$0x4], $0x800, $0x38;
	[tilespmem:$0x1A500] =	vst v63  }
.Ltmp7:
0x2d8: {  	_ = 	snop;
	(pc) =	sbr.rel @p0 .LBB2_2-.Ltmp7, $4  }
0x2d9: {  	s31 =	sadd.s32 s6, s12  }
0x2da: {  	[hbm4b:s31+s3] =	stream.linear.scatter [tilespmem:s20], [sflag:$0x4], $0x800, $0x38;
	[tilespmem:$0x1A500] =	vst v63  }
0x2db: {  	s6 =	sadd.s32 s6, s13  }
0x2dc: {  	[hbm4b:s6+s3] =	stream.linear.scatter [tilespmem:s23], [sflag:$0x4], $0x800, $0x38;
	[tilespmem:$0x1A500] =	vst v63  }
0x2dd: {  	s6 =	simm.s32 $0x3  }
0x2de: {  	_ =	swait.ge [sflag:s6], $0x4000  }
0x2df: {  	[sflag:s6] =	ssyncset.done $0x0  }
0x2e0: {  	[sflag:s6] =	ssyncadd.s32 $0xFFFFC000  }
0x2e1: {  	_ =	swait.ge [sflag:s0], $0x4000  }
0x2e2: {  	s24 =	rddreg [dreg:$0x5]  }
0x2e3: {  	s31 =	rddreg [dreg:$0x4];
	s24 =	sadd.s32 $0x1, s24  }
0x2e4: {  	p0 =	sne.s32 s24, s31  }
.Ltmp8:
0x2e5: {  	_ = 	snop;
	(pc) =	sbr.rel @p0 .LBB2_1-.Ltmp8, $3  }
0x2e6: {  	_ =	sdelay $0x1  }
0x2e7: {  	[sflag:s0] =	ssyncset.done $0x0  }
0x2e8: {  	[sflag:s0] =	ssyncadd.s32 $0xFFFFC000  }
0x2e9: {  	_ =	sfence.sel $0x180000  }
0x2ea: {  	[bflag:$0x0] =	sbarrier.arrive $0xFFFF  }
0x2eb: {  	_ =	strace $0x90000047  }
0x2ec: {  	s0 =	stileid.u32;
	[bflag:$0x2] =	sbarrier.arrive $0xFFFF  }
0x2ed: {  	p0 =	sne.s32 s0, $0x0;
	s0 =	rddreg [dreg:$0x2]  }
0x2ee: {  	s0 =	sadd.s32 @!p0 $0x100000, s0  }
0x2ef: {  	[sflag:s0] =	ssyncadd.tile.s32 @!p0 $0x1;
	_ =	shalt  }
.Lfunc_end2:
_tile_overlayer_lowered:
.L_overlay_start_2:
0x2f0: {  	(tag) =	ssettag $0x2  }
0x2f1: {  	s0 =	rddreg [dreg:$0x0];
	s2 =	stileid.u32  }
0x2f2: {  	s1 =	rddreg [dreg:$0x1];
	p0 =	sne.s32 s2, $0x0  }
0x2f3: {  	s3 =	rddreg [dreg:$0x2];
	[bflag:$0x3] =	sbarrier.arrive $0xFFFF;
	s2 =	simm.s32 @!p0 $0x1C05  }
0x2f4: {  	[timem:s3], [sflag:s2] =	dma.local @!p0 [hbm:s0], s1  }
0x2f5: {  	s0 =	simm.s32 @!p0 $0x5  }
0x2f6: {  	_ =	swait.ge @!p0 [sflag:s0], s1  }
0x2f7: {  	s1 =	ssub.s32 @!p0 $0x0, s1;
	[sflag:s0] =	ssyncset.done @!p0 $0x0  }
0x2f8: {  	[sflag:s0] =	ssyncadd.s32 @!p0 s1  }
0x2f9: {  	[bflag:$0x3] =	sbarrier.arrive $0xFFFF  }
0x2fa: {  	_ =	shalt  }

</sc_bundles>
